<compile_context>
chip_gen: v7x
topology: tpu7x:2x2x1
jax: 0.10.2.dev20260603
libtpu: 0.0.44.dev20260713+nightly
codegen_flags: <defaults>
</compile_context>

<pallas_src>
import functools

import jax
import jax.numpy as jnp
from jax import lax
from jax.experimental import pallas as pl
from jax.experimental.pallas import tpu as pltpu
from jax.experimental.pallas import tpu_sc as plsc

NC = 2
NS = 16
NW = NC * NS
LANES = 16

CHUNK = 2048


@functools.lru_cache(maxsize=None)
def _make_sc_kernel(B: int, HW: int, L: int):
    lut_words = L * L * L * 3
    lut_pad = -(-lut_words // 16) * 16
    DR = 3 * L * L
    DG = 3 * L
    DB = 3
    pw = (B * HW) // (B * NW)
    assert HW % NW == 0 and pw % CHUNK == 0 and CHUNK % LANES == 0
    nchunk = pw // CHUNK
    nvec = CHUNK // LANES

    mesh = plsc.VectorSubcoreMesh(core_axis_name="c", subcore_axis_name="s")

    @functools.partial(
        pl.kernel,
        mesh=mesh,
        compiler_params=pltpu.CompilerParams(needs_layout_passes=False),
        out_type=jax.ShapeDtypeStruct((B * 3 * HW,), jnp.float32),
        scratch_types=[
            pltpu.VMEM((lut_pad,), jnp.float32),
            pltpu.VMEM((CHUNK,), jnp.float32),
            pltpu.VMEM((CHUNK,), jnp.float32),
            pltpu.VMEM((CHUNK,), jnp.float32),
            pltpu.VMEM((CHUNK,), jnp.float32),
            pltpu.VMEM((CHUNK,), jnp.float32),
            pltpu.VMEM((CHUNK,), jnp.float32),
            pltpu.SemaphoreType.DMA,
        ],
    )
    def sc_kernel(img, lutf, out, lut_v, in_r, in_g, in_b, o_r, o_g, o_b, sem):
        cid = lax.axis_index("c")
        sid = lax.axis_index("s")
        wid = sid * NC + cid
        pltpu.sync_copy(lutf, lut_v)

        def vec_body(i, _):
            s = i * LANES

            def channel(ref):
                x = ref[pl.ds(s, LANES)] * jnp.float32(L - 1)
                ix = x.astype(jnp.int32)
                fr = x - ix.astype(jnp.float32)
                i0 = jnp.minimum(ix, L - 2)
                return i0, fr

            ir, fr = channel(in_r)
            ig, fg = channel(in_g)
            ib, fb = channel(in_b)
            base = ((ir * L + ig) * L + ib) * 3

            def gat(off):
                return plsc.load_gather(lut_v, [base + off])

            def lerp(a, b, t):
                return a + (b - a) * t

            res = []
            for ch in range(3):
                c000 = gat(ch)
                c100 = gat(DR + ch)
                c010 = gat(DG + ch)
                c110 = gat(DR + DG + ch)
                c001 = gat(DB + ch)
                c101 = gat(DR + DB + ch)
                c011 = gat(DG + DB + ch)
                c111 = gat(DR + DG + DB + ch)
                c00 = lerp(c000, c100, fr)
                c01 = lerp(c001, c101, fr)
                c10 = lerp(c010, c110, fr)
                c11 = lerp(c011, c111, fr)
                c0 = lerp(c00, c10, fg)
                c1 = lerp(c01, c11, fg)
                res.append(lerp(c0, c1, fb))
            o_r[pl.ds(s, LANES)] = res[0]
            o_g[pl.ds(s, LANES)] = res[1]
            o_b[pl.ds(s, LANES)] = res[2]
            return 0

        for b in range(B):
            def chunk_body(k, _, b=b):
                off = wid * pw + k * CHUNK
                r0 = (b * 3 + 0) * HW + off
                g0 = (b * 3 + 1) * HW + off
                b0 = (b * 3 + 2) * HW + off
                cr = pltpu.async_copy(img.at[pl.ds(r0, CHUNK)], in_r, sem)
                cg = pltpu.async_copy(img.at[pl.ds(g0, CHUNK)], in_g, sem)
                cb = pltpu.async_copy(img.at[pl.ds(b0, CHUNK)], in_b, sem)
                cr.wait()
                cg.wait()
                cb.wait()
                lax.fori_loop(0, nvec, vec_body, 0)
                wr = pltpu.async_copy(o_r, out.at[pl.ds(r0, CHUNK)], sem)
                wg = pltpu.async_copy(o_g, out.at[pl.ds(g0, CHUNK)], sem)
                wb = pltpu.async_copy(o_b, out.at[pl.ds(b0, CHUNK)], sem)
                wr.wait()
                wg.wait()
                wb.wait()
                return 0

            lax.fori_loop(0, nchunk, chunk_body, 0)

    return sc_kernel


def kernel(image, lut):
    B, C, H, W = image.shape
    L = lut.shape[0]
    HW = H * W
    lut_words = L * L * L * 3
    lut_pad = -(-lut_words // 16) * 16
    img = image.reshape(B * C * HW)
    lutf = jnp.concatenate(
        [lut.reshape(-1), jnp.zeros((lut_pad - lut_words,), jnp.float32)]
    )
    out = _make_sc_kernel(B, HW, L)(img, lutf)
    return out.reshape(image.shape)

# --- scband reference (transcript-rebuilt; emitter-appended) ---
"""Pipeline reference for scband-apply-lut-85521388798495 (READ-ONLY COPY).

The authoritative reference and input builder live on the scoring server;
editing this copy changes nothing except your own understanding.
"""

import jax, jax.numpy as jnp
import numpy as np


def setup_inputs(seed: int = 0) -> dict:
    key = jax.random.key(seed)
    k1, k2 = jax.random.split(key)
    image = jax.random.uniform(k1, (8, 3, 512, 512), dtype=jnp.float32)
    L = 33
    values = jnp.linspace(0.0, 1.0, L)
    r, g, b = jnp.meshgrid(values, values, values, indexing='ij')
    id_lut = jnp.stack([r, g, b], axis=-1).astype(jnp.float32)
    # a non-identity LUT (as if set via set_lut) so the op is nontrivial
    lut = id_lut + 0.05 * jax.random.normal(k2, id_lut.shape, dtype=jnp.float32)
    return {"image": image, "lut": lut}


def reference(image, lut):
    # image: (B, 3, H, W) in [0,1]; lut: (L, L, L, 3)
    img = jnp.transpose(image, (0, 2, 3, 1))  # (B, H, W, 3)
    L = lut.shape[0]
    image_scaled = img * (L - 1)
    idx = jnp.floor(image_scaled).astype(jnp.int32)
    frac = image_scaled - idx.astype(img.dtype)
    idx0 = jnp.clip(idx, 0, L - 2)
    idx1 = jnp.clip(idx0 + 1, 0, L - 1)
    c000 = lut[idx0[..., 0], idx0[..., 1], idx0[..., 2]]
    c100 = lut[idx1[..., 0], idx0[..., 1], idx0[..., 2]]
    c010 = lut[idx0[..., 0], idx1[..., 1], idx0[..., 2]]
    c110 = lut[idx1[..., 0], idx1[..., 1], idx0[..., 2]]
    c001 = lut[idx0[..., 0], idx0[..., 1], idx1[..., 2]]
    c101 = lut[idx1[..., 0], idx0[..., 1], idx1[..., 2]]
    c011 = lut[idx0[..., 0], idx1[..., 1], idx1[..., 2]]
    c111 = lut[idx1[..., 0], idx1[..., 1], idx1[..., 2]]
    frac = frac[..., None]  # (B, H, W, 3, 1)
    c00 = c000 * (1 - frac[..., 0, :]) + c100 * frac[..., 0, :]
    c01 = c001 * (1 - frac[..., 0, :]) + c101 * frac[..., 0, :]
    c10 = c010 * (1 - frac[..., 0, :]) + c110 * frac[..., 0, :]
    c11 = c011 * (1 - frac[..., 0, :]) + c111 * frac[..., 0, :]
    c0 = c00 * (1 - frac[..., 1, :]) + c10 * frac[..., 1, :]
    c1 = c01 * (1 - frac[..., 1, :]) + c11 * frac[..., 1, :]
    output = c0 * (1 - frac[..., 2, :]) + c1 * frac[..., 2, :]
    return jnp.transpose(output, (0, 3, 1, 2))

if __name__ == "__main__":
    import jax
    _d = setup_inputs()
    print(jax.jit(kernel)(*tuple(_d.values())))

</pallas_src>

<mosaic_0001>
#map = affine_map<(d0, d1) -> (0)>
module attributes {stable_mosaic.version = 14 : i64} {
  func.func @sc_kernel(%arg0: i32, %arg1: i32, %arg2: memref<6291456xf32, #tpu.memory_space<hbm>>, %arg3: memref<107824xf32, #tpu.memory_space<hbm>>, %arg4: memref<6291456xf32, #tpu.memory_space<hbm>>, %arg5: memref<107824xf32, #tpu.memory_space<vmem>>, %arg6: memref<2048xf32, #tpu.memory_space<vmem>>, %arg7: memref<2048xf32, #tpu.memory_space<vmem>>, %arg8: memref<2048xf32, #tpu.memory_space<vmem>>, %arg9: memref<2048xf32, #tpu.memory_space<vmem>>, %arg10: memref<2048xf32, #tpu.memory_space<vmem>>, %arg11: memref<2048xf32, #tpu.memory_space<vmem>>, %arg12: memref<!tpu.dma_semaphore, #tpu.memory_space<semaphore_mem>>) attributes {dimension_semantics = [#tpu.dimension_semantics<core_parallel>, #tpu.dimension_semantics<subcore_parallel>], iteration_bounds = array<i64: 2, 16>, scalar_prefetch = 0 : i64, scratch_operands = 8 : i64, tpu.core_type = #tpu.core_type<sc_vector_subcore>, window_params = [{transform_indices = #map}, {transform_indices = #map}, {transform_indices = #map}]} {
    %mul3A = arith.constant 2 : i32
    %mul3A_0 = arith.muli %arg1, %mul3A : i32
    %add3A = arith.addi %mul3A_0, %arg0 : i32
    "tpu.region"() ({
      %run_scoped3A = tpu.sem_alloc : memref<!tpu.dma_semaphore, #tpu.memory_space<semaphore_mem>>
      tpu.enqueue_dma source(%arg3 : memref<107824xf32, #tpu.memory_space<hbm>>) target(%arg5 : memref<107824xf32, #tpu.memory_space<vmem>>) target_semaphore(%run_scoped3A : memref<!tpu.dma_semaphore, #tpu.memory_space<semaphore_mem>>)
      tpu.wait_dma2 semaphore(%run_scoped3A : memref<!tpu.dma_semaphore, #tpu.memory_space<semaphore_mem>>) src(%arg3 : memref<107824xf32, #tpu.memory_space<hbm>>) dst(%arg5 : memref<107824xf32, #tpu.memory_space<vmem>>)
      tpu.yield
    }) : () -> ()
    %scan3A = arith.constant 0 : i32
    %scan3A_1 = arith.constant 0 : i32
    %scan3A_2 = arith.constant 4 : i32
    %scan3A_3 = arith.addi %scan3A_1, %scan3A_2 : i32
    %scan3A_4 = arith.constant 1 : i32
    %scan3A_5 = scf.for %scan3A_56 = %scan3A_1 to %scan3A_3 step %scan3A_4 iter_args(%scan3A_57 = %scan3A) -> (i32)  : i32 {
      %mul3A_58 = arith.constant 8192 : i32
      %mul3A_59 = arith.muli %add3A, %mul3A_58 : i32
      %mul3A_60 = arith.constant 2048 : i32
      %mul3A_61 = arith.muli %scan3A_56, %mul3A_60 : i32
      %add3A_62 = arith.addi %mul3A_59, %mul3A_61 : i32
      %add3A_63 = arith.constant 0 : i32
      %add3A_64 = arith.addi %add3A_63, %add3A_62 : i32
      %add3A_65 = arith.constant 262144 : i32
      %add3A_66 = arith.addi %add3A_65, %add3A_62 : i32
      %add3A_67 = arith.constant 524288 : i32
      %add3A_68 = arith.addi %add3A_67, %add3A_62 : i32
      %dma_start3A = tpu.memref_slice %arg2[%add3A_64] : memref<6291456xf32, #tpu.memory_space<hbm>> -> memref<2048xf32, #tpu.memory_space<hbm>>
      %dma_start3A_69 = tpu.memref_slice %arg2[%add3A_64] : memref<6291456xf32, #tpu.memory_space<hbm>> -> memref<2048xf32, #tpu.memory_space<hbm>>
      tpu.enqueue_dma source(%dma_start3A_69 : memref<2048xf32, #tpu.memory_space<hbm>>) target(%arg6 : memref<2048xf32, #tpu.memory_space<vmem>>) target_semaphore(%arg12 : memref<!tpu.dma_semaphore, #tpu.memory_space<semaphore_mem>>)
      %dma_start3A_70 = tpu.memref_slice %arg2[%add3A_66] : memref<6291456xf32, #tpu.memory_space<hbm>> -> memref<2048xf32, #tpu.memory_space<hbm>>
      %dma_start3A_71 = tpu.memref_slice %arg2[%add3A_66] : memref<6291456xf32, #tpu.memory_space<hbm>> -> memref<2048xf32, #tpu.memory_space<hbm>>
      tpu.enqueue_dma source(%dma_start3A_71 : memref<2048xf32, #tpu.memory_space<hbm>>) target(%arg7 : memref<2048xf32, #tpu.memory_space<vmem>>) target_semaphore(%arg12 : memref<!tpu.dma_semaphore, #tpu.memory_space<semaphore_mem>>)
      %dma_start3A_72 = tpu.memref_slice %arg2[%add3A_68] : memref<6291456xf32, #tpu.memory_space<hbm>> -> memref<2048xf32, #tpu.memory_space<hbm>>
      %dma_start3A_73 = tpu.memref_slice %arg2[%add3A_68] : memref<6291456xf32, #tpu.memory_space<hbm>> -> memref<2048xf32, #tpu.memory_space<hbm>>
      tpu.enqueue_dma source(%dma_start3A_73 : memref<2048xf32, #tpu.memory_space<hbm>>) target(%arg8 : memref<2048xf32, #tpu.memory_space<vmem>>) target_semaphore(%arg12 : memref<!tpu.dma_semaphore, #tpu.memory_space<semaphore_mem>>)
      %dma_wait3A = tpu.memref_slice %arg2[%add3A_64] : memref<6291456xf32, #tpu.memory_space<hbm>> -> memref<2048xf32, #tpu.memory_space<hbm>>
      %dma_wait3A_74 = tpu.memref_slice %arg2[%add3A_64] : memref<6291456xf32, #tpu.memory_space<hbm>> -> memref<2048xf32, #tpu.memory_space<hbm>>
      tpu.wait_dma2 semaphore(%arg12 : memref<!tpu.dma_semaphore, #tpu.memory_space<semaphore_mem>>) src(%dma_wait3A_74 : memref<2048xf32, #tpu.memory_space<hbm>>) dst(%arg6 : memref<2048xf32, #tpu.memory_space<vmem>>)
      %dma_wait3A_75 = tpu.memref_slice %arg2[%add3A_66] : memref<6291456xf32, #tpu.memory_space<hbm>> -> memref<2048xf32, #tpu.memory_space<hbm>>
      %dma_wait3A_76 = tpu.memref_slice %arg2[%add3A_66] : memref<6291456xf32, #tpu.memory_space<hbm>> -> memref<2048xf32, #tpu.memory_space<hbm>>
      tpu.wait_dma2 semaphore(%arg12 : memref<!tpu.dma_semaphore, #tpu.memory_space<semaphore_mem>>) src(%dma_wait3A_76 : memref<2048xf32, #tpu.memory_space<hbm>>) dst(%arg7 : memref<2048xf32, #tpu.memory_space<vmem>>)
      %dma_wait3A_77 = tpu.memref_slice %arg2[%add3A_68] : memref<6291456xf32, #tpu.memory_space<hbm>> -> memref<2048xf32, #tpu.memory_space<hbm>>
      %dma_wait3A_78 = tpu.memref_slice %arg2[%add3A_68] : memref<6291456xf32, #tpu.memory_space<hbm>> -> memref<2048xf32, #tpu.memory_space<hbm>>
      tpu.wait_dma2 semaphore(%arg12 : memref<!tpu.dma_semaphore, #tpu.memory_space<semaphore_mem>>) src(%dma_wait3A_78 : memref<2048xf32, #tpu.memory_space<hbm>>) dst(%arg8 : memref<2048xf32, #tpu.memory_space<vmem>>)
      %scan3A_79 = arith.constant 0 : i32
      %scan3A_80 = arith.constant 0 : i32
      %scan3A_81 = arith.constant 128 : i32
      %scan3A_82 = arith.addi %scan3A_80, %scan3A_81 : i32
      %scan3A_83 = arith.constant 1 : i32
      %scan3A_84 = scf.for %scan3A_99 = %scan3A_80 to %scan3A_82 step %scan3A_83 iter_args(%scan3A_100 = %scan3A_79) -> (i32)  : i32 {
        %mul3A_101 = arith.constant 16 : i32
        %mul3A_102 = arith.muli %scan3A_99, %mul3A_101 : i32
        %get3A = arith.index_cast %mul3A_102 : i32 to index
        %get3A_103 = tpu.vector_load %arg6[%get3A] {strides = array<i32>} : memref<2048xf32, #tpu.memory_space<vmem>>, vector<16xf32>,
        %mul3A_104 = arith.constant 3.200000e+01 : f32
        %mul3A_105 = vector.broadcast %mul3A_104 : f32 to vector<16xf32>
        %mul3A_106 = arith.mulf %get3A_103, %mul3A_105 : vector<16xf32>
        %convert_element_type3A = arith.fptosi %mul3A_106 : vector<16xf32> to vector<16xi32>
        %convert_element_type3A_107 = arith.sitofp %convert_element_type3A : vector<16xi32> to vector<16xf32>
        %sub3A = arith.subf %mul3A_106, %convert_element_type3A_107 : vector<16xf32>
        %min3A = arith.constant 31 : i32
        %min3A_108 = vector.broadcast %min3A : i32 to vector<16xi32>
        %min3A_109 = arith.minsi %convert_element_type3A, %min3A_108 : vector<16xi32>
        %get3A_110 = arith.index_cast %mul3A_102 : i32 to index
        %get3A_111 = tpu.vector_load %arg7[%get3A_110] {strides = array<i32>} : memref<2048xf32, #tpu.memory_space<vmem>>, vector<16xf32>,
        %mul3A_112 = arith.constant 3.200000e+01 : f32
        %mul3A_113 = vector.broadcast %mul3A_112 : f32 to vector<16xf32>
        %mul3A_114 = arith.mulf %get3A_111, %mul3A_113 : vector<16xf32>
        %convert_element_type3A_115 = arith.fptosi %mul3A_114 : vector<16xf32> to vector<16xi32>
        %convert_element_type3A_116 = arith.sitofp %convert_element_type3A_115 : vector<16xi32> to vector<16xf32>
        %sub3A_117 = arith.subf %mul3A_114, %convert_element_type3A_116 : vector<16xf32>
        %min3A_118 = arith.constant 31 : i32
        %min3A_119 = vector.broadcast %min3A_118 : i32 to vector<16xi32>
        %min3A_120 = arith.minsi %convert_element_type3A_115, %min3A_119 : vector<16xi32>
        %get3A_121 = arith.index_cast %mul3A_102 : i32 to index
        %get3A_122 = tpu.vector_load %arg8[%get3A_121] {strides = array<i32>} : memref<2048xf32, #tpu.memory_space<vmem>>, vector<16xf32>,
        %mul3A_123 = arith.constant 3.200000e+01 : f32
        %mul3A_124 = vector.broadcast %mul3A_123 : f32 to vector<16xf32>
        %mul3A_125 = arith.mulf %get3A_122, %mul3A_124 : vector<16xf32>
        %convert_element_type3A_126 = arith.fptosi %mul3A_125 : vector<16xf32> to vector<16xi32>
        %convert_element_type3A_127 = arith.sitofp %convert_element_type3A_126 : vector<16xi32> to vector<16xf32>
        %sub3A_128 = arith.subf %mul3A_125, %convert_element_type3A_127 : vector<16xf32>
        %min3A_129 = arith.constant 31 : i32
        %min3A_130 = vector.broadcast %min3A_129 : i32 to vector<16xi32>
        %min3A_131 = arith.minsi %convert_element_type3A_126, %min3A_130 : vector<16xi32>
        %mul3A_132 = arith.constant 33 : i32
        %mul3A_133 = vector.broadcast %mul3A_132 : i32 to vector<16xi32>
        %mul3A_134 = arith.muli %min3A_109, %mul3A_133 : vector<16xi32>
        %add3A_135 = arith.addi %mul3A_134, %min3A_120 : vector<16xi32>
        %mul3A_136 = arith.constant 33 : i32
        %mul3A_137 = vector.broadcast %mul3A_136 : i32 to vector<16xi32>
        %mul3A_138 = arith.muli %add3A_135, %mul3A_137 : vector<16xi32>
        %add3A_139 = arith.addi %mul3A_138, %min3A_131 : vector<16xi32>
        %mul3A_140 = arith.constant 3 : i32
        %mul3A_141 = vector.broadcast %mul3A_140 : i32 to vector<16xi32>
        %mul3A_142 = arith.muli %add3A_139, %mul3A_141 : vector<16xi32>
        %add3A_143 = arith.constant 0 : i32
        %add3A_144 = vector.broadcast %add3A_143 : i32 to vector<16xi32>
        %add3A_145 = arith.addi %mul3A_142, %add3A_144 : vector<16xi32>
        %gather3A = tpu.vector_load_idx %arg5[%add3A_145] : memref<107824xf32, #tpu.memory_space<vmem>>[vector<16xi32>], vector<16xf32>,
        %add3A_146 = arith.constant 3267 : i32
        %add3A_147 = vector.broadcast %add3A_146 : i32 to vector<16xi32>
        %add3A_148 = arith.addi %mul3A_142, %add3A_147 : vector<16xi32>
        %gather3A_149 = tpu.vector_load_idx %arg5[%add3A_148] : memref<107824xf32, #tpu.memory_space<vmem>>[vector<16xi32>], vector<16xf32>,
        %add3A_150 = arith.constant 99 : i32
        %add3A_151 = vector.broadcast %add3A_150 : i32 to vector<16xi32>
        %add3A_152 = arith.addi %mul3A_142, %add3A_151 : vector<16xi32>
        %gather3A_153 = tpu.vector_load_idx %arg5[%add3A_152] : memref<107824xf32, #tpu.memory_space<vmem>>[vector<16xi32>], vector<16xf32>,
        %add3A_154 = arith.constant 3366 : i32
        %add3A_155 = vector.broadcast %add3A_154 : i32 to vector<16xi32>
        %add3A_156 = arith.addi %mul3A_142, %add3A_155 : vector<16xi32>
        %gather3A_157 = tpu.vector_load_idx %arg5[%add3A_156] : memref<107824xf32, #tpu.memory_space<vmem>>[vector<16xi32>], vector<16xf32>,
        %add3A_158 = arith.constant 3 : i32
        %add3A_159 = vector.broadcast %add3A_158 : i32 to vector<16xi32>
        %add3A_160 = arith.addi %mul3A_142, %add3A_159 : vector<16xi32>
        %gather3A_161 = tpu.vector_load_idx %arg5[%add3A_160] : memref<107824xf32, #tpu.memory_space<vmem>>[vector<16xi32>], vector<16xf32>,
        %add3A_162 = arith.constant 3270 : i32
        %add3A_163 = vector.broadcast %add3A_162 : i32 to vector<16xi32>
        %add3A_164 = arith.addi %mul3A_142, %add3A_163 : vector<16xi32>
        %gather3A_165 = tpu.vector_load_idx %arg5[%add3A_164] : memref<107824xf32, #tpu.memory_space<vmem>>[vector<16xi32>], vector<16xf32>,
        %add3A_166 = arith.constant 102 : i32
        %add3A_167 = vector.broadcast %add3A_166 : i32 to vector<16xi32>
        %add3A_168 = arith.addi %mul3A_142, %add3A_167 : vector<16xi32>
        %gather3A_169 = tpu.vector_load_idx %arg5[%add3A_168] : memref<107824xf32, #tpu.memory_space<vmem>>[vector<16xi32>], vector<16xf32>,
        %add3A_170 = arith.constant 3369 : i32
        %add3A_171 = vector.broadcast %add3A_170 : i32 to vector<16xi32>
        %add3A_172 = arith.addi %mul3A_142, %add3A_171 : vector<16xi32>
        %gather3A_173 = tpu.vector_load_idx %arg5[%add3A_172] : memref<107824xf32, #tpu.memory_space<vmem>>[vector<16xi32>], vector<16xf32>,
        %sub3A_174 = arith.subf %gather3A_149, %gather3A : vector<16xf32>
        %mul3A_175 = arith.mulf %sub3A_174, %sub3A : vector<16xf32>
        %add3A_176 = arith.addf %gather3A, %mul3A_175 : vector<16xf32>
        %sub3A_177 = arith.subf %gather3A_165, %gather3A_161 : vector<16xf32>
        %mul3A_178 = arith.mulf %sub3A_177, %sub3A : vector<16xf32>
        %add3A_179 = arith.addf %gather3A_161, %mul3A_178 : vector<16xf32>
        %sub3A_180 = arith.subf %gather3A_157, %gather3A_153 : vector<16xf32>
        %mul3A_181 = arith.mulf %sub3A_180, %sub3A : vector<16xf32>
        %add3A_182 = arith.addf %gather3A_153, %mul3A_181 : vector<16xf32>
        %sub3A_183 = arith.subf %gather3A_173, %gather3A_169 : vector<16xf32>
        %mul3A_184 = arith.mulf %sub3A_183, %sub3A : vector<16xf32>
        %add3A_185 = arith.addf %gather3A_169, %mul3A_184 : vector<16xf32>
        %sub3A_186 = arith.subf %add3A_182, %add3A_176 : vector<16xf32>
        %mul3A_187 = arith.mulf %sub3A_186, %sub3A_117 : vector<16xf32>
        %add3A_188 = arith.addf %add3A_176, %mul3A_187 : vector<16xf32>
        %sub3A_189 = arith.subf %add3A_185, %add3A_179 : vector<16xf32>
        %mul3A_190 = arith.mulf %sub3A_189, %sub3A_117 : vector<16xf32>
        %add3A_191 = arith.addf %add3A_179, %mul3A_190 : vector<16xf32>
        %sub3A_192 = arith.subf %add3A_191, %add3A_188 : vector<16xf32>
        %mul3A_193 = arith.mulf %sub3A_192, %sub3A_128 : vector<16xf32>
        %add3A_194 = arith.addf %add3A_188, %mul3A_193 : vector<16xf32>
        %add3A_195 = arith.constant 1 : i32
        %add3A_196 = vector.broadcast %add3A_195 : i32 to vector<16xi32>
        %add3A_197 = arith.addi %mul3A_142, %add3A_196 : vector<16xi32>
        %gather3A_198 = tpu.vector_load_idx %arg5[%add3A_197] : memref<107824xf32, #tpu.memory_space<vmem>>[vector<16xi32>], vector<16xf32>,
        %add3A_199 = arith.constant 3268 : i32
        %add3A_200 = vector.broadcast %add3A_199 : i32 to vector<16xi32>
        %add3A_201 = arith.addi %mul3A_142, %add3A_200 : vector<16xi32>
        %gather3A_202 = tpu.vector_load_idx %arg5[%add3A_201] : memref<107824xf32, #tpu.memory_space<vmem>>[vector<16xi32>], vector<16xf32>,
        %add3A_203 = arith.constant 100 : i32
        %add3A_204 = vector.broadcast %add3A_203 : i32 to vector<16xi32>
        %add3A_205 = arith.addi %mul3A_142, %add3A_204 : vector<16xi32>
        %gather3A_206 = tpu.vector_load_idx %arg5[%add3A_205] : memref<107824xf32, #tpu.memory_space<vmem>>[vector<16xi32>], vector<16xf32>,
        %add3A_207 = arith.constant 3367 : i32
        %add3A_208 = vector.broadcast %add3A_207 : i32 to vector<16xi32>
        %add3A_209 = arith.addi %mul3A_142, %add3A_208 : vector<16xi32>
        %gather3A_210 = tpu.vector_load_idx %arg5[%add3A_209] : memref<107824xf32, #tpu.memory_space<vmem>>[vector<16xi32>], vector<16xf32>,
        %add3A_211 = arith.constant 4 : i32
        %add3A_212 = vector.broadcast %add3A_211 : i32 to vector<16xi32>
        %add3A_213 = arith.addi %mul3A_142, %add3A_212 : vector<16xi32>
        %gather3A_214 = tpu.vector_load_idx %arg5[%add3A_213] : memref<107824xf32, #tpu.memory_space<vmem>>[vector<16xi32>], vector<16xf32>,
        %add3A_215 = arith.constant 3271 : i32
        %add3A_216 = vector.broadcast %add3A_215 : i32 to vector<16xi32>
        %add3A_217 = arith.addi %mul3A_142, %add3A_216 : vector<16xi32>
        %gather3A_218 = tpu.vector_load_idx %arg5[%add3A_217] : memref<107824xf32, #tpu.memory_space<vmem>>[vector<16xi32>], vector<16xf32>,
        %add3A_219 = arith.constant 103 : i32
        %add3A_220 = vector.broadcast %add3A_219 : i32 to vector<16xi32>
        %add3A_221 = arith.addi %mul3A_142, %add3A_220 : vector<16xi32>
        %gather3A_222 = tpu.vector_load_idx %arg5[%add3A_221] : memref<107824xf32, #tpu.memory_space<vmem>>[vector<16xi32>], vector<16xf32>,
        %add3A_223 = arith.constant 3370 : i32
        %add3A_224 = vector.broadcast %add3A_223 : i32 to vector<16xi32>
        %add3A_225 = arith.addi %mul3A_142, %add3A_224 : vector<16xi32>
        %gather3A_226 = tpu.vector_load_idx %arg5[%add3A_225] : memref<107824xf32, #tpu.memory_space<vmem>>[vector<16xi32>], vector<16xf32>,
        %sub3A_227 = arith.subf %gather3A_202, %gather3A_198 : vector<16xf32>
        %mul3A_228 = arith.mulf %sub3A_227, %sub3A : vector<16xf32>
        %add3A_229 = arith.addf %gather3A_198, %mul3A_228 : vector<16xf32>
        %sub3A_230 = arith.subf %gather3A_218, %gather3A_214 : vector<16xf32>
        %mul3A_231 = arith.mulf %sub3A_230, %sub3A : vector<16xf32>
        %add3A_232 = arith.addf %gather3A_214, %mul3A_231 : vector<16xf32>
        %sub3A_233 = arith.subf %gather3A_210, %gather3A_206 : vector<16xf32>
        %mul3A_234 = arith.mulf %sub3A_233, %sub3A : vector<16xf32>
        %add3A_235 = arith.addf %gather3A_206, %mul3A_234 : vector<16xf32>
        %sub3A_236 = arith.subf %gather3A_226, %gather3A_222 : vector<16xf32>
        %mul3A_237 = arith.mulf %sub3A_236, %sub3A : vector<16xf32>
        %add3A_238 = arith.addf %gather3A_222, %mul3A_237 : vector<16xf32>
        %sub3A_239 = arith.subf %add3A_235, %add3A_229 : vector<16xf32>
        %mul3A_240 = arith.mulf %sub3A_239, %sub3A_117 : vector<16xf32>
        %add3A_241 = arith.addf %add3A_229, %mul3A_240 : vector<16xf32>
        %sub3A_242 = arith.subf %add3A_238, %add3A_232 : vector<16xf32>
        %mul3A_243 = arith.mulf %sub3A_242, %sub3A_117 : vector<16xf32>
        %add3A_244 = arith.addf %add3A_232, %mul3A_243 : vector<16xf32>
        %sub3A_245 = arith.subf %add3A_244, %add3A_241 : vector<16xf32>
        %mul3A_246 = arith.mulf %sub3A_245, %sub3A_128 : vector<16xf32>
        %add3A_247 = arith.addf %add3A_241, %mul3A_246 : vector<16xf32>
        %add3A_248 = arith.constant 2 : i32
        %add3A_249 = vector.broadcast %add3A_248 : i32 to vector<16xi32>
        %add3A_250 = arith.addi %mul3A_142, %add3A_249 : vector<16xi32>
        %gather3A_251 = tpu.vector_load_idx %arg5[%add3A_250] : memref<107824xf32, #tpu.memory_space<vmem>>[vector<16xi32>], vector<16xf32>,
        %add3A_252 = arith.constant 3269 : i32
        %add3A_253 = vector.broadcast %add3A_252 : i32 to vector<16xi32>
        %add3A_254 = arith.addi %mul3A_142, %add3A_253 : vector<16xi32>
        %gather3A_255 = tpu.vector_load_idx %arg5[%add3A_254] : memref<107824xf32, #tpu.memory_space<vmem>>[vector<16xi32>], vector<16xf32>,
        %add3A_256 = arith.constant 101 : i32
        %add3A_257 = vector.broadcast %add3A_256 : i32 to vector<16xi32>
        %add3A_258 = arith.addi %mul3A_142, %add3A_257 : vector<16xi32>
        %gather3A_259 = tpu.vector_load_idx %arg5[%add3A_258] : memref<107824xf32, #tpu.memory_space<vmem>>[vector<16xi32>], vector<16xf32>,
        %add3A_260 = arith.constant 3368 : i32
        %add3A_261 = vector.broadcast %add3A_260 : i32 to vector<16xi32>
        %add3A_262 = arith.addi %mul3A_142, %add3A_261 : vector<16xi32>
        %gather3A_263 = tpu.vector_load_idx %arg5[%add3A_262] : memref<107824xf32, #tpu.memory_space<vmem>>[vector<16xi32>], vector<16xf32>,
        %add3A_264 = arith.constant 5 : i32
        %add3A_265 = vector.broadcast %add3A_264 : i32 to vector<16xi32>
        %add3A_266 = arith.addi %mul3A_142, %add3A_265 : vector<16xi32>
        %gather3A_267 = tpu.vector_load_idx %arg5[%add3A_266] : memref<107824xf32, #tpu.memory_space<vmem>>[vector<16xi32>], vector<16xf32>,
        %add3A_268 = arith.constant 3272 : i32
        %add3A_269 = vector.broadcast %add3A_268 : i32 to vector<16xi32>
        %add3A_270 = arith.addi %mul3A_142, %add3A_269 : vector<16xi32>
        %gather3A_271 = tpu.vector_load_idx %arg5[%add3A_270] : memref<107824xf32, #tpu.memory_space<vmem>>[vector<16xi32>], vector<16xf32>,
        %add3A_272 = arith.constant 104 : i32
        %add3A_273 = vector.broadcast %add3A_272 : i32 to vector<16xi32>
        %add3A_274 = arith.addi %mul3A_142, %add3A_273 : vector<16xi32>
        %gather3A_275 = tpu.vector_load_idx %arg5[%add3A_274] : memref<107824xf32, #tpu.memory_space<vmem>>[vector<16xi32>], vector<16xf32>,
        %add3A_276 = arith.constant 3371 : i32
        %add3A_277 = vector.broadcast %add3A_276 : i32 to vector<16xi32>
        %add3A_278 = arith.addi %mul3A_142, %add3A_277 : vector<16xi32>
        %gather3A_279 = tpu.vector_load_idx %arg5[%add3A_278] : memref<107824xf32, #tpu.memory_space<vmem>>[vector<16xi32>], vector<16xf32>,
        %sub3A_280 = arith.subf %gather3A_255, %gather3A_251 : vector<16xf32>
        %mul3A_281 = arith.mulf %sub3A_280, %sub3A : vector<16xf32>
        %add3A_282 = arith.addf %gather3A_251, %mul3A_281 : vector<16xf32>
        %sub3A_283 = arith.subf %gather3A_271, %gather3A_267 : vector<16xf32>
        %mul3A_284 = arith.mulf %sub3A_283, %sub3A : vector<16xf32>
        %add3A_285 = arith.addf %gather3A_267, %mul3A_284 : vector<16xf32>
        %sub3A_286 = arith.subf %gather3A_263, %gather3A_259 : vector<16xf32>
        %mul3A_287 = arith.mulf %sub3A_286, %sub3A : vector<16xf32>
        %add3A_288 = arith.addf %gather3A_259, %mul3A_287 : vector<16xf32>
        %sub3A_289 = arith.subf %gather3A_279, %gather3A_275 : vector<16xf32>
        %mul3A_290 = arith.mulf %sub3A_289, %sub3A : vector<16xf32>
        %add3A_291 = arith.addf %gather3A_275, %mul3A_290 : vector<16xf32>
        %sub3A_292 = arith.subf %add3A_288, %add3A_282 : vector<16xf32>
        %mul3A_293 = arith.mulf %sub3A_292, %sub3A_117 : vector<16xf32>
        %add3A_294 = arith.addf %add3A_282, %mul3A_293 : vector<16xf32>
        %sub3A_295 = arith.subf %add3A_291, %add3A_285 : vector<16xf32>
        %mul3A_296 = arith.mulf %sub3A_295, %sub3A_117 : vector<16xf32>
        %add3A_297 = arith.addf %add3A_285, %mul3A_296 : vector<16xf32>
        %sub3A_298 = arith.subf %add3A_297, %add3A_294 : vector<16xf32>
        %mul3A_299 = arith.mulf %sub3A_298, %sub3A_128 : vector<16xf32>
        %add3A_300 = arith.addf %add3A_294, %mul3A_299 : vector<16xf32>
        %swap3A = arith.index_cast %mul3A_102 : i32 to index
        %swap3A_301 = tpu.vector_load %arg9[%swap3A] {strides = array<i32>} : memref<2048xf32, #tpu.memory_space<vmem>>, vector<16xf32>,
        tpu.vector_store %arg9[%swap3A], %add3A_194 {strides = array<i32>} : memref<2048xf32, #tpu.memory_space<vmem>>, vector<16xf32>,
        %swap3A_302 = arith.index_cast %mul3A_102 : i32 to index
        %swap3A_303 = tpu.vector_load %arg10[%swap3A_302] {strides = array<i32>} : memref<2048xf32, #tpu.memory_space<vmem>>, vector<16xf32>,
        tpu.vector_store %arg10[%swap3A_302], %add3A_247 {strides = array<i32>} : memref<2048xf32, #tpu.memory_space<vmem>>, vector<16xf32>,
        %swap3A_304 = arith.index_cast %mul3A_102 : i32 to index
        %swap3A_305 = tpu.vector_load %arg11[%swap3A_304] {strides = array<i32>} : memref<2048xf32, #tpu.memory_space<vmem>>, vector<16xf32>,
        tpu.vector_store %arg11[%swap3A_304], %add3A_300 {strides = array<i32>} : memref<2048xf32, #tpu.memory_space<vmem>>, vector<16xf32>,
        %scan3A_306 = arith.constant 0 : i32
        scf.yield %scan3A_306 : i32
      }
      %scan3A_85 = arith.constant 128 : i32
      %dma_start3A_86 = tpu.memref_slice %arg4[%add3A_64] : memref<6291456xf32, #tpu.memory_space<hbm>> -> memref<2048xf32, #tpu.memory_space<hbm>>
      %dma_start3A_87 = tpu.memref_slice %arg4[%add3A_64] : memref<6291456xf32, #tpu.memory_space<hbm>> -> memref<2048xf32, #tpu.memory_space<hbm>>
      tpu.enqueue_dma source(%arg9 : memref<2048xf32, #tpu.memory_space<vmem>>) target(%dma_start3A_87 : memref<2048xf32, #tpu.memory_space<hbm>>) target_semaphore(%arg12 : memref<!tpu.dma_semaphore, #tpu.memory_space<semaphore_mem>>)
      %dma_start3A_88 = tpu.memref_slice %arg4[%add3A_66] : memref<6291456xf32, #tpu.memory_space<hbm>> -> memref<2048xf32, #tpu.memory_space<hbm>>
      %dma_start3A_89 = tpu.memref_slice %arg4[%add3A_66] : memref<6291456xf32, #tpu.memory_space<hbm>> -> memref<2048xf32, #tpu.memory_space<hbm>>
      tpu.enqueue_dma source(%arg10 : memref<2048xf32, #tpu.memory_space<vmem>>) target(%dma_start3A_89 : memref<2048xf32, #tpu.memory_space<hbm>>) target_semaphore(%arg12 : memref<!tpu.dma_semaphore, #tpu.memory_space<semaphore_mem>>)
      %dma_start3A_90 = tpu.memref_slice %arg4[%add3A_68] : memref<6291456xf32, #tpu.memory_space<hbm>> -> memref<2048xf32, #tpu.memory_space<hbm>>
      %dma_start3A_91 = tpu.memref_slice %arg4[%add3A_68] : memref<6291456xf32, #tpu.memory_space<hbm>> -> memref<2048xf32, #tpu.memory_space<hbm>>
      tpu.enqueue_dma source(%arg11 : memref<2048xf32, #tpu.memory_space<vmem>>) target(%dma_start3A_91 : memref<2048xf32, #tpu.memory_space<hbm>>) target_semaphore(%arg12 : memref<!tpu.dma_semaphore, #tpu.memory_space<semaphore_mem>>)
      %dma_wait3A_92 = tpu.memref_slice %arg4[%add3A_64] : memref<6291456xf32, #tpu.memory_space<hbm>> -> memref<2048xf32, #tpu.memory_space<hbm>>
      %dma_wait3A_93 = tpu.memref_slice %arg4[%add3A_64] : memref<6291456xf32, #tpu.memory_space<hbm>> -> memref<2048xf32, #tpu.memory_space<hbm>>
      tpu.wait_dma2 semaphore(%arg12 : memref<!tpu.dma_semaphore, #tpu.memory_space<semaphore_mem>>) src(%arg9 : memref<2048xf32, #tpu.memory_space<vmem>>) dst(%dma_wait3A_93 : memref<2048xf32, #tpu.memory_space<hbm>>)
      %dma_wait3A_94 = tpu.memref_slice %arg4[%add3A_66] : memref<6291456xf32, #tpu.memory_space<hbm>> -> memref<2048xf32, #tpu.memory_space<hbm>>
      %dma_wait3A_95 = tpu.memref_slice %arg4[%add3A_66] : memref<6291456xf32, #tpu.memory_space<hbm>> -> memref<2048xf32, #tpu.memory_space<hbm>>
      tpu.wait_dma2 semaphore(%arg12 : memref<!tpu.dma_semaphore, #tpu.memory_space<semaphore_mem>>) src(%arg10 : memref<2048xf32, #tpu.memory_space<vmem>>) dst(%dma_wait3A_95 : memref<2048xf32, #tpu.memory_space<hbm>>)
      %dma_wait3A_96 = tpu.memref_slice %arg4[%add3A_68] : memref<6291456xf32, #tpu.memory_space<hbm>> -> memref<2048xf32, #tpu.memory_space<hbm>>
      %dma_wait3A_97 = tpu.memref_slice %arg4[%add3A_68] : memref<6291456xf32, #tpu.memory_space<hbm>> -> memref<2048xf32, #tpu.memory_space<hbm>>
      tpu.wait_dma2 semaphore(%arg12 : memref<!tpu.dma_semaphore, #tpu.memory_space<semaphore_mem>>) src(%arg11 : memref<2048xf32, #tpu.memory_space<vmem>>) dst(%dma_wait3A_97 : memref<2048xf32, #tpu.memory_space<hbm>>)
      %scan3A_98 = arith.constant 0 : i32
      scf.yield %scan3A_98 : i32
    }
    %scan3A_6 = arith.constant 4 : i32
    %scan3A_7 = arith.constant 0 : i32
    %scan3A_8 = arith.constant 0 : i32
    %scan3A_9 = arith.constant 4 : i32
    %scan3A_10 = arith.addi %scan3A_8, %scan3A_9 : i32
    %scan3A_11 = arith.constant 1 : i32
    %scan3A_12 = scf.for %scan3A_56 = %scan3A_8 to %scan3A_10 step %scan3A_11 iter_args(%scan3A_57 = %scan3A_7) -> (i32)  : i32 {
      %mul3A_58 = arith.constant 8192 : i32
      %mul3A_59 = arith.muli %add3A, %mul3A_58 : i32
      %mul3A_60 = arith.constant 2048 : i32
      %mul3A_61 = arith.muli %scan3A_56, %mul3A_60 : i32
      %add3A_62 = arith.addi %mul3A_59, %mul3A_61 : i32
      %add3A_63 = arith.constant 786432 : i32
      %add3A_64 = arith.addi %add3A_63, %add3A_62 : i32
      %add3A_65 = arith.constant 1048576 : i32
      %add3A_66 = arith.addi %add3A_65, %add3A_62 : i32
      %add3A_67 = arith.constant 1310720 : i32
      %add3A_68 = arith.addi %add3A_67, %add3A_62 : i32
      %dma_start3A = tpu.memref_slice %arg2[%add3A_64] : memref<6291456xf32, #tpu.memory_space<hbm>> -> memref<2048xf32, #tpu.memory_space<hbm>>
      %dma_start3A_69 = tpu.memref_slice %arg2[%add3A_64] : memref<6291456xf32, #tpu.memory_space<hbm>> -> memref<2048xf32, #tpu.memory_space<hbm>>
      tpu.enqueue_dma source(%dma_start3A_69 : memref<2048xf32, #tpu.memory_space<hbm>>) target(%arg6 : memref<2048xf32, #tpu.memory_space<vmem>>) target_semaphore(%arg12 : memref<!tpu.dma_semaphore, #tpu.memory_space<semaphore_mem>>)
      %dma_start3A_70 = tpu.memref_slice %arg2[%add3A_66] : memref<6291456xf32, #tpu.memory_space<hbm>> -> memref<2048xf32, #tpu.memory_space<hbm>>
      %dma_start3A_71 = tpu.memref_slice %arg2[%add3A_66] : memref<6291456xf32, #tpu.memory_space<hbm>> -> memref<2048xf32, #tpu.memory_space<hbm>>
      tpu.enqueue_dma source(%dma_start3A_71 : memref<2048xf32, #tpu.memory_space<hbm>>) target(%arg7 : memref<2048xf32, #tpu.memory_space<vmem>>) target_semaphore(%arg12 : memref<!tpu.dma_semaphore, #tpu.memory_space<semaphore_mem>>)
      %dma_start3A_72 = tpu.memref_slice %arg2[%add3A_68] : memref<6291456xf32, #tpu.memory_space<hbm>> -> memref<2048xf32, #tpu.memory_space<hbm>>
      %dma_start3A_73 = tpu.memref_slice %arg2[%add3A_68] : memref<6291456xf32, #tpu.memory_space<hbm>> -> memref<2048xf32, #tpu.memory_space<hbm>>
      tpu.enqueue_dma source(%dma_start3A_73 : memref<2048xf32, #tpu.memory_space<hbm>>) target(%arg8 : memref<2048xf32, #tpu.memory_space<vmem>>) target_semaphore(%arg12 : memref<!tpu.dma_semaphore, #tpu.memory_space<semaphore_mem>>)
      %dma_wait3A = tpu.memref_slice %arg2[%add3A_64] : memref<6291456xf32, #tpu.memory_space<hbm>> -> memref<2048xf32, #tpu.memory_space<hbm>>
      %dma_wait3A_74 = tpu.memref_slice %arg2[%add3A_64] : memref<6291456xf32, #tpu.memory_space<hbm>> -> memref<2048xf32, #tpu.memory_space<hbm>>
      tpu.wait_dma2 semaphore(%arg12 : memref<!tpu.dma_semaphore, #tpu.memory_space<semaphore_mem>>) src(%dma_wait3A_74 : memref<2048xf32, #tpu.memory_space<hbm>>) dst(%arg6 : memref<2048xf32, #tpu.memory_space<vmem>>)
      %dma_wait3A_75 = tpu.memref_slice %arg2[%add3A_66] : memref<6291456xf32, #tpu.memory_space<hbm>> -> memref<2048xf32, #tpu.memory_space<hbm>>
      %dma_wait3A_76 = tpu.memref_slice %arg2[%add3A_66] : memref<6291456xf32, #tpu.memory_space<hbm>> -> memref<2048xf32, #tpu.memory_space<hbm>>
      tpu.wait_dma2 semaphore(%arg12 : memref<!tpu.dma_semaphore, #tpu.memory_space<semaphore_mem>>) src(%dma_wait3A_76 : memref<2048xf32, #tpu.memory_space<hbm>>) dst(%arg7 : memref<2048xf32, #tpu.memory_space<vmem>>)
      %dma_wait3A_77 = tpu.memref_slice %arg2[%add3A_68] : memref<6291456xf32, #tpu.memory_space<hbm>> -> memref<2048xf32, #tpu.memory_space<hbm>>
      %dma_wait3A_78 = tpu.memref_slice %arg2[%add3A_68] : memref<6291456xf32, #tpu.memory_space<hbm>> -> memref<2048xf32, #tpu.memory_space<hbm>>
      tpu.wait_dma2 semaphore(%arg12 : memref<!tpu.dma_semaphore, #tpu.memory_space<semaphore_mem>>) src(%dma_wait3A_78 : memref<2048xf32, #tpu.memory_space<hbm>>) dst(%arg8 : memref<2048xf32, #tpu.memory_space<vmem>>)
      %scan3A_79 = arith.constant 0 : i32
      %scan3A_80 = arith.constant 0 : i32
      %scan3A_81 = arith.constant 128 : i32
      %scan3A_82 = arith.addi %scan3A_80, %scan3A_81 : i32
      %scan3A_83 = arith.constant 1 : i32
      %scan3A_84 = scf.for %scan3A_99 = %scan3A_80 to %scan3A_82 step %scan3A_83 iter_args(%scan3A_100 = %scan3A_79) -> (i32)  : i32 {
        %mul3A_101 = arith.constant 16 : i32
        %mul3A_102 = arith.muli %scan3A_99, %mul3A_101 : i32
        %get3A = arith.index_cast %mul3A_102 : i32 to index
        %get3A_103 = tpu.vector_load %arg6[%get3A] {strides = array<i32>} : memref<2048xf32, #tpu.memory_space<vmem>>, vector<16xf32>,
        %mul3A_104 = arith.constant 3.200000e+01 : f32
        %mul3A_105 = vector.broadcast %mul3A_104 : f32 to vector<16xf32>
        %mul3A_106 = arith.mulf %get3A_103, %mul3A_105 : vector<16xf32>
        %convert_element_type3A = arith.fptosi %mul3A_106 : vector<16xf32> to vector<16xi32>
        %convert_element_type3A_107 = arith.sitofp %convert_element_type3A : vector<16xi32> to vector<16xf32>
        %sub3A = arith.subf %mul3A_106, %convert_element_type3A_107 : vector<16xf32>
        %min3A = arith.constant 31 : i32
        %min3A_108 = vector.broadcast %min3A : i32 to vector<16xi32>
        %min3A_109 = arith.minsi %convert_element_type3A, %min3A_108 : vector<16xi32>
        %get3A_110 = arith.index_cast %mul3A_102 : i32 to index
        %get3A_111 = tpu.vector_load %arg7[%get3A_110] {strides = array<i32>} : memref<2048xf32, #tpu.memory_space<vmem>>, vector<16xf32>,
        %mul3A_112 = arith.constant 3.200000e+01 : f32
        %mul3A_113 = vector.broadcast %mul3A_112 : f32 to vector<16xf32>
        %mul3A_114 = arith.mulf %get3A_111, %mul3A_113 : vector<16xf32>
        %convert_element_type3A_115 = arith.fptosi %mul3A_114 : vector<16xf32> to vector<16xi32>
        %convert_element_type3A_116 = arith.sitofp %convert_element_type3A_115 : vector<16xi32> to vector<16xf32>
        %sub3A_117 = arith.subf %mul3A_114, %convert_element_type3A_116 : vector<16xf32>
        %min3A_118 = arith.constant 31 : i32
        %min3A_119 = vector.broadcast %min3A_118 : i32 to vector<16xi32>
        %min3A_120 = arith.minsi %convert_element_type3A_115, %min3A_119 : vector<16xi32>
        %get3A_121 = arith.index_cast %mul3A_102 : i32 to index
        %get3A_122 = tpu.vector_load %arg8[%get3A_121] {strides = array<i32>} : memref<2048xf32, #tpu.memory_space<vmem>>, vector<16xf32>,
        %mul3A_123 = arith.constant 3.200000e+01 : f32
        %mul3A_124 = vector.broadcast %mul3A_123 : f32 to vector<16xf32>
        %mul3A_125 = arith.mulf %get3A_122, %mul3A_124 : vector<16xf32>
        %convert_element_type3A_126 = arith.fptosi %mul3A_125 : vector<16xf32> to vector<16xi32>
        %convert_element_type3A_127 = arith.sitofp %convert_element_type3A_126 : vector<16xi32> to vector<16xf32>
        %sub3A_128 = arith.subf %mul3A_125, %convert_element_type3A_127 : vector<16xf32>
        %min3A_129 = arith.constant 31 : i32
        %min3A_130 = vector.broadcast %min3A_129 : i32 to vector<16xi32>
        %min3A_131 = arith.minsi %convert_element_type3A_126, %min3A_130 : vector<16xi32>
        %mul3A_132 = arith.constant 33 : i32
        %mul3A_133 = vector.broadcast %mul3A_132 : i32 to vector<16xi32>
        %mul3A_134 = arith.muli %min3A_109, %mul3A_133 : vector<16xi32>
        %add3A_135 = arith.addi %mul3A_134, %min3A_120 : vector<16xi32>
        %mul3A_136 = arith.constant 33 : i32
        %mul3A_137 = vector.broadcast %mul3A_136 : i32 to vector<16xi32>
        %mul3A_138 = arith.muli %add3A_135, %mul3A_137 : vector<16xi32>
        %add3A_139 = arith.addi %mul3A_138, %min3A_131 : vector<16xi32>
        %mul3A_140 = arith.constant 3 : i32
        %mul3A_141 = vector.broadcast %mul3A_140 : i32 to vector<16xi32>
        %mul3A_142 = arith.muli %add3A_139, %mul3A_141 : vector<16xi32>
        %add3A_143 = arith.constant 0 : i32
        %add3A_144 = vector.broadcast %add3A_143 : i32 to vector<16xi32>
        %add3A_145 = arith.addi %mul3A_142, %add3A_144 : vector<16xi32>
        %gather3A = tpu.vector_load_idx %arg5[%add3A_145] : memref<107824xf32, #tpu.memory_space<vmem>>[vector<16xi32>], vector<16xf32>,
        %add3A_146 = arith.constant 3267 : i32
        %add3A_147 = vector.broadcast %add3A_146 : i32 to vector<16xi32>
        %add3A_148 = arith.addi %mul3A_142, %add3A_147 : vector<16xi32>
        %gather3A_149 = tpu.vector_load_idx %arg5[%add3A_148] : memref<107824xf32, #tpu.memory_space<vmem>>[vector<16xi32>], vector<16xf32>,
        %add3A_150 = arith.constant 99 : i32
        %add3A_151 = vector.broadcast %add3A_150 : i32 to vector<16xi32>
        %add3A_152 = arith.addi %mul3A_142, %add3A_151 : vector<16xi32>
        %gather3A_153 = tpu.vector_load_idx %arg5[%add3A_152] : memref<107824xf32, #tpu.memory_space<vmem>>[vector<16xi32>], vector<16xf32>,
        %add3A_154 = arith.constant 3366 : i32
        %add3A_155 = vector.broadcast %add3A_154 : i32 to vector<16xi32>
        %add3A_156 = arith.addi %mul3A_142, %add3A_155 : vector<16xi32>
        %gather3A_157 = tpu.vector_load_idx %arg5[%add3A_156] : memref<107824xf32, #tpu.memory_space<vmem>>[vector<16xi32>], vector<16xf32>,
        %add3A_158 = arith.constant 3 : i32
        %add3A_159 = vector.broadcast %add3A_158 : i32 to vector<16xi32>
        %add3A_160 = arith.addi %mul3A_142, %add3A_159 : vector<16xi32>
        %gather3A_161 = tpu.vector_load_idx %arg5[%add3A_160] : memref<107824xf32, #tpu.memory_space<vmem>>[vector<16xi32>], vector<16xf32>,
        %add3A_162 = arith.constant 3270 : i32
        %add3A_163 = vector.broadcast %add3A_162 : i32 to vector<16xi32>
        %add3A_164 = arith.addi %mul3A_142, %add3A_163 : vector<16xi32>
        %gather3A_165 = tpu.vector_load_idx %arg5[%add3A_164] : memref<107824xf32, #tpu.memory_space<vmem>>[vector<16xi32>], vector<16xf32>,
        %add3A_166 = arith.constant 102 : i32
        %add3A_167 = vector.broadcast %add3A_166 : i32 to vector<16xi32>
        %add3A_168 = arith.addi %mul3A_142, %add3A_167 : vector<16xi32>
        %gather3A_169 = tpu.vector_load_idx %arg5[%add3A_168] : memref<107824xf32, #tpu.memory_space<vmem>>[vector<16xi32>], vector<16xf32>,
        %add3A_170 = arith.constant 3369 : i32
        %add3A_171 = vector.broadcast %add3A_170 : i32 to vector<16xi32>
        %add3A_172 = arith.addi %mul3A_142, %add3A_171 : vector<16xi32>
        %gather3A_173 = tpu.vector_load_idx %arg5[%add3A_172] : memref<107824xf32, #tpu.memory_space<vmem>>[vector<16xi32>], vector<16xf32>,
        %sub3A_174 = arith.subf %gather3A_149, %gather3A : vector<16xf32>
        %mul3A_175 = arith.mulf %sub3A_174, %sub3A : vector<16xf32>
        %add3A_176 = arith.addf %gather3A, %mul3A_175 : vector<16xf32>
        %sub3A_177 = arith.subf %gather3A_165, %gather3A_161 : vector<16xf32>
        %mul3A_178 = arith.mulf %sub3A_177, %sub3A : vector<16xf32>
        %add3A_179 = arith.addf %gather3A_161, %mul3A_178 : vector<16xf32>
        %sub3A_180 = arith.subf %gather3A_157, %gather3A_153 : vector<16xf32>
        %mul3A_181 = arith.mulf %sub3A_180, %sub3A : vector<16xf32>
        %add3A_182 = arith.addf %gather3A_153, %mul3A_181 : vector<16xf32>
        %sub3A_183 = arith.subf %gather3A_173, %gather3A_169 : vector<16xf32>
        %mul3A_184 = arith.mulf %sub3A_183, %sub3A : vector<16xf32>
        %add3A_185 = arith.addf %gather3A_169, %mul3A_184 : vector<16xf32>
        %sub3A_186 = arith.subf %add3A_182, %add3A_176 : vector<16xf32>
        %mul3A_187 = arith.mulf %sub3A_186, %sub3A_117 : vector<16xf32>
        %add3A_188 = arith.addf %add3A_176, %mul3A_187 : vector<16xf32>
        %sub3A_189 = arith.subf %add3A_185, %add3A_179 : vector<16xf32>
        %mul3A_190 = arith.mulf %sub3A_189, %sub3A_117 : vector<16xf32>
        %add3A_191 = arith.addf %add3A_179, %mul3A_190 : vector<16xf32>
        %sub3A_192 = arith.subf %add3A_191, %add3A_188 : vector<16xf32>
        %mul3A_193 = arith.mulf %sub3A_192, %sub3A_128 : vector<16xf32>
        %add3A_194 = arith.addf %add3A_188, %mul3A_193 : vector<16xf32>
        %add3A_195 = arith.constant 1 : i32
        %add3A_196 = vector.broadcast %add3A_195 : i32 to vector<16xi32>
        %add3A_197 = arith.addi %mul3A_142, %add3A_196 : vector<16xi32>
        %gather3A_198 = tpu.vector_load_idx %arg5[%add3A_197] : memref<107824xf32, #tpu.memory_space<vmem>>[vector<16xi32>], vector<16xf32>,
        %add3A_199 = arith.constant 3268 : i32
        %add3A_200 = vector.broadcast %add3A_199 : i32 to vector<16xi32>
        %add3A_201 = arith.addi %mul3A_142, %add3A_200 : vector<16xi32>
        %gather3A_202 = tpu.vector_load_idx %arg5[%add3A_201] : memref<107824xf32, #tpu.memory_space<vmem>>[vector<16xi32>], vector<16xf32>,
        %add3A_203 = arith.constant 100 : i32
        %add3A_204 = vector.broadcast %add3A_203 : i32 to vector<16xi32>
        %add3A_205 = arith.addi %mul3A_142, %add3A_204 : vector<16xi32>
        %gather3A_206 = tpu.vector_load_idx %arg5[%add3A_205] : memref<107824xf32, #tpu.memory_space<vmem>>[vector<16xi32>], vector<16xf32>,
        %add3A_207 = arith.constant 3367 : i32
        %add3A_208 = vector.broadcast %add3A_207 : i32 to vector<16xi32>
        %add3A_209 = arith.addi %mul3A_142, %add3A_208 : vector<16xi32>
        %gather3A_210 = tpu.vector_load_idx %arg5[%add3A_209] : memref<107824xf32, #tpu.memory_space<vmem>>[vector<16xi32>], vector<16xf32>,
        %add3A_211 = arith.constant 4 : i32
        %add3A_212 = vector.broadcast %add3A_211 : i32 to vector<16xi32>
        %add3A_213 = arith.addi %mul3A_142, %add3A_212 : vector<16xi32>
        %gather3A_214 = tpu.vector_load_idx %arg5[%add3A_213] : memref<107824xf32, #tpu.memory_space<vmem>>[vector<16xi32>], vector<16xf32>,
        %add3A_215 = arith.constant 3271 : i32
        %add3A_216 = vector.broadcast %add3A_215 : i32 to vector<16xi32>
        %add3A_217 = arith.addi %mul3A_142, %add3A_216 : vector<16xi32>
        %gather3A_218 = tpu.vector_load_idx %arg5[%add3A_217] : memref<107824xf32, #tpu.memory_space<vmem>>[vector<16xi32>], vector<16xf32>,
        %add3A_219 = arith.constant 103 : i32
        %add3A_220 = vector.broadcast %add3A_219 : i32 to vector<16xi32>
        %add3A_221 = arith.addi %mul3A_142, %add3A_220 : vector<16xi32>
        %gather3A_222 = tpu.vector_load_idx %arg5[%add3A_221] : memref<107824xf32, #tpu.memory_space<vmem>>[vector<16xi32>], vector<16xf32>,
        %add3A_223 = arith.constant 3370 : i32
        %add3A_224 = vector.broadcast %add3A_223 : i32 to vector<16xi32>
        %add3A_225 = arith.addi %mul3A_142, %add3A_224 : vector<16xi32>
        %gather3A_226 = tpu.vector_load_idx %arg5[%add3A_225] : memref<107824xf32, #tpu.memory_space<vmem>>[vector<16xi32>], vector<16xf32>,
        %sub3A_227 = arith.subf %gather3A_202, %gather3A_198 : vector<16xf32>
        %mul3A_228 = arith.mulf %sub3A_227, %sub3A : vector<16xf32>
        %add3A_229 = arith.addf %gather3A_198, %mul3A_228 : vector<16xf32>
        %sub3A_230 = arith.subf %gather3A_218, %gather3A_214 : vector<16xf32>
        %mul3A_231 = arith.mulf %sub3A_230, %sub3A : vector<16xf32>
        %add3A_232 = arith.addf %gather3A_214, %mul3A_231 : vector<16xf32>
        %sub3A_233 = arith.subf %gather3A_210, %gather3A_206 : vector<16xf32>
        %mul3A_234 = arith.mulf %sub3A_233, %sub3A : vector<16xf32>
        %add3A_235 = arith.addf %gather3A_206, %mul3A_234 : vector<16xf32>
        %sub3A_236 = arith.subf %gather3A_226, %gather3A_222 : vector<16xf32>
        %mul3A_237 = arith.mulf %sub3A_236, %sub3A : vector<16xf32>
        %add3A_238 = arith.addf %gather3A_222, %mul3A_237 : vector<16xf32>
        %sub3A_239 = arith.subf %add3A_235, %add3A_229 : vector<16xf32>
        %mul3A_240 = arith.mulf %sub3A_239, %sub3A_117 : vector<16xf32>
        %add3A_241 = arith.addf %add3A_229, %mul3A_240 : vector<16xf32>
        %sub3A_242 = arith.subf %add3A_238, %add3A_232 : vector<16xf32>
        %mul3A_243 = arith.mulf %sub3A_242, %sub3A_117 : vector<16xf32>
        %add3A_244 = arith.addf %add3A_232, %mul3A_243 : vector<16xf32>
        %sub3A_245 = arith.subf %add3A_244, %add3A_241 : vector<16xf32>
        %mul3A_246 = arith.mulf %sub3A_245, %sub3A_128 : vector<16xf32>
        %add3A_247 = arith.addf %add3A_241, %mul3A_246 : vector<16xf32>
        %add3A_248 = arith.constant 2 : i32
        %add3A_249 = vector.broadcast %add3A_248 : i32 to vector<16xi32>
        %add3A_250 = arith.addi %mul3A_142, %add3A_249 : vector<16xi32>
        %gather3A_251 = tpu.vector_load_idx %arg5[%add3A_250] : memref<107824xf32, #tpu.memory_space<vmem>>[vector<16xi32>], vector<16xf32>,
        %add3A_252 = arith.constant 3269 : i32
        %add3A_253 = vector.broadcast %add3A_252 : i32 to vector<16xi32>
        %add3A_254 = arith.addi %mul3A_142, %add3A_253 : vector<16xi32>
        %gather3A_255 = tpu.vector_load_idx %arg5[%add3A_254] : memref<107824xf32, #tpu.memory_space<vmem>>[vector<16xi32>], vector<16xf32>,
        %add3A_256 = arith.constant 101 : i32
        %add3A_257 = vector.broadcast %add3A_256 : i32 to vector<16xi32>
        %add3A_258 = arith.addi %mul3A_142, %add3A_257 : vector<16xi32>
        %gather3A_259 = tpu.vector_load_idx %arg5[%add3A_258] : memref<107824xf32, #tpu.memory_space<vmem>>[vector<16xi32>], vector<16xf32>,
        %add3A_260 = arith.constant 3368 : i32
        %add3A_261 = vector.broadcast %add3A_260 : i32 to vector<16xi32>
        %add3A_262 = arith.addi %mul3A_142, %add3A_261 : vector<16xi32>
        %gather3A_263 = tpu.vector_load_idx %arg5[%add3A_262] : memref<107824xf32, #tpu.memory_space<vmem>>[vector<16xi32>], vector<16xf32>,
        %add3A_264 = arith.constant 5 : i32
        %add3A_265 = vector.broadcast %add3A_264 : i32 to vector<16xi32>
        %add3A_266 = arith.addi %mul3A_142, %add3A_265 : vector<16xi32>
        %gather3A_267 = tpu.vector_load_idx %arg5[%add3A_266] : memref<107824xf32, #tpu.memory_space<vmem>>[vector<16xi32>], vector<16xf32>,
        %add3A_268 = arith.constant 3272 : i32
        %add3A_269 = vector.broadcast %add3A_268 : i32 to vector<16xi32>
        %add3A_270 = arith.addi %mul3A_142, %add3A_269 : vector<16xi32>
        %gather3A_271 = tpu.vector_load_idx %arg5[%add3A_270] : memref<107824xf32, #tpu.memory_space<vmem>>[vector<16xi32>], vector<16xf32>,
        %add3A_272 = arith.constant 104 : i32
        %add3A_273 = vector.broadcast %add3A_272 : i32 to vector<16xi32>
        %add3A_274 = arith.addi %mul3A_142, %add3A_273 : vector<16xi32>
        %gather3A_275 = tpu.vector_load_idx %arg5[%add3A_274] : memref<107824xf32, #tpu.memory_space<vmem>>[vector<16xi32>], vector<16xf32>,
        %add3A_276 = arith.constant 3371 : i32
        %add3A_277 = vector.broadcast %add3A_276 : i32 to vector<16xi32>
        %add3A_278 = arith.addi %mul3A_142, %add3A_277 : vector<16xi32>
        %gather3A_279 = tpu.vector_load_idx %arg5[%add3A_278] : memref<107824xf32, #tpu.memory_space<vmem>>[vector<16xi32>], vector<16xf32>,
        %sub3A_280 = arith.subf %gather3A_255, %gather3A_251 : vector<16xf32>
        %mul3A_281 = arith.mulf %sub3A_280, %sub3A : vector<16xf32>
        %add3A_282 = arith.addf %gather3A_251, %mul3A_281 : vector<16xf32>
        %sub3A_283 = arith.subf %gather3A_271, %gather3A_267 : vector<16xf32>
        %mul3A_284 = arith.mulf %sub3A_283, %sub3A : vector<16xf32>
        %add3A_285 = arith.addf %gather3A_267, %mul3A_284 : vector<16xf32>
        %sub3A_286 = arith.subf %gather3A_263, %gather3A_259 : vector<16xf32>
        %mul3A_287 = arith.mulf %sub3A_286, %sub3A : vector<16xf32>
        %add3A_288 = arith.addf %gather3A_259, %mul3A_287 : vector<16xf32>
        %sub3A_289 = arith.subf %gather3A_279, %gather3A_275 : vector<16xf32>
        %mul3A_290 = arith.mulf %sub3A_289, %sub3A : vector<16xf32>
        %add3A_291 = arith.addf %gather3A_275, %mul3A_290 : vector<16xf32>
        %sub3A_292 = arith.subf %add3A_288, %add3A_282 : vector<16xf32>
        %mul3A_293 = arith.mulf %sub3A_292, %sub3A_117 : vector<16xf32>
        %add3A_294 = arith.addf %add3A_282, %mul3A_293 : vector<16xf32>
        %sub3A_295 = arith.subf %add3A_291, %add3A_285 : vector<16xf32>
        %mul3A_296 = arith.mulf %sub3A_295, %sub3A_117 : vector<16xf32>
        %add3A_297 = arith.addf %add3A_285, %mul3A_296 : vector<16xf32>
        %sub3A_298 = arith.subf %add3A_297, %add3A_294 : vector<16xf32>
        %mul3A_299 = arith.mulf %sub3A_298, %sub3A_128 : vector<16xf32>
        %add3A_300 = arith.addf %add3A_294, %mul3A_299 : vector<16xf32>
        %swap3A = arith.index_cast %mul3A_102 : i32 to index
        %swap3A_301 = tpu.vector_load %arg9[%swap3A] {strides = array<i32>} : memref<2048xf32, #tpu.memory_space<vmem>>, vector<16xf32>,
        tpu.vector_store %arg9[%swap3A], %add3A_194 {strides = array<i32>} : memref<2048xf32, #tpu.memory_space<vmem>>, vector<16xf32>,
        %swap3A_302 = arith.index_cast %mul3A_102 : i32 to index
        %swap3A_303 = tpu.vector_load %arg10[%swap3A_302] {strides = array<i32>} : memref<2048xf32, #tpu.memory_space<vmem>>, vector<16xf32>,
        tpu.vector_store %arg10[%swap3A_302], %add3A_247 {strides = array<i32>} : memref<2048xf32, #tpu.memory_space<vmem>>, vector<16xf32>,
        %swap3A_304 = arith.index_cast %mul3A_102 : i32 to index
        %swap3A_305 = tpu.vector_load %arg11[%swap3A_304] {strides = array<i32>} : memref<2048xf32, #tpu.memory_space<vmem>>, vector<16xf32>,
        tpu.vector_store %arg11[%swap3A_304], %add3A_300 {strides = array<i32>} : memref<2048xf32, #tpu.memory_space<vmem>>, vector<16xf32>,
        %scan3A_306 = arith.constant 0 : i32
        scf.yield %scan3A_306 : i32
      }
      %scan3A_85 = arith.constant 128 : i32
      %dma_start3A_86 = tpu.memref_slice %arg4[%add3A_64] : memref<6291456xf32, #tpu.memory_space<hbm>> -> memref<2048xf32, #tpu.memory_space<hbm>>
      %dma_start3A_87 = tpu.memref_slice %arg4[%add3A_64] : memref<6291456xf32, #tpu.memory_space<hbm>> -> memref<2048xf32, #tpu.memory_space<hbm>>
      tpu.enqueue_dma source(%arg9 : memref<2048xf32, #tpu.memory_space<vmem>>) target(%dma_start3A_87 : memref<2048xf32, #tpu.memory_space<hbm>>) target_semaphore(%arg12 : memref<!tpu.dma_semaphore, #tpu.memory_space<semaphore_mem>>)
      %dma_start3A_88 = tpu.memref_slice %arg4[%add3A_66] : memref<6291456xf32, #tpu.memory_space<hbm>> -> memref<2048xf32, #tpu.memory_space<hbm>>
      %dma_start3A_89 = tpu.memref_slice %arg4[%add3A_66] : memref<6291456xf32, #tpu.memory_space<hbm>> -> memref<2048xf32, #tpu.memory_space<hbm>>
      tpu.enqueue_dma source(%arg10 : memref<2048xf32, #tpu.memory_space<vmem>>) target(%dma_start3A_89 : memref<2048xf32, #tpu.memory_space<hbm>>) target_semaphore(%arg12 : memref<!tpu.dma_semaphore, #tpu.memory_space<semaphore_mem>>)
      %dma_start3A_90 = tpu.memref_slice %arg4[%add3A_68] : memref<6291456xf32, #tpu.memory_space<hbm>> -> memref<2048xf32, #tpu.memory_space<hbm>>
      %dma_start3A_91 = tpu.memref_slice %arg4[%add3A_68] : memref<6291456xf32, #tpu.memory_space<hbm>> -> memref<2048xf32, #tpu.memory_space<hbm>>
      tpu.enqueue_dma source(%arg11 : memref<2048xf32, #tpu.memory_space<vmem>>) target(%dma_start3A_91 : memref<2048xf32, #tpu.memory_space<hbm>>) target_semaphore(%arg12 : memref<!tpu.dma_semaphore, #tpu.memory_space<semaphore_mem>>)
      %dma_wait3A_92 = tpu.memref_slice %arg4[%add3A_64] : memref<6291456xf32, #tpu.memory_space<hbm>> -> memref<2048xf32, #tpu.memory_space<hbm>>
      %dma_wait3A_93 = tpu.memref_slice %arg4[%add3A_64] : memref<6291456xf32, #tpu.memory_space<hbm>> -> memref<2048xf32, #tpu.memory_space<hbm>>
      tpu.wait_dma2 semaphore(%arg12 : memref<!tpu.dma_semaphore, #tpu.memory_space<semaphore_mem>>) src(%arg9 : memref<2048xf32, #tpu.memory_space<vmem>>) dst(%dma_wait3A_93 : memref<2048xf32, #tpu.memory_space<hbm>>)
      %dma_wait3A_94 = tpu.memref_slice %arg4[%add3A_66] : memref<6291456xf32, #tpu.memory_space<hbm>> -> memref<2048xf32, #tpu.memory_space<hbm>>
      %dma_wait3A_95 = tpu.memref_slice %arg4[%add3A_66] : memref<6291456xf32, #tpu.memory_space<hbm>> -> memref<2048xf32, #tpu.memory_space<hbm>>
      tpu.wait_dma2 semaphore(%arg12 : memref<!tpu.dma_semaphore, #tpu.memory_space<semaphore_mem>>) src(%arg10 : memref<2048xf32, #tpu.memory_space<vmem>>) dst(%dma_wait3A_95 : memref<2048xf32, #tpu.memory_space<hbm>>)
      %dma_wait3A_96 = tpu.memref_slice %arg4[%add3A_68] : memref<6291456xf32, #tpu.memory_space<hbm>> -> memref<2048xf32, #tpu.memory_space<hbm>>
      %dma_wait3A_97 = tpu.memref_slice %arg4[%add3A_68] : memref<6291456xf32, #tpu.memory_space<hbm>> -> memref<2048xf32, #tpu.memory_space<hbm>>
      tpu.wait_dma2 semaphore(%arg12 : memref<!tpu.dma_semaphore, #tpu.memory_space<semaphore_mem>>) src(%arg11 : memref<2048xf32, #tpu.memory_space<vmem>>) dst(%dma_wait3A_97 : memref<2048xf32, #tpu.memory_space<hbm>>)
      %scan3A_98 = arith.constant 0 : i32
      scf.yield %scan3A_98 : i32
    }
    %scan3A_13 = arith.constant 4 : i32
    %scan3A_14 = arith.constant 0 : i32
    %scan3A_15 = arith.constant 0 : i32
    %scan3A_16 = arith.constant 4 : i32
    %scan3A_17 = arith.addi %scan3A_15, %scan3A_16 : i32
    %scan3A_18 = arith.constant 1 : i32
    %scan3A_19 = scf.for %scan3A_56 = %scan3A_15 to %scan3A_17 step %scan3A_18 iter_args(%scan3A_57 = %scan3A_14) -> (i32)  : i32 {
      %mul3A_58 = arith.constant 8192 : i32
      %mul3A_59 = arith.muli %add3A, %mul3A_58 : i32
      %mul3A_60 = arith.constant 2048 : i32
      %mul3A_61 = arith.muli %scan3A_56, %mul3A_60 : i32
      %add3A_62 = arith.addi %mul3A_59, %mul3A_61 : i32
      %add3A_63 = arith.constant 1572864 : i32
      %add3A_64 = arith.addi %add3A_63, %add3A_62 : i32
      %add3A_65 = arith.constant 1835008 : i32
      %add3A_66 = arith.addi %add3A_65, %add3A_62 : i32
      %add3A_67 = arith.constant 2097152 : i32
      %add3A_68 = arith.addi %add3A_67, %add3A_62 : i32
      %dma_start3A = tpu.memref_slice %arg2[%add3A_64] : memref<6291456xf32, #tpu.memory_space<hbm>> -> memref<2048xf32, #tpu.memory_space<hbm>>
      %dma_start3A_69 = tpu.memref_slice %arg2[%add3A_64] : memref<6291456xf32, #tpu.memory_space<hbm>> -> memref<2048xf32, #tpu.memory_space<hbm>>
      tpu.enqueue_dma source(%dma_start3A_69 : memref<2048xf32, #tpu.memory_space<hbm>>) target(%arg6 : memref<2048xf32, #tpu.memory_space<vmem>>) target_semaphore(%arg12 : memref<!tpu.dma_semaphore, #tpu.memory_space<semaphore_mem>>)
      %dma_start3A_70 = tpu.memref_slice %arg2[%add3A_66] : memref<6291456xf32, #tpu.memory_space<hbm>> -> memref<2048xf32, #tpu.memory_space<hbm>>
      %dma_start3A_71 = tpu.memref_slice %arg2[%add3A_66] : memref<6291456xf32, #tpu.memory_space<hbm>> -> memref<2048xf32, #tpu.memory_space<hbm>>
      tpu.enqueue_dma source(%dma_start3A_71 : memref<2048xf32, #tpu.memory_space<hbm>>) target(%arg7 : memref<2048xf32, #tpu.memory_space<vmem>>) target_semaphore(%arg12 : memref<!tpu.dma_semaphore, #tpu.memory_space<semaphore_mem>>)
      %dma_start3A_72 = tpu.memref_slice %arg2[%add3A_68] : memref<6291456xf32, #tpu.memory_space<hbm>> -> memref<2048xf32, #tpu.memory_space<hbm>>
      %dma_start3A_73 = tpu.memref_slice %arg2[%add3A_68] : memref<6291456xf32, #tpu.memory_space<hbm>> -> memref<2048xf32, #tpu.memory_space<hbm>>
      tpu.enqueue_dma source(%dma_start3A_73 : memref<2048xf32, #tpu.memory_space<hbm>>) target(%arg8 : memref<2048xf32, #tpu.memory_space<vmem>>) target_semaphore(%arg12 : memref<!tpu.dma_semaphore, #tpu.memory_space<semaphore_mem>>)
      %dma_wait3A = tpu.memref_slice %arg2[%add3A_64] : memref<6291456xf32, #tpu.memory_space<hbm>> -> memref<2048xf32, #tpu.memory_space<hbm>>
      %dma_wait3A_74 = tpu.memref_slice %arg2[%add3A_64] : memref<6291456xf32, #tpu.memory_space<hbm>> -> memref<2048xf32, #tpu.memory_space<hbm>>
      tpu.wait_dma2 semaphore(%arg12 : memref<!tpu.dma_semaphore, #tpu.memory_space<semaphore_mem>>) src(%dma_wait3A_74 : memref<2048xf32, #tpu.memory_space<hbm>>) dst(%arg6 : memref<2048xf32, #tpu.memory_space<vmem>>)
      %dma_wait3A_75 = tpu.memref_slice %arg2[%add3A_66] : memref<6291456xf32, #tpu.memory_space<hbm>> -> memref<2048xf32, #tpu.memory_space<hbm>>
      %dma_wait3A_76 = tpu.memref_slice %arg2[%add3A_66] : memref<6291456xf32, #tpu.memory_space<hbm>> -> memref<2048xf32, #tpu.memory_space<hbm>>
      tpu.wait_dma2 semaphore(%arg12 : memref<!tpu.dma_semaphore, #tpu.memory_space<semaphore_mem>>) src(%dma_wait3A_76 : memref<2048xf32, #tpu.memory_space<hbm>>) dst(%arg7 : memref<2048xf32, #tpu.memory_space<vmem>>)
      %dma_wait3A_77 = tpu.memref_slice %arg2[%add3A_68] : memref<6291456xf32, #tpu.memory_space<hbm>> -> memref<2048xf32, #tpu.memory_space<hbm>>
      %dma_wait3A_78 = tpu.memref_slice %arg2[%add3A_68] : memref<6291456xf32, #tpu.memory_space<hbm>> -> memref<2048xf32, #tpu.memory_space<hbm>>
      tpu.wait_dma2 semaphore(%arg12 : memref<!tpu.dma_semaphore, #tpu.memory_space<semaphore_mem>>) src(%dma_wait3A_78 : memref<2048xf32, #tpu.memory_space<hbm>>) dst(%arg8 : memref<2048xf32, #tpu.memory_space<vmem>>)
      %scan3A_79 = arith.constant 0 : i32
      %scan3A_80 = arith.constant 0 : i32
      %scan3A_81 = arith.constant 128 : i32
      %scan3A_82 = arith.addi %scan3A_80, %scan3A_81 : i32
      %scan3A_83 = arith.constant 1 : i32
      %scan3A_84 = scf.for %scan3A_99 = %scan3A_80 to %scan3A_82 step %scan3A_83 iter_args(%scan3A_100 = %scan3A_79) -> (i32)  : i32 {
        %mul3A_101 = arith.constant 16 : i32
        %mul3A_102 = arith.muli %scan3A_99, %mul3A_101 : i32
        %get3A = arith.index_cast %mul3A_102 : i32 to index
        %get3A_103 = tpu.vector_load %arg6[%get3A] {strides = array<i32>} : memref<2048xf32, #tpu.memory_space<vmem>>, vector<16xf32>,
        %mul3A_104 = arith.constant 3.200000e+01 : f32
        %mul3A_105 = vector.broadcast %mul3A_104 : f32 to vector<16xf32>
        %mul3A_106 = arith.mulf %get3A_103, %mul3A_105 : vector<16xf32>
        %convert_element_type3A = arith.fptosi %mul3A_106 : vector<16xf32> to vector<16xi32>
        %convert_element_type3A_107 = arith.sitofp %convert_element_type3A : vector<16xi32> to vector<16xf32>
        %sub3A = arith.subf %mul3A_106, %convert_element_type3A_107 : vector<16xf32>
        %min3A = arith.constant 31 : i32
        %min3A_108 = vector.broadcast %min3A : i32 to vector<16xi32>
        %min3A_109 = arith.minsi %convert_element_type3A, %min3A_108 : vector<16xi32>
        %get3A_110 = arith.index_cast %mul3A_102 : i32 to index
        %get3A_111 = tpu.vector_load %arg7[%get3A_110] {strides = array<i32>} : memref<2048xf32, #tpu.memory_space<vmem>>, vector<16xf32>,
        %mul3A_112 = arith.constant 3.200000e+01 : f32
        %mul3A_113 = vector.broadcast %mul3A_112 : f32 to vector<16xf32>
        %mul3A_114 = arith.mulf %get3A_111, %mul3A_113 : vector<16xf32>
        %convert_element_type3A_115 = arith.fptosi %mul3A_114 : vector<16xf32> to vector<16xi32>
        %convert_element_type3A_116 = arith.sitofp %convert_element_type3A_115 : vector<16xi32> to vector<16xf32>
        %sub3A_117 = arith.subf %mul3A_114, %convert_element_type3A_116 : vector<16xf32>
        %min3A_118 = arith.constant 31 : i32
        %min3A_119 = vector.broadcast %min3A_118 : i32 to vector<16xi32>
        %min3A_120 = arith.minsi %convert_element_type3A_115, %min3A_119 : vector<16xi32>
        %get3A_121 = arith.index_cast %mul3A_102 : i32 to index
        %get3A_122 = tpu.vector_load %arg8[%get3A_121] {strides = array<i32>} : memref<2048xf32, #tpu.memory_space<vmem>>, vector<16xf32>,
        %mul3A_123 = arith.constant 3.200000e+01 : f32
        %mul3A_124 = vector.broadcast %mul3A_123 : f32 to vector<16xf32>
        %mul3A_125 = arith.mulf %get3A_122, %mul3A_124 : vector<16xf32>
        %convert_element_type3A_126 = arith.fptosi %mul3A_125 : vector<16xf32> to vector<16xi32>
        %convert_element_type3A_127 = arith.sitofp %convert_element_type3A_126 : vector<16xi32> to vector<16xf32>
        %sub3A_128 = arith.subf %mul3A_125, %convert_element_type3A_127 : vector<16xf32>
        %min3A_129 = arith.constant 31 : i32
        %min3A_130 = vector.broadcast %min3A_129 : i32 to vector<16xi32>
        %min3A_131 = arith.minsi %convert_element_type3A_126, %min3A_130 : vector<16xi32>
        %mul3A_132 = arith.constant 33 : i32
        %mul3A_133 = vector.broadcast %mul3A_132 : i32 to vector<16xi32>
        %mul3A_134 = arith.muli %min3A_109, %mul3A_133 : vector<16xi32>
        %add3A_135 = arith.addi %mul3A_134, %min3A_120 : vector<16xi32>
        %mul3A_136 = arith.constant 33 : i32
        %mul3A_137 = vector.broadcast %mul3A_136 : i32 to vector<16xi32>
        %mul3A_138 = arith.muli %add3A_135, %mul3A_137 : vector<16xi32>
        %add3A_139 = arith.addi %mul3A_138, %min3A_131 : vector<16xi32>
        %mul3A_140 = arith.constant 3 : i32
        %mul3A_141 = vector.broadcast %mul3A_140 : i32 to vector<16xi32>
        %mul3A_142 = arith.muli %add3A_139, %mul3A_141 : vector<16xi32>
        %add3A_143 = arith.constant 0 : i32
        %add3A_144 = vector.broadcast %add3A_143 : i32 to vector<16xi32>
        %add3A_145 = arith.addi %mul3A_142, %add3A_144 : vector<16xi32>
        %gather3A = tpu.vector_load_idx %arg5[%add3A_145] : memref<107824xf32, #tpu.memory_space<vmem>>[vector<16xi32>], vector<16xf32>,
        %add3A_146 = arith.constant 3267 : i32
        %add3A_147 = vector.broadcast %add3A_146 : i32 to vector<16xi32>
        %add3A_148 = arith.addi %mul3A_142, %add3A_147 : vector<16xi32>
        %gather3A_149 = tpu.vector_load_idx %arg5[%add3A_148] : memref<107824xf32, #tpu.memory_space<vmem>>[vector<16xi32>], vector<16xf32>,
        %add3A_150 = arith.constant 99 : i32
        %add3A_151 = vector.broadcast %add3A_150 : i32 to vector<16xi32>
        %add3A_152 = arith.addi %mul3A_142, %add3A_151 : vector<16xi32>
        %gather3A_153 = tpu.vector_load_idx %arg5[%add3A_152] : memref<107824xf32, #tpu.memory_space<vmem>>[vector<16xi32>], vector<16xf32>,
        %add3A_154 = arith.constant 3366 : i32
        %add3A_155 = vector.broadcast %add3A_154 : i32 to vector<16xi32>
        %add3A_156 = arith.addi %mul3A_142, %add3A_155 : vector<16xi32>
        %gather3A_157 = tpu.vector_load_idx %arg5[%add3A_156] : memref<107824xf32, #tpu.memory_space<vmem>>[vector<16xi32>], vector<16xf32>,
        %add3A_158 = arith.constant 3 : i32
        %add3A_159 = vector.broadcast %add3A_158 : i32 to vector<16xi32>
        %add3A_160 = arith.addi %mul3A_142, %add3A_159 : vector<16xi32>
        %gather3A_161 = tpu.vector_load_idx %arg5[%add3A_160] : memref<107824xf32, #tpu.memory_space<vmem>>[vector<16xi32>], vector<16xf32>,
        %add3A_162 = arith.constant 3270 : i32
        %add3A_163 = vector.broadcast %add3A_162 : i32 to vector<16xi32>
        %add3A_164 = arith.addi %mul3A_142, %add3A_163 : vector<16xi32>
        %gather3A_165 = tpu.vector_load_idx %arg5[%add3A_164] : memref<107824xf32, #tpu.memory_space<vmem>>[vector<16xi32>], vector<16xf32>,
        %add3A_166 = arith.constant 102 : i32
        %add3A_167 = vector.broadcast %add3A_166 : i32 to vector<16xi32>
        %add3A_168 = arith.addi %mul3A_142, %add3A_167 : vector<16xi32>
        %gather3A_169 = tpu.vector_load_idx %arg5[%add3A_168] : memref<107824xf32, #tpu.memory_space<vmem>>[vector<16xi32>], vector<16xf32>,
        %add3A_170 = arith.constant 3369 : i32
        %add3A_171 = vector.broadcast %add3A_170 : i32 to vector<16xi32>
        %add3A_172 = arith.addi %mul3A_142, %add3A_171 : vector<16xi32>
        %gather3A_173 = tpu.vector_load_idx %arg5[%add3A_172] : memref<107824xf32, #tpu.memory_space<vmem>>[vector<16xi32>], vector<16xf32>,
        %sub3A_174 = arith.subf %gather3A_149, %gather3A : vector<16xf32>
        %mul3A_175 = arith.mulf %sub3A_174, %sub3A : vector<16xf32>
        %add3A_176 = arith.addf %gather3A, %mul3A_175 : vector<16xf32>
        %sub3A_177 = arith.subf %gather3A_165, %gather3A_161 : vector<16xf32>
        %mul3A_178 = arith.mulf %sub3A_177, %sub3A : vector<16xf32>
        %add3A_179 = arith.addf %gather3A_161, %mul3A_178 : vector<16xf32>
        %sub3A_180 = arith.subf %gather3A_157, %gather3A_153 : vector<16xf32>
        %mul3A_181 = arith.mulf %sub3A_180, %sub3A : vector<16xf32>
        %add3A_182 = arith.addf %gather3A_153, %mul3A_181 : vector<16xf32>
        %sub3A_183 = arith.subf %gather3A_173, %gather3A_169 : vector<16xf32>
        %mul3A_184 = arith.mulf %sub3A_183, %sub3A : vector<16xf32>
        %add3A_185 = arith.addf %gather3A_169, %mul3A_184 : vector<16xf32>
        %sub3A_186 = arith.subf %add3A_182, %add3A_176 : vector<16xf32>
        %mul3A_187 = arith.mulf %sub3A_186, %sub3A_117 : vector<16xf32>
        %add3A_188 = arith.addf %add3A_176, %mul3A_187 : vector<16xf32>
        %sub3A_189 = arith.subf %add3A_185, %add3A_179 : vector<16xf32>
        %mul3A_190 = arith.mulf %sub3A_189, %sub3A_117 : vector<16xf32>
        %add3A_191 = arith.addf %add3A_179, %mul3A_190 : vector<16xf32>
        %sub3A_192 = arith.subf %add3A_191, %add3A_188 : vector<16xf32>
        %mul3A_193 = arith.mulf %sub3A_192, %sub3A_128 : vector<16xf32>
        %add3A_194 = arith.addf %add3A_188, %mul3A_193 : vector<16xf32>
        %add3A_195 = arith.constant 1 : i32
        %add3A_196 = vector.broadcast %add3A_195 : i32 to vector<16xi32>
        %add3A_197 = arith.addi %mul3A_142, %add3A_196 : vector<16xi32>
        %gather3A_198 = tpu.vector_load_idx %arg5[%add3A_197] : memref<107824xf32, #tpu.memory_space<vmem>>[vector<16xi32>], vector<16xf32>,
        %add3A_199 = arith.constant 3268 : i32
        %add3A_200 = vector.broadcast %add3A_199 : i32 to vector<16xi32>
        %add3A_201 = arith.addi %mul3A_142, %add3A_200 : vector<16xi32>
        %gather3A_202 = tpu.vector_load_idx %arg5[%add3A_201] : memref<107824xf32, #tpu.memory_space<vmem>>[vector<16xi32>], vector<16xf32>,
        %add3A_203 = arith.constant 100 : i32
        %add3A_204 = vector.broadcast %add3A_203 : i32 to vector<16xi32>
        %add3A_205 = arith.addi %mul3A_142, %add3A_204 : vector<16xi32>
        %gather3A_206 = tpu.vector_load_idx %arg5[%add3A_205] : memref<107824xf32, #tpu.memory_space<vmem>>[vector<16xi32>], vector<16xf32>,
        %add3A_207 = arith.constant 3367 : i32
        %add3A_208 = vector.broadcast %add3A_207 : i32 to vector<16xi32>
        %add3A_209 = arith.addi %mul3A_142, %add3A_208 : vector<16xi32>
        %gather3A_210 = tpu.vector_load_idx %arg5[%add3A_209] : memref<107824xf32, #tpu.memory_space<vmem>>[vector<16xi32>], vector<16xf32>,
        %add3A_211 = arith.constant 4 : i32
        %add3A_212 = vector.broadcast %add3A_211 : i32 to vector<16xi32>
        %add3A_213 = arith.addi %mul3A_142, %add3A_212 : vector<16xi32>
        %gather3A_214 = tpu.vector_load_idx %arg5[%add3A_213] : memref<107824xf32, #tpu.memory_space<vmem>>[vector<16xi32>], vector<16xf32>,
        %add3A_215 = arith.constant 3271 : i32
        %add3A_216 = vector.broadcast %add3A_215 : i32 to vector<16xi32>
        %add3A_217 = arith.addi %mul3A_142, %add3A_216 : vector<16xi32>
        %gather3A_218 = tpu.vector_load_idx %arg5[%add3A_217] : memref<107824xf32, #tpu.memory_space<vmem>>[vector<16xi32>], vector<16xf32>,
        %add3A_219 = arith.constant 103 : i32
        %add3A_220 = vector.broadcast %add3A_219 : i32 to vector<16xi32>
        %add3A_221 = arith.addi %mul3A_142, %add3A_220 : vector<16xi32>
        %gather3A_222 = tpu.vector_load_idx %arg5[%add3A_221] : memref<107824xf32, #tpu.memory_space<vmem>>[vector<16xi32>], vector<16xf32>,
        %add3A_223 = arith.constant 3370 : i32
        %add3A_224 = vector.broadcast %add3A_223 : i32 to vector<16xi32>
        %add3A_225 = arith.addi %mul3A_142, %add3A_224 : vector<16xi32>
        %gather3A_226 = tpu.vector_load_idx %arg5[%add3A_225] : memref<107824xf32, #tpu.memory_space<vmem>>[vector<16xi32>], vector<16xf32>,
        %sub3A_227 = arith.subf %gather3A_202, %gather3A_198 : vector<16xf32>
        %mul3A_228 = arith.mulf %sub3A_227, %sub3A : vector<16xf32>
        %add3A_229 = arith.addf %gather3A_198, %mul3A_228 : vector<16xf32>
        %sub3A_230 = arith.subf %gather3A_218, %gather3A_214 : vector<16xf32>
        %mul3A_231 = arith.mulf %sub3A_230, %sub3A : vector<16xf32>
        %add3A_232 = arith.addf %gather3A_214, %mul3A_231 : vector<16xf32>
        %sub3A_233 = arith.subf %gather3A_210, %gather3A_206 : vector<16xf32>
        %mul3A_234 = arith.mulf %sub3A_233, %sub3A : vector<16xf32>
        %add3A_235 = arith.addf %gather3A_206, %mul3A_234 : vector<16xf32>
        %sub3A_236 = arith.subf %gather3A_226, %gather3A_222 : vector<16xf32>
        %mul3A_237 = arith.mulf %sub3A_236, %sub3A : vector<16xf32>
        %add3A_238 = arith.addf %gather3A_222, %mul3A_237 : vector<16xf32>
        %sub3A_239 = arith.subf %add3A_235, %add3A_229 : vector<16xf32>
        %mul3A_240 = arith.mulf %sub3A_239, %sub3A_117 : vector<16xf32>
        %add3A_241 = arith.addf %add3A_229, %mul3A_240 : vector<16xf32>
        %sub3A_242 = arith.subf %add3A_238, %add3A_232 : vector<16xf32>
        %mul3A_243 = arith.mulf %sub3A_242, %sub3A_117 : vector<16xf32>
        %add3A_244 = arith.addf %add3A_232, %mul3A_243 : vector<16xf32>
        %sub3A_245 = arith.subf %add3A_244, %add3A_241 : vector<16xf32>
        %mul3A_246 = arith.mulf %sub3A_245, %sub3A_128 : vector<16xf32>
        %add3A_247 = arith.addf %add3A_241, %mul3A_246 : vector<16xf32>
        %add3A_248 = arith.constant 2 : i32
        %add3A_249 = vector.broadcast %add3A_248 : i32 to vector<16xi32>
        %add3A_250 = arith.addi %mul3A_142, %add3A_249 : vector<16xi32>
        %gather3A_251 = tpu.vector_load_idx %arg5[%add3A_250] : memref<107824xf32, #tpu.memory_space<vmem>>[vector<16xi32>], vector<16xf32>,
        %add3A_252 = arith.constant 3269 : i32
        %add3A_253 = vector.broadcast %add3A_252 : i32 to vector<16xi32>
        %add3A_254 = arith.addi %mul3A_142, %add3A_253 : vector<16xi32>
        %gather3A_255 = tpu.vector_load_idx %arg5[%add3A_254] : memref<107824xf32, #tpu.memory_space<vmem>>[vector<16xi32>], vector<16xf32>,
        %add3A_256 = arith.constant 101 : i32
        %add3A_257 = vector.broadcast %add3A_256 : i32 to vector<16xi32>
        %add3A_258 = arith.addi %mul3A_142, %add3A_257 : vector<16xi32>
        %gather3A_259 = tpu.vector_load_idx %arg5[%add3A_258] : memref<107824xf32, #tpu.memory_space<vmem>>[vector<16xi32>], vector<16xf32>,
        %add3A_260 = arith.constant 3368 : i32
        %add3A_261 = vector.broadcast %add3A_260 : i32 to vector<16xi32>
        %add3A_262 = arith.addi %mul3A_142, %add3A_261 : vector<16xi32>
        %gather3A_263 = tpu.vector_load_idx %arg5[%add3A_262] : memref<107824xf32, #tpu.memory_space<vmem>>[vector<16xi32>], vector<16xf32>,
        %add3A_264 = arith.constant 5 : i32
        %add3A_265 = vector.broadcast %add3A_264 : i32 to vector<16xi32>
        %add3A_266 = arith.addi %mul3A_142, %add3A_265 : vector<16xi32>
        %gather3A_267 = tpu.vector_load_idx %arg5[%add3A_266] : memref<107824xf32, #tpu.memory_space<vmem>>[vector<16xi32>], vector<16xf32>,
        %add3A_268 = arith.constant 3272 : i32
        %add3A_269 = vector.broadcast %add3A_268 : i32 to vector<16xi32>
        %add3A_270 = arith.addi %mul3A_142, %add3A_269 : vector<16xi32>
        %gather3A_271 = tpu.vector_load_idx %arg5[%add3A_270] : memref<107824xf32, #tpu.memory_space<vmem>>[vector<16xi32>], vector<16xf32>,
        %add3A_272 = arith.constant 104 : i32
        %add3A_273 = vector.broadcast %add3A_272 : i32 to vector<16xi32>
        %add3A_274 = arith.addi %mul3A_142, %add3A_273 : vector<16xi32>
        %gather3A_275 = tpu.vector_load_idx %arg5[%add3A_274] : memref<107824xf32, #tpu.memory_space<vmem>>[vector<16xi32>], vector<16xf32>,
        %add3A_276 = arith.constant 3371 : i32
        %add3A_277 = vector.broadcast %add3A_276 : i32 to vector<16xi32>
        %add3A_278 = arith.addi %mul3A_142, %add3A_277 : vector<16xi32>
        %gather3A_279 = tpu.vector_load_idx %arg5[%add3A_278] : memref<107824xf32, #tpu.memory_space<vmem>>[vector<16xi32>], vector<16xf32>,
        %sub3A_280 = arith.subf %gather3A_255, %gather3A_251 : vector<16xf32>
        %mul3A_281 = arith.mulf %sub3A_280, %sub3A : vector<16xf32>
        %add3A_282 = arith.addf %gather3A_251, %mul3A_281 : vector<16xf32>
        %sub3A_283 = arith.subf %gather3A_271, %gather3A_267 : vector<16xf32>
        %mul3A_284 = arith.mulf %sub3A_283, %sub3A : vector<16xf32>
        %add3A_285 = arith.addf %gather3A_267, %mul3A_284 : vector<16xf32>
        %sub3A_286 = arith.subf %gather3A_263, %gather3A_259 : vector<16xf32>
        %mul3A_287 = arith.mulf %sub3A_286, %sub3A : vector<16xf32>
        %add3A_288 = arith.addf %gather3A_259, %mul3A_287 : vector<16xf32>
        %sub3A_289 = arith.subf %gather3A_279, %gather3A_275 : vector<16xf32>
        %mul3A_290 = arith.mulf %sub3A_289, %sub3A : vector<16xf32>
        %add3A_291 = arith.addf %gather3A_275, %mul3A_290 : vector<16xf32>
        %sub3A_292 = arith.subf %add3A_288, %add3A_282 : vector<16xf32>
        %mul3A_293 = arith.mulf %sub3A_292, %sub3A_117 : vector<16xf32>
        %add3A_294 = arith.addf %add3A_282, %mul3A_293 : vector<16xf32>
        %sub3A_295 = arith.subf %add3A_291, %add3A_285 : vector<16xf32>
        %mul3A_296 = arith.mulf %sub3A_295, %sub3A_117 : vector<16xf32>
        %add3A_297 = arith.addf %add3A_285, %mul3A_296 : vector<16xf32>
        %sub3A_298 = arith.subf %add3A_297, %add3A_294 : vector<16xf32>
        %mul3A_299 = arith.mulf %sub3A_298, %sub3A_128 : vector<16xf32>
        %add3A_300 = arith.addf %add3A_294, %mul3A_299 : vector<16xf32>
        %swap3A = arith.index_cast %mul3A_102 : i32 to index
        %swap3A_301 = tpu.vector_load %arg9[%swap3A] {strides = array<i32>} : memref<2048xf32, #tpu.memory_space<vmem>>, vector<16xf32>,
        tpu.vector_store %arg9[%swap3A], %add3A_194 {strides = array<i32>} : memref<2048xf32, #tpu.memory_space<vmem>>, vector<16xf32>,
        %swap3A_302 = arith.index_cast %mul3A_102 : i32 to index
        %swap3A_303 = tpu.vector_load %arg10[%swap3A_302] {strides = array<i32>} : memref<2048xf32, #tpu.memory_space<vmem>>, vector<16xf32>,
        tpu.vector_store %arg10[%swap3A_302], %add3A_247 {strides = array<i32>} : memref<2048xf32, #tpu.memory_space<vmem>>, vector<16xf32>,
        %swap3A_304 = arith.index_cast %mul3A_102 : i32 to index
        %swap3A_305 = tpu.vector_load %arg11[%swap3A_304] {strides = array<i32>} : memref<2048xf32, #tpu.memory_space<vmem>>, vector<16xf32>,
        tpu.vector_store %arg11[%swap3A_304], %add3A_300 {strides = array<i32>} : memref<2048xf32, #tpu.memory_space<vmem>>, vector<16xf32>,
        %scan3A_306 = arith.constant 0 : i32
        scf.yield %scan3A_306 : i32
      }
      %scan3A_85 = arith.constant 128 : i32
      %dma_start3A_86 = tpu.memref_slice %arg4[%add3A_64] : memref<6291456xf32, #tpu.memory_space<hbm>> -> memref<2048xf32, #tpu.memory_space<hbm>>
      %dma_start3A_87 = tpu.memref_slice %arg4[%add3A_64] : memref<6291456xf32, #tpu.memory_space<hbm>> -> memref<2048xf32, #tpu.memory_space<hbm>>
      tpu.enqueue_dma source(%arg9 : memref<2048xf32, #tpu.memory_space<vmem>>) target(%dma_start3A_87 : memref<2048xf32, #tpu.memory_space<hbm>>) target_semaphore(%arg12 : memref<!tpu.dma_semaphore, #tpu.memory_space<semaphore_mem>>)
      %dma_start3A_88 = tpu.memref_slice %arg4[%add3A_66] : memref<6291456xf32, #tpu.memory_space<hbm>> -> memref<2048xf32, #tpu.memory_space<hbm>>
      %dma_start3A_89 = tpu.memref_slice %arg4[%add3A_66] : memref<6291456xf32, #tpu.memory_space<hbm>> -> memref<2048xf32, #tpu.memory_space<hbm>>
      tpu.enqueue_dma source(%arg10 : memref<2048xf32, #tpu.memory_space<vmem>>) target(%dma_start3A_89 : memref<2048xf32, #tpu.memory_space<hbm>>) target_semaphore(%arg12 : memref<!tpu.dma_semaphore, #tpu.memory_space<semaphore_mem>>)
      %dma_start3A_90 = tpu.memref_slice %arg4[%add3A_68] : memref<6291456xf32, #tpu.memory_space<hbm>> -> memref<2048xf32, #tpu.memory_space<hbm>>
      %dma_start3A_91 = tpu.memref_slice %arg4[%add3A_68] : memref<6291456xf32, #tpu.memory_space<hbm>> -> memref<2048xf32, #tpu.memory_space<hbm>>
      tpu.enqueue_dma source(%arg11 : memref<2048xf32, #tpu.memory_space<vmem>>) target(%dma_start3A_91 : memref<2048xf32, #tpu.memory_space<hbm>>) target_semaphore(%arg12 : memref<!tpu.dma_semaphore, #tpu.memory_space<semaphore_mem>>)
      %dma_wait3A_92 = tpu.memref_slice %arg4[%add3A_64] : memref<6291456xf32, #tpu.memory_space<hbm>> -> memref<2048xf32, #tpu.memory_space<hbm>>
      %dma_wait3A_93 = tpu.memref_slice %arg4[%add3A_64] : memref<6291456xf32, #tpu.memory_space<hbm>> -> memref<2048xf32, #tpu.memory_space<hbm>>
      tpu.wait_dma2 semaphore(%arg12 : memref<!tpu.dma_semaphore, #tpu.memory_space<semaphore_mem>>) src(%arg9 : memref<2048xf32, #tpu.memory_space<vmem>>) dst(%dma_wait3A_93 : memref<2048xf32, #tpu.memory_space<hbm>>)
      %dma_wait3A_94 = tpu.memref_slice %arg4[%add3A_66] : memref<6291456xf32, #tpu.memory_space<hbm>> -> memref<2048xf32, #tpu.memory_space<hbm>>
      %dma_wait3A_95 = tpu.memref_slice %arg4[%add3A_66] : memref<6291456xf32, #tpu.memory_space<hbm>> -> memref<2048xf32, #tpu.memory_space<hbm>>
      tpu.wait_dma2 semaphore(%arg12 : memref<!tpu.dma_semaphore, #tpu.memory_space<semaphore_mem>>) src(%arg10 : memref<2048xf32, #tpu.memory_space<vmem>>) dst(%dma_wait3A_95 : memref<2048xf32, #tpu.memory_space<hbm>>)
      %dma_wait3A_96 = tpu.memref_slice %arg4[%add3A_68] : memref<6291456xf32, #tpu.memory_space<hbm>> -> memref<2048xf32, #tpu.memory_space<hbm>>
      %dma_wait3A_97 = tpu.memref_slice %arg4[%add3A_68] : memref<6291456xf32, #tpu.memory_space<hbm>> -> memref<2048xf32, #tpu.memory_space<hbm>>
      tpu.wait_dma2 semaphore(%arg12 : memref<!tpu.dma_semaphore, #tpu.memory_space<semaphore_mem>>) src(%arg11 : memref<2048xf32, #tpu.memory_space<vmem>>) dst(%dma_wait3A_97 : memref<2048xf32, #tpu.memory_space<hbm>>)
      %scan3A_98 = arith.constant 0 : i32
      scf.yield %scan3A_98 : i32
    }
    %scan3A_20 = arith.constant 4 : i32
    %scan3A_21 = arith.constant 0 : i32
    %scan3A_22 = arith.constant 0 : i32
    %scan3A_23 = arith.constant 4 : i32
    %scan3A_24 = arith.addi %scan3A_22, %scan3A_23 : i32
    %scan3A_25 = arith.constant 1 : i32
    %scan3A_26 = scf.for %scan3A_56 = %scan3A_22 to %scan3A_24 step %scan3A_25 iter_args(%scan3A_57 = %scan3A_21) -> (i32)  : i32 {
      %mul3A_58 = arith.constant 8192 : i32
      %mul3A_59 = arith.muli %add3A, %mul3A_58 : i32
      %mul3A_60 = arith.constant 2048 : i32
      %mul3A_61 = arith.muli %scan3A_56, %mul3A_60 : i32
      %add3A_62 = arith.addi %mul3A_59, %mul3A_61 : i32
      %add3A_63 = arith.constant 2359296 : i32
      %add3A_64 = arith.addi %add3A_63, %add3A_62 : i32
      %add3A_65 = arith.constant 2621440 : i32
      %add3A_66 = arith.addi %add3A_65, %add3A_62 : i32
      %add3A_67 = arith.constant 2883584 : i32
      %add3A_68 = arith.addi %add3A_67, %add3A_62 : i32
      %dma_start3A = tpu.memref_slice %arg2[%add3A_64] : memref<6291456xf32, #tpu.memory_space<hbm>> -> memref<2048xf32, #tpu.memory_space<hbm>>
      %dma_start3A_69 = tpu.memref_slice %arg2[%add3A_64] : memref<6291456xf32, #tpu.memory_space<hbm>> -> memref<2048xf32, #tpu.memory_space<hbm>>
      tpu.enqueue_dma source(%dma_start3A_69 : memref<2048xf32, #tpu.memory_space<hbm>>) target(%arg6 : memref<2048xf32, #tpu.memory_space<vmem>>) target_semaphore(%arg12 : memref<!tpu.dma_semaphore, #tpu.memory_space<semaphore_mem>>)
      %dma_start3A_70 = tpu.memref_slice %arg2[%add3A_66] : memref<6291456xf32, #tpu.memory_space<hbm>> -> memref<2048xf32, #tpu.memory_space<hbm>>
      %dma_start3A_71 = tpu.memref_slice %arg2[%add3A_66] : memref<6291456xf32, #tpu.memory_space<hbm>> -> memref<2048xf32, #tpu.memory_space<hbm>>
      tpu.enqueue_dma source(%dma_start3A_71 : memref<2048xf32, #tpu.memory_space<hbm>>) target(%arg7 : memref<2048xf32, #tpu.memory_space<vmem>>) target_semaphore(%arg12 : memref<!tpu.dma_semaphore, #tpu.memory_space<semaphore_mem>>)
      %dma_start3A_72 = tpu.memref_slice %arg2[%add3A_68] : memref<6291456xf32, #tpu.memory_space<hbm>> -> memref<2048xf32, #tpu.memory_space<hbm>>
      %dma_start3A_73 = tpu.memref_slice %arg2[%add3A_68] : memref<6291456xf32, #tpu.memory_space<hbm>> -> memref<2048xf32, #tpu.memory_space<hbm>>
      tpu.enqueue_dma source(%dma_start3A_73 : memref<2048xf32, #tpu.memory_space<hbm>>) target(%arg8 : memref<2048xf32, #tpu.memory_space<vmem>>) target_semaphore(%arg12 : memref<!tpu.dma_semaphore, #tpu.memory_space<semaphore_mem>>)
      %dma_wait3A = tpu.memref_slice %arg2[%add3A_64] : memref<6291456xf32, #tpu.memory_space<hbm>> -> memref<2048xf32, #tpu.memory_space<hbm>>
      %dma_wait3A_74 = tpu.memref_slice %arg2[%add3A_64] : memref<6291456xf32, #tpu.memory_space<hbm>> -> memref<2048xf32, #tpu.memory_space<hbm>>
      tpu.wait_dma2 semaphore(%arg12 : memref<!tpu.dma_semaphore, #tpu.memory_space<semaphore_mem>>) src(%dma_wait3A_74 : memref<2048xf32, #tpu.memory_space<hbm>>) dst(%arg6 : memref<2048xf32, #tpu.memory_space<vmem>>)
      %dma_wait3A_75 = tpu.memref_slice %arg2[%add3A_66] : memref<6291456xf32, #tpu.memory_space<hbm>> -> memref<2048xf32, #tpu.memory_space<hbm>>
      %dma_wait3A_76 = tpu.memref_slice %arg2[%add3A_66] : memref<6291456xf32, #tpu.memory_space<hbm>> -> memref<2048xf32, #tpu.memory_space<hbm>>
      tpu.wait_dma2 semaphore(%arg12 : memref<!tpu.dma_semaphore, #tpu.memory_space<semaphore_mem>>) src(%dma_wait3A_76 : memref<2048xf32, #tpu.memory_space<hbm>>) dst(%arg7 : memref<2048xf32, #tpu.memory_space<vmem>>)
      %dma_wait3A_77 = tpu.memref_slice %arg2[%add3A_68] : memref<6291456xf32, #tpu.memory_space<hbm>> -> memref<2048xf32, #tpu.memory_space<hbm>>
      %dma_wait3A_78 = tpu.memref_slice %arg2[%add3A_68] : memref<6291456xf32, #tpu.memory_space<hbm>> -> memref<2048xf32, #tpu.memory_space<hbm>>
      tpu.wait_dma2 semaphore(%arg12 : memref<!tpu.dma_semaphore, #tpu.memory_space<semaphore_mem>>) src(%dma_wait3A_78 : memref<2048xf32, #tpu.memory_space<hbm>>) dst(%arg8 : memref<2048xf32, #tpu.memory_space<vmem>>)
      %scan3A_79 = arith.constant 0 : i32
      %scan3A_80 = arith.constant 0 : i32
      %scan3A_81 = arith.constant 128 : i32
      %scan3A_82 = arith.addi %scan3A_80, %scan3A_81 : i32
      %scan3A_83 = arith.constant 1 : i32
      %scan3A_84 = scf.for %scan3A_99 = %scan3A_80 to %scan3A_82 step %scan3A_83 iter_args(%scan3A_100 = %scan3A_79) -> (i32)  : i32 {
        %mul3A_101 = arith.constant 16 : i32
        %mul3A_102 = arith.muli %scan3A_99, %mul3A_101 : i32
        %get3A = arith.index_cast %mul3A_102 : i32 to index
        %get3A_103 = tpu.vector_load %arg6[%get3A] {strides = array<i32>} : memref<2048xf32, #tpu.memory_space<vmem>>, vector<16xf32>,
        %mul3A_104 = arith.constant 3.200000e+01 : f32
        %mul3A_105 = vector.broadcast %mul3A_104 : f32 to vector<16xf32>
        %mul3A_106 = arith.mulf %get3A_103, %mul3A_105 : vector<16xf32>
        %convert_element_type3A = arith.fptosi %mul3A_106 : vector<16xf32> to vector<16xi32>
        %convert_element_type3A_107 = arith.sitofp %convert_element_type3A : vector<16xi32> to vector<16xf32>
        %sub3A = arith.subf %mul3A_106, %convert_element_type3A_107 : vector<16xf32>
        %min3A = arith.constant 31 : i32
        %min3A_108 = vector.broadcast %min3A : i32 to vector<16xi32>
        %min3A_109 = arith.minsi %convert_element_type3A, %min3A_108 : vector<16xi32>
        %get3A_110 = arith.index_cast %mul3A_102 : i32 to index
        %get3A_111 = tpu.vector_load %arg7[%get3A_110] {strides = array<i32>} : memref<2048xf32, #tpu.memory_space<vmem>>, vector<16xf32>,
        %mul3A_112 = arith.constant 3.200000e+01 : f32
        %mul3A_113 = vector.broadcast %mul3A_112 : f32 to vector<16xf32>
        %mul3A_114 = arith.mulf %get3A_111, %mul3A_113 : vector<16xf32>
        %convert_element_type3A_115 = arith.fptosi %mul3A_114 : vector<16xf32> to vector<16xi32>
        %convert_element_type3A_116 = arith.sitofp %convert_element_type3A_115 : vector<16xi32> to vector<16xf32>
        %sub3A_117 = arith.subf %mul3A_114, %convert_element_type3A_116 : vector<16xf32>
        %min3A_118 = arith.constant 31 : i32
        %min3A_119 = vector.broadcast %min3A_118 : i32 to vector<16xi32>
        %min3A_120 = arith.minsi %convert_element_type3A_115, %min3A_119 : vector<16xi32>
        %get3A_121 = arith.index_cast %mul3A_102 : i32 to index
        %get3A_122 = tpu.vector_load %arg8[%get3A_121] {strides = array<i32>} : memref<2048xf32, #tpu.memory_space<vmem>>, vector<16xf32>,
        %mul3A_123 = arith.constant 3.200000e+01 : f32
        %mul3A_124 = vector.broadcast %mul3A_123 : f32 to vector<16xf32>
        %mul3A_125 = arith.mulf %get3A_122, %mul3A_124 : vector<16xf32>
        %convert_element_type3A_126 = arith.fptosi %mul3A_125 : vector<16xf32> to vector<16xi32>
        %convert_element_type3A_127 = arith.sitofp %convert_element_type3A_126 : vector<16xi32> to vector<16xf32>
        %sub3A_128 = arith.subf %mul3A_125, %convert_element_type3A_127 : vector<16xf32>
        %min3A_129 = arith.constant 31 : i32
        %min3A_130 = vector.broadcast %min3A_129 : i32 to vector<16xi32>
        %min3A_131 = arith.minsi %convert_element_type3A_126, %min3A_130 : vector<16xi32>
        %mul3A_132 = arith.constant 33 : i32
        %mul3A_133 = vector.broadcast %mul3A_132 : i32 to vector<16xi32>
        %mul3A_134 = arith.muli %min3A_109, %mul3A_133 : vector<16xi32>
        %add3A_135 = arith.addi %mul3A_134, %min3A_120 : vector<16xi32>
        %mul3A_136 = arith.constant 33 : i32
        %mul3A_137 = vector.broadcast %mul3A_136 : i32 to vector<16xi32>
        %mul3A_138 = arith.muli %add3A_135, %mul3A_137 : vector<16xi32>
        %add3A_139 = arith.addi %mul3A_138, %min3A_131 : vector<16xi32>
        %mul3A_140 = arith.constant 3 : i32
        %mul3A_141 = vector.broadcast %mul3A_140 : i32 to vector<16xi32>
        %mul3A_142 = arith.muli %add3A_139, %mul3A_141 : vector<16xi32>
        %add3A_143 = arith.constant 0 : i32
        %add3A_144 = vector.broadcast %add3A_143 : i32 to vector<16xi32>
        %add3A_145 = arith.addi %mul3A_142, %add3A_144 : vector<16xi32>
        %gather3A = tpu.vector_load_idx %arg5[%add3A_145] : memref<107824xf32, #tpu.memory_space<vmem>>[vector<16xi32>], vector<16xf32>,
        %add3A_146 = arith.constant 3267 : i32
        %add3A_147 = vector.broadcast %add3A_146 : i32 to vector<16xi32>
        %add3A_148 = arith.addi %mul3A_142, %add3A_147 : vector<16xi32>
        %gather3A_149 = tpu.vector_load_idx %arg5[%add3A_148] : memref<107824xf32, #tpu.memory_space<vmem>>[vector<16xi32>], vector<16xf32>,
        %add3A_150 = arith.constant 99 : i32
        %add3A_151 = vector.broadcast %add3A_150 : i32 to vector<16xi32>
        %add3A_152 = arith.addi %mul3A_142, %add3A_151 : vector<16xi32>
        %gather3A_153 = tpu.vector_load_idx %arg5[%add3A_152] : memref<107824xf32, #tpu.memory_space<vmem>>[vector<16xi32>], vector<16xf32>,
        %add3A_154 = arith.constant 3366 : i32
        %add3A_155 = vector.broadcast %add3A_154 : i32 to vector<16xi32>
        %add3A_156 = arith.addi %mul3A_142, %add3A_155 : vector<16xi32>
        %gather3A_157 = tpu.vector_load_idx %arg5[%add3A_156] : memref<107824xf32, #tpu.memory_space<vmem>>[vector<16xi32>], vector<16xf32>,
        %add3A_158 = arith.constant 3 : i32
        %add3A_159 = vector.broadcast %add3A_158 : i32 to vector<16xi32>
        %add3A_160 = arith.addi %mul3A_142, %add3A_159 : vector<16xi32>
        %gather3A_161 = tpu.vector_load_idx %arg5[%add3A_160] : memref<107824xf32, #tpu.memory_space<vmem>>[vector<16xi32>], vector<16xf32>,
        %add3A_162 = arith.constant 3270 : i32
        %add3A_163 = vector.broadcast %add3A_162 : i32 to vector<16xi32>
        %add3A_164 = arith.addi %mul3A_142, %add3A_163 : vector<16xi32>
        %gather3A_165 = tpu.vector_load_idx %arg5[%add3A_164] : memref<107824xf32, #tpu.memory_space<vmem>>[vector<16xi32>], vector<16xf32>,
        %add3A_166 = arith.constant 102 : i32
        %add3A_167 = vector.broadcast %add3A_166 : i32 to vector<16xi32>
        %add3A_168 = arith.addi %mul3A_142, %add3A_167 : vector<16xi32>
        %gather3A_169 = tpu.vector_load_idx %arg5[%add3A_168] : memref<107824xf32, #tpu.memory_space<vmem>>[vector<16xi32>], vector<16xf32>,
        %add3A_170 = arith.constant 3369 : i32
        %add3A_171 = vector.broadcast %add3A_170 : i32 to vector<16xi32>
        %add3A_172 = arith.addi %mul3A_142, %add3A_171 : vector<16xi32>
        %gather3A_173 = tpu.vector_load_idx %arg5[%add3A_172] : memref<107824xf32, #tpu.memory_space<vmem>>[vector<16xi32>], vector<16xf32>,
        %sub3A_174 = arith.subf %gather3A_149, %gather3A : vector<16xf32>
        %mul3A_175 = arith.mulf %sub3A_174, %sub3A : vector<16xf32>
        %add3A_176 = arith.addf %gather3A, %mul3A_175 : vector<16xf32>
        %sub3A_177 = arith.subf %gather3A_165, %gather3A_161 : vector<16xf32>
        %mul3A_178 = arith.mulf %sub3A_177, %sub3A : vector<16xf32>
        %add3A_179 = arith.addf %gather3A_161, %mul3A_178 : vector<16xf32>
        %sub3A_180 = arith.subf %gather3A_157, %gather3A_153 : vector<16xf32>
        %mul3A_181 = arith.mulf %sub3A_180, %sub3A : vector<16xf32>
        %add3A_182 = arith.addf %gather3A_153, %mul3A_181 : vector<16xf32>
        %sub3A_183 = arith.subf %gather3A_173, %gather3A_169 : vector<16xf32>
        %mul3A_184 = arith.mulf %sub3A_183, %sub3A : vector<16xf32>
        %add3A_185 = arith.addf %gather3A_169, %mul3A_184 : vector<16xf32>
        %sub3A_186 = arith.subf %add3A_182, %add3A_176 : vector<16xf32>
        %mul3A_187 = arith.mulf %sub3A_186, %sub3A_117 : vector<16xf32>
        %add3A_188 = arith.addf %add3A_176, %mul3A_187 : vector<16xf32>
        %sub3A_189 = arith.subf %add3A_185, %add3A_179 : vector<16xf32>
        %mul3A_190 = arith.mulf %sub3A_189, %sub3A_117 : vector<16xf32>
        %add3A_191 = arith.addf %add3A_179, %mul3A_190 : vector<16xf32>
        %sub3A_192 = arith.subf %add3A_191, %add3A_188 : vector<16xf32>
        %mul3A_193 = arith.mulf %sub3A_192, %sub3A_128 : vector<16xf32>
        %add3A_194 = arith.addf %add3A_188, %mul3A_193 : vector<16xf32>
        %add3A_195 = arith.constant 1 : i32
        %add3A_196 = vector.broadcast %add3A_195 : i32 to vector<16xi32>
        %add3A_197 = arith.addi %mul3A_142, %add3A_196 : vector<16xi32>
        %gather3A_198 = tpu.vector_load_idx %arg5[%add3A_197] : memref<107824xf32, #tpu.memory_space<vmem>>[vector<16xi32>], vector<16xf32>,
        %add3A_199 = arith.constant 3268 : i32
        %add3A_200 = vector.broadcast %add3A_199 : i32 to vector<16xi32>
        %add3A_201 = arith.addi %mul3A_142, %add3A_200 : vector<16xi32>
        %gather3A_202 = tpu.vector_load_idx %arg5[%add3A_201] : memref<107824xf32, #tpu.memory_space<vmem>>[vector<16xi32>], vector<16xf32>,
        %add3A_203 = arith.constant 100 : i32
        %add3A_204 = vector.broadcast %add3A_203 : i32 to vector<16xi32>
        %add3A_205 = arith.addi %mul3A_142, %add3A_204 : vector<16xi32>
        %gather3A_206 = tpu.vector_load_idx %arg5[%add3A_205] : memref<107824xf32, #tpu.memory_space<vmem>>[vector<16xi32>], vector<16xf32>,
        %add3A_207 = arith.constant 3367 : i32
        %add3A_208 = vector.broadcast %add3A_207 : i32 to vector<16xi32>
        %add3A_209 = arith.addi %mul3A_142, %add3A_208 : vector<16xi32>
        %gather3A_210 = tpu.vector_load_idx %arg5[%add3A_209] : memref<107824xf32, #tpu.memory_space<vmem>>[vector<16xi32>], vector<16xf32>,
        %add3A_211 = arith.constant 4 : i32
        %add3A_212 = vector.broadcast %add3A_211 : i32 to vector<16xi32>
        %add3A_213 = arith.addi %mul3A_142, %add3A_212 : vector<16xi32>
        %gather3A_214 = tpu.vector_load_idx %arg5[%add3A_213] : memref<107824xf32, #tpu.memory_space<vmem>>[vector<16xi32>], vector<16xf32>,
        %add3A_215 = arith.constant 3271 : i32
        %add3A_216 = vector.broadcast %add3A_215 : i32 to vector<16xi32>
        %add3A_217 = arith.addi %mul3A_142, %add3A_216 : vector<16xi32>
        %gather3A_218 = tpu.vector_load_idx %arg5[%add3A_217] : memref<107824xf32, #tpu.memory_space<vmem>>[vector<16xi32>], vector<16xf32>,
        %add3A_219 = arith.constant 103 : i32
        %add3A_220 = vector.broadcast %add3A_219 : i32 to vector<16xi32>
        %add3A_221 = arith.addi %mul3A_142, %add3A_220 : vector<16xi32>
        %gather3A_222 = tpu.vector_load_idx %arg5[%add3A_221] : memref<107824xf32, #tpu.memory_space<vmem>>[vector<16xi32>], vector<16xf32>,
        %add3A_223 = arith.constant 3370 : i32
        %add3A_224 = vector.broadcast %add3A_223 : i32 to vector<16xi32>
        %add3A_225 = arith.addi %mul3A_142, %add3A_224 : vector<16xi32>
        %gather3A_226 = tpu.vector_load_idx %arg5[%add3A_225] : memref<107824xf32, #tpu.memory_space<vmem>>[vector<16xi32>], vector<16xf32>,
        %sub3A_227 = arith.subf %gather3A_202, %gather3A_198 : vector<16xf32>
        %mul3A_228 = arith.mulf %sub3A_227, %sub3A : vector<16xf32>
        %add3A_229 = arith.addf %gather3A_198, %mul3A_228 : vector<16xf32>
        %sub3A_230 = arith.subf %gather3A_218, %gather3A_214 : vector<16xf32>
        %mul3A_231 = arith.mulf %sub3A_230, %sub3A : vector<16xf32>
        %add3A_232 = arith.addf %gather3A_214, %mul3A_231 : vector<16xf32>
        %sub3A_233 = arith.subf %gather3A_210, %gather3A_206 : vector<16xf32>
        %mul3A_234 = arith.mulf %sub3A_233, %sub3A : vector<16xf32>
        %add3A_235 = arith.addf %gather3A_206, %mul3A_234 : vector<16xf32>
        %sub3A_236 = arith.subf %gather3A_226, %gather3A_222 : vector<16xf32>
        %mul3A_237 = arith.mulf %sub3A_236, %sub3A : vector<16xf32>
        %add3A_238 = arith.addf %gather3A_222, %mul3A_237 : vector<16xf32>
        %sub3A_239 = arith.subf %add3A_235, %add3A_229 : vector<16xf32>
        %mul3A_240 = arith.mulf %sub3A_239, %sub3A_117 : vector<16xf32>
        %add3A_241 = arith.addf %add3A_229, %mul3A_240 : vector<16xf32>
        %sub3A_242 = arith.subf %add3A_238, %add3A_232 : vector<16xf32>
        %mul3A_243 = arith.mulf %sub3A_242, %sub3A_117 : vector<16xf32>
        %add3A_244 = arith.addf %add3A_232, %mul3A_243 : vector<16xf32>
        %sub3A_245 = arith.subf %add3A_244, %add3A_241 : vector<16xf32>
        %mul3A_246 = arith.mulf %sub3A_245, %sub3A_128 : vector<16xf32>
        %add3A_247 = arith.addf %add3A_241, %mul3A_246 : vector<16xf32>
        %add3A_248 = arith.constant 2 : i32
        %add3A_249 = vector.broadcast %add3A_248 : i32 to vector<16xi32>
        %add3A_250 = arith.addi %mul3A_142, %add3A_249 : vector<16xi32>
        %gather3A_251 = tpu.vector_load_idx %arg5[%add3A_250] : memref<107824xf32, #tpu.memory_space<vmem>>[vector<16xi32>], vector<16xf32>,
        %add3A_252 = arith.constant 3269 : i32
        %add3A_253 = vector.broadcast %add3A_252 : i32 to vector<16xi32>
        %add3A_254 = arith.addi %mul3A_142, %add3A_253 : vector<16xi32>
        %gather3A_255 = tpu.vector_load_idx %arg5[%add3A_254] : memref<107824xf32, #tpu.memory_space<vmem>>[vector<16xi32>], vector<16xf32>,
        %add3A_256 = arith.constant 101 : i32
        %add3A_257 = vector.broadcast %add3A_256 : i32 to vector<16xi32>
        %add3A_258 = arith.addi %mul3A_142, %add3A_257 : vector<16xi32>
        %gather3A_259 = tpu.vector_load_idx %arg5[%add3A_258] : memref<107824xf32, #tpu.memory_space<vmem>>[vector<16xi32>], vector<16xf32>,
        %add3A_260 = arith.constant 3368 : i32
        %add3A_261 = vector.broadcast %add3A_260 : i32 to vector<16xi32>
        %add3A_262 = arith.addi %mul3A_142, %add3A_261 : vector<16xi32>
        %gather3A_263 = tpu.vector_load_idx %arg5[%add3A_262] : memref<107824xf32, #tpu.memory_space<vmem>>[vector<16xi32>], vector<16xf32>,
        %add3A_264 = arith.constant 5 : i32
        %add3A_265 = vector.broadcast %add3A_264 : i32 to vector<16xi32>
        %add3A_266 = arith.addi %mul3A_142, %add3A_265 : vector<16xi32>
        %gather3A_267 = tpu.vector_load_idx %arg5[%add3A_266] : memref<107824xf32, #tpu.memory_space<vmem>>[vector<16xi32>], vector<16xf32>,
        %add3A_268 = arith.constant 3272 : i32
        %add3A_269 = vector.broadcast %add3A_268 : i32 to vector<16xi32>
        %add3A_270 = arith.addi %mul3A_142, %add3A_269 : vector<16xi32>
        %gather3A_271 = tpu.vector_load_idx %arg5[%add3A_270] : memref<107824xf32, #tpu.memory_space<vmem>>[vector<16xi32>], vector<16xf32>,
        %add3A_272 = arith.constant 104 : i32
        %add3A_273 = vector.broadcast %add3A_272 : i32 to vector<16xi32>
        %add3A_274 = arith.addi %mul3A_142, %add3A_273 : vector<16xi32>
        %gather3A_275 = tpu.vector_load_idx %arg5[%add3A_274] : memref<107824xf32, #tpu.memory_space<vmem>>[vector<16xi32>], vector<16xf32>,
        %add3A_276 = arith.constant 3371 : i32
        %add3A_277 = vector.broadcast %add3A_276 : i32 to vector<16xi32>
        %add3A_278 = arith.addi %mul3A_142, %add3A_277 : vector<16xi32>
        %gather3A_279 = tpu.vector_load_idx %arg5[%add3A_278] : memref<107824xf32, #tpu.memory_space<vmem>>[vector<16xi32>], vector<16xf32>,
        %sub3A_280 = arith.subf %gather3A_255, %gather3A_251 : vector<16xf32>
        %mul3A_281 = arith.mulf %sub3A_280, %sub3A : vector<16xf32>
        %add3A_282 = arith.addf %gather3A_251, %mul3A_281 : vector<16xf32>
        %sub3A_283 = arith.subf %gather3A_271, %gather3A_267 : vector<16xf32>
        %mul3A_284 = arith.mulf %sub3A_283, %sub3A : vector<16xf32>
        %add3A_285 = arith.addf %gather3A_267, %mul3A_284 : vector<16xf32>
        %sub3A_286 = arith.subf %gather3A_263, %gather3A_259 : vector<16xf32>
        %mul3A_287 = arith.mulf %sub3A_286, %sub3A : vector<16xf32>
        %add3A_288 = arith.addf %gather3A_259, %mul3A_287 : vector<16xf32>
        %sub3A_289 = arith.subf %gather3A_279, %gather3A_275 : vector<16xf32>
        %mul3A_290 = arith.mulf %sub3A_289, %sub3A : vector<16xf32>
        %add3A_291 = arith.addf %gather3A_275, %mul3A_290 : vector<16xf32>
        %sub3A_292 = arith.subf %add3A_288, %add3A_282 : vector<16xf32>
        %mul3A_293 = arith.mulf %sub3A_292, %sub3A_117 : vector<16xf32>
        %add3A_294 = arith.addf %add3A_282, %mul3A_293 : vector<16xf32>
        %sub3A_295 = arith.subf %add3A_291, %add3A_285 : vector<16xf32>
        %mul3A_296 = arith.mulf %sub3A_295, %sub3A_117 : vector<16xf32>
        %add3A_297 = arith.addf %add3A_285, %mul3A_296 : vector<16xf32>
        %sub3A_298 = arith.subf %add3A_297, %add3A_294 : vector<16xf32>
        %mul3A_299 = arith.mulf %sub3A_298, %sub3A_128 : vector<16xf32>
        %add3A_300 = arith.addf %add3A_294, %mul3A_299 : vector<16xf32>
        %swap3A = arith.index_cast %mul3A_102 : i32 to index
        %swap3A_301 = tpu.vector_load %arg9[%swap3A] {strides = array<i32>} : memref<2048xf32, #tpu.memory_space<vmem>>, vector<16xf32>,
        tpu.vector_store %arg9[%swap3A], %add3A_194 {strides = array<i32>} : memref<2048xf32, #tpu.memory_space<vmem>>, vector<16xf32>,
        %swap3A_302 = arith.index_cast %mul3A_102 : i32 to index
        %swap3A_303 = tpu.vector_load %arg10[%swap3A_302] {strides = array<i32>} : memref<2048xf32, #tpu.memory_space<vmem>>, vector<16xf32>,
        tpu.vector_store %arg10[%swap3A_302], %add3A_247 {strides = array<i32>} : memref<2048xf32, #tpu.memory_space<vmem>>, vector<16xf32>,
        %swap3A_304 = arith.index_cast %mul3A_102 : i32 to index
        %swap3A_305 = tpu.vector_load %arg11[%swap3A_304] {strides = array<i32>} : memref<2048xf32, #tpu.memory_space<vmem>>, vector<16xf32>,
        tpu.vector_store %arg11[%swap3A_304], %add3A_300 {strides = array<i32>} : memref<2048xf32, #tpu.memory_space<vmem>>, vector<16xf32>,
        %scan3A_306 = arith.constant 0 : i32
        scf.yield %scan3A_306 : i32
      }
      %scan3A_85 = arith.constant 128 : i32
      %dma_start3A_86 = tpu.memref_slice %arg4[%add3A_64] : memref<6291456xf32, #tpu.memory_space<hbm>> -> memref<2048xf32, #tpu.memory_space<hbm>>
      %dma_start3A_87 = tpu.memref_slice %arg4[%add3A_64] : memref<6291456xf32, #tpu.memory_space<hbm>> -> memref<2048xf32, #tpu.memory_space<hbm>>
      tpu.enqueue_dma source(%arg9 : memref<2048xf32, #tpu.memory_space<vmem>>) target(%dma_start3A_87 : memref<2048xf32, #tpu.memory_space<hbm>>) target_semaphore(%arg12 : memref<!tpu.dma_semaphore, #tpu.memory_space<semaphore_mem>>)
      %dma_start3A_88 = tpu.memref_slice %arg4[%add3A_66] : memref<6291456xf32, #tpu.memory_space<hbm>> -> memref<2048xf32, #tpu.memory_space<hbm>>
      %dma_start3A_89 = tpu.memref_slice %arg4[%add3A_66] : memref<6291456xf32, #tpu.memory_space<hbm>> -> memref<2048xf32, #tpu.memory_space<hbm>>
      tpu.enqueue_dma source(%arg10 : memref<2048xf32, #tpu.memory_space<vmem>>) target(%dma_start3A_89 : memref<2048xf32, #tpu.memory_space<hbm>>) target_semaphore(%arg12 : memref<!tpu.dma_semaphore, #tpu.memory_space<semaphore_mem>>)
      %dma_start3A_90 = tpu.memref_slice %arg4[%add3A_68] : memref<6291456xf32, #tpu.memory_space<hbm>> -> memref<2048xf32, #tpu.memory_space<hbm>>
      %dma_start3A_91 = tpu.memref_slice %arg4[%add3A_68] : memref<6291456xf32, #tpu.memory_space<hbm>> -> memref<2048xf32, #tpu.memory_space<hbm>>
      tpu.enqueue_dma source(%arg11 : memref<2048xf32, #tpu.memory_space<vmem>>) target(%dma_start3A_91 : memref<2048xf32, #tpu.memory_space<hbm>>) target_semaphore(%arg12 : memref<!tpu.dma_semaphore, #tpu.memory_space<semaphore_mem>>)
      %dma_wait3A_92 = tpu.memref_slice %arg4[%add3A_64] : memref<6291456xf32, #tpu.memory_space<hbm>> -> memref<2048xf32, #tpu.memory_space<hbm>>
      %dma_wait3A_93 = tpu.memref_slice %arg4[%add3A_64] : memref<6291456xf32, #tpu.memory_space<hbm>> -> memref<2048xf32, #tpu.memory_space<hbm>>
      tpu.wait_dma2 semaphore(%arg12 : memref<!tpu.dma_semaphore, #tpu.memory_space<semaphore_mem>>) src(%arg9 : memref<2048xf32, #tpu.memory_space<vmem>>) dst(%dma_wait3A_93 : memref<2048xf32, #tpu.memory_space<hbm>>)
      %dma_wait3A_94 = tpu.memref_slice %arg4[%add3A_66] : memref<6291456xf32, #tpu.memory_space<hbm>> -> memref<2048xf32, #tpu.memory_space<hbm>>
      %dma_wait3A_95 = tpu.memref_slice %arg4[%add3A_66] : memref<6291456xf32, #tpu.memory_space<hbm>> -> memref<2048xf32, #tpu.memory_space<hbm>>
      tpu.wait_dma2 semaphore(%arg12 : memref<!tpu.dma_semaphore, #tpu.memory_space<semaphore_mem>>) src(%arg10 : memref<2048xf32, #tpu.memory_space<vmem>>) dst(%dma_wait3A_95 : memref<2048xf32, #tpu.memory_space<hbm>>)
      %dma_wait3A_96 = tpu.memref_slice %arg4[%add3A_68] : memref<6291456xf32, #tpu.memory_space<hbm>> -> memref<2048xf32, #tpu.memory_space<hbm>>
      %dma_wait3A_97 = tpu.memref_slice %arg4[%add3A_68] : memref<6291456xf32, #tpu.memory_space<hbm>> -> memref<2048xf32, #tpu.memory_space<hbm>>
      tpu.wait_dma2 semaphore(%arg12 : memref<!tpu.dma_semaphore, #tpu.memory_space<semaphore_mem>>) src(%arg11 : memref<2048xf32, #tpu.memory_space<vmem>>) dst(%dma_wait3A_97 : memref<2048xf32, #tpu.memory_space<hbm>>)
      %scan3A_98 = arith.constant 0 : i32
      scf.yield %scan3A_98 : i32
    }
    %scan3A_27 = arith.constant 4 : i32
    %scan3A_28 = arith.constant 0 : i32
    %scan3A_29 = arith.constant 0 : i32
    %scan3A_30 = arith.constant 4 : i32
    %scan3A_31 = arith.addi %scan3A_29, %scan3A_30 : i32
    %scan3A_32 = arith.constant 1 : i32
    %scan3A_33 = scf.for %scan3A_56 = %scan3A_29 to %scan3A_31 step %scan3A_32 iter_args(%scan3A_57 = %scan3A_28) -> (i32)  : i32 {
      %mul3A_58 = arith.constant 8192 : i32
      %mul3A_59 = arith.muli %add3A, %mul3A_58 : i32
      %mul3A_60 = arith.constant 2048 : i32
      %mul3A_61 = arith.muli %scan3A_56, %mul3A_60 : i32
      %add3A_62 = arith.addi %mul3A_59, %mul3A_61 : i32
      %add3A_63 = arith.constant 3145728 : i32
      %add3A_64 = arith.addi %add3A_63, %add3A_62 : i32
      %add3A_65 = arith.constant 3407872 : i32
      %add3A_66 = arith.addi %add3A_65, %add3A_62 : i32
      %add3A_67 = arith.constant 3670016 : i32
      %add3A_68 = arith.addi %add3A_67, %add3A_62 : i32
      %dma_start3A = tpu.memref_slice %arg2[%add3A_64] : memref<6291456xf32, #tpu.memory_space<hbm>> -> memref<2048xf32, #tpu.memory_space<hbm>>
      %dma_start3A_69 = tpu.memref_slice %arg2[%add3A_64] : memref<6291456xf32, #tpu.memory_space<hbm>> -> memref<2048xf32, #tpu.memory_space<hbm>>
      tpu.enqueue_dma source(%dma_start3A_69 : memref<2048xf32, #tpu.memory_space<hbm>>) target(%arg6 : memref<2048xf32, #tpu.memory_space<vmem>>) target_semaphore(%arg12 : memref<!tpu.dma_semaphore, #tpu.memory_space<semaphore_mem>>)
      %dma_start3A_70 = tpu.memref_slice %arg2[%add3A_66] : memref<6291456xf32, #tpu.memory_space<hbm>> -> memref<2048xf32, #tpu.memory_space<hbm>>
      %dma_start3A_71 = tpu.memref_slice %arg2[%add3A_66] : memref<6291456xf32, #tpu.memory_space<hbm>> -> memref<2048xf32, #tpu.memory_space<hbm>>
      tpu.enqueue_dma source(%dma_start3A_71 : memref<2048xf32, #tpu.memory_space<hbm>>) target(%arg7 : memref<2048xf32, #tpu.memory_space<vmem>>) target_semaphore(%arg12 : memref<!tpu.dma_semaphore, #tpu.memory_space<semaphore_mem>>)
      %dma_start3A_72 = tpu.memref_slice %arg2[%add3A_68] : memref<6291456xf32, #tpu.memory_space<hbm>> -> memref<2048xf32, #tpu.memory_space<hbm>>
      %dma_start3A_73 = tpu.memref_slice %arg2[%add3A_68] : memref<6291456xf32, #tpu.memory_space<hbm>> -> memref<2048xf32, #tpu.memory_space<hbm>>
      tpu.enqueue_dma source(%dma_start3A_73 : memref<2048xf32, #tpu.memory_space<hbm>>) target(%arg8 : memref<2048xf32, #tpu.memory_space<vmem>>) target_semaphore(%arg12 : memref<!tpu.dma_semaphore, #tpu.memory_space<semaphore_mem>>)
      %dma_wait3A = tpu.memref_slice %arg2[%add3A_64] : memref<6291456xf32, #tpu.memory_space<hbm>> -> memref<2048xf32, #tpu.memory_space<hbm>>
      %dma_wait3A_74 = tpu.memref_slice %arg2[%add3A_64] : memref<6291456xf32, #tpu.memory_space<hbm>> -> memref<2048xf32, #tpu.memory_space<hbm>>
      tpu.wait_dma2 semaphore(%arg12 : memref<!tpu.dma_semaphore, #tpu.memory_space<semaphore_mem>>) src(%dma_wait3A_74 : memref<2048xf32, #tpu.memory_space<hbm>>) dst(%arg6 : memref<2048xf32, #tpu.memory_space<vmem>>)
      %dma_wait3A_75 = tpu.memref_slice %arg2[%add3A_66] : memref<6291456xf32, #tpu.memory_space<hbm>> -> memref<2048xf32, #tpu.memory_space<hbm>>
      %dma_wait3A_76 = tpu.memref_slice %arg2[%add3A_66] : memref<6291456xf32, #tpu.memory_space<hbm>> -> memref<2048xf32, #tpu.memory_space<hbm>>
      tpu.wait_dma2 semaphore(%arg12 : memref<!tpu.dma_semaphore, #tpu.memory_space<semaphore_mem>>) src(%dma_wait3A_76 : memref<2048xf32, #tpu.memory_space<hbm>>) dst(%arg7 : memref<2048xf32, #tpu.memory_space<vmem>>)
      %dma_wait3A_77 = tpu.memref_slice %arg2[%add3A_68] : memref<6291456xf32, #tpu.memory_space<hbm>> -> memref<2048xf32, #tpu.memory_space<hbm>>
      %dma_wait3A_78 = tpu.memref_slice %arg2[%add3A_68] : memref<6291456xf32, #tpu.memory_space<hbm>> -> memref<2048xf32, #tpu.memory_space<hbm>>
      tpu.wait_dma2 semaphore(%arg12 : memref<!tpu.dma_semaphore, #tpu.memory_space<semaphore_mem>>) src(%dma_wait3A_78 : memref<2048xf32, #tpu.memory_space<hbm>>) dst(%arg8 : memref<2048xf32, #tpu.memory_space<vmem>>)
      %scan3A_79 = arith.constant 0 : i32
      %scan3A_80 = arith.constant 0 : i32
      %scan3A_81 = arith.constant 128 : i32
      %scan3A_82 = arith.addi %scan3A_80, %scan3A_81 : i32
      %scan3A_83 = arith.constant 1 : i32
      %scan3A_84 = scf.for %scan3A_99 = %scan3A_80 to %scan3A_82 step %scan3A_83 iter_args(%scan3A_100 = %scan3A_79) -> (i32)  : i32 {
        %mul3A_101 = arith.constant 16 : i32
        %mul3A_102 = arith.muli %scan3A_99, %mul3A_101 : i32
        %get3A = arith.index_cast %mul3A_102 : i32 to index
        %get3A_103 = tpu.vector_load %arg6[%get3A] {strides = array<i32>} : memref<2048xf32, #tpu.memory_space<vmem>>, vector<16xf32>,
        %mul3A_104 = arith.constant 3.200000e+01 : f32
        %mul3A_105 = vector.broadcast %mul3A_104 : f32 to vector<16xf32>
        %mul3A_106 = arith.mulf %get3A_103, %mul3A_105 : vector<16xf32>
        %convert_element_type3A = arith.fptosi %mul3A_106 : vector<16xf32> to vector<16xi32>
        %convert_element_type3A_107 = arith.sitofp %convert_element_type3A : vector<16xi32> to vector<16xf32>
        %sub3A = arith.subf %mul3A_106, %convert_element_type3A_107 : vector<16xf32>
        %min3A = arith.constant 31 : i32
        %min3A_108 = vector.broadcast %min3A : i32 to vector<16xi32>
        %min3A_109 = arith.minsi %convert_element_type3A, %min3A_108 : vector<16xi32>
        %get3A_110 = arith.index_cast %mul3A_102 : i32 to index
        %get3A_111 = tpu.vector_load %arg7[%get3A_110] {strides = array<i32>} : memref<2048xf32, #tpu.memory_space<vmem>>, vector<16xf32>,
        %mul3A_112 = arith.constant 3.200000e+01 : f32
        %mul3A_113 = vector.broadcast %mul3A_112 : f32 to vector<16xf32>
        %mul3A_114 = arith.mulf %get3A_111, %mul3A_113 : vector<16xf32>
        %convert_element_type3A_115 = arith.fptosi %mul3A_114 : vector<16xf32> to vector<16xi32>
        %convert_element_type3A_116 = arith.sitofp %convert_element_type3A_115 : vector<16xi32> to vector<16xf32>
        %sub3A_117 = arith.subf %mul3A_114, %convert_element_type3A_116 : vector<16xf32>
        %min3A_118 = arith.constant 31 : i32
        %min3A_119 = vector.broadcast %min3A_118 : i32 to vector<16xi32>
        %min3A_120 = arith.minsi %convert_element_type3A_115, %min3A_119 : vector<16xi32>
        %get3A_121 = arith.index_cast %mul3A_102 : i32 to index
        %get3A_122 = tpu.vector_load %arg8[%get3A_121] {strides = array<i32>} : memref<2048xf32, #tpu.memory_space<vmem>>, vector<16xf32>,
        %mul3A_123 = arith.constant 3.200000e+01 : f32
        %mul3A_124 = vector.broadcast %mul3A_123 : f32 to vector<16xf32>
        %mul3A_125 = arith.mulf %get3A_122, %mul3A_124 : vector<16xf32>
        %convert_element_type3A_126 = arith.fptosi %mul3A_125 : vector<16xf32> to vector<16xi32>
        %convert_element_type3A_127 = arith.sitofp %convert_element_type3A_126 : vector<16xi32> to vector<16xf32>
        %sub3A_128 = arith.subf %mul3A_125, %convert_element_type3A_127 : vector<16xf32>
        %min3A_129 = arith.constant 31 : i32
        %min3A_130 = vector.broadcast %min3A_129 : i32 to vector<16xi32>
        %min3A_131 = arith.minsi %convert_element_type3A_126, %min3A_130 : vector<16xi32>
        %mul3A_132 = arith.constant 33 : i32
        %mul3A_133 = vector.broadcast %mul3A_132 : i32 to vector<16xi32>
        %mul3A_134 = arith.muli %min3A_109, %mul3A_133 : vector<16xi32>
        %add3A_135 = arith.addi %mul3A_134, %min3A_120 : vector<16xi32>
        %mul3A_136 = arith.constant 33 : i32
        %mul3A_137 = vector.broadcast %mul3A_136 : i32 to vector<16xi32>
        %mul3A_138 = arith.muli %add3A_135, %mul3A_137 : vector<16xi32>
        %add3A_139 = arith.addi %mul3A_138, %min3A_131 : vector<16xi32>
        %mul3A_140 = arith.constant 3 : i32
        %mul3A_141 = vector.broadcast %mul3A_140 : i32 to vector<16xi32>
        %mul3A_142 = arith.muli %add3A_139, %mul3A_141 : vector<16xi32>
        %add3A_143 = arith.constant 0 : i32
        %add3A_144 = vector.broadcast %add3A_143 : i32 to vector<16xi32>
        %add3A_145 = arith.addi %mul3A_142, %add3A_144 : vector<16xi32>
        %gather3A = tpu.vector_load_idx %arg5[%add3A_145] : memref<107824xf32, #tpu.memory_space<vmem>>[vector<16xi32>], vector<16xf32>,
        %add3A_146 = arith.constant 3267 : i32
        %add3A_147 = vector.broadcast %add3A_146 : i32 to vector<16xi32>
        %add3A_148 = arith.addi %mul3A_142, %add3A_147 : vector<16xi32>
        %gather3A_149 = tpu.vector_load_idx %arg5[%add3A_148] : memref<107824xf32, #tpu.memory_space<vmem>>[vector<16xi32>], vector<16xf32>,
        %add3A_150 = arith.constant 99 : i32
        %add3A_151 = vector.broadcast %add3A_150 : i32 to vector<16xi32>
        %add3A_152 = arith.addi %mul3A_142, %add3A_151 : vector<16xi32>
        %gather3A_153 = tpu.vector_load_idx %arg5[%add3A_152] : memref<107824xf32, #tpu.memory_space<vmem>>[vector<16xi32>], vector<16xf32>,
        %add3A_154 = arith.constant 3366 : i32
        %add3A_155 = vector.broadcast %add3A_154 : i32 to vector<16xi32>
        %add3A_156 = arith.addi %mul3A_142, %add3A_155 : vector<16xi32>
        %gather3A_157 = tpu.vector_load_idx %arg5[%add3A_156] : memref<107824xf32, #tpu.memory_space<vmem>>[vector<16xi32>], vector<16xf32>,
        %add3A_158 = arith.constant 3 : i32
        %add3A_159 = vector.broadcast %add3A_158 : i32 to vector<16xi32>
        %add3A_160 = arith.addi %mul3A_142, %add3A_159 : vector<16xi32>
        %gather3A_161 = tpu.vector_load_idx %arg5[%add3A_160] : memref<107824xf32, #tpu.memory_space<vmem>>[vector<16xi32>], vector<16xf32>,
        %add3A_162 = arith.constant 3270 : i32
        %add3A_163 = vector.broadcast %add3A_162 : i32 to vector<16xi32>
        %add3A_164 = arith.addi %mul3A_142, %add3A_163 : vector<16xi32>
        %gather3A_165 = tpu.vector_load_idx %arg5[%add3A_164] : memref<107824xf32, #tpu.memory_space<vmem>>[vector<16xi32>], vector<16xf32>,
        %add3A_166 = arith.constant 102 : i32
        %add3A_167 = vector.broadcast %add3A_166 : i32 to vector<16xi32>
        %add3A_168 = arith.addi %mul3A_142, %add3A_167 : vector<16xi32>
        %gather3A_169 = tpu.vector_load_idx %arg5[%add3A_168] : memref<107824xf32, #tpu.memory_space<vmem>>[vector<16xi32>], vector<16xf32>,
        %add3A_170 = arith.constant 3369 : i32
        %add3A_171 = vector.broadcast %add3A_170 : i32 to vector<16xi32>
        %add3A_172 = arith.addi %mul3A_142, %add3A_171 : vector<16xi32>
        %gather3A_173 = tpu.vector_load_idx %arg5[%add3A_172] : memref<107824xf32, #tpu.memory_space<vmem>>[vector<16xi32>], vector<16xf32>,
        %sub3A_174 = arith.subf %gather3A_149, %gather3A : vector<16xf32>
        %mul3A_175 = arith.mulf %sub3A_174, %sub3A : vector<16xf32>
        %add3A_176 = arith.addf %gather3A, %mul3A_175 : vector<16xf32>
        %sub3A_177 = arith.subf %gather3A_165, %gather3A_161 : vector<16xf32>
        %mul3A_178 = arith.mulf %sub3A_177, %sub3A : vector<16xf32>
        %add3A_179 = arith.addf %gather3A_161, %mul3A_178 : vector<16xf32>
        %sub3A_180 = arith.subf %gather3A_157, %gather3A_153 : vector<16xf32>
        %mul3A_181 = arith.mulf %sub3A_180, %sub3A : vector<16xf32>
        %add3A_182 = arith.addf %gather3A_153, %mul3A_181 : vector<16xf32>
        %sub3A_183 = arith.subf %gather3A_173, %gather3A_169 : vector<16xf32>
        %mul3A_184 = arith.mulf %sub3A_183, %sub3A : vector<16xf32>
        %add3A_185 = arith.addf %gather3A_169, %mul3A_184 : vector<16xf32>
        %sub3A_186 = arith.subf %add3A_182, %add3A_176 : vector<16xf32>
        %mul3A_187 = arith.mulf %sub3A_186, %sub3A_117 : vector<16xf32>
        %add3A_188 = arith.addf %add3A_176, %mul3A_187 : vector<16xf32>
        %sub3A_189 = arith.subf %add3A_185, %add3A_179 : vector<16xf32>
        %mul3A_190 = arith.mulf %sub3A_189, %sub3A_117 : vector<16xf32>
        %add3A_191 = arith.addf %add3A_179, %mul3A_190 : vector<16xf32>
        %sub3A_192 = arith.subf %add3A_191, %add3A_188 : vector<16xf32>
        %mul3A_193 = arith.mulf %sub3A_192, %sub3A_128 : vector<16xf32>
        %add3A_194 = arith.addf %add3A_188, %mul3A_193 : vector<16xf32>
        %add3A_195 = arith.constant 1 : i32
        %add3A_196 = vector.broadcast %add3A_195 : i32 to vector<16xi32>
        %add3A_197 = arith.addi %mul3A_142, %add3A_196 : vector<16xi32>
        %gather3A_198 = tpu.vector_load_idx %arg5[%add3A_197] : memref<107824xf32, #tpu.memory_space<vmem>>[vector<16xi32>], vector<16xf32>,
        %add3A_199 = arith.constant 3268 : i32
        %add3A_200 = vector.broadcast %add3A_199 : i32 to vector<16xi32>
        %add3A_201 = arith.addi %mul3A_142, %add3A_200 : vector<16xi32>
        %gather3A_202 = tpu.vector_load_idx %arg5[%add3A_201] : memref<107824xf32, #tpu.memory_space<vmem>>[vector<16xi32>], vector<16xf32>,
        %add3A_203 = arith.constant 100 : i32
        %add3A_204 = vector.broadcast %add3A_203 : i32 to vector<16xi32>
        %add3A_205 = arith.addi %mul3A_142, %add3A_204 : vector<16xi32>
        %gather3A_206 = tpu.vector_load_idx %arg5[%add3A_205] : memref<107824xf32, #tpu.memory_space<vmem>>[vector<16xi32>], vector<16xf32>,
        %add3A_207 = arith.constant 3367 : i32
        %add3A_208 = vector.broadcast %add3A_207 : i32 to vector<16xi32>
        %add3A_209 = arith.addi %mul3A_142, %add3A_208 : vector<16xi32>
        %gather3A_210 = tpu.vector_load_idx %arg5[%add3A_209] : memref<107824xf32, #tpu.memory_space<vmem>>[vector<16xi32>], vector<16xf32>,
        %add3A_211 = arith.constant 4 : i32
        %add3A_212 = vector.broadcast %add3A_211 : i32 to vector<16xi32>
        %add3A_213 = arith.addi %mul3A_142, %add3A_212 : vector<16xi32>
        %gather3A_214 = tpu.vector_load_idx %arg5[%add3A_213] : memref<107824xf32, #tpu.memory_space<vmem>>[vector<16xi32>], vector<16xf32>,
        %add3A_215 = arith.constant 3271 : i32
        %add3A_216 = vector.broadcast %add3A_215 : i32 to vector<16xi32>
        %add3A_217 = arith.addi %mul3A_142, %add3A_216 : vector<16xi32>
        %gather3A_218 = tpu.vector_load_idx %arg5[%add3A_217] : memref<107824xf32, #tpu.memory_space<vmem>>[vector<16xi32>], vector<16xf32>,
        %add3A_219 = arith.constant 103 : i32
        %add3A_220 = vector.broadcast %add3A_219 : i32 to vector<16xi32>
        %add3A_221 = arith.addi %mul3A_142, %add3A_220 : vector<16xi32>
        %gather3A_222 = tpu.vector_load_idx %arg5[%add3A_221] : memref<107824xf32, #tpu.memory_space<vmem>>[vector<16xi32>], vector<16xf32>,
        %add3A_223 = arith.constant 3370 : i32
        %add3A_224 = vector.broadcast %add3A_223 : i32 to vector<16xi32>
        %add3A_225 = arith.addi %mul3A_142, %add3A_224 : vector<16xi32>
        %gather3A_226 = tpu.vector_load_idx %arg5[%add3A_225] : memref<107824xf32, #tpu.memory_space<vmem>>[vector<16xi32>], vector<16xf32>,
        %sub3A_227 = arith.subf %gather3A_202, %gather3A_198 : vector<16xf32>
        %mul3A_228 = arith.mulf %sub3A_227, %sub3A : vector<16xf32>
        %add3A_229 = arith.addf %gather3A_198, %mul3A_228 : vector<16xf32>
        %sub3A_230 = arith.subf %gather3A_218, %gather3A_214 : vector<16xf32>
        %mul3A_231 = arith.mulf %sub3A_230, %sub3A : vector<16xf32>
        %add3A_232 = arith.addf %gather3A_214, %mul3A_231 : vector<16xf32>
        %sub3A_233 = arith.subf %gather3A_210, %gather3A_206 : vector<16xf32>
        %mul3A_234 = arith.mulf %sub3A_233, %sub3A : vector<16xf32>
        %add3A_235 = arith.addf %gather3A_206, %mul3A_234 : vector<16xf32>
        %sub3A_236 = arith.subf %gather3A_226, %gather3A_222 : vector<16xf32>
        %mul3A_237 = arith.mulf %sub3A_236, %sub3A : vector<16xf32>
        %add3A_238 = arith.addf %gather3A_222, %mul3A_237 : vector<16xf32>
        %sub3A_239 = arith.subf %add3A_235, %add3A_229 : vector<16xf32>
        %mul3A_240 = arith.mulf %sub3A_239, %sub3A_117 : vector<16xf32>
        %add3A_241 = arith.addf %add3A_229, %mul3A_240 : vector<16xf32>
        %sub3A_242 = arith.subf %add3A_238, %add3A_232 : vector<16xf32>
        %mul3A_243 = arith.mulf %sub3A_242, %sub3A_117 : vector<16xf32>
        %add3A_244 = arith.addf %add3A_232, %mul3A_243 : vector<16xf32>
        %sub3A_245 = arith.subf %add3A_244, %add3A_241 : vector<16xf32>
        %mul3A_246 = arith.mulf %sub3A_245, %sub3A_128 : vector<16xf32>
        %add3A_247 = arith.addf %add3A_241, %mul3A_246 : vector<16xf32>
        %add3A_248 = arith.constant 2 : i32
        %add3A_249 = vector.broadcast %add3A_248 : i32 to vector<16xi32>
        %add3A_250 = arith.addi %mul3A_142, %add3A_249 : vector<16xi32>
        %gather3A_251 = tpu.vector_load_idx %arg5[%add3A_250] : memref<107824xf32, #tpu.memory_space<vmem>>[vector<16xi32>], vector<16xf32>,
        %add3A_252 = arith.constant 3269 : i32
        %add3A_253 = vector.broadcast %add3A_252 : i32 to vector<16xi32>
        %add3A_254 = arith.addi %mul3A_142, %add3A_253 : vector<16xi32>
        %gather3A_255 = tpu.vector_load_idx %arg5[%add3A_254] : memref<107824xf32, #tpu.memory_space<vmem>>[vector<16xi32>], vector<16xf32>,
        %add3A_256 = arith.constant 101 : i32
        %add3A_257 = vector.broadcast %add3A_256 : i32 to vector<16xi32>
        %add3A_258 = arith.addi %mul3A_142, %add3A_257 : vector<16xi32>
        %gather3A_259 = tpu.vector_load_idx %arg5[%add3A_258] : memref<107824xf32, #tpu.memory_space<vmem>>[vector<16xi32>], vector<16xf32>,
        %add3A_260 = arith.constant 3368 : i32
        %add3A_261 = vector.broadcast %add3A_260 : i32 to vector<16xi32>
        %add3A_262 = arith.addi %mul3A_142, %add3A_261 : vector<16xi32>
        %gather3A_263 = tpu.vector_load_idx %arg5[%add3A_262] : memref<107824xf32, #tpu.memory_space<vmem>>[vector<16xi32>], vector<16xf32>,
        %add3A_264 = arith.constant 5 : i32
        %add3A_265 = vector.broadcast %add3A_264 : i32 to vector<16xi32>
        %add3A_266 = arith.addi %mul3A_142, %add3A_265 : vector<16xi32>
        %gather3A_267 = tpu.vector_load_idx %arg5[%add3A_266] : memref<107824xf32, #tpu.memory_space<vmem>>[vector<16xi32>], vector<16xf32>,
        %add3A_268 = arith.constant 3272 : i32
        %add3A_269 = vector.broadcast %add3A_268 : i32 to vector<16xi32>
        %add3A_270 = arith.addi %mul3A_142, %add3A_269 : vector<16xi32>
        %gather3A_271 = tpu.vector_load_idx %arg5[%add3A_270] : memref<107824xf32, #tpu.memory_space<vmem>>[vector<16xi32>], vector<16xf32>,
        %add3A_272 = arith.constant 104 : i32
        %add3A_273 = vector.broadcast %add3A_272 : i32 to vector<16xi32>
        %add3A_274 = arith.addi %mul3A_142, %add3A_273 : vector<16xi32>
        %gather3A_275 = tpu.vector_load_idx %arg5[%add3A_274] : memref<107824xf32, #tpu.memory_space<vmem>>[vector<16xi32>], vector<16xf32>,
        %add3A_276 = arith.constant 3371 : i32
        %add3A_277 = vector.broadcast %add3A_276 : i32 to vector<16xi32>
        %add3A_278 = arith.addi %mul3A_142, %add3A_277 : vector<16xi32>
        %gather3A_279 = tpu.vector_load_idx %arg5[%add3A_278] : memref<107824xf32, #tpu.memory_space<vmem>>[vector<16xi32>], vector<16xf32>,
        %sub3A_280 = arith.subf %gather3A_255, %gather3A_251 : vector<16xf32>
        %mul3A_281 = arith.mulf %sub3A_280, %sub3A : vector<16xf32>
        %add3A_282 = arith.addf %gather3A_251, %mul3A_281 : vector<16xf32>
        %sub3A_283 = arith.subf %gather3A_271, %gather3A_267 : vector<16xf32>
        %mul3A_284 = arith.mulf %sub3A_283, %sub3A : vector<16xf32>
        %add3A_285 = arith.addf %gather3A_267, %mul3A_284 : vector<16xf32>
        %sub3A_286 = arith.subf %gather3A_263, %gather3A_259 : vector<16xf32>
        %mul3A_287 = arith.mulf %sub3A_286, %sub3A : vector<16xf32>
        %add3A_288 = arith.addf %gather3A_259, %mul3A_287 : vector<16xf32>
        %sub3A_289 = arith.subf %gather3A_279, %gather3A_275 : vector<16xf32>
        %mul3A_290 = arith.mulf %sub3A_289, %sub3A : vector<16xf32>
        %add3A_291 = arith.addf %gather3A_275, %mul3A_290 : vector<16xf32>
        %sub3A_292 = arith.subf %add3A_288, %add3A_282 : vector<16xf32>
        %mul3A_293 = arith.mulf %sub3A_292, %sub3A_117 : vector<16xf32>
        %add3A_294 = arith.addf %add3A_282, %mul3A_293 : vector<16xf32>
        %sub3A_295 = arith.subf %add3A_291, %add3A_285 : vector<16xf32>
        %mul3A_296 = arith.mulf %sub3A_295, %sub3A_117 : vector<16xf32>
        %add3A_297 = arith.addf %add3A_285, %mul3A_296 : vector<16xf32>
        %sub3A_298 = arith.subf %add3A_297, %add3A_294 : vector<16xf32>
        %mul3A_299 = arith.mulf %sub3A_298, %sub3A_128 : vector<16xf32>
        %add3A_300 = arith.addf %add3A_294, %mul3A_299 : vector<16xf32>
        %swap3A = arith.index_cast %mul3A_102 : i32 to index
        %swap3A_301 = tpu.vector_load %arg9[%swap3A] {strides = array<i32>} : memref<2048xf32, #tpu.memory_space<vmem>>, vector<16xf32>,
        tpu.vector_store %arg9[%swap3A], %add3A_194 {strides = array<i32>} : memref<2048xf32, #tpu.memory_space<vmem>>, vector<16xf32>,
        %swap3A_302 = arith.index_cast %mul3A_102 : i32 to index
        %swap3A_303 = tpu.vector_load %arg10[%swap3A_302] {strides = array<i32>} : memref<2048xf32, #tpu.memory_space<vmem>>, vector<16xf32>,
        tpu.vector_store %arg10[%swap3A_302], %add3A_247 {strides = array<i32>} : memref<2048xf32, #tpu.memory_space<vmem>>, vector<16xf32>,
        %swap3A_304 = arith.index_cast %mul3A_102 : i32 to index
        %swap3A_305 = tpu.vector_load %arg11[%swap3A_304] {strides = array<i32>} : memref<2048xf32, #tpu.memory_space<vmem>>, vector<16xf32>,
        tpu.vector_store %arg11[%swap3A_304], %add3A_300 {strides = array<i32>} : memref<2048xf32, #tpu.memory_space<vmem>>, vector<16xf32>,
        %scan3A_306 = arith.constant 0 : i32
        scf.yield %scan3A_306 : i32
      }
      %scan3A_85 = arith.constant 128 : i32
      %dma_start3A_86 = tpu.memref_slice %arg4[%add3A_64] : memref<6291456xf32, #tpu.memory_space<hbm>> -> memref<2048xf32, #tpu.memory_space<hbm>>
      %dma_start3A_87 = tpu.memref_slice %arg4[%add3A_64] : memref<6291456xf32, #tpu.memory_space<hbm>> -> memref<2048xf32, #tpu.memory_space<hbm>>
      tpu.enqueue_dma source(%arg9 : memref<2048xf32, #tpu.memory_space<vmem>>) target(%dma_start3A_87 : memref<2048xf32, #tpu.memory_space<hbm>>) target_semaphore(%arg12 : memref<!tpu.dma_semaphore, #tpu.memory_space<semaphore_mem>>)
      %dma_start3A_88 = tpu.memref_slice %arg4[%add3A_66] : memref<6291456xf32, #tpu.memory_space<hbm>> -> memref<2048xf32, #tpu.memory_space<hbm>>
      %dma_start3A_89 = tpu.memref_slice %arg4[%add3A_66] : memref<6291456xf32, #tpu.memory_space<hbm>> -> memref<2048xf32, #tpu.memory_space<hbm>>
      tpu.enqueue_dma source(%arg10 : memref<2048xf32, #tpu.memory_space<vmem>>) target(%dma_start3A_89 : memref<2048xf32, #tpu.memory_space<hbm>>) target_semaphore(%arg12 : memref<!tpu.dma_semaphore, #tpu.memory_space<semaphore_mem>>)
      %dma_start3A_90 = tpu.memref_slice %arg4[%add3A_68] : memref<6291456xf32, #tpu.memory_space<hbm>> -> memref<2048xf32, #tpu.memory_space<hbm>>
      %dma_start3A_91 = tpu.memref_slice %arg4[%add3A_68] : memref<6291456xf32, #tpu.memory_space<hbm>> -> memref<2048xf32, #tpu.memory_space<hbm>>
      tpu.enqueue_dma source(%arg11 : memref<2048xf32, #tpu.memory_space<vmem>>) target(%dma_start3A_91 : memref<2048xf32, #tpu.memory_space<hbm>>) target_semaphore(%arg12 : memref<!tpu.dma_semaphore, #tpu.memory_space<semaphore_mem>>)
      %dma_wait3A_92 = tpu.memref_slice %arg4[%add3A_64] : memref<6291456xf32, #tpu.memory_space<hbm>> -> memref<2048xf32, #tpu.memory_space<hbm>>
      %dma_wait3A_93 = tpu.memref_slice %arg4[%add3A_64] : memref<6291456xf32, #tpu.memory_space<hbm>> -> memref<2048xf32, #tpu.memory_space<hbm>>
      tpu.wait_dma2 semaphore(%arg12 : memref<!tpu.dma_semaphore, #tpu.memory_space<semaphore_mem>>) src(%arg9 : memref<2048xf32, #tpu.memory_space<vmem>>) dst(%dma_wait3A_93 : memref<2048xf32, #tpu.memory_space<hbm>>)
      %dma_wait3A_94 = tpu.memref_slice %arg4[%add3A_66] : memref<6291456xf32, #tpu.memory_space<hbm>> -> memref<2048xf32, #tpu.memory_space<hbm>>
      %dma_wait3A_95 = tpu.memref_slice %arg4[%add3A_66] : memref<6291456xf32, #tpu.memory_space<hbm>> -> memref<2048xf32, #tpu.memory_space<hbm>>
      tpu.wait_dma2 semaphore(%arg12 : memref<!tpu.dma_semaphore, #tpu.memory_space<semaphore_mem>>) src(%arg10 : memref<2048xf32, #tpu.memory_space<vmem>>) dst(%dma_wait3A_95 : memref<2048xf32, #tpu.memory_space<hbm>>)
      %dma_wait3A_96 = tpu.memref_slice %arg4[%add3A_68] : memref<6291456xf32, #tpu.memory_space<hbm>> -> memref<2048xf32, #tpu.memory_space<hbm>>
      %dma_wait3A_97 = tpu.memref_slice %arg4[%add3A_68] : memref<6291456xf32, #tpu.memory_space<hbm>> -> memref<2048xf32, #tpu.memory_space<hbm>>
      tpu.wait_dma2 semaphore(%arg12 : memref<!tpu.dma_semaphore, #tpu.memory_space<semaphore_mem>>) src(%arg11 : memref<2048xf32, #tpu.memory_space<vmem>>) dst(%dma_wait3A_97 : memref<2048xf32, #tpu.memory_space<hbm>>)
      %scan3A_98 = arith.constant 0 : i32
      scf.yield %scan3A_98 : i32
    }
    %scan3A_34 = arith.constant 4 : i32
    %scan3A_35 = arith.constant 0 : i32
    %scan3A_36 = arith.constant 0 : i32
    %scan3A_37 = arith.constant 4 : i32
    %scan3A_38 = arith.addi %scan3A_36, %scan3A_37 : i32
    %scan3A_39 = arith.constant 1 : i32
    %scan3A_40 = scf.for %scan3A_56 = %scan3A_36 to %scan3A_38 step %scan3A_39 iter_args(%scan3A_57 = %scan3A_35) -> (i32)  : i32 {
      %mul3A_58 = arith.constant 8192 : i32
      %mul3A_59 = arith.muli %add3A, %mul3A_58 : i32
      %mul3A_60 = arith.constant 2048 : i32
      %mul3A_61 = arith.muli %scan3A_56, %mul3A_60 : i32
      %add3A_62 = arith.addi %mul3A_59, %mul3A_61 : i32
      %add3A_63 = arith.constant 3932160 : i32
      %add3A_64 = arith.addi %add3A_63, %add3A_62 : i32
      %add3A_65 = arith.constant 4194304 : i32
      %add3A_66 = arith.addi %add3A_65, %add3A_62 : i32
      %add3A_67 = arith.constant 4456448 : i32
      %add3A_68 = arith.addi %add3A_67, %add3A_62 : i32
      %dma_start3A = tpu.memref_slice %arg2[%add3A_64] : memref<6291456xf32, #tpu.memory_space<hbm>> -> memref<2048xf32, #tpu.memory_space<hbm>>
      %dma_start3A_69 = tpu.memref_slice %arg2[%add3A_64] : memref<6291456xf32, #tpu.memory_space<hbm>> -> memref<2048xf32, #tpu.memory_space<hbm>>
      tpu.enqueue_dma source(%dma_start3A_69 : memref<2048xf32, #tpu.memory_space<hbm>>) target(%arg6 : memref<2048xf32, #tpu.memory_space<vmem>>) target_semaphore(%arg12 : memref<!tpu.dma_semaphore, #tpu.memory_space<semaphore_mem>>)
      %dma_start3A_70 = tpu.memref_slice %arg2[%add3A_66] : memref<6291456xf32, #tpu.memory_space<hbm>> -> memref<2048xf32, #tpu.memory_space<hbm>>
      %dma_start3A_71 = tpu.memref_slice %arg2[%add3A_66] : memref<6291456xf32, #tpu.memory_space<hbm>> -> memref<2048xf32, #tpu.memory_space<hbm>>
      tpu.enqueue_dma source(%dma_start3A_71 : memref<2048xf32, #tpu.memory_space<hbm>>) target(%arg7 : memref<2048xf32, #tpu.memory_space<vmem>>) target_semaphore(%arg12 : memref<!tpu.dma_semaphore, #tpu.memory_space<semaphore_mem>>)
      %dma_start3A_72 = tpu.memref_slice %arg2[%add3A_68] : memref<6291456xf32, #tpu.memory_space<hbm>> -> memref<2048xf32, #tpu.memory_space<hbm>>
      %dma_start3A_73 = tpu.memref_slice %arg2[%add3A_68] : memref<6291456xf32, #tpu.memory_space<hbm>> -> memref<2048xf32, #tpu.memory_space<hbm>>
      tpu.enqueue_dma source(%dma_start3A_73 : memref<2048xf32, #tpu.memory_space<hbm>>) target(%arg8 : memref<2048xf32, #tpu.memory_space<vmem>>) target_semaphore(%arg12 : memref<!tpu.dma_semaphore, #tpu.memory_space<semaphore_mem>>)
      %dma_wait3A = tpu.memref_slice %arg2[%add3A_64] : memref<6291456xf32, #tpu.memory_space<hbm>> -> memref<2048xf32, #tpu.memory_space<hbm>>
      %dma_wait3A_74 = tpu.memref_slice %arg2[%add3A_64] : memref<6291456xf32, #tpu.memory_space<hbm>> -> memref<2048xf32, #tpu.memory_space<hbm>>
      tpu.wait_dma2 semaphore(%arg12 : memref<!tpu.dma_semaphore, #tpu.memory_space<semaphore_mem>>) src(%dma_wait3A_74 : memref<2048xf32, #tpu.memory_space<hbm>>) dst(%arg6 : memref<2048xf32, #tpu.memory_space<vmem>>)
      %dma_wait3A_75 = tpu.memref_slice %arg2[%add3A_66] : memref<6291456xf32, #tpu.memory_space<hbm>> -> memref<2048xf32, #tpu.memory_space<hbm>>
      %dma_wait3A_76 = tpu.memref_slice %arg2[%add3A_66] : memref<6291456xf32, #tpu.memory_space<hbm>> -> memref<2048xf32, #tpu.memory_space<hbm>>
      tpu.wait_dma2 semaphore(%arg12 : memref<!tpu.dma_semaphore, #tpu.memory_space<semaphore_mem>>) src(%dma_wait3A_76 : memref<2048xf32, #tpu.memory_space<hbm>>) dst(%arg7 : memref<2048xf32, #tpu.memory_space<vmem>>)
      %dma_wait3A_77 = tpu.memref_slice %arg2[%add3A_68] : memref<6291456xf32, #tpu.memory_space<hbm>> -> memref<2048xf32, #tpu.memory_space<hbm>>
      %dma_wait3A_78 = tpu.memref_slice %arg2[%add3A_68] : memref<6291456xf32, #tpu.memory_space<hbm>> -> memref<2048xf32, #tpu.memory_space<hbm>>
      tpu.wait_dma2 semaphore(%arg12 : memref<!tpu.dma_semaphore, #tpu.memory_space<semaphore_mem>>) src(%dma_wait3A_78 : memref<2048xf32, #tpu.memory_space<hbm>>) dst(%arg8 : memref<2048xf32, #tpu.memory_space<vmem>>)
      %scan3A_79 = arith.constant 0 : i32
      %scan3A_80 = arith.constant 0 : i32
      %scan3A_81 = arith.constant 128 : i32
      %scan3A_82 = arith.addi %scan3A_80, %scan3A_81 : i32
      %scan3A_83 = arith.constant 1 : i32
      %scan3A_84 = scf.for %scan3A_99 = %scan3A_80 to %scan3A_82 step %scan3A_83 iter_args(%scan3A_100 = %scan3A_79) -> (i32)  : i32 {
        %mul3A_101 = arith.constant 16 : i32
        %mul3A_102 = arith.muli %scan3A_99, %mul3A_101 : i32
        %get3A = arith.index_cast %mul3A_102 : i32 to index
        %get3A_103 = tpu.vector_load %arg6[%get3A] {strides = array<i32>} : memref<2048xf32, #tpu.memory_space<vmem>>, vector<16xf32>,
        %mul3A_104 = arith.constant 3.200000e+01 : f32
        %mul3A_105 = vector.broadcast %mul3A_104 : f32 to vector<16xf32>
        %mul3A_106 = arith.mulf %get3A_103, %mul3A_105 : vector<16xf32>
        %convert_element_type3A = arith.fptosi %mul3A_106 : vector<16xf32> to vector<16xi32>
        %convert_element_type3A_107 = arith.sitofp %convert_element_type3A : vector<16xi32> to vector<16xf32>
        %sub3A = arith.subf %mul3A_106, %convert_element_type3A_107 : vector<16xf32>
        %min3A = arith.constant 31 : i32
        %min3A_108 = vector.broadcast %min3A : i32 to vector<16xi32>
        %min3A_109 = arith.minsi %convert_element_type3A, %min3A_108 : vector<16xi32>
        %get3A_110 = arith.index_cast %mul3A_102 : i32 to index
        %get3A_111 = tpu.vector_load %arg7[%get3A_110] {strides = array<i32>} : memref<2048xf32, #tpu.memory_space<vmem>>, vector<16xf32>,
        %mul3A_112 = arith.constant 3.200000e+01 : f32
        %mul3A_113 = vector.broadcast %mul3A_112 : f32 to vector<16xf32>
        %mul3A_114 = arith.mulf %get3A_111, %mul3A_113 : vector<16xf32>
        %convert_element_type3A_115 = arith.fptosi %mul3A_114 : vector<16xf32> to vector<16xi32>
        %convert_element_type3A_116 = arith.sitofp %convert_element_type3A_115 : vector<16xi32> to vector<16xf32>
        %sub3A_117 = arith.subf %mul3A_114, %convert_element_type3A_116 : vector<16xf32>
        %min3A_118 = arith.constant 31 : i32
        %min3A_119 = vector.broadcast %min3A_118 : i32 to vector<16xi32>
        %min3A_120 = arith.minsi %convert_element_type3A_115, %min3A_119 : vector<16xi32>
        %get3A_121 = arith.index_cast %mul3A_102 : i32 to index
        %get3A_122 = tpu.vector_load %arg8[%get3A_121] {strides = array<i32>} : memref<2048xf32, #tpu.memory_space<vmem>>, vector<16xf32>,
        %mul3A_123 = arith.constant 3.200000e+01 : f32
        %mul3A_124 = vector.broadcast %mul3A_123 : f32 to vector<16xf32>
        %mul3A_125 = arith.mulf %get3A_122, %mul3A_124 : vector<16xf32>
        %convert_element_type3A_126 = arith.fptosi %mul3A_125 : vector<16xf32> to vector<16xi32>
        %convert_element_type3A_127 = arith.sitofp %convert_element_type3A_126 : vector<16xi32> to vector<16xf32>
        %sub3A_128 = arith.subf %mul3A_125, %convert_element_type3A_127 : vector<16xf32>
        %min3A_129 = arith.constant 31 : i32
        %min3A_130 = vector.broadcast %min3A_129 : i32 to vector<16xi32>
        %min3A_131 = arith.minsi %convert_element_type3A_126, %min3A_130 : vector<16xi32>
        %mul3A_132 = arith.constant 33 : i32
        %mul3A_133 = vector.broadcast %mul3A_132 : i32 to vector<16xi32>
        %mul3A_134 = arith.muli %min3A_109, %mul3A_133 : vector<16xi32>
        %add3A_135 = arith.addi %mul3A_134, %min3A_120 : vector<16xi32>
        %mul3A_136 = arith.constant 33 : i32
        %mul3A_137 = vector.broadcast %mul3A_136 : i32 to vector<16xi32>
        %mul3A_138 = arith.muli %add3A_135, %mul3A_137 : vector<16xi32>
        %add3A_139 = arith.addi %mul3A_138, %min3A_131 : vector<16xi32>
        %mul3A_140 = arith.constant 3 : i32
        %mul3A_141 = vector.broadcast %mul3A_140 : i32 to vector<16xi32>
        %mul3A_142 = arith.muli %add3A_139, %mul3A_141 : vector<16xi32>
        %add3A_143 = arith.constant 0 : i32
        %add3A_144 = vector.broadcast %add3A_143 : i32 to vector<16xi32>
        %add3A_145 = arith.addi %mul3A_142, %add3A_144 : vector<16xi32>
        %gather3A = tpu.vector_load_idx %arg5[%add3A_145] : memref<107824xf32, #tpu.memory_space<vmem>>[vector<16xi32>], vector<16xf32>,
        %add3A_146 = arith.constant 3267 : i32
        %add3A_147 = vector.broadcast %add3A_146 : i32 to vector<16xi32>
        %add3A_148 = arith.addi %mul3A_142, %add3A_147 : vector<16xi32>
        %gather3A_149 = tpu.vector_load_idx %arg5[%add3A_148] : memref<107824xf32, #tpu.memory_space<vmem>>[vector<16xi32>], vector<16xf32>,
        %add3A_150 = arith.constant 99 : i32
        %add3A_151 = vector.broadcast %add3A_150 : i32 to vector<16xi32>
        %add3A_152 = arith.addi %mul3A_142, %add3A_151 : vector<16xi32>
        %gather3A_153 = tpu.vector_load_idx %arg5[%add3A_152] : memref<107824xf32, #tpu.memory_space<vmem>>[vector<16xi32>], vector<16xf32>,
        %add3A_154 = arith.constant 3366 : i32
        %add3A_155 = vector.broadcast %add3A_154 : i32 to vector<16xi32>
        %add3A_156 = arith.addi %mul3A_142, %add3A_155 : vector<16xi32>
        %gather3A_157 = tpu.vector_load_idx %arg5[%add3A_156] : memref<107824xf32, #tpu.memory_space<vmem>>[vector<16xi32>], vector<16xf32>,
        %add3A_158 = arith.constant 3 : i32
        %add3A_159 = vector.broadcast %add3A_158 : i32 to vector<16xi32>
        %add3A_160 = arith.addi %mul3A_142, %add3A_159 : vector<16xi32>
        %gather3A_161 = tpu.vector_load_idx %arg5[%add3A_160] : memref<107824xf32, #tpu.memory_space<vmem>>[vector<16xi32>], vector<16xf32>,
        %add3A_162 = arith.constant 3270 : i32
        %add3A_163 = vector.broadcast %add3A_162 : i32 to vector<16xi32>
        %add3A_164 = arith.addi %mul3A_142, %add3A_163 : vector<16xi32>
        %gather3A_165 = tpu.vector_load_idx %arg5[%add3A_164] : memref<107824xf32, #tpu.memory_space<vmem>>[vector<16xi32>], vector<16xf32>,
        %add3A_166 = arith.constant 102 : i32
        %add3A_167 = vector.broadcast %add3A_166 : i32 to vector<16xi32>
        %add3A_168 = arith.addi %mul3A_142, %add3A_167 : vector<16xi32>
        %gather3A_169 = tpu.vector_load_idx %arg5[%add3A_168] : memref<107824xf32, #tpu.memory_space<vmem>>[vector<16xi32>], vector<16xf32>,
        %add3A_170 = arith.constant 3369 : i32
        %add3A_171 = vector.broadcast %add3A_170 : i32 to vector<16xi32>
        %add3A_172 = arith.addi %mul3A_142, %add3A_171 : vector<16xi32>
        %gather3A_173 = tpu.vector_load_idx %arg5[%add3A_172] : memref<107824xf32, #tpu.memory_space<vmem>>[vector<16xi32>], vector<16xf32>,
        %sub3A_174 = arith.subf %gather3A_149, %gather3A : vector<16xf32>
        %mul3A_175 = arith.mulf %sub3A_174, %sub3A : vector<16xf32>
        %add3A_176 = arith.addf %gather3A, %mul3A_175 : vector<16xf32>
        %sub3A_177 = arith.subf %gather3A_165, %gather3A_161 : vector<16xf32>
        %mul3A_178 = arith.mulf %sub3A_177, %sub3A : vector<16xf32>
        %add3A_179 = arith.addf %gather3A_161, %mul3A_178 : vector<16xf32>
        %sub3A_180 = arith.subf %gather3A_157, %gather3A_153 : vector<16xf32>
        %mul3A_181 = arith.mulf %sub3A_180, %sub3A : vector<16xf32>
        %add3A_182 = arith.addf %gather3A_153, %mul3A_181 : vector<16xf32>
        %sub3A_183 = arith.subf %gather3A_173, %gather3A_169 : vector<16xf32>
        %mul3A_184 = arith.mulf %sub3A_183, %sub3A : vector<16xf32>
        %add3A_185 = arith.addf %gather3A_169, %mul3A_184 : vector<16xf32>
        %sub3A_186 = arith.subf %add3A_182, %add3A_176 : vector<16xf32>
        %mul3A_187 = arith.mulf %sub3A_186, %sub3A_117 : vector<16xf32>
        %add3A_188 = arith.addf %add3A_176, %mul3A_187 : vector<16xf32>
        %sub3A_189 = arith.subf %add3A_185, %add3A_179 : vector<16xf32>
        %mul3A_190 = arith.mulf %sub3A_189, %sub3A_117 : vector<16xf32>
        %add3A_191 = arith.addf %add3A_179, %mul3A_190 : vector<16xf32>
        %sub3A_192 = arith.subf %add3A_191, %add3A_188 : vector<16xf32>
        %mul3A_193 = arith.mulf %sub3A_192, %sub3A_128 : vector<16xf32>
        %add3A_194 = arith.addf %add3A_188, %mul3A_193 : vector<16xf32>
        %add3A_195 = arith.constant 1 : i32
        %add3A_196 = vector.broadcast %add3A_195 : i32 to vector<16xi32>
        %add3A_197 = arith.addi %mul3A_142, %add3A_196 : vector<16xi32>
        %gather3A_198 = tpu.vector_load_idx %arg5[%add3A_197] : memref<107824xf32, #tpu.memory_space<vmem>>[vector<16xi32>], vector<16xf32>,
        %add3A_199 = arith.constant 3268 : i32
        %add3A_200 = vector.broadcast %add3A_199 : i32 to vector<16xi32>
        %add3A_201 = arith.addi %mul3A_142, %add3A_200 : vector<16xi32>
        %gather3A_202 = tpu.vector_load_idx %arg5[%add3A_201] : memref<107824xf32, #tpu.memory_space<vmem>>[vector<16xi32>], vector<16xf32>,
        %add3A_203 = arith.constant 100 : i32
        %add3A_204 = vector.broadcast %add3A_203 : i32 to vector<16xi32>
        %add3A_205 = arith.addi %mul3A_142, %add3A_204 : vector<16xi32>
        %gather3A_206 = tpu.vector_load_idx %arg5[%add3A_205] : memref<107824xf32, #tpu.memory_space<vmem>>[vector<16xi32>], vector<16xf32>,
        %add3A_207 = arith.constant 3367 : i32
        %add3A_208 = vector.broadcast %add3A_207 : i32 to vector<16xi32>
        %add3A_209 = arith.addi %mul3A_142, %add3A_208 : vector<16xi32>
        %gather3A_210 = tpu.vector_load_idx %arg5[%add3A_209] : memref<107824xf32, #tpu.memory_space<vmem>>[vector<16xi32>], vector<16xf32>,
        %add3A_211 = arith.constant 4 : i32
        %add3A_212 = vector.broadcast %add3A_211 : i32 to vector<16xi32>
        %add3A_213 = arith.addi %mul3A_142, %add3A_212 : vector<16xi32>
        %gather3A_214 = tpu.vector_load_idx %arg5[%add3A_213] : memref<107824xf32, #tpu.memory_space<vmem>>[vector<16xi32>], vector<16xf32>,
        %add3A_215 = arith.constant 3271 : i32
        %add3A_216 = vector.broadcast %add3A_215 : i32 to vector<16xi32>
        %add3A_217 = arith.addi %mul3A_142, %add3A_216 : vector<16xi32>
        %gather3A_218 = tpu.vector_load_idx %arg5[%add3A_217] : memref<107824xf32, #tpu.memory_space<vmem>>[vector<16xi32>], vector<16xf32>,
        %add3A_219 = arith.constant 103 : i32
        %add3A_220 = vector.broadcast %add3A_219 : i32 to vector<16xi32>
        %add3A_221 = arith.addi %mul3A_142, %add3A_220 : vector<16xi32>
        %gather3A_222 = tpu.vector_load_idx %arg5[%add3A_221] : memref<107824xf32, #tpu.memory_space<vmem>>[vector<16xi32>], vector<16xf32>,
        %add3A_223 = arith.constant 3370 : i32
        %add3A_224 = vector.broadcast %add3A_223 : i32 to vector<16xi32>
        %add3A_225 = arith.addi %mul3A_142, %add3A_224 : vector<16xi32>
        %gather3A_226 = tpu.vector_load_idx %arg5[%add3A_225] : memref<107824xf32, #tpu.memory_space<vmem>>[vector<16xi32>], vector<16xf32>,
        %sub3A_227 = arith.subf %gather3A_202, %gather3A_198 : vector<16xf32>
        %mul3A_228 = arith.mulf %sub3A_227, %sub3A : vector<16xf32>
        %add3A_229 = arith.addf %gather3A_198, %mul3A_228 : vector<16xf32>
        %sub3A_230 = arith.subf %gather3A_218, %gather3A_214 : vector<16xf32>
        %mul3A_231 = arith.mulf %sub3A_230, %sub3A : vector<16xf32>
        %add3A_232 = arith.addf %gather3A_214, %mul3A_231 : vector<16xf32>
        %sub3A_233 = arith.subf %gather3A_210, %gather3A_206 : vector<16xf32>
        %mul3A_234 = arith.mulf %sub3A_233, %sub3A : vector<16xf32>
        %add3A_235 = arith.addf %gather3A_206, %mul3A_234 : vector<16xf32>
        %sub3A_236 = arith.subf %gather3A_226, %gather3A_222 : vector<16xf32>
        %mul3A_237 = arith.mulf %sub3A_236, %sub3A : vector<16xf32>
        %add3A_238 = arith.addf %gather3A_222, %mul3A_237 : vector<16xf32>
        %sub3A_239 = arith.subf %add3A_235, %add3A_229 : vector<16xf32>
        %mul3A_240 = arith.mulf %sub3A_239, %sub3A_117 : vector<16xf32>
        %add3A_241 = arith.addf %add3A_229, %mul3A_240 : vector<16xf32>
        %sub3A_242 = arith.subf %add3A_238, %add3A_232 : vector<16xf32>
        %mul3A_243 = arith.mulf %sub3A_242, %sub3A_117 : vector<16xf32>
        %add3A_244 = arith.addf %add3A_232, %mul3A_243 : vector<16xf32>
        %sub3A_245 = arith.subf %add3A_244, %add3A_241 : vector<16xf32>
        %mul3A_246 = arith.mulf %sub3A_245, %sub3A_128 : vector<16xf32>
        %add3A_247 = arith.addf %add3A_241, %mul3A_246 : vector<16xf32>
        %add3A_248 = arith.constant 2 : i32
        %add3A_249 = vector.broadcast %add3A_248 : i32 to vector<16xi32>
        %add3A_250 = arith.addi %mul3A_142, %add3A_249 : vector<16xi32>
        %gather3A_251 = tpu.vector_load_idx %arg5[%add3A_250] : memref<107824xf32, #tpu.memory_space<vmem>>[vector<16xi32>], vector<16xf32>,
        %add3A_252 = arith.constant 3269 : i32
        %add3A_253 = vector.broadcast %add3A_252 : i32 to vector<16xi32>
        %add3A_254 = arith.addi %mul3A_142, %add3A_253 : vector<16xi32>
        %gather3A_255 = tpu.vector_load_idx %arg5[%add3A_254] : memref<107824xf32, #tpu.memory_space<vmem>>[vector<16xi32>], vector<16xf32>,
        %add3A_256 = arith.constant 101 : i32
        %add3A_257 = vector.broadcast %add3A_256 : i32 to vector<16xi32>
        %add3A_258 = arith.addi %mul3A_142, %add3A_257 : vector<16xi32>
        %gather3A_259 = tpu.vector_load_idx %arg5[%add3A_258] : memref<107824xf32, #tpu.memory_space<vmem>>[vector<16xi32>], vector<16xf32>,
        %add3A_260 = arith.constant 3368 : i32
        %add3A_261 = vector.broadcast %add3A_260 : i32 to vector<16xi32>
        %add3A_262 = arith.addi %mul3A_142, %add3A_261 : vector<16xi32>
        %gather3A_263 = tpu.vector_load_idx %arg5[%add3A_262] : memref<107824xf32, #tpu.memory_space<vmem>>[vector<16xi32>], vector<16xf32>,
        %add3A_264 = arith.constant 5 : i32
        %add3A_265 = vector.broadcast %add3A_264 : i32 to vector<16xi32>
        %add3A_266 = arith.addi %mul3A_142, %add3A_265 : vector<16xi32>
        %gather3A_267 = tpu.vector_load_idx %arg5[%add3A_266] : memref<107824xf32, #tpu.memory_space<vmem>>[vector<16xi32>], vector<16xf32>,
        %add3A_268 = arith.constant 3272 : i32
        %add3A_269 = vector.broadcast %add3A_268 : i32 to vector<16xi32>
        %add3A_270 = arith.addi %mul3A_142, %add3A_269 : vector<16xi32>
        %gather3A_271 = tpu.vector_load_idx %arg5[%add3A_270] : memref<107824xf32, #tpu.memory_space<vmem>>[vector<16xi32>], vector<16xf32>,
        %add3A_272 = arith.constant 104 : i32
        %add3A_273 = vector.broadcast %add3A_272 : i32 to vector<16xi32>
        %add3A_274 = arith.addi %mul3A_142, %add3A_273 : vector<16xi32>
        %gather3A_275 = tpu.vector_load_idx %arg5[%add3A_274] : memref<107824xf32, #tpu.memory_space<vmem>>[vector<16xi32>], vector<16xf32>,
        %add3A_276 = arith.constant 3371 : i32
        %add3A_277 = vector.broadcast %add3A_276 : i32 to vector<16xi32>
        %add3A_278 = arith.addi %mul3A_142, %add3A_277 : vector<16xi32>
        %gather3A_279 = tpu.vector_load_idx %arg5[%add3A_278] : memref<107824xf32, #tpu.memory_space<vmem>>[vector<16xi32>], vector<16xf32>,
        %sub3A_280 = arith.subf %gather3A_255, %gather3A_251 : vector<16xf32>
        %mul3A_281 = arith.mulf %sub3A_280, %sub3A : vector<16xf32>
        %add3A_282 = arith.addf %gather3A_251, %mul3A_281 : vector<16xf32>
        %sub3A_283 = arith.subf %gather3A_271, %gather3A_267 : vector<16xf32>
        %mul3A_284 = arith.mulf %sub3A_283, %sub3A : vector<16xf32>
        %add3A_285 = arith.addf %gather3A_267, %mul3A_284 : vector<16xf32>
        %sub3A_286 = arith.subf %gather3A_263, %gather3A_259 : vector<16xf32>
        %mul3A_287 = arith.mulf %sub3A_286, %sub3A : vector<16xf32>
        %add3A_288 = arith.addf %gather3A_259, %mul3A_287 : vector<16xf32>
        %sub3A_289 = arith.subf %gather3A_279, %gather3A_275 : vector<16xf32>
        %mul3A_290 = arith.mulf %sub3A_289, %sub3A : vector<16xf32>
        %add3A_291 = arith.addf %gather3A_275, %mul3A_290 : vector<16xf32>
        %sub3A_292 = arith.subf %add3A_288, %add3A_282 : vector<16xf32>
        %mul3A_293 = arith.mulf %sub3A_292, %sub3A_117 : vector<16xf32>
        %add3A_294 = arith.addf %add3A_282, %mul3A_293 : vector<16xf32>
        %sub3A_295 = arith.subf %add3A_291, %add3A_285 : vector<16xf32>
        %mul3A_296 = arith.mulf %sub3A_295, %sub3A_117 : vector<16xf32>
        %add3A_297 = arith.addf %add3A_285, %mul3A_296 : vector<16xf32>
        %sub3A_298 = arith.subf %add3A_297, %add3A_294 : vector<16xf32>
        %mul3A_299 = arith.mulf %sub3A_298, %sub3A_128 : vector<16xf32>
        %add3A_300 = arith.addf %add3A_294, %mul3A_299 : vector<16xf32>
        %swap3A = arith.index_cast %mul3A_102 : i32 to index
        %swap3A_301 = tpu.vector_load %arg9[%swap3A] {strides = array<i32>} : memref<2048xf32, #tpu.memory_space<vmem>>, vector<16xf32>,
        tpu.vector_store %arg9[%swap3A], %add3A_194 {strides = array<i32>} : memref<2048xf32, #tpu.memory_space<vmem>>, vector<16xf32>,
        %swap3A_302 = arith.index_cast %mul3A_102 : i32 to index
        %swap3A_303 = tpu.vector_load %arg10[%swap3A_302] {strides = array<i32>} : memref<2048xf32, #tpu.memory_space<vmem>>, vector<16xf32>,
        tpu.vector_store %arg10[%swap3A_302], %add3A_247 {strides = array<i32>} : memref<2048xf32, #tpu.memory_space<vmem>>, vector<16xf32>,
        %swap3A_304 = arith.index_cast %mul3A_102 : i32 to index
        %swap3A_305 = tpu.vector_load %arg11[%swap3A_304] {strides = array<i32>} : memref<2048xf32, #tpu.memory_space<vmem>>, vector<16xf32>,
        tpu.vector_store %arg11[%swap3A_304], %add3A_300 {strides = array<i32>} : memref<2048xf32, #tpu.memory_space<vmem>>, vector<16xf32>,
        %scan3A_306 = arith.constant 0 : i32
        scf.yield %scan3A_306 : i32
      }
      %scan3A_85 = arith.constant 128 : i32
      %dma_start3A_86 = tpu.memref_slice %arg4[%add3A_64] : memref<6291456xf32, #tpu.memory_space<hbm>> -> memref<2048xf32, #tpu.memory_space<hbm>>
      %dma_start3A_87 = tpu.memref_slice %arg4[%add3A_64] : memref<6291456xf32, #tpu.memory_space<hbm>> -> memref<2048xf32, #tpu.memory_space<hbm>>
      tpu.enqueue_dma source(%arg9 : memref<2048xf32, #tpu.memory_space<vmem>>) target(%dma_start3A_87 : memref<2048xf32, #tpu.memory_space<hbm>>) target_semaphore(%arg12 : memref<!tpu.dma_semaphore, #tpu.memory_space<semaphore_mem>>)
      %dma_start3A_88 = tpu.memref_slice %arg4[%add3A_66] : memref<6291456xf32, #tpu.memory_space<hbm>> -> memref<2048xf32, #tpu.memory_space<hbm>>
      %dma_start3A_89 = tpu.memref_slice %arg4[%add3A_66] : memref<6291456xf32, #tpu.memory_space<hbm>> -> memref<2048xf32, #tpu.memory_space<hbm>>
      tpu.enqueue_dma source(%arg10 : memref<2048xf32, #tpu.memory_space<vmem>>) target(%dma_start3A_89 : memref<2048xf32, #tpu.memory_space<hbm>>) target_semaphore(%arg12 : memref<!tpu.dma_semaphore, #tpu.memory_space<semaphore_mem>>)
      %dma_start3A_90 = tpu.memref_slice %arg4[%add3A_68] : memref<6291456xf32, #tpu.memory_space<hbm>> -> memref<2048xf32, #tpu.memory_space<hbm>>
      %dma_start3A_91 = tpu.memref_slice %arg4[%add3A_68] : memref<6291456xf32, #tpu.memory_space<hbm>> -> memref<2048xf32, #tpu.memory_space<hbm>>
      tpu.enqueue_dma source(%arg11 : memref<2048xf32, #tpu.memory_space<vmem>>) target(%dma_start3A_91 : memref<2048xf32, #tpu.memory_space<hbm>>) target_semaphore(%arg12 : memref<!tpu.dma_semaphore, #tpu.memory_space<semaphore_mem>>)
      %dma_wait3A_92 = tpu.memref_slice %arg4[%add3A_64] : memref<6291456xf32, #tpu.memory_space<hbm>> -> memref<2048xf32, #tpu.memory_space<hbm>>
      %dma_wait3A_93 = tpu.memref_slice %arg4[%add3A_64] : memref<6291456xf32, #tpu.memory_space<hbm>> -> memref<2048xf32, #tpu.memory_space<hbm>>
      tpu.wait_dma2 semaphore(%arg12 : memref<!tpu.dma_semaphore, #tpu.memory_space<semaphore_mem>>) src(%arg9 : memref<2048xf32, #tpu.memory_space<vmem>>) dst(%dma_wait3A_93 : memref<2048xf32, #tpu.memory_space<hbm>>)
      %dma_wait3A_94 = tpu.memref_slice %arg4[%add3A_66] : memref<6291456xf32, #tpu.memory_space<hbm>> -> memref<2048xf32, #tpu.memory_space<hbm>>
      %dma_wait3A_95 = tpu.memref_slice %arg4[%add3A_66] : memref<6291456xf32, #tpu.memory_space<hbm>> -> memref<2048xf32, #tpu.memory_space<hbm>>
      tpu.wait_dma2 semaphore(%arg12 : memref<!tpu.dma_semaphore, #tpu.memory_space<semaphore_mem>>) src(%arg10 : memref<2048xf32, #tpu.memory_space<vmem>>) dst(%dma_wait3A_95 : memref<2048xf32, #tpu.memory_space<hbm>>)
      %dma_wait3A_96 = tpu.memref_slice %arg4[%add3A_68] : memref<6291456xf32, #tpu.memory_space<hbm>> -> memref<2048xf32, #tpu.memory_space<hbm>>
      %dma_wait3A_97 = tpu.memref_slice %arg4[%add3A_68] : memref<6291456xf32, #tpu.memory_space<hbm>> -> memref<2048xf32, #tpu.memory_space<hbm>>
      tpu.wait_dma2 semaphore(%arg12 : memref<!tpu.dma_semaphore, #tpu.memory_space<semaphore_mem>>) src(%arg11 : memref<2048xf32, #tpu.memory_space<vmem>>) dst(%dma_wait3A_97 : memref<2048xf32, #tpu.memory_space<hbm>>)
      %scan3A_98 = arith.constant 0 : i32
      scf.yield %scan3A_98 : i32
    }
    %scan3A_41 = arith.constant 4 : i32
    %scan3A_42 = arith.constant 0 : i32
    %scan3A_43 = arith.constant 0 : i32
    %scan3A_44 = arith.constant 4 : i32
    %scan3A_45 = arith.addi %scan3A_43, %scan3A_44 : i32
    %scan3A_46 = arith.constant 1 : i32
    %scan3A_47 = scf.for %scan3A_56 = %scan3A_43 to %scan3A_45 step %scan3A_46 iter_args(%scan3A_57 = %scan3A_42) -> (i32)  : i32 {
      %mul3A_58 = arith.constant 8192 : i32
      %mul3A_59 = arith.muli %add3A, %mul3A_58 : i32
      %mul3A_60 = arith.constant 2048 : i32
      %mul3A_61 = arith.muli %scan3A_56, %mul3A_60 : i32
      %add3A_62 = arith.addi %mul3A_59, %mul3A_61 : i32
      %add3A_63 = arith.constant 4718592 : i32
      %add3A_64 = arith.addi %add3A_63, %add3A_62 : i32
      %add3A_65 = arith.constant 4980736 : i32
      %add3A_66 = arith.addi %add3A_65, %add3A_62 : i32
      %add3A_67 = arith.constant 5242880 : i32
      %add3A_68 = arith.addi %add3A_67, %add3A_62 : i32
      %dma_start3A = tpu.memref_slice %arg2[%add3A_64] : memref<6291456xf32, #tpu.memory_space<hbm>> -> memref<2048xf32, #tpu.memory_space<hbm>>
      %dma_start3A_69 = tpu.memref_slice %arg2[%add3A_64] : memref<6291456xf32, #tpu.memory_space<hbm>> -> memref<2048xf32, #tpu.memory_space<hbm>>
      tpu.enqueue_dma source(%dma_start3A_69 : memref<2048xf32, #tpu.memory_space<hbm>>) target(%arg6 : memref<2048xf32, #tpu.memory_space<vmem>>) target_semaphore(%arg12 : memref<!tpu.dma_semaphore, #tpu.memory_space<semaphore_mem>>)
      %dma_start3A_70 = tpu.memref_slice %arg2[%add3A_66] : memref<6291456xf32, #tpu.memory_space<hbm>> -> memref<2048xf32, #tpu.memory_space<hbm>>
      %dma_start3A_71 = tpu.memref_slice %arg2[%add3A_66] : memref<6291456xf32, #tpu.memory_space<hbm>> -> memref<2048xf32, #tpu.memory_space<hbm>>
      tpu.enqueue_dma source(%dma_start3A_71 : memref<2048xf32, #tpu.memory_space<hbm>>) target(%arg7 : memref<2048xf32, #tpu.memory_space<vmem>>) target_semaphore(%arg12 : memref<!tpu.dma_semaphore, #tpu.memory_space<semaphore_mem>>)
      %dma_start3A_72 = tpu.memref_slice %arg2[%add3A_68] : memref<6291456xf32, #tpu.memory_space<hbm>> -> memref<2048xf32, #tpu.memory_space<hbm>>
      %dma_start3A_73 = tpu.memref_slice %arg2[%add3A_68] : memref<6291456xf32, #tpu.memory_space<hbm>> -> memref<2048xf32, #tpu.memory_space<hbm>>
      tpu.enqueue_dma source(%dma_start3A_73 : memref<2048xf32, #tpu.memory_space<hbm>>) target(%arg8 : memref<2048xf32, #tpu.memory_space<vmem>>) target_semaphore(%arg12 : memref<!tpu.dma_semaphore, #tpu.memory_space<semaphore_mem>>)
      %dma_wait3A = tpu.memref_slice %arg2[%add3A_64] : memref<6291456xf32, #tpu.memory_space<hbm>> -> memref<2048xf32, #tpu.memory_space<hbm>>
      %dma_wait3A_74 = tpu.memref_slice %arg2[%add3A_64] : memref<6291456xf32, #tpu.memory_space<hbm>> -> memref<2048xf32, #tpu.memory_space<hbm>>
      tpu.wait_dma2 semaphore(%arg12 : memref<!tpu.dma_semaphore, #tpu.memory_space<semaphore_mem>>) src(%dma_wait3A_74 : memref<2048xf32, #tpu.memory_space<hbm>>) dst(%arg6 : memref<2048xf32, #tpu.memory_space<vmem>>)
      %dma_wait3A_75 = tpu.memref_slice %arg2[%add3A_66] : memref<6291456xf32, #tpu.memory_space<hbm>> -> memref<2048xf32, #tpu.memory_space<hbm>>
      %dma_wait3A_76 = tpu.memref_slice %arg2[%add3A_66] : memref<6291456xf32, #tpu.memory_space<hbm>> -> memref<2048xf32, #tpu.memory_space<hbm>>
      tpu.wait_dma2 semaphore(%arg12 : memref<!tpu.dma_semaphore, #tpu.memory_space<semaphore_mem>>) src(%dma_wait3A_76 : memref<2048xf32, #tpu.memory_space<hbm>>) dst(%arg7 : memref<2048xf32, #tpu.memory_space<vmem>>)
      %dma_wait3A_77 = tpu.memref_slice %arg2[%add3A_68] : memref<6291456xf32, #tpu.memory_space<hbm>> -> memref<2048xf32, #tpu.memory_space<hbm>>
      %dma_wait3A_78 = tpu.memref_slice %arg2[%add3A_68] : memref<6291456xf32, #tpu.memory_space<hbm>> -> memref<2048xf32, #tpu.memory_space<hbm>>
      tpu.wait_dma2 semaphore(%arg12 : memref<!tpu.dma_semaphore, #tpu.memory_space<semaphore_mem>>) src(%dma_wait3A_78 : memref<2048xf32, #tpu.memory_space<hbm>>) dst(%arg8 : memref<2048xf32, #tpu.memory_space<vmem>>)
      %scan3A_79 = arith.constant 0 : i32
      %scan3A_80 = arith.constant 0 : i32
      %scan3A_81 = arith.constant 128 : i32
      %scan3A_82 = arith.addi %scan3A_80, %scan3A_81 : i32
      %scan3A_83 = arith.constant 1 : i32
      %scan3A_84 = scf.for %scan3A_99 = %scan3A_80 to %scan3A_82 step %scan3A_83 iter_args(%scan3A_100 = %scan3A_79) -> (i32)  : i32 {
        %mul3A_101 = arith.constant 16 : i32
        %mul3A_102 = arith.muli %scan3A_99, %mul3A_101 : i32
        %get3A = arith.index_cast %mul3A_102 : i32 to index
        %get3A_103 = tpu.vector_load %arg6[%get3A] {strides = array<i32>} : memref<2048xf32, #tpu.memory_space<vmem>>, vector<16xf32>,
        %mul3A_104 = arith.constant 3.200000e+01 : f32
        %mul3A_105 = vector.broadcast %mul3A_104 : f32 to vector<16xf32>
        %mul3A_106 = arith.mulf %get3A_103, %mul3A_105 : vector<16xf32>
        %convert_element_type3A = arith.fptosi %mul3A_106 : vector<16xf32> to vector<16xi32>
        %convert_element_type3A_107 = arith.sitofp %convert_element_type3A : vector<16xi32> to vector<16xf32>
        %sub3A = arith.subf %mul3A_106, %convert_element_type3A_107 : vector<16xf32>
        %min3A = arith.constant 31 : i32
        %min3A_108 = vector.broadcast %min3A : i32 to vector<16xi32>
        %min3A_109 = arith.minsi %convert_element_type3A, %min3A_108 : vector<16xi32>
        %get3A_110 = arith.index_cast %mul3A_102 : i32 to index
        %get3A_111 = tpu.vector_load %arg7[%get3A_110] {strides = array<i32>} : memref<2048xf32, #tpu.memory_space<vmem>>, vector<16xf32>,
        %mul3A_112 = arith.constant 3.200000e+01 : f32
        %mul3A_113 = vector.broadcast %mul3A_112 : f32 to vector<16xf32>
        %mul3A_114 = arith.mulf %get3A_111, %mul3A_113 : vector<16xf32>
        %convert_element_type3A_115 = arith.fptosi %mul3A_114 : vector<16xf32> to vector<16xi32>
        %convert_element_type3A_116 = arith.sitofp %convert_element_type3A_115 : vector<16xi32> to vector<16xf32>
        %sub3A_117 = arith.subf %mul3A_114, %convert_element_type3A_116 : vector<16xf32>
        %min3A_118 = arith.constant 31 : i32
        %min3A_119 = vector.broadcast %min3A_118 : i32 to vector<16xi32>
        %min3A_120 = arith.minsi %convert_element_type3A_115, %min3A_119 : vector<16xi32>
        %get3A_121 = arith.index_cast %mul3A_102 : i32 to index
        %get3A_122 = tpu.vector_load %arg8[%get3A_121] {strides = array<i32>} : memref<2048xf32, #tpu.memory_space<vmem>>, vector<16xf32>,
        %mul3A_123 = arith.constant 3.200000e+01 : f32
        %mul3A_124 = vector.broadcast %mul3A_123 : f32 to vector<16xf32>
        %mul3A_125 = arith.mulf %get3A_122, %mul3A_124 : vector<16xf32>
        %convert_element_type3A_126 = arith.fptosi %mul3A_125 : vector<16xf32> to vector<16xi32>
        %convert_element_type3A_127 = arith.sitofp %convert_element_type3A_126 : vector<16xi32> to vector<16xf32>
        %sub3A_128 = arith.subf %mul3A_125, %convert_element_type3A_127 : vector<16xf32>
        %min3A_129 = arith.constant 31 : i32
        %min3A_130 = vector.broadcast %min3A_129 : i32 to vector<16xi32>
        %min3A_131 = arith.minsi %convert_element_type3A_126, %min3A_130 : vector<16xi32>
        %mul3A_132 = arith.constant 33 : i32
        %mul3A_133 = vector.broadcast %mul3A_132 : i32 to vector<16xi32>
        %mul3A_134 = arith.muli %min3A_109, %mul3A_133 : vector<16xi32>
        %add3A_135 = arith.addi %mul3A_134, %min3A_120 : vector<16xi32>
        %mul3A_136 = arith.constant 33 : i32
        %mul3A_137 = vector.broadcast %mul3A_136 : i32 to vector<16xi32>
        %mul3A_138 = arith.muli %add3A_135, %mul3A_137 : vector<16xi32>
        %add3A_139 = arith.addi %mul3A_138, %min3A_131 : vector<16xi32>
        %mul3A_140 = arith.constant 3 : i32
        %mul3A_141 = vector.broadcast %mul3A_140 : i32 to vector<16xi32>
        %mul3A_142 = arith.muli %add3A_139, %mul3A_141 : vector<16xi32>
        %add3A_143 = arith.constant 0 : i32
        %add3A_144 = vector.broadcast %add3A_143 : i32 to vector<16xi32>
        %add3A_145 = arith.addi %mul3A_142, %add3A_144 : vector<16xi32>
        %gather3A = tpu.vector_load_idx %arg5[%add3A_145] : memref<107824xf32, #tpu.memory_space<vmem>>[vector<16xi32>], vector<16xf32>,
        %add3A_146 = arith.constant 3267 : i32
        %add3A_147 = vector.broadcast %add3A_146 : i32 to vector<16xi32>
        %add3A_148 = arith.addi %mul3A_142, %add3A_147 : vector<16xi32>
        %gather3A_149 = tpu.vector_load_idx %arg5[%add3A_148] : memref<107824xf32, #tpu.memory_space<vmem>>[vector<16xi32>], vector<16xf32>,
        %add3A_150 = arith.constant 99 : i32
        %add3A_151 = vector.broadcast %add3A_150 : i32 to vector<16xi32>
        %add3A_152 = arith.addi %mul3A_142, %add3A_151 : vector<16xi32>
        %gather3A_153 = tpu.vector_load_idx %arg5[%add3A_152] : memref<107824xf32, #tpu.memory_space<vmem>>[vector<16xi32>], vector<16xf32>,
        %add3A_154 = arith.constant 3366 : i32
        %add3A_155 = vector.broadcast %add3A_154 : i32 to vector<16xi32>
        %add3A_156 = arith.addi %mul3A_142, %add3A_155 : vector<16xi32>
        %gather3A_157 = tpu.vector_load_idx %arg5[%add3A_156] : memref<107824xf32, #tpu.memory_space<vmem>>[vector<16xi32>], vector<16xf32>,
        %add3A_158 = arith.constant 3 : i32
        %add3A_159 = vector.broadcast %add3A_158 : i32 to vector<16xi32>
        %add3A_160 = arith.addi %mul3A_142, %add3A_159 : vector<16xi32>
        %gather3A_161 = tpu.vector_load_idx %arg5[%add3A_160] : memref<107824xf32, #tpu.memory_space<vmem>>[vector<16xi32>], vector<16xf32>,
        %add3A_162 = arith.constant 3270 : i32
        %add3A_163 = vector.broadcast %add3A_162 : i32 to vector<16xi32>
        %add3A_164 = arith.addi %mul3A_142, %add3A_163 : vector<16xi32>
        %gather3A_165 = tpu.vector_load_idx %arg5[%add3A_164] : memref<107824xf32, #tpu.memory_space<vmem>>[vector<16xi32>], vector<16xf32>,
        %add3A_166 = arith.constant 102 : i32
        %add3A_167 = vector.broadcast %add3A_166 : i32 to vector<16xi32>
        %add3A_168 = arith.addi %mul3A_142, %add3A_167 : vector<16xi32>
        %gather3A_169 = tpu.vector_load_idx %arg5[%add3A_168] : memref<107824xf32, #tpu.memory_space<vmem>>[vector<16xi32>], vector<16xf32>,
        %add3A_170 = arith.constant 3369 : i32
        %add3A_171 = vector.broadcast %add3A_170 : i32 to vector<16xi32>
        %add3A_172 = arith.addi %mul3A_142, %add3A_171 : vector<16xi32>
        %gather3A_173 = tpu.vector_load_idx %arg5[%add3A_172] : memref<107824xf32, #tpu.memory_space<vmem>>[vector<16xi32>], vector<16xf32>,
        %sub3A_174 = arith.subf %gather3A_149, %gather3A : vector<16xf32>
        %mul3A_175 = arith.mulf %sub3A_174, %sub3A : vector<16xf32>
        %add3A_176 = arith.addf %gather3A, %mul3A_175 : vector<16xf32>
        %sub3A_177 = arith.subf %gather3A_165, %gather3A_161 : vector<16xf32>
        %mul3A_178 = arith.mulf %sub3A_177, %sub3A : vector<16xf32>
        %add3A_179 = arith.addf %gather3A_161, %mul3A_178 : vector<16xf32>
        %sub3A_180 = arith.subf %gather3A_157, %gather3A_153 : vector<16xf32>
        %mul3A_181 = arith.mulf %sub3A_180, %sub3A : vector<16xf32>
        %add3A_182 = arith.addf %gather3A_153, %mul3A_181 : vector<16xf32>
        %sub3A_183 = arith.subf %gather3A_173, %gather3A_169 : vector<16xf32>
        %mul3A_184 = arith.mulf %sub3A_183, %sub3A : vector<16xf32>
        %add3A_185 = arith.addf %gather3A_169, %mul3A_184 : vector<16xf32>
        %sub3A_186 = arith.subf %add3A_182, %add3A_176 : vector<16xf32>
        %mul3A_187 = arith.mulf %sub3A_186, %sub3A_117 : vector<16xf32>
        %add3A_188 = arith.addf %add3A_176, %mul3A_187 : vector<16xf32>
        %sub3A_189 = arith.subf %add3A_185, %add3A_179 : vector<16xf32>
        %mul3A_190 = arith.mulf %sub3A_189, %sub3A_117 : vector<16xf32>
        %add3A_191 = arith.addf %add3A_179, %mul3A_190 : vector<16xf32>
        %sub3A_192 = arith.subf %add3A_191, %add3A_188 : vector<16xf32>
        %mul3A_193 = arith.mulf %sub3A_192, %sub3A_128 : vector<16xf32>
        %add3A_194 = arith.addf %add3A_188, %mul3A_193 : vector<16xf32>
        %add3A_195 = arith.constant 1 : i32
        %add3A_196 = vector.broadcast %add3A_195 : i32 to vector<16xi32>
        %add3A_197 = arith.addi %mul3A_142, %add3A_196 : vector<16xi32>
        %gather3A_198 = tpu.vector_load_idx %arg5[%add3A_197] : memref<107824xf32, #tpu.memory_space<vmem>>[vector<16xi32>], vector<16xf32>,
        %add3A_199 = arith.constant 3268 : i32
        %add3A_200 = vector.broadcast %add3A_199 : i32 to vector<16xi32>
        %add3A_201 = arith.addi %mul3A_142, %add3A_200 : vector<16xi32>
        %gather3A_202 = tpu.vector_load_idx %arg5[%add3A_201] : memref<107824xf32, #tpu.memory_space<vmem>>[vector<16xi32>], vector<16xf32>,
        %add3A_203 = arith.constant 100 : i32
        %add3A_204 = vector.broadcast %add3A_203 : i32 to vector<16xi32>
        %add3A_205 = arith.addi %mul3A_142, %add3A_204 : vector<16xi32>
        %gather3A_206 = tpu.vector_load_idx %arg5[%add3A_205] : memref<107824xf32, #tpu.memory_space<vmem>>[vector<16xi32>], vector<16xf32>,
        %add3A_207 = arith.constant 3367 : i32
        %add3A_208 = vector.broadcast %add3A_207 : i32 to vector<16xi32>
        %add3A_209 = arith.addi %mul3A_142, %add3A_208 : vector<16xi32>
        %gather3A_210 = tpu.vector_load_idx %arg5[%add3A_209] : memref<107824xf32, #tpu.memory_space<vmem>>[vector<16xi32>], vector<16xf32>,
        %add3A_211 = arith.constant 4 : i32
        %add3A_212 = vector.broadcast %add3A_211 : i32 to vector<16xi32>
        %add3A_213 = arith.addi %mul3A_142, %add3A_212 : vector<16xi32>
        %gather3A_214 = tpu.vector_load_idx %arg5[%add3A_213] : memref<107824xf32, #tpu.memory_space<vmem>>[vector<16xi32>], vector<16xf32>,
        %add3A_215 = arith.constant 3271 : i32
        %add3A_216 = vector.broadcast %add3A_215 : i32 to vector<16xi32>
        %add3A_217 = arith.addi %mul3A_142, %add3A_216 : vector<16xi32>
        %gather3A_218 = tpu.vector_load_idx %arg5[%add3A_217] : memref<107824xf32, #tpu.memory_space<vmem>>[vector<16xi32>], vector<16xf32>,
        %add3A_219 = arith.constant 103 : i32
        %add3A_220 = vector.broadcast %add3A_219 : i32 to vector<16xi32>
        %add3A_221 = arith.addi %mul3A_142, %add3A_220 : vector<16xi32>
        %gather3A_222 = tpu.vector_load_idx %arg5[%add3A_221] : memref<107824xf32, #tpu.memory_space<vmem>>[vector<16xi32>], vector<16xf32>,
        %add3A_223 = arith.constant 3370 : i32
        %add3A_224 = vector.broadcast %add3A_223 : i32 to vector<16xi32>
        %add3A_225 = arith.addi %mul3A_142, %add3A_224 : vector<16xi32>
        %gather3A_226 = tpu.vector_load_idx %arg5[%add3A_225] : memref<107824xf32, #tpu.memory_space<vmem>>[vector<16xi32>], vector<16xf32>,
        %sub3A_227 = arith.subf %gather3A_202, %gather3A_198 : vector<16xf32>
        %mul3A_228 = arith.mulf %sub3A_227, %sub3A : vector<16xf32>
        %add3A_229 = arith.addf %gather3A_198, %mul3A_228 : vector<16xf32>
        %sub3A_230 = arith.subf %gather3A_218, %gather3A_214 : vector<16xf32>
        %mul3A_231 = arith.mulf %sub3A_230, %sub3A : vector<16xf32>
        %add3A_232 = arith.addf %gather3A_214, %mul3A_231 : vector<16xf32>
        %sub3A_233 = arith.subf %gather3A_210, %gather3A_206 : vector<16xf32>
        %mul3A_234 = arith.mulf %sub3A_233, %sub3A : vector<16xf32>
        %add3A_235 = arith.addf %gather3A_206, %mul3A_234 : vector<16xf32>
        %sub3A_236 = arith.subf %gather3A_226, %gather3A_222 : vector<16xf32>
        %mul3A_237 = arith.mulf %sub3A_236, %sub3A : vector<16xf32>
        %add3A_238 = arith.addf %gather3A_222, %mul3A_237 : vector<16xf32>
        %sub3A_239 = arith.subf %add3A_235, %add3A_229 : vector<16xf32>
        %mul3A_240 = arith.mulf %sub3A_239, %sub3A_117 : vector<16xf32>
        %add3A_241 = arith.addf %add3A_229, %mul3A_240 : vector<16xf32>
        %sub3A_242 = arith.subf %add3A_238, %add3A_232 : vector<16xf32>
        %mul3A_243 = arith.mulf %sub3A_242, %sub3A_117 : vector<16xf32>
        %add3A_244 = arith.addf %add3A_232, %mul3A_243 : vector<16xf32>
        %sub3A_245 = arith.subf %add3A_244, %add3A_241 : vector<16xf32>
        %mul3A_246 = arith.mulf %sub3A_245, %sub3A_128 : vector<16xf32>
        %add3A_247 = arith.addf %add3A_241, %mul3A_246 : vector<16xf32>
        %add3A_248 = arith.constant 2 : i32
        %add3A_249 = vector.broadcast %add3A_248 : i32 to vector<16xi32>
        %add3A_250 = arith.addi %mul3A_142, %add3A_249 : vector<16xi32>
        %gather3A_251 = tpu.vector_load_idx %arg5[%add3A_250] : memref<107824xf32, #tpu.memory_space<vmem>>[vector<16xi32>], vector<16xf32>,
        %add3A_252 = arith.constant 3269 : i32
        %add3A_253 = vector.broadcast %add3A_252 : i32 to vector<16xi32>
        %add3A_254 = arith.addi %mul3A_142, %add3A_253 : vector<16xi32>
        %gather3A_255 = tpu.vector_load_idx %arg5[%add3A_254] : memref<107824xf32, #tpu.memory_space<vmem>>[vector<16xi32>], vector<16xf32>,
        %add3A_256 = arith.constant 101 : i32
        %add3A_257 = vector.broadcast %add3A_256 : i32 to vector<16xi32>
        %add3A_258 = arith.addi %mul3A_142, %add3A_257 : vector<16xi32>
        %gather3A_259 = tpu.vector_load_idx %arg5[%add3A_258] : memref<107824xf32, #tpu.memory_space<vmem>>[vector<16xi32>], vector<16xf32>,
        %add3A_260 = arith.constant 3368 : i32
        %add3A_261 = vector.broadcast %add3A_260 : i32 to vector<16xi32>
        %add3A_262 = arith.addi %mul3A_142, %add3A_261 : vector<16xi32>
        %gather3A_263 = tpu.vector_load_idx %arg5[%add3A_262] : memref<107824xf32, #tpu.memory_space<vmem>>[vector<16xi32>], vector<16xf32>,
        %add3A_264 = arith.constant 5 : i32
        %add3A_265 = vector.broadcast %add3A_264 : i32 to vector<16xi32>
        %add3A_266 = arith.addi %mul3A_142, %add3A_265 : vector<16xi32>
        %gather3A_267 = tpu.vector_load_idx %arg5[%add3A_266] : memref<107824xf32, #tpu.memory_space<vmem>>[vector<16xi32>], vector<16xf32>,
        %add3A_268 = arith.constant 3272 : i32
        %add3A_269 = vector.broadcast %add3A_268 : i32 to vector<16xi32>
        %add3A_270 = arith.addi %mul3A_142, %add3A_269 : vector<16xi32>
        %gather3A_271 = tpu.vector_load_idx %arg5[%add3A_270] : memref<107824xf32, #tpu.memory_space<vmem>>[vector<16xi32>], vector<16xf32>,
        %add3A_272 = arith.constant 104 : i32
        %add3A_273 = vector.broadcast %add3A_272 : i32 to vector<16xi32>
        %add3A_274 = arith.addi %mul3A_142, %add3A_273 : vector<16xi32>
        %gather3A_275 = tpu.vector_load_idx %arg5[%add3A_274] : memref<107824xf32, #tpu.memory_space<vmem>>[vector<16xi32>], vector<16xf32>,
        %add3A_276 = arith.constant 3371 : i32
        %add3A_277 = vector.broadcast %add3A_276 : i32 to vector<16xi32>
        %add3A_278 = arith.addi %mul3A_142, %add3A_277 : vector<16xi32>
        %gather3A_279 = tpu.vector_load_idx %arg5[%add3A_278] : memref<107824xf32, #tpu.memory_space<vmem>>[vector<16xi32>], vector<16xf32>,
        %sub3A_280 = arith.subf %gather3A_255, %gather3A_251 : vector<16xf32>
        %mul3A_281 = arith.mulf %sub3A_280, %sub3A : vector<16xf32>
        %add3A_282 = arith.addf %gather3A_251, %mul3A_281 : vector<16xf32>
        %sub3A_283 = arith.subf %gather3A_271, %gather3A_267 : vector<16xf32>
        %mul3A_284 = arith.mulf %sub3A_283, %sub3A : vector<16xf32>
        %add3A_285 = arith.addf %gather3A_267, %mul3A_284 : vector<16xf32>
        %sub3A_286 = arith.subf %gather3A_263, %gather3A_259 : vector<16xf32>
        %mul3A_287 = arith.mulf %sub3A_286, %sub3A : vector<16xf32>
        %add3A_288 = arith.addf %gather3A_259, %mul3A_287 : vector<16xf32>
        %sub3A_289 = arith.subf %gather3A_279, %gather3A_275 : vector<16xf32>
        %mul3A_290 = arith.mulf %sub3A_289, %sub3A : vector<16xf32>
        %add3A_291 = arith.addf %gather3A_275, %mul3A_290 : vector<16xf32>
        %sub3A_292 = arith.subf %add3A_288, %add3A_282 : vector<16xf32>
        %mul3A_293 = arith.mulf %sub3A_292, %sub3A_117 : vector<16xf32>
        %add3A_294 = arith.addf %add3A_282, %mul3A_293 : vector<16xf32>
        %sub3A_295 = arith.subf %add3A_291, %add3A_285 : vector<16xf32>
        %mul3A_296 = arith.mulf %sub3A_295, %sub3A_117 : vector<16xf32>
        %add3A_297 = arith.addf %add3A_285, %mul3A_296 : vector<16xf32>
        %sub3A_298 = arith.subf %add3A_297, %add3A_294 : vector<16xf32>
        %mul3A_299 = arith.mulf %sub3A_298, %sub3A_128 : vector<16xf32>
        %add3A_300 = arith.addf %add3A_294, %mul3A_299 : vector<16xf32>
        %swap3A = arith.index_cast %mul3A_102 : i32 to index
        %swap3A_301 = tpu.vector_load %arg9[%swap3A] {strides = array<i32>} : memref<2048xf32, #tpu.memory_space<vmem>>, vector<16xf32>,
        tpu.vector_store %arg9[%swap3A], %add3A_194 {strides = array<i32>} : memref<2048xf32, #tpu.memory_space<vmem>>, vector<16xf32>,
        %swap3A_302 = arith.index_cast %mul3A_102 : i32 to index
        %swap3A_303 = tpu.vector_load %arg10[%swap3A_302] {strides = array<i32>} : memref<2048xf32, #tpu.memory_space<vmem>>, vector<16xf32>,
        tpu.vector_store %arg10[%swap3A_302], %add3A_247 {strides = array<i32>} : memref<2048xf32, #tpu.memory_space<vmem>>, vector<16xf32>,
        %swap3A_304 = arith.index_cast %mul3A_102 : i32 to index
        %swap3A_305 = tpu.vector_load %arg11[%swap3A_304] {strides = array<i32>} : memref<2048xf32, #tpu.memory_space<vmem>>, vector<16xf32>,
        tpu.vector_store %arg11[%swap3A_304], %add3A_300 {strides = array<i32>} : memref<2048xf32, #tpu.memory_space<vmem>>, vector<16xf32>,
        %scan3A_306 = arith.constant 0 : i32
        scf.yield %scan3A_306 : i32
      }
      %scan3A_85 = arith.constant 128 : i32
      %dma_start3A_86 = tpu.memref_slice %arg4[%add3A_64] : memref<6291456xf32, #tpu.memory_space<hbm>> -> memref<2048xf32, #tpu.memory_space<hbm>>
      %dma_start3A_87 = tpu.memref_slice %arg4[%add3A_64] : memref<6291456xf32, #tpu.memory_space<hbm>> -> memref<2048xf32, #tpu.memory_space<hbm>>
      tpu.enqueue_dma source(%arg9 : memref<2048xf32, #tpu.memory_space<vmem>>) target(%dma_start3A_87 : memref<2048xf32, #tpu.memory_space<hbm>>) target_semaphore(%arg12 : memref<!tpu.dma_semaphore, #tpu.memory_space<semaphore_mem>>)
      %dma_start3A_88 = tpu.memref_slice %arg4[%add3A_66] : memref<6291456xf32, #tpu.memory_space<hbm>> -> memref<2048xf32, #tpu.memory_space<hbm>>
      %dma_start3A_89 = tpu.memref_slice %arg4[%add3A_66] : memref<6291456xf32, #tpu.memory_space<hbm>> -> memref<2048xf32, #tpu.memory_space<hbm>>
      tpu.enqueue_dma source(%arg10 : memref<2048xf32, #tpu.memory_space<vmem>>) target(%dma_start3A_89 : memref<2048xf32, #tpu.memory_space<hbm>>) target_semaphore(%arg12 : memref<!tpu.dma_semaphore, #tpu.memory_space<semaphore_mem>>)
      %dma_start3A_90 = tpu.memref_slice %arg4[%add3A_68] : memref<6291456xf32, #tpu.memory_space<hbm>> -> memref<2048xf32, #tpu.memory_space<hbm>>
      %dma_start3A_91 = tpu.memref_slice %arg4[%add3A_68] : memref<6291456xf32, #tpu.memory_space<hbm>> -> memref<2048xf32, #tpu.memory_space<hbm>>
      tpu.enqueue_dma source(%arg11 : memref<2048xf32, #tpu.memory_space<vmem>>) target(%dma_start3A_91 : memref<2048xf32, #tpu.memory_space<hbm>>) target_semaphore(%arg12 : memref<!tpu.dma_semaphore, #tpu.memory_space<semaphore_mem>>)
      %dma_wait3A_92 = tpu.memref_slice %arg4[%add3A_64] : memref<6291456xf32, #tpu.memory_space<hbm>> -> memref<2048xf32, #tpu.memory_space<hbm>>
      %dma_wait3A_93 = tpu.memref_slice %arg4[%add3A_64] : memref<6291456xf32, #tpu.memory_space<hbm>> -> memref<2048xf32, #tpu.memory_space<hbm>>
      tpu.wait_dma2 semaphore(%arg12 : memref<!tpu.dma_semaphore, #tpu.memory_space<semaphore_mem>>) src(%arg9 : memref<2048xf32, #tpu.memory_space<vmem>>) dst(%dma_wait3A_93 : memref<2048xf32, #tpu.memory_space<hbm>>)
      %dma_wait3A_94 = tpu.memref_slice %arg4[%add3A_66] : memref<6291456xf32, #tpu.memory_space<hbm>> -> memref<2048xf32, #tpu.memory_space<hbm>>
      %dma_wait3A_95 = tpu.memref_slice %arg4[%add3A_66] : memref<6291456xf32, #tpu.memory_space<hbm>> -> memref<2048xf32, #tpu.memory_space<hbm>>
      tpu.wait_dma2 semaphore(%arg12 : memref<!tpu.dma_semaphore, #tpu.memory_space<semaphore_mem>>) src(%arg10 : memref<2048xf32, #tpu.memory_space<vmem>>) dst(%dma_wait3A_95 : memref<2048xf32, #tpu.memory_space<hbm>>)
      %dma_wait3A_96 = tpu.memref_slice %arg4[%add3A_68] : memref<6291456xf32, #tpu.memory_space<hbm>> -> memref<2048xf32, #tpu.memory_space<hbm>>
      %dma_wait3A_97 = tpu.memref_slice %arg4[%add3A_68] : memref<6291456xf32, #tpu.memory_space<hbm>> -> memref<2048xf32, #tpu.memory_space<hbm>>
      tpu.wait_dma2 semaphore(%arg12 : memref<!tpu.dma_semaphore, #tpu.memory_space<semaphore_mem>>) src(%arg11 : memref<2048xf32, #tpu.memory_space<vmem>>) dst(%dma_wait3A_97 : memref<2048xf32, #tpu.memory_space<hbm>>)
      %scan3A_98 = arith.constant 0 : i32
      scf.yield %scan3A_98 : i32
    }
    %scan3A_48 = arith.constant 4 : i32
    %scan3A_49 = arith.constant 0 : i32
    %scan3A_50 = arith.constant 0 : i32
    %scan3A_51 = arith.constant 4 : i32
    %scan3A_52 = arith.addi %scan3A_50, %scan3A_51 : i32
    %scan3A_53 = arith.constant 1 : i32
    %scan3A_54 = scf.for %scan3A_56 = %scan3A_50 to %scan3A_52 step %scan3A_53 iter_args(%scan3A_57 = %scan3A_49) -> (i32)  : i32 {
      %mul3A_58 = arith.constant 8192 : i32
      %mul3A_59 = arith.muli %add3A, %mul3A_58 : i32
      %mul3A_60 = arith.constant 2048 : i32
      %mul3A_61 = arith.muli %scan3A_56, %mul3A_60 : i32
      %add3A_62 = arith.addi %mul3A_59, %mul3A_61 : i32
      %add3A_63 = arith.constant 5505024 : i32
      %add3A_64 = arith.addi %add3A_63, %add3A_62 : i32
      %add3A_65 = arith.constant 5767168 : i32
      %add3A_66 = arith.addi %add3A_65, %add3A_62 : i32
      %add3A_67 = arith.constant 6029312 : i32
      %add3A_68 = arith.addi %add3A_67, %add3A_62 : i32
      %dma_start3A = tpu.memref_slice %arg2[%add3A_64] : memref<6291456xf32, #tpu.memory_space<hbm>> -> memref<2048xf32, #tpu.memory_space<hbm>>
      %dma_start3A_69 = tpu.memref_slice %arg2[%add3A_64] : memref<6291456xf32, #tpu.memory_space<hbm>> -> memref<2048xf32, #tpu.memory_space<hbm>>
      tpu.enqueue_dma source(%dma_start3A_69 : memref<2048xf32, #tpu.memory_space<hbm>>) target(%arg6 : memref<2048xf32, #tpu.memory_space<vmem>>) target_semaphore(%arg12 : memref<!tpu.dma_semaphore, #tpu.memory_space<semaphore_mem>>)
      %dma_start3A_70 = tpu.memref_slice %arg2[%add3A_66] : memref<6291456xf32, #tpu.memory_space<hbm>> -> memref<2048xf32, #tpu.memory_space<hbm>>
      %dma_start3A_71 = tpu.memref_slice %arg2[%add3A_66] : memref<6291456xf32, #tpu.memory_space<hbm>> -> memref<2048xf32, #tpu.memory_space<hbm>>
      tpu.enqueue_dma source(%dma_start3A_71 : memref<2048xf32, #tpu.memory_space<hbm>>) target(%arg7 : memref<2048xf32, #tpu.memory_space<vmem>>) target_semaphore(%arg12 : memref<!tpu.dma_semaphore, #tpu.memory_space<semaphore_mem>>)
      %dma_start3A_72 = tpu.memref_slice %arg2[%add3A_68] : memref<6291456xf32, #tpu.memory_space<hbm>> -> memref<2048xf32, #tpu.memory_space<hbm>>
      %dma_start3A_73 = tpu.memref_slice %arg2[%add3A_68] : memref<6291456xf32, #tpu.memory_space<hbm>> -> memref<2048xf32, #tpu.memory_space<hbm>>
      tpu.enqueue_dma source(%dma_start3A_73 : memref<2048xf32, #tpu.memory_space<hbm>>) target(%arg8 : memref<2048xf32, #tpu.memory_space<vmem>>) target_semaphore(%arg12 : memref<!tpu.dma_semaphore, #tpu.memory_space<semaphore_mem>>)
      %dma_wait3A = tpu.memref_slice %arg2[%add3A_64] : memref<6291456xf32, #tpu.memory_space<hbm>> -> memref<2048xf32, #tpu.memory_space<hbm>>
      %dma_wait3A_74 = tpu.memref_slice %arg2[%add3A_64] : memref<6291456xf32, #tpu.memory_space<hbm>> -> memref<2048xf32, #tpu.memory_space<hbm>>
      tpu.wait_dma2 semaphore(%arg12 : memref<!tpu.dma_semaphore, #tpu.memory_space<semaphore_mem>>) src(%dma_wait3A_74 : memref<2048xf32, #tpu.memory_space<hbm>>) dst(%arg6 : memref<2048xf32, #tpu.memory_space<vmem>>)
      %dma_wait3A_75 = tpu.memref_slice %arg2[%add3A_66] : memref<6291456xf32, #tpu.memory_space<hbm>> -> memref<2048xf32, #tpu.memory_space<hbm>>
      %dma_wait3A_76 = tpu.memref_slice %arg2[%add3A_66] : memref<6291456xf32, #tpu.memory_space<hbm>> -> memref<2048xf32, #tpu.memory_space<hbm>>
      tpu.wait_dma2 semaphore(%arg12 : memref<!tpu.dma_semaphore, #tpu.memory_space<semaphore_mem>>) src(%dma_wait3A_76 : memref<2048xf32, #tpu.memory_space<hbm>>) dst(%arg7 : memref<2048xf32, #tpu.memory_space<vmem>>)
      %dma_wait3A_77 = tpu.memref_slice %arg2[%add3A_68] : memref<6291456xf32, #tpu.memory_space<hbm>> -> memref<2048xf32, #tpu.memory_space<hbm>>
      %dma_wait3A_78 = tpu.memref_slice %arg2[%add3A_68] : memref<6291456xf32, #tpu.memory_space<hbm>> -> memref<2048xf32, #tpu.memory_space<hbm>>
      tpu.wait_dma2 semaphore(%arg12 : memref<!tpu.dma_semaphore, #tpu.memory_space<semaphore_mem>>) src(%dma_wait3A_78 : memref<2048xf32, #tpu.memory_space<hbm>>) dst(%arg8 : memref<2048xf32, #tpu.memory_space<vmem>>)
      %scan3A_79 = arith.constant 0 : i32
      %scan3A_80 = arith.constant 0 : i32
      %scan3A_81 = arith.constant 128 : i32
      %scan3A_82 = arith.addi %scan3A_80, %scan3A_81 : i32
      %scan3A_83 = arith.constant 1 : i32
      %scan3A_84 = scf.for %scan3A_99 = %scan3A_80 to %scan3A_82 step %scan3A_83 iter_args(%scan3A_100 = %scan3A_79) -> (i32)  : i32 {
        %mul3A_101 = arith.constant 16 : i32
        %mul3A_102 = arith.muli %scan3A_99, %mul3A_101 : i32
        %get3A = arith.index_cast %mul3A_102 : i32 to index
        %get3A_103 = tpu.vector_load %arg6[%get3A] {strides = array<i32>} : memref<2048xf32, #tpu.memory_space<vmem>>, vector<16xf32>,
        %mul3A_104 = arith.constant 3.200000e+01 : f32
        %mul3A_105 = vector.broadcast %mul3A_104 : f32 to vector<16xf32>
        %mul3A_106 = arith.mulf %get3A_103, %mul3A_105 : vector<16xf32>
        %convert_element_type3A = arith.fptosi %mul3A_106 : vector<16xf32> to vector<16xi32>
        %convert_element_type3A_107 = arith.sitofp %convert_element_type3A : vector<16xi32> to vector<16xf32>
        %sub3A = arith.subf %mul3A_106, %convert_element_type3A_107 : vector<16xf32>
        %min3A = arith.constant 31 : i32
        %min3A_108 = vector.broadcast %min3A : i32 to vector<16xi32>
        %min3A_109 = arith.minsi %convert_element_type3A, %min3A_108 : vector<16xi32>
        %get3A_110 = arith.index_cast %mul3A_102 : i32 to index
        %get3A_111 = tpu.vector_load %arg7[%get3A_110] {strides = array<i32>} : memref<2048xf32, #tpu.memory_space<vmem>>, vector<16xf32>,
        %mul3A_112 = arith.constant 3.200000e+01 : f32
        %mul3A_113 = vector.broadcast %mul3A_112 : f32 to vector<16xf32>
        %mul3A_114 = arith.mulf %get3A_111, %mul3A_113 : vector<16xf32>
        %convert_element_type3A_115 = arith.fptosi %mul3A_114 : vector<16xf32> to vector<16xi32>
        %convert_element_type3A_116 = arith.sitofp %convert_element_type3A_115 : vector<16xi32> to vector<16xf32>
        %sub3A_117 = arith.subf %mul3A_114, %convert_element_type3A_116 : vector<16xf32>
        %min3A_118 = arith.constant 31 : i32
        %min3A_119 = vector.broadcast %min3A_118 : i32 to vector<16xi32>
        %min3A_120 = arith.minsi %convert_element_type3A_115, %min3A_119 : vector<16xi32>
        %get3A_121 = arith.index_cast %mul3A_102 : i32 to index
        %get3A_122 = tpu.vector_load %arg8[%get3A_121] {strides = array<i32>} : memref<2048xf32, #tpu.memory_space<vmem>>, vector<16xf32>,
        %mul3A_123 = arith.constant 3.200000e+01 : f32
        %mul3A_124 = vector.broadcast %mul3A_123 : f32 to vector<16xf32>
        %mul3A_125 = arith.mulf %get3A_122, %mul3A_124 : vector<16xf32>
        %convert_element_type3A_126 = arith.fptosi %mul3A_125 : vector<16xf32> to vector<16xi32>
        %convert_element_type3A_127 = arith.sitofp %convert_element_type3A_126 : vector<16xi32> to vector<16xf32>
        %sub3A_128 = arith.subf %mul3A_125, %convert_element_type3A_127 : vector<16xf32>
        %min3A_129 = arith.constant 31 : i32
        %min3A_130 = vector.broadcast %min3A_129 : i32 to vector<16xi32>
        %min3A_131 = arith.minsi %convert_element_type3A_126, %min3A_130 : vector<16xi32>
        %mul3A_132 = arith.constant 33 : i32
        %mul3A_133 = vector.broadcast %mul3A_132 : i32 to vector<16xi32>
        %mul3A_134 = arith.muli %min3A_109, %mul3A_133 : vector<16xi32>
        %add3A_135 = arith.addi %mul3A_134, %min3A_120 : vector<16xi32>
        %mul3A_136 = arith.constant 33 : i32
        %mul3A_137 = vector.broadcast %mul3A_136 : i32 to vector<16xi32>
        %mul3A_138 = arith.muli %add3A_135, %mul3A_137 : vector<16xi32>
        %add3A_139 = arith.addi %mul3A_138, %min3A_131 : vector<16xi32>
        %mul3A_140 = arith.constant 3 : i32
        %mul3A_141 = vector.broadcast %mul3A_140 : i32 to vector<16xi32>
        %mul3A_142 = arith.muli %add3A_139, %mul3A_141 : vector<16xi32>
        %add3A_143 = arith.constant 0 : i32
        %add3A_144 = vector.broadcast %add3A_143 : i32 to vector<16xi32>
        %add3A_145 = arith.addi %mul3A_142, %add3A_144 : vector<16xi32>
        %gather3A = tpu.vector_load_idx %arg5[%add3A_145] : memref<107824xf32, #tpu.memory_space<vmem>>[vector<16xi32>], vector<16xf32>,
        %add3A_146 = arith.constant 3267 : i32
        %add3A_147 = vector.broadcast %add3A_146 : i32 to vector<16xi32>
        %add3A_148 = arith.addi %mul3A_142, %add3A_147 : vector<16xi32>
        %gather3A_149 = tpu.vector_load_idx %arg5[%add3A_148] : memref<107824xf32, #tpu.memory_space<vmem>>[vector<16xi32>], vector<16xf32>,
        %add3A_150 = arith.constant 99 : i32
        %add3A_151 = vector.broadcast %add3A_150 : i32 to vector<16xi32>
        %add3A_152 = arith.addi %mul3A_142, %add3A_151 : vector<16xi32>
        %gather3A_153 = tpu.vector_load_idx %arg5[%add3A_152] : memref<107824xf32, #tpu.memory_space<vmem>>[vector<16xi32>], vector<16xf32>,
        %add3A_154 = arith.constant 3366 : i32
        %add3A_155 = vector.broadcast %add3A_154 : i32 to vector<16xi32>
        %add3A_156 = arith.addi %mul3A_142, %add3A_155 : vector<16xi32>
        %gather3A_157 = tpu.vector_load_idx %arg5[%add3A_156] : memref<107824xf32, #tpu.memory_space<vmem>>[vector<16xi32>], vector<16xf32>,
        %add3A_158 = arith.constant 3 : i32
        %add3A_159 = vector.broadcast %add3A_158 : i32 to vector<16xi32>
        %add3A_160 = arith.addi %mul3A_142, %add3A_159 : vector<16xi32>
        %gather3A_161 = tpu.vector_load_idx %arg5[%add3A_160] : memref<107824xf32, #tpu.memory_space<vmem>>[vector<16xi32>], vector<16xf32>,
        %add3A_162 = arith.constant 3270 : i32
        %add3A_163 = vector.broadcast %add3A_162 : i32 to vector<16xi32>
        %add3A_164 = arith.addi %mul3A_142, %add3A_163 : vector<16xi32>
        %gather3A_165 = tpu.vector_load_idx %arg5[%add3A_164] : memref<107824xf32, #tpu.memory_space<vmem>>[vector<16xi32>], vector<16xf32>,
        %add3A_166 = arith.constant 102 : i32
        %add3A_167 = vector.broadcast %add3A_166 : i32 to vector<16xi32>
        %add3A_168 = arith.addi %mul3A_142, %add3A_167 : vector<16xi32>
        %gather3A_169 = tpu.vector_load_idx %arg5[%add3A_168] : memref<107824xf32, #tpu.memory_space<vmem>>[vector<16xi32>], vector<16xf32>,
        %add3A_170 = arith.constant 3369 : i32
        %add3A_171 = vector.broadcast %add3A_170 : i32 to vector<16xi32>
        %add3A_172 = arith.addi %mul3A_142, %add3A_171 : vector<16xi32>
        %gather3A_173 = tpu.vector_load_idx %arg5[%add3A_172] : memref<107824xf32, #tpu.memory_space<vmem>>[vector<16xi32>], vector<16xf32>,
        %sub3A_174 = arith.subf %gather3A_149, %gather3A : vector<16xf32>
        %mul3A_175 = arith.mulf %sub3A_174, %sub3A : vector<16xf32>
        %add3A_176 = arith.addf %gather3A, %mul3A_175 : vector<16xf32>
        %sub3A_177 = arith.subf %gather3A_165, %gather3A_161 : vector<16xf32>
        %mul3A_178 = arith.mulf %sub3A_177, %sub3A : vector<16xf32>
        %add3A_179 = arith.addf %gather3A_161, %mul3A_178 : vector<16xf32>
        %sub3A_180 = arith.subf %gather3A_157, %gather3A_153 : vector<16xf32>
        %mul3A_181 = arith.mulf %sub3A_180, %sub3A : vector<16xf32>
        %add3A_182 = arith.addf %gather3A_153, %mul3A_181 : vector<16xf32>
        %sub3A_183 = arith.subf %gather3A_173, %gather3A_169 : vector<16xf32>
        %mul3A_184 = arith.mulf %sub3A_183, %sub3A : vector<16xf32>
        %add3A_185 = arith.addf %gather3A_169, %mul3A_184 : vector<16xf32>
        %sub3A_186 = arith.subf %add3A_182, %add3A_176 : vector<16xf32>
        %mul3A_187 = arith.mulf %sub3A_186, %sub3A_117 : vector<16xf32>
        %add3A_188 = arith.addf %add3A_176, %mul3A_187 : vector<16xf32>
        %sub3A_189 = arith.subf %add3A_185, %add3A_179 : vector<16xf32>
        %mul3A_190 = arith.mulf %sub3A_189, %sub3A_117 : vector<16xf32>
        %add3A_191 = arith.addf %add3A_179, %mul3A_190 : vector<16xf32>
        %sub3A_192 = arith.subf %add3A_191, %add3A_188 : vector<16xf32>
        %mul3A_193 = arith.mulf %sub3A_192, %sub3A_128 : vector<16xf32>
        %add3A_194 = arith.addf %add3A_188, %mul3A_193 : vector<16xf32>
        %add3A_195 = arith.constant 1 : i32
        %add3A_196 = vector.broadcast %add3A_195 : i32 to vector<16xi32>
        %add3A_197 = arith.addi %mul3A_142, %add3A_196 : vector<16xi32>
        %gather3A_198 = tpu.vector_load_idx %arg5[%add3A_197] : memref<107824xf32, #tpu.memory_space<vmem>>[vector<16xi32>], vector<16xf32>,
        %add3A_199 = arith.constant 3268 : i32
        %add3A_200 = vector.broadcast %add3A_199 : i32 to vector<16xi32>
        %add3A_201 = arith.addi %mul3A_142, %add3A_200 : vector<16xi32>
        %gather3A_202 = tpu.vector_load_idx %arg5[%add3A_201] : memref<107824xf32, #tpu.memory_space<vmem>>[vector<16xi32>], vector<16xf32>,
        %add3A_203 = arith.constant 100 : i32
        %add3A_204 = vector.broadcast %add3A_203 : i32 to vector<16xi32>
        %add3A_205 = arith.addi %mul3A_142, %add3A_204 : vector<16xi32>
        %gather3A_206 = tpu.vector_load_idx %arg5[%add3A_205] : memref<107824xf32, #tpu.memory_space<vmem>>[vector<16xi32>], vector<16xf32>,
        %add3A_207 = arith.constant 3367 : i32
        %add3A_208 = vector.broadcast %add3A_207 : i32 to vector<16xi32>
        %add3A_209 = arith.addi %mul3A_142, %add3A_208 : vector<16xi32>
        %gather3A_210 = tpu.vector_load_idx %arg5[%add3A_209] : memref<107824xf32, #tpu.memory_space<vmem>>[vector<16xi32>], vector<16xf32>,
        %add3A_211 = arith.constant 4 : i32
        %add3A_212 = vector.broadcast %add3A_211 : i32 to vector<16xi32>
        %add3A_213 = arith.addi %mul3A_142, %add3A_212 : vector<16xi32>
        %gather3A_214 = tpu.vector_load_idx %arg5[%add3A_213] : memref<107824xf32, #tpu.memory_space<vmem>>[vector<16xi32>], vector<16xf32>,
        %add3A_215 = arith.constant 3271 : i32
        %add3A_216 = vector.broadcast %add3A_215 : i32 to vector<16xi32>
        %add3A_217 = arith.addi %mul3A_142, %add3A_216 : vector<16xi32>
        %gather3A_218 = tpu.vector_load_idx %arg5[%add3A_217] : memref<107824xf32, #tpu.memory_space<vmem>>[vector<16xi32>], vector<16xf32>,
        %add3A_219 = arith.constant 103 : i32
        %add3A_220 = vector.broadcast %add3A_219 : i32 to vector<16xi32>
        %add3A_221 = arith.addi %mul3A_142, %add3A_220 : vector<16xi32>
        %gather3A_222 = tpu.vector_load_idx %arg5[%add3A_221] : memref<107824xf32, #tpu.memory_space<vmem>>[vector<16xi32>], vector<16xf32>,
        %add3A_223 = arith.constant 3370 : i32
        %add3A_224 = vector.broadcast %add3A_223 : i32 to vector<16xi32>
        %add3A_225 = arith.addi %mul3A_142, %add3A_224 : vector<16xi32>
        %gather3A_226 = tpu.vector_load_idx %arg5[%add3A_225] : memref<107824xf32, #tpu.memory_space<vmem>>[vector<16xi32>], vector<16xf32>,
        %sub3A_227 = arith.subf %gather3A_202, %gather3A_198 : vector<16xf32>
        %mul3A_228 = arith.mulf %sub3A_227, %sub3A : vector<16xf32>
        %add3A_229 = arith.addf %gather3A_198, %mul3A_228 : vector<16xf32>
        %sub3A_230 = arith.subf %gather3A_218, %gather3A_214 : vector<16xf32>
        %mul3A_231 = arith.mulf %sub3A_230, %sub3A : vector<16xf32>
        %add3A_232 = arith.addf %gather3A_214, %mul3A_231 : vector<16xf32>
        %sub3A_233 = arith.subf %gather3A_210, %gather3A_206 : vector<16xf32>
        %mul3A_234 = arith.mulf %sub3A_233, %sub3A : vector<16xf32>
        %add3A_235 = arith.addf %gather3A_206, %mul3A_234 : vector<16xf32>
        %sub3A_236 = arith.subf %gather3A_226, %gather3A_222 : vector<16xf32>
        %mul3A_237 = arith.mulf %sub3A_236, %sub3A : vector<16xf32>
        %add3A_238 = arith.addf %gather3A_222, %mul3A_237 : vector<16xf32>
        %sub3A_239 = arith.subf %add3A_235, %add3A_229 : vector<16xf32>
        %mul3A_240 = arith.mulf %sub3A_239, %sub3A_117 : vector<16xf32>
        %add3A_241 = arith.addf %add3A_229, %mul3A_240 : vector<16xf32>
        %sub3A_242 = arith.subf %add3A_238, %add3A_232 : vector<16xf32>
        %mul3A_243 = arith.mulf %sub3A_242, %sub3A_117 : vector<16xf32>
        %add3A_244 = arith.addf %add3A_232, %mul3A_243 : vector<16xf32>
        %sub3A_245 = arith.subf %add3A_244, %add3A_241 : vector<16xf32>
        %mul3A_246 = arith.mulf %sub3A_245, %sub3A_128 : vector<16xf32>
        %add3A_247 = arith.addf %add3A_241, %mul3A_246 : vector<16xf32>
        %add3A_248 = arith.constant 2 : i32
        %add3A_249 = vector.broadcast %add3A_248 : i32 to vector<16xi32>
        %add3A_250 = arith.addi %mul3A_142, %add3A_249 : vector<16xi32>
        %gather3A_251 = tpu.vector_load_idx %arg5[%add3A_250] : memref<107824xf32, #tpu.memory_space<vmem>>[vector<16xi32>], vector<16xf32>,
        %add3A_252 = arith.constant 3269 : i32
        %add3A_253 = vector.broadcast %add3A_252 : i32 to vector<16xi32>
        %add3A_254 = arith.addi %mul3A_142, %add3A_253 : vector<16xi32>
        %gather3A_255 = tpu.vector_load_idx %arg5[%add3A_254] : memref<107824xf32, #tpu.memory_space<vmem>>[vector<16xi32>], vector<16xf32>,
        %add3A_256 = arith.constant 101 : i32
        %add3A_257 = vector.broadcast %add3A_256 : i32 to vector<16xi32>
        %add3A_258 = arith.addi %mul3A_142, %add3A_257 : vector<16xi32>
        %gather3A_259 = tpu.vector_load_idx %arg5[%add3A_258] : memref<107824xf32, #tpu.memory_space<vmem>>[vector<16xi32>], vector<16xf32>,
        %add3A_260 = arith.constant 3368 : i32
        %add3A_261 = vector.broadcast %add3A_260 : i32 to vector<16xi32>
        %add3A_262 = arith.addi %mul3A_142, %add3A_261 : vector<16xi32>
        %gather3A_263 = tpu.vector_load_idx %arg5[%add3A_262] : memref<107824xf32, #tpu.memory_space<vmem>>[vector<16xi32>], vector<16xf32>,
        %add3A_264 = arith.constant 5 : i32
        %add3A_265 = vector.broadcast %add3A_264 : i32 to vector<16xi32>
        %add3A_266 = arith.addi %mul3A_142, %add3A_265 : vector<16xi32>
        %gather3A_267 = tpu.vector_load_idx %arg5[%add3A_266] : memref<107824xf32, #tpu.memory_space<vmem>>[vector<16xi32>], vector<16xf32>,
        %add3A_268 = arith.constant 3272 : i32
        %add3A_269 = vector.broadcast %add3A_268 : i32 to vector<16xi32>
        %add3A_270 = arith.addi %mul3A_142, %add3A_269 : vector<16xi32>
        %gather3A_271 = tpu.vector_load_idx %arg5[%add3A_270] : memref<107824xf32, #tpu.memory_space<vmem>>[vector<16xi32>], vector<16xf32>,
        %add3A_272 = arith.constant 104 : i32
        %add3A_273 = vector.broadcast %add3A_272 : i32 to vector<16xi32>
        %add3A_274 = arith.addi %mul3A_142, %add3A_273 : vector<16xi32>
        %gather3A_275 = tpu.vector_load_idx %arg5[%add3A_274] : memref<107824xf32, #tpu.memory_space<vmem>>[vector<16xi32>], vector<16xf32>,
        %add3A_276 = arith.constant 3371 : i32
        %add3A_277 = vector.broadcast %add3A_276 : i32 to vector<16xi32>
        %add3A_278 = arith.addi %mul3A_142, %add3A_277 : vector<16xi32>
        %gather3A_279 = tpu.vector_load_idx %arg5[%add3A_278] : memref<107824xf32, #tpu.memory_space<vmem>>[vector<16xi32>], vector<16xf32>,
        %sub3A_280 = arith.subf %gather3A_255, %gather3A_251 : vector<16xf32>
        %mul3A_281 = arith.mulf %sub3A_280, %sub3A : vector<16xf32>
        %add3A_282 = arith.addf %gather3A_251, %mul3A_281 : vector<16xf32>
        %sub3A_283 = arith.subf %gather3A_271, %gather3A_267 : vector<16xf32>
        %mul3A_284 = arith.mulf %sub3A_283, %sub3A : vector<16xf32>
        %add3A_285 = arith.addf %gather3A_267, %mul3A_284 : vector<16xf32>
        %sub3A_286 = arith.subf %gather3A_263, %gather3A_259 : vector<16xf32>
        %mul3A_287 = arith.mulf %sub3A_286, %sub3A : vector<16xf32>
        %add3A_288 = arith.addf %gather3A_259, %mul3A_287 : vector<16xf32>
        %sub3A_289 = arith.subf %gather3A_279, %gather3A_275 : vector<16xf32>
        %mul3A_290 = arith.mulf %sub3A_289, %sub3A : vector<16xf32>
        %add3A_291 = arith.addf %gather3A_275, %mul3A_290 : vector<16xf32>
        %sub3A_292 = arith.subf %add3A_288, %add3A_282 : vector<16xf32>
        %mul3A_293 = arith.mulf %sub3A_292, %sub3A_117 : vector<16xf32>
        %add3A_294 = arith.addf %add3A_282, %mul3A_293 : vector<16xf32>
        %sub3A_295 = arith.subf %add3A_291, %add3A_285 : vector<16xf32>
        %mul3A_296 = arith.mulf %sub3A_295, %sub3A_117 : vector<16xf32>
        %add3A_297 = arith.addf %add3A_285, %mul3A_296 : vector<16xf32>
        %sub3A_298 = arith.subf %add3A_297, %add3A_294 : vector<16xf32>
        %mul3A_299 = arith.mulf %sub3A_298, %sub3A_128 : vector<16xf32>
        %add3A_300 = arith.addf %add3A_294, %mul3A_299 : vector<16xf32>
        %swap3A = arith.index_cast %mul3A_102 : i32 to index
        %swap3A_301 = tpu.vector_load %arg9[%swap3A] {strides = array<i32>} : memref<2048xf32, #tpu.memory_space<vmem>>, vector<16xf32>,
        tpu.vector_store %arg9[%swap3A], %add3A_194 {strides = array<i32>} : memref<2048xf32, #tpu.memory_space<vmem>>, vector<16xf32>,
        %swap3A_302 = arith.index_cast %mul3A_102 : i32 to index
        %swap3A_303 = tpu.vector_load %arg10[%swap3A_302] {strides = array<i32>} : memref<2048xf32, #tpu.memory_space<vmem>>, vector<16xf32>,
        tpu.vector_store %arg10[%swap3A_302], %add3A_247 {strides = array<i32>} : memref<2048xf32, #tpu.memory_space<vmem>>, vector<16xf32>,
        %swap3A_304 = arith.index_cast %mul3A_102 : i32 to index
        %swap3A_305 = tpu.vector_load %arg11[%swap3A_304] {strides = array<i32>} : memref<2048xf32, #tpu.memory_space<vmem>>, vector<16xf32>,
        tpu.vector_store %arg11[%swap3A_304], %add3A_300 {strides = array<i32>} : memref<2048xf32, #tpu.memory_space<vmem>>, vector<16xf32>,
        %scan3A_306 = arith.constant 0 : i32
        scf.yield %scan3A_306 : i32
      }
      %scan3A_85 = arith.constant 128 : i32
      %dma_start3A_86 = tpu.memref_slice %arg4[%add3A_64] : memref<6291456xf32, #tpu.memory_space<hbm>> -> memref<2048xf32, #tpu.memory_space<hbm>>
      %dma_start3A_87 = tpu.memref_slice %arg4[%add3A_64] : memref<6291456xf32, #tpu.memory_space<hbm>> -> memref<2048xf32, #tpu.memory_space<hbm>>
      tpu.enqueue_dma source(%arg9 : memref<2048xf32, #tpu.memory_space<vmem>>) target(%dma_start3A_87 : memref<2048xf32, #tpu.memory_space<hbm>>) target_semaphore(%arg12 : memref<!tpu.dma_semaphore, #tpu.memory_space<semaphore_mem>>)
      %dma_start3A_88 = tpu.memref_slice %arg4[%add3A_66] : memref<6291456xf32, #tpu.memory_space<hbm>> -> memref<2048xf32, #tpu.memory_space<hbm>>
      %dma_start3A_89 = tpu.memref_slice %arg4[%add3A_66] : memref<6291456xf32, #tpu.memory_space<hbm>> -> memref<2048xf32, #tpu.memory_space<hbm>>
      tpu.enqueue_dma source(%arg10 : memref<2048xf32, #tpu.memory_space<vmem>>) target(%dma_start3A_89 : memref<2048xf32, #tpu.memory_space<hbm>>) target_semaphore(%arg12 : memref<!tpu.dma_semaphore, #tpu.memory_space<semaphore_mem>>)
      %dma_start3A_90 = tpu.memref_slice %arg4[%add3A_68] : memref<6291456xf32, #tpu.memory_space<hbm>> -> memref<2048xf32, #tpu.memory_space<hbm>>
      %dma_start3A_91 = tpu.memref_slice %arg4[%add3A_68] : memref<6291456xf32, #tpu.memory_space<hbm>> -> memref<2048xf32, #tpu.memory_space<hbm>>
      tpu.enqueue_dma source(%arg11 : memref<2048xf32, #tpu.memory_space<vmem>>) target(%dma_start3A_91 : memref<2048xf32, #tpu.memory_space<hbm>>) target_semaphore(%arg12 : memref<!tpu.dma_semaphore, #tpu.memory_space<semaphore_mem>>)
      %dma_wait3A_92 = tpu.memref_slice %arg4[%add3A_64] : memref<6291456xf32, #tpu.memory_space<hbm>> -> memref<2048xf32, #tpu.memory_space<hbm>>
      %dma_wait3A_93 = tpu.memref_slice %arg4[%add3A_64] : memref<6291456xf32, #tpu.memory_space<hbm>> -> memref<2048xf32, #tpu.memory_space<hbm>>
      tpu.wait_dma2 semaphore(%arg12 : memref<!tpu.dma_semaphore, #tpu.memory_space<semaphore_mem>>) src(%arg9 : memref<2048xf32, #tpu.memory_space<vmem>>) dst(%dma_wait3A_93 : memref<2048xf32, #tpu.memory_space<hbm>>)
      %dma_wait3A_94 = tpu.memref_slice %arg4[%add3A_66] : memref<6291456xf32, #tpu.memory_space<hbm>> -> memref<2048xf32, #tpu.memory_space<hbm>>
      %dma_wait3A_95 = tpu.memref_slice %arg4[%add3A_66] : memref<6291456xf32, #tpu.memory_space<hbm>> -> memref<2048xf32, #tpu.memory_space<hbm>>
      tpu.wait_dma2 semaphore(%arg12 : memref<!tpu.dma_semaphore, #tpu.memory_space<semaphore_mem>>) src(%arg10 : memref<2048xf32, #tpu.memory_space<vmem>>) dst(%dma_wait3A_95 : memref<2048xf32, #tpu.memory_space<hbm>>)
      %dma_wait3A_96 = tpu.memref_slice %arg4[%add3A_68] : memref<6291456xf32, #tpu.memory_space<hbm>> -> memref<2048xf32, #tpu.memory_space<hbm>>
      %dma_wait3A_97 = tpu.memref_slice %arg4[%add3A_68] : memref<6291456xf32, #tpu.memory_space<hbm>> -> memref<2048xf32, #tpu.memory_space<hbm>>
      tpu.wait_dma2 semaphore(%arg12 : memref<!tpu.dma_semaphore, #tpu.memory_space<semaphore_mem>>) src(%arg11 : memref<2048xf32, #tpu.memory_space<vmem>>) dst(%dma_wait3A_97 : memref<2048xf32, #tpu.memory_space<hbm>>)
      %scan3A_98 = arith.constant 0 : i32
      scf.yield %scan3A_98 : i32
    }
    %scan3A_55 = arith.constant 4 : i32
    return
  }
}

</mosaic_0001>

<sc_bundles>
// kernel: kernel.3.cloned.1.call-start
scs
__scs_entry_jumppad:
0x0: {  	(pc) =	sbr.rel $0x88, $3  }
0x1: {  	(tag) =	ssettag $0x0;
	lr =	simm.s32 $0x1  }
0x2: {  	[smem:$0x3F9F] =	sst lr;
	_ =	strace $0xD0000000  }
0x3: {  	_ = 	snop  }
0x4: {  	_ = 	snop  }
0x5: {  	_ = 	snop  }
0x6: {  	_ = 	snop  }
0x7: {  	_ = 	snop  }
__scs_overlays_trampoline_lowered:
0x8: {  	[smem:$0x3FAE] =	sst s0  }
0x9: {  	[smem:$0x3FAF] =	sst s1  }
0xa: {  	[smem:$0x3FB0] =	sst s2  }
0xb: {  	[smem:$0x3FB1] =	sst s3  }
0xc: {  	[smem:$0x3FB2] =	sst s4  }
0xd: {  	[smem:$0x3FB3] =	sst s5  }
0xe: {  	[smem:$0x3FB4] =	sst s6  }
0xf: {  	[smem:$0x3FB5] =	sst s7  }
0x10: {  	[smem:$0x3FB6] =	sst s8  }
0x11: {  	[smem:$0x3FB7] =	sst s9;
	s0 =	simm.s32 @!p0 $0x0  }
0x12: {  	s1 =	sld [smem:$0x3F9D];
	s0 =	simm.s32 @p0 $0x1  }
0x13: {  	[smem:$0x3FB8] =	sst s0;
	s0 =	simm.s32 @!p1 $0x0  }
0x14: {  	s2 =	sld [smem:$0x3F9C];
	s0 =	simm.s32 @p1 $0x1  }
0x15: {  	[smem:$0x3FB9] =	sst s0;
	s0 =	simm.s32 @!p2 $0x0  }
0x16: {  	s3 =	sld [smem:$0x3FDB];
	s0 =	simm.s32 @p2 $0x1  }
0x17: {  	s4 =	simm.s32 $0x1BF5;
	[smem:$0x3FBB] =	sst s0  }
0x18: {  	s0 =	sld [smem:$0x3F9E];
	_ =	swait.ge [sflag:s4], $0x0  }
0x19: {  	s7 =	sld [smem:$0x3F9F]  }
0x1a: {  	s8 =	sadd.s32 $0xFFFFE003, lr  }
0x1b: {  	s9 =	sadd.s32 $0xFFFFFEF7, lr;
	s5 =	simm.s32 $0xFFFFFFFF;
	p2 =	slt.u32 s8, $0xFFFFF086  }
0x1c: {  	p1 =	slt.u32 s9, $0xF7A;
	s5 =	simm.s32 @!p2 $0x0  }
0x1d: {  	s5 =	simm.s32 @p1 $0x1;
	p0 =	seq.s32 s7, s2  }
0x1e: {  	s7 =	smul.u32 @!p0 $0xF7A, s2;
	p2 =	seq.s32 @!p0 s5, $0x0  }
0x1f: {  	s9 =	smul.u32 $0xF7A, s1;
	s8 =	simm.s32 @!p0 $0x1BF5;
	p2 =	por !p2, p0  }
0x20: {  	[sflag:s8] =	ssyncset.s32 @!p0 $0xFFFFF086;
	s6 =	sadd.s32 @!p0 s3, s7;
	s7 =	simm.s32 @!p0 $0x108  }
0x21: {  	s3 =	sadd.s32 s3, s9;
	s6 =	sadd.s32 @!p0 $0x88, s6;
	s7 =	simm.s32 @p2 $0x1082  }
0x22: {  	[simem:s7], [sflag:s8] =	dma.local @!p0 [hbm:s6], $0xF7A  }
0x23: {  	s9 =	sor.u32 $0xD0000000, s2;
	s6 =	simm.s32 $0x108;
	_ =	swait.ge @!p0 [sflag:s8], $0x0  }
0x24: {  	s3 =	sadd.s32 $0x88, s3;
	s6 =	simm.s32 @!p1 $0x1082;
	[sflag:s4] =	ssyncset.s32 $0xFFFFF086  }
0x25: {  	[simem:s6], [sflag:s4] =	dma.local [hbm:s3], $0xF7A  }
0x26: {  	[smem:$0x3F9F] =	sst s1;
	(tag) =	ssettag s2;
	_ =	strace s9  }
0x27: {  	s1 =	sld [smem:$0x3FAF]  }
0x28: {  	s2 =	sld [smem:$0x3FB0]  }
0x29: {  	s4 =	sld [smem:$0x3FB2]  }
0x2a: {  	p0 =	seq.s32 s5, $0x0;
	s5 =	sld [smem:$0x3FB3]  }
0x2b: {  	s6 =	sld [smem:$0x3FB4]  }
0x2c: {  	s7 =	sld [smem:$0x3FB5]  }
0x2d: {  	s3 =	simm.s32 $0x108;
	s8 =	sld [smem:$0x3FB6]  }
0x2e: {  	s3 =	simm.s32 @!p0 $0x1082;
	s9 =	sld [smem:$0x3FB7]  }
0x2f: {  	lr =	sadd.s32 s0, s3;
	s0 =	sld [smem:$0x3FAE]  }
0x30: {  	s3 =	sld [smem:$0x3FB1]  }
0x31: {  	[smem:$0x3FBA] =	sst s10  }
0x32: {  	s10 =	sld [smem:$0x3FB8];
	_ =	sdelay $0x3  }
0x33: {  	p0 =	seq.s32 s10, $0x1;
	s10 =	sld [smem:$0x3FBA];
	_ =	sdelay $0x3  }
0x34: {  	[smem:$0x3FBA] =	sst s10  }
0x35: {  	s10 =	sld [smem:$0x3FB9];
	_ =	sdelay $0x3  }
0x36: {  	p1 =	seq.s32 s10, $0x1;
	s10 =	sld [smem:$0x3FBA];
	_ =	sdelay $0x3  }
0x37: {  	[smem:$0x3FBA] =	sst s10  }
0x38: {  	s10 =	sld [smem:$0x3FBB]  }
0x39: {  	_ = 	snop;
	(pc) =	sbr.ind lr, $3  }
0x3a: {  	_ = 	snop  }
0x3b: {  	_ = 	snop  }
0x3c: {  	p2 =	seq.s32 s10, $0x1;
	s10 =	sld [smem:$0x3FBA]  }
0x3d: {  	_ =	shalt  }
0x3e: {  	_ =	shalt  }
0x3f: {  	_ =	shalt  }
0x40: {  	_ =	shalt  }
0x41: {  	_ =	shalt  }
0x42: {  	_ =	shalt  }
0x43: {  	_ =	shalt  }
0x44: {  	_ =	shalt  }
0x45: {  	_ =	shalt  }
0x46: {  	_ =	shalt  }
0x47: {  	_ =	shalt  }
0x48: {  	_ =	shalt  }
0x49: {  	_ =	shalt  }
0x4a: {  	_ =	shalt  }
0x4b: {  	_ =	shalt  }
0x4c: {  	_ =	shalt  }
0x4d: {  	_ =	shalt  }
0x4e: {  	_ =	shalt  }
0x4f: {  	_ =	shalt  }
0x50: {  	_ =	shalt  }
0x51: {  	_ =	shalt  }
0x52: {  	_ =	shalt  }
0x53: {  	_ =	shalt  }
0x54: {  	_ =	shalt  }
0x55: {  	_ =	shalt  }
0x56: {  	_ =	shalt  }
0x57: {  	_ =	shalt  }
0x58: {  	_ =	shalt  }
0x59: {  	_ =	shalt  }
0x5a: {  	_ =	shalt  }
0x5b: {  	_ =	shalt  }
0x5c: {  	_ =	shalt  }
0x5d: {  	_ =	shalt  }
0x5e: {  	_ =	shalt  }
0x5f: {  	_ =	shalt  }
0x60: {  	_ =	shalt  }
0x61: {  	_ =	shalt  }
0x62: {  	_ =	shalt  }
0x63: {  	_ =	shalt  }
0x64: {  	_ =	shalt  }
0x65: {  	_ =	shalt  }
0x66: {  	_ =	shalt  }
0x67: {  	_ =	shalt  }
0x68: {  	_ =	shalt  }
0x69: {  	_ =	shalt  }
0x6a: {  	_ =	shalt  }
0x6b: {  	_ =	shalt  }
0x6c: {  	_ =	shalt  }
0x6d: {  	_ =	shalt  }
0x6e: {  	_ =	shalt  }
0x6f: {  	_ =	shalt  }
0x70: {  	_ =	shalt  }
0x71: {  	_ =	shalt  }
0x72: {  	_ =	shalt  }
0x73: {  	_ =	shalt  }
0x74: {  	_ =	shalt  }
0x75: {  	_ =	shalt  }
0x76: {  	_ =	shalt  }
0x77: {  	_ =	shalt  }
0x78: {  	_ =	shalt  }
0x79: {  	_ =	shalt  }
0x7a: {  	_ =	shalt  }
0x7b: {  	_ =	shalt  }
0x7c: {  	_ =	shalt  }
0x7d: {  	_ =	shalt  }
0x7e: {  	_ =	shalt  }
0x7f: {  	_ =	shalt  }
0x80: {  	_ =	shalt  }
0x81: {  	_ =	shalt  }
0x82: {  	_ =	shalt  }
0x83: {  	_ =	shalt  }
0x84: {  	_ =	shalt  }
0x85: {  	_ =	shalt  }
0x86: {  	_ =	shalt  }
0x87: {  	_ =	shalt  }
.Lfunc_end0:
.L_simem_size_0:
called_computation_lowered:
.L_overlay_start_0:
0x88: {  	s2 =	sld [smem:$0x3FD9]  }
0x89: {  	s3 =	sld [smem:$0x3FFE];
	_ =	sdelay $0x1  }
0x8a: {  	s1 =	srdreg.scid  }
0x8b: {  	s0 =	sand.u32 $0x1, s1  }
0x8c: {  	s17 =	sshll.u32 s0, $0xA;
	s2 =	sadd.s32 s3, s2  }
0x8d: {  	s2 =	sadd.s32 s2, s17  }
0x8e: {  	[smem:$0x3FC6] =	sst s2  }
0x8f: {  	_ = 	snop  }
0x90: {  	s2 =	sld [smem:$0x3FD0];
	(tm) =	ssettm $0x1  }
0x91: {  	s18 =	sld [smem:$0x3FFB];
	_ =	sdelay $0x3  }
0x92: {  	_ =	strace s18  }
0x93: {  	s3 =	sld [smem:$0x3FFC];
	_ =	sdelay $0x3  }
0x94: {  	_ =	strace s3  }
0x95: {  	s3 =	sld [smem:$0x3FFD];
	_ =	sdelay $0x3  }
0x96: {  	_ =	strace s3  }
0x97: {  	_ =	strace $0x8FFFFFFF  }
0x98: {  	s19 =	sld [smem:$0x3FDB];
	_ =	sdelay $0x1  }
0x99: {  	s4 =	simm.s32 $_scs_section_size  }
0x9a: {  	s5 =	simm.s32 $_size__tile_overlayer_lowered;
	s6 =	simm.s32 $_tile_overlayer_lowered  }
0x9b: {  	s22 =	simm.s32 $0x1BFF;
	s21 =	sshll.u32 s6, $0x1;
	s3 =	sadd.s32 s4, s19  }
0x9c: {  	s7 =	simm.s32 $0x0;
	s20 =	sshll.u32 s5, $0x1;
	s5 =	sadd.s32 s21, s3  }
0x9d: {  	[timem:s7], [sflag:s22] =	dma.local [hbm:s5], s20  }
0x9e: {  	_ =	swait.ge [sflag:s22], s20  }
0x9f: {  	s4 =	ssub.s32 $0x0, s20;
	[sflag:s22] =	ssyncset.done $0x0  }
0xa0: {  	[sflag:s22] =	ssyncadd.s32 s4;
	_ =	sdelay $0x1  }
0xa1: {  	s23 =	simm.s32 $0x1B8B  }
0xa2: {  	_ =	swait.ge [sflag:s23], $0x1  }
0xa3: {  	[sflag:s23] =	ssyncset.done $0x0  }
0xa4: {  	s25 =	simm.s32 $0x1B8E;
	s24 =	sld [smem:$0x3FFE];
	[sflag:s23] =	ssyncadd.s32 $0xFFFFFFFF  }
0xa5: {  	s26 =	simm.s32 $execute0_lowered;
	[smem:$0x3FD2] =	sst s25  }
0xa6: {  	s5 =	sshll.u32 s26, $0x1;
	_ =	strace $0x80000046;
	[dreg:$0x1] =	wrdreg $0xFFFFFFFF  }
0xa7: {  	s28 =	simm.s32 $_size_execute0_lowered;
	s3 =	sadd.s32 s3, s5;
	[dreg:$0x0] =	wrdreg $0x0  }
0xa8: {  	s5 =	sshll.u32 s28, $0x1;
	[dreg:$0x2] =	wrdreg s3  }
0xa9: {  	[dreg:$0x3] =	wrdreg s5  }
0xaa: {  	[dreg:$0x4] =	wrdreg $0xC0  }
0xab: {  	_ =	task [dreg:s7], $0x5FFFF  }
0xac: {  	[dreg:$0x1] =	wrdreg $0xFFFFFFFF  }
0xad: {  	[dreg:$0x0] =	wrdreg $0x60  }
0xae: {  	[dreg:$0x2] =	wrdreg s2  }
0xaf: {  	[dreg:$0x3] =	wrdreg s24  }
0xb0: {  	[dreg:$0x4] =	wrdreg $0x9  }
0xb1: {  	_ =	task.clear_ibuf [dreg:s7], $0x5FFFF;
	_ =	strace $0x90000046  }
0xb2: {  	s29 =	simm.s32 $0x9;
	_ =	strace $0x80000048  }
0xb3: {  	_ =	swait.ge [sflag:s29], $0x1  }
0xb4: {  	[sflag:s29] =	ssyncadd.s32 $0xFFFFFFFF  }
0xb5: {  	_ =	strace $0x90000048  }
0xb6: {  	_ =	sfence  }
0xb7: {  	s30 =	sld [smem:$0x0];
	_ =	sdelay $0x2  }
0xb8: {  	s31 =	sshll.u32 s1, $0xD;
	s1 =	sshrl.u32 s1, $0x2  }
0xb9: {  	s3 =	sand.u32 $0x4000, s31;
	s1 =	sadd.s32 s1, s30  }
0xba: {  	s0 =	sor.u32 s3, s0;
	s1 =	sshll.u32 s1, $0x11  }
0xbb: {  	s0 =	sor.u32 s1, s0  }
0xbc: {  	s0 =	sadd.s32 $0x8F2B, s0  }
0xbd: {  	[sflag:s0] =	ssyncadd.remote.s32 $0x1  }
0xbe: {  	_ =	sfence.sel $0xFFFF  }
0xbf: {  	[dreg:$0x0] =	wrdreg $0xFFFFFFFF;
	(pc) =	sbr.abs _section_cstart, $3  }
0xc0: {  	[dreg:$0x1] =	wrdreg $0xFFFFFFFF  }
0xc1: {  	_ =	task.clear_ibuf [dreg:s7], $0x2FFFF;
	_ =	strace $0x9FFFFFFF  }
0xc2: {  	(tm) =	ssettm $0x7FFFFFFF  }
0xc3: {  	_ =	shalt  }
tec
execute0_lowered:
.L_overlay_start_1:
0x0: {  	(tag) =	ssettag $0x1  }
0x1: {  	s1 =	rddreg [dreg:$0x0]  }
0x2: {  	s5 =	rddreg [dreg:$0x1]  }
0x3: {  	s0 =	rddreg [dreg:$0x2]  }
0x4: {  	s2 =	simm.s32 $0x0;
	s3 =	srdreg.scid;
	s9 =	simm.s32 $0x1A580  }
0x5: {  	s10 =	simm.s32 $0x1AD80;
	s11 =	simm.s32 $0x1B580;
	s12 =	simm.s32 $0x1  }
0x6: {  	s13 =	simm.s32 $0x1BD80;
	s14 =	simm.s32 $0x1C580;
	s15 =	simm.s32 $0x1CD80  }
0x7: {  	s16 =	simm.s32 $0x0;
	[smem:$0x7FF] =	sst s2;
	s6 =	sand.u32 $0x1, s3  }
0x8: {  	s4 =	sadd.s32 $0x400, s5;
	s3 =	stileid.u32;
	s7 =	ssub.s32 $0x2, s6  }
0x9: {  	s5 =	sadd.s32 $0x3A00, s5;
	_ =	strace $0x80000047;
	s8 =	sshrl.u32 s7, $0x1  }
0xa: {  	s31 =	sshll.u32 s3, $0xB;
	s6 =	sshll.u32 s6, $0xA;
	s7 =	ssub.s32 s7, s8  }
0xb: {  	s6 =	sor.u32 s6, s31;
	s8 =	simm.s32 $0x2;
	s7 =	smax.u32 s7, $0x1  }
.LBB2_1:
0xc: {  	[tilespmem:s2], [sflag:$0x2] =	stream.linear.gather [hbm4b:s4+s2], $0x1A580, $0x38;
	[tilespmem:$0x1D580] =	vst v63  }
0xd: {  	_ =	swait.ge [sflag:s8], $0x1A580  }
0xe: {  	[sflag:s8] =	ssyncset.done $0x0  }
0xf: {  	s18 =	simm.s32 $0x0;
	[sflag:s8] =	ssyncadd.s32 $0xFFFE5A80  }
.LBB2_2:
0x10: {  	s17 =	sshll.u32 s18, $0x8  }
0x11: {  	s17 =	sadd.s32 s6, s17  }
0x12: {  	s21 =	simm.s32 $0x0;
	s19 =	sadd.s32 s1, s17  }
0x13: {  	[tilespmem:s9], [sflag:$0x1] =	stream.linear.gather [hbm4b:s19+s21], $0x800, $0x38;
	[tilespmem:$0x1D580] =	vst v63  }
0x14: {  	s19 =	sor.u32 $0x8000, s17  }
0x15: {  	s20 =	sadd.s32 s1, s19  }
0x16: {  	[tilespmem:s10], [sflag:$0x1] =	stream.linear.gather [hbm4b:s20+s21], $0x800, $0x38;
	[tilespmem:$0x1D580] =	vst v63  }
0x17: {  	s20 =	sor.u32 $0x10000, s17  }
0x18: {  	s22 =	sadd.s32 s1, s20  }
0x19: {  	[tilespmem:s11], [sflag:$0x1] =	stream.linear.gather [hbm4b:s22+s21], $0x800, $0x38;
	[tilespmem:$0x1D580] =	vst v63  }
0x1a: {  	_ =	swait.ge [sflag:s12], $0x800  }
0x1b: {  	[sflag:s12] =	ssyncset.done $0x0  }
0x1c: {  	[sflag:s12] =	ssyncadd.s32 $0xFFFFF800  }
0x1d: {  	_ =	swait.ge [sflag:s12], $0x800  }
0x1e: {  	[sflag:s12] =	ssyncset.done $0x0  }
0x1f: {  	[sflag:s12] =	ssyncadd.s32 $0xFFFFF800  }
0x20: {  	_ =	swait.ge [sflag:s12], $0x800  }
0x21: {  	[sflag:s12] =	ssyncset.done $0x0  }
0x22: {  	s21 =	simm.s32 $0x0;
	[sflag:s12] =	ssyncadd.s32 $0xFFFFF800  }
0x23: {  	v0 =	vld [tilespmem:s21+$0x1A580];
	_ =	sdelay $0x1  }
0x24: {  	v1 =	vld [tilespmem:s21+$0x1AD80];
	_ =	sdelay $0x2  }
0x25: {  	v2 =	vld [tilespmem:s21+$0x1B580];
	v4 =	vmul.f32 $3.200000000e+01, v0;
	_ =	sdelay $0x1  }
0x26: {  	v5 =	vmul.f32 $3.200000000e+01, v1;
	v0 =	vtrunc.f32 v4  }
0x27: {  	v1 =	vcvt.f32.s32 v0  }
0x28: {  	v3 =	vtrunc.f32 v5  }
0x29: {  	v0 =	vmul.f32 $3.200000000e+01, v2;
	v2 =	vcvt.f32.s32 v3;
	vm0 =	vlt.s32 v1, $0x1F  }
0x2a: {  	v3 =	vnsel vm0, $0x1F, v1  }
0x2b: {  	v6 =	vtrunc.f32 v0;
	vm14 =	vlt.s32 v2, $0x1F;
	v3 =	vmul.u32 $0x21, v3  }
0x2c: {  	v7 =	vcvt.f32.s32 v6;
	v6 =	vnsel vm14, $0x1F, v2  }
0x2d: {  	v3 =	vadd.s32 v6, v3  }
0x2e: {  	vm15 =	vlt.s32 v7, $0x1F;
	v3 =	vmul.u32 $0x21, v3  }
0x2f: {  	v6 =	vnsel vm15, $0x1F, v7  }
0x30: {  	v3 =	vadd.s32 v6, v3  }
0x31: {  	v11 =	vmul.u32 $0x3, v3;
	_ =	sdelay $0x1  }
0x32: {  	v3 =	vadd.s32 $0xCC7, v11  }
0x33: {  	v6 =	vadd.s32 $0x1, v11  }
0x34: {  	v8 =	vadd.s32 $0xCC4, v11  }
0x35: {  	v9 =	vadd.s32 $0x64, v11  }
0x36: {  	v10 =	vadd.s32 $0xD2B, v11  }
0x37: {  	v12 =	vadd.s32 $0xD28, v11;
	v3 =	vld.idx.msk [tilespmem:v3+s2+$0x0], $0xffff  }
0x38: {  	v13 =	vadd.s32 $0xD27, v11;
	v15 =	vld.idx.msk [tilespmem:v6+s2+$0x0], $0xffff  }
0x39: {  	v14 =	vadd.s32 $0x68, v11;
	v8 =	vld.idx.msk [tilespmem:v8+s2+$0x0], $0xffff  }
0x3a: {  	v19 =	vadd.s32 $0x67, v11;
	v16 =	vld.idx.msk [tilespmem:v9+s2+$0x0], $0xffff  }
0x3b: {  	v6 =	vadd.s32 $0xCC5, v11;
	v17 =	vld.idx.msk [tilespmem:v10+s2+$0x0], $0xffff  }
0x3c: {  	v9 =	vadd.s32 $0x65, v11;
	v18 =	vld.idx.msk [tilespmem:v12+s2+$0x0], $0xffff  }
0x3d: {  	v10 =	vadd.s32 $0x2, v11;
	v13 =	vld.idx.msk [tilespmem:v13+s2+$0x0], $0xffff  }
0x3e: {  	v12 =	vadd.s32 $0xD2A, v11;
	v25 =	vld.idx.msk [tilespmem:v14+s2+$0x0], $0xffff  }
0x3f: {  	v23 =	vcvt.s32.f32 v2;
	v2 =	vcvt.s32.f32 v7;
	v7 =	vld.idx.msk [tilespmem:v19+s2+$0x0], $0xffff  }
0x40: {  	v14 =	vadd.s32 $0xD29, v11;
	v21 =	vld.idx.msk [tilespmem:v6+s2+$0x0], $0xffff  }
0x41: {  	v1 =	vcvt.s32.f32 v1;
	v22 =	vadd.s32 $0x66, v11;
	v6 =	vld.idx.msk [tilespmem:v9+s2+$0x0], $0xffff  }
0x42: {  	v24 =	vadd.s32 $0xCC6, v11;
	v10 =	vld.idx.msk [tilespmem:v10+s2+$0x0], $0xffff  }
0x43: {  	v1 =	vsub.f32 v4, v1;
	v27 =	vadd.s32 $0x3, v11;
	v26 =	vld.idx.msk [tilespmem:v12+s2+$0x0], $0xffff;
	v4 =	vsub.f32 v8, v15  }
0x44: {  	v28 =	vadd.s32 $0x4, v11;
	v29 =	vadd.s32 $0xCC3, v11;
	v19 =	vsub.f32 v13, v16;
	v13 =	vld.idx.msk [tilespmem:v11+s2+$0x0], $0xffff  }
0x45: {  	v12 =	vadd.s32 $0x63, v11;
	v9 =	vadd.s32 $0xD26, v11;
	v20 =	vld.idx.msk [tilespmem:v14+s2+$0x0], $0xffff;
	v4 =	vmul.f32 v4, v1  }
0x46: {  	v8 =	vadd.s32 $0x5, v11;
	v30 =	vsub.f32 v17, v25;
	v17 =	vld.idx.msk [tilespmem:v22+s2+$0x0], $0xffff;
	v19 =	vmul.f32 v19, v1  }
0x47: {  	v14 =	vadd.s32 $0xCC8, v11;
	v22 =	vld.idx.msk [tilespmem:v24+s2+$0x0], $0xffff;
	v15 =	vadd.f32 v4, v15;
	v11 =	vsub.f32 v21, v10  }
0x48: {  	v30 =	vmul.f32 v30, v1;
	v24 =	vsub.f32 v18, v6;
	v18 =	vld.idx.msk [tilespmem:v27+s2+$0x0], $0xffff;
	v27 =	vadd.f32 v19, v16  }
0x49: {  	v4 =	vsub.f32 v5, v23;
	v23 =	vld.idx.msk [tilespmem:v29+s2+$0x0], $0xffff;
	v5 =	vsub.f32 v26, v7;
	v21 =	vmul.f32 v11, v1  }
0x4a: {  	s22 =	simm.s32 $0x40;
	v16 =	vld.idx.msk [tilespmem:v28+s2+$0x0], $0xffff;
	v19 =	vmul.f32 v24, v1;
	v24 =	vsub.f32 v27, v15;
	v11 =	vadd.f32 v30, v25  }
.LBB2_3:
0x4b: {  	p0 =	sne.s32 s22, $0x1FC0;
	v12 =	vld.idx.msk [tilespmem:v12+s2+$0x0], $0xffff;
	s23 =	smov.u32 s22;
	s22 =	sadd.s32 $0x40, s22  }
0x4c: {  	v20 =	vsub.f32 v20, v17;
	v9 =	vld.idx.msk [tilespmem:v9+s2+$0x0], $0xffff;
	v24 =	vmul.f32 v24, v4  }
0x4d: {  	v14 =	vld.idx.msk [tilespmem:v14+s2+$0x0], $0xffff  }
0x4e: {  	s23 =	sshra.s32 s23, $0x2;
	v22 =	vsub.f32 v22, v18;
	v20 =	vmul.f32 v20, v1;
	v8 =	vld.idx.msk [tilespmem:v8+s2+$0x0], $0xffff  }
0x4f: {  	v26 =	vsub.f32 v0, v2;
	v0 =	vsub.f32 v23, v13;
	v25 =	vld [tilespmem:s23+$0x1A580]  }
0x50: {  	v22 =	vmul.f32 v22, v1;
	v17 =	vadd.f32 v20, v17;
	v3 =	vsub.f32 v3, v16;
	v2 =	vld [tilespmem:s23+$0x1AD80]  }
0x51: {  	v10 =	vadd.f32 v21, v10;
	v15 =	vadd.f32 v24, v15;
	v0 =	vmul.f32 v0, v1;
	v20 =	vld [tilespmem:s23+$0x1B580]  }
0x52: {  	v18 =	vadd.f32 v22, v18;
	v9 =	vsub.f32 v9, v12;
	v3 =	vmul.f32 v3, v1  }
0x53: {  	v6 =	vadd.f32 v19, v6;
	v13 =	vadd.f32 v0, v13;
	v0 =	vmul.f32 v5, v1  }
0x54: {  	v9 =	vmul.f32 v9, v1;
	v17 =	vsub.f32 v17, v18;
	v19 =	vmul.f32 $3.200000000e+01, v25  }
0x55: {  	v6 =	vsub.f32 v6, v10;
	v5 =	vmul.f32 $3.200000000e+01, v2;
	v2 =	vsub.f32 v14, v8  }
0x56: {  	v3 =	vadd.f32 v3, v16;
	v7 =	vadd.f32 v0, v7;
	v14 =	vtrunc.f32 v19  }
0x57: {  	v9 =	vadd.f32 v9, v12;
	v12 =	vmul.f32 v17, v4;
	v14 =	vcvt.f32.s32 v14  }
0x58: {  	v0 =	vmul.f32 $3.200000000e+01, v20;
	v7 =	vsub.f32 v7, v3;
	v16 =	vtrunc.f32 v5  }
0x59: {  	v9 =	vsub.f32 v9, v13;
	v17 =	vcvt.s32.f32 v14;
	vm0 =	vlt.s32 v14, $0x1F  }
0x5a: {  	v1 =	vmul.f32 v2, v1;
	v20 =	vtrunc.f32 v0;
	v14 =	vnsel vm0, $0x1F, v14  }
0x5b: {  	v2 =	vcvt.f32.s32 v16;
	v7 =	vmul.f32 v7, v4;
	v14 =	vmul.u32 $0x21, v14  }
0x5c: {  	v6 =	vmul.f32 v6, v4;
	v16 =	vcvt.f32.s32 v20;
	v1 =	vadd.f32 v1, v8  }
0x5d: {  	v8 =	vmul.f32 v9, v4;
	v9 =	vadd.f32 v12, v18;
	vm0 =	vlt.s32 v2, $0x1F  }
0x5e: {  	v12 =	vnsel vm0, $0x1F, v2;
	vm0 =	vlt.s32 v16, $0x1F;
	v11 =	vsub.f32 v11, v1  }
0x5f: {  	v13 =	vadd.f32 v8, v13;
	v18 =	vnsel vm0, $0x1F, v16;
	v12 =	vadd.s32 v12, v14  }
0x60: {  	v3 =	vadd.f32 v7, v3;
	v4 =	vmul.f32 v11, v4;
	v8 =	vmul.u32 $0x21, v12  }
0x61: {  	v6 =	vadd.f32 v6, v10;
	v11 =	vcvt.s32.f32 v2;
	v7 =	vsub.f32 v9, v13  }
0x62: {  	v3 =	vsub.f32 v3, v15;
	v1 =	vadd.f32 v4, v1;
	v8 =	vadd.s32 v18, v8  }
0x63: {  	v2 =	vcvt.s32.f32 v16;
	v4 =	vmul.u32 $0x3, v8  }
0x64: {  	v3 =	vmul.f32 v3, v26;
	v7 =	vmul.f32 v7, v26;
	v1 =	vsub.f32 v1, v6  }
0x65: {  	v10 =	vadd.s32 $0xCC7, v4;
	v16 =	vadd.s32 $0x67, v4  }
0x66: {  	v18 =	vadd.s32 $0x1, v4;
	v20 =	vadd.s32 $0x64, v4;
	v1 =	vmul.f32 v1, v26  }
0x67: {  	v3 =	vadd.f32 v3, v15;
	v24 =	vadd.s32 $0x4, v4;
	v21 =	vadd.s32 $0xD2A, v4  }
0x68: {  	v12 =	vadd.s32 $0x63, v4;
	v9 =	vadd.s32 $0xD26, v4;
	v1 =	vadd.f32 v1, v6  }
0x69: {  	v7 =	vadd.f32 v7, v13;
	v8 =	vadd.s32 $0x5, v4;
	v6 =	vadd.s32 $0xCC4, v4;
	[tilespmem:s21+$0x1C580] =	vst v3  }
0x6a: {  	v13 =	vadd.s32 $0xD27, v4;
	v15 =	vadd.s32 $0xD28, v4;
	v14 =	vadd.s32 $0xCC8, v4;
	[tilespmem:s21+$0x1CD80] =	vst v1  }
0x6b: {  	v22 =	vadd.s32 $0xCC5, v4;
	v23 =	vadd.s32 $0x68, v4;
	v25 =	vadd.s32 $0xD2B, v4;
	[tilespmem:s21+$0x1BD80] =	vst v7;
	s21 =	smov.u32 s23  }
0x6c: {  	v3 =	vld.idx.msk [tilespmem:v10+s2+$0x0], $0xffff  }
0x6d: {  	v1 =	vsub.f32 v19, v17;
	v18 =	vld.idx.msk [tilespmem:v18+s2+$0x0], $0xffff  }
0x6e: {  	v6 =	vld.idx.msk [tilespmem:v6+s2+$0x0], $0xffff  }
0x6f: {  	v19 =	vld.idx.msk [tilespmem:v20+s2+$0x0], $0xffff  }
0x70: {  	v7 =	vadd.s32 $0x65, v4;
	v17 =	vld.idx.msk [tilespmem:v25+s2+$0x0], $0xffff  }
0x71: {  	v10 =	vadd.s32 $0x2, v4;
	v25 =	vld.idx.msk [tilespmem:v15+s2+$0x0], $0xffff  }
0x72: {  	v13 =	vld.idx.msk [tilespmem:v13+s2+$0x0], $0xffff  }
0x73: {  	v26 =	vld.idx.msk [tilespmem:v22+s2+$0x0], $0xffff  }
0x74: {  	v15 =	vsub.f32 v6, v18;
	v27 =	vld.idx.msk [tilespmem:v23+s2+$0x0], $0xffff  }
0x75: {  	v20 =	vadd.s32 $0xD29, v4;
	v6 =	vld.idx.msk [tilespmem:v7+s2+$0x0], $0xffff  }
0x76: {  	v22 =	vadd.s32 $0x66, v4;
	v15 =	vmul.f32 v15, v1;
	v10 =	vld.idx.msk [tilespmem:v10+s2+$0x0], $0xffff  }
0x77: {  	v23 =	vadd.s32 $0xCC6, v4;
	v21 =	vld.idx.msk [tilespmem:v21+s2+$0x0], $0xffff  }
0x78: {  	v28 =	vadd.s32 $0x3, v4;
	v7 =	vld.idx.msk [tilespmem:v16+s2+$0x0], $0xffff;
	v16 =	vsub.f32 v13, v19  }
0x79: {  	v29 =	vadd.s32 $0xCC3, v4;
	v13 =	vld.idx.msk [tilespmem:v4+s2+$0x0], $0xffff  }
0x7a: {  	v4 =	vsub.f32 v17, v27;
	v20 =	vld.idx.msk [tilespmem:v20+s2+$0x0], $0xffff;
	v16 =	vmul.f32 v16, v1  }
.Ltmp0:
0x7b: {  	v15 =	vadd.f32 v15, v18;
	v17 =	vld.idx.msk [tilespmem:v22+s2+$0x0], $0xffff;
	(pc) =	sbr.rel @p0 .LBB2_3-.Ltmp0, $4  }
0x7c: {  	v25 =	vsub.f32 v25, v6;
	v26 =	vsub.f32 v26, v10;
	v30 =	vmul.f32 v4, v1;
	v22 =	vld.idx.msk [tilespmem:v23+s2+$0x0], $0xffff  }
0x7d: {  	v4 =	vsub.f32 v5, v11;
	v11 =	vadd.f32 v16, v19;
	v18 =	vld.idx.msk [tilespmem:v28+s2+$0x0], $0xffff  }
0x7e: {  	v19 =	vmul.f32 v25, v1;
	v5 =	vsub.f32 v21, v7;
	v21 =	vmul.f32 v26, v1;
	v23 =	vld.idx.msk [tilespmem:v29+s2+$0x0], $0xffff  }
0x7f: {  	v16 =	vld.idx.msk [tilespmem:v24+s2+$0x0], $0xffff;
	v24 =	vsub.f32 v11, v15;
	v11 =	vadd.f32 v30, v27  }
0x80: {  	_ =	sdelay $0x3  }
0x81: {  	v12 =	vld.idx.msk [tilespmem:v12+s2+$0x0], $0xffff  }
0x82: {  	v14 =	vld.idx.msk [tilespmem:v14+s2+$0x0], $0xffff  }
0x83: {  	v8 =	vld.idx.msk [tilespmem:v8+s2+$0x0], $0xffff  }
0x84: {  	v20 =	vsub.f32 v20, v17;
	v9 =	vld.idx.msk [tilespmem:v9+s2+$0x0], $0xffff;
	v0 =	vsub.f32 v0, v2;
	v5 =	vmul.f32 v5, v1  }
0x85: {  	v10 =	vadd.f32 v21, v10;
	v6 =	vadd.f32 v19, v6  }
0x86: {  	v22 =	vsub.f32 v22, v18;
	v5 =	vadd.f32 v5, v7  }
0x87: {  	v6 =	vsub.f32 v6, v10;
	v3 =	vsub.f32 v3, v16  }
0x88: {  	v20 =	vmul.f32 v20, v1;
	v52 =	vsub.f32 v23, v13;
	v14 =	vsub.f32 v14, v8  }
0x89: {  	v22 =	vmul.f32 v22, v1;
	v9 =	vsub.f32 v9, v12;
	v3 =	vmul.f32 v3, v1  }
0x8a: {  	v53 =	vadd.f32 v20, v17;
	v2 =	vmul.f32 v52, v1;
	v55 =	vmul.f32 v14, v1  }
0x8b: {  	v54 =	vadd.f32 v22, v18;
	v56 =	vmul.f32 v9, v1;
	v3 =	vadd.f32 v3, v16  }
0x8c: {  	v2 =	vadd.f32 v2, v13;
	v8 =	vadd.f32 v55, v8  }
0x8d: {  	v1 =	vadd.f32 v56, v12;
	v5 =	vsub.f32 v5, v3  }
0x8e: {  	v6 =	vmul.f32 v6, v4;
	v57 =	vsub.f32 v53, v54;
	v11 =	vsub.f32 v11, v8  }
0x8f: {  	v58 =	vmul.f32 v24, v4;
	v1 =	vsub.f32 v1, v2;
	v5 =	vmul.f32 v5, v4  }
0x90: {  	v60 =	vadd.f32 v6, v10;
	v7 =	vmul.f32 v57, v4;
	v11 =	vmul.f32 v11, v4  }
0x91: {  	v9 =	vadd.f32 v58, v15;
	v1 =	vmul.f32 v1, v4;
	v3 =	vadd.f32 v5, v3  }
0x92: {  	v59 =	vadd.f32 v7, v54;
	v61 =	vadd.f32 v11, v8  }
0x93: {  	v1 =	vadd.f32 v1, v2;
	v62 =	vsub.f32 v3, v9  }
0x94: {  	v63 =	vsub.f32 v61, v60  }
0x95: {  	v4 =	vsub.f32 v59, v1;
	v2 =	vmul.f32 v62, v0  }
0x96: {  	v3 =	vmul.f32 v63, v0  }
0x97: {  	v0 =	vmul.f32 v4, v0;
	v2 =	vadd.f32 v2, v9  }
0x98: {  	v3 =	vadd.f32 v3, v60  }
0x99: {  	v0 =	vadd.f32 v0, v1;
	[tilespmem:s21+$0x1C580] =	vst v2  }
0x9a: {  	[tilespmem:s21+$0x1CD80] =	vst v3  }
0x9b: {  	s30 =	sadd.s32 s5, s17;
	s17 =	simm.s32 $0x0;
	[tilespmem:s21+$0x1BD80] =	vst v0  }
0x9c: {  	[hbm4b:s30+s17] =	stream.linear.scatter [tilespmem:s13], [sflag:$0x1], $0x800, $0x38;
	[tilespmem:$0x1D580] =	vst v63  }
0x9d: {  	s19 =	sadd.s32 s5, s19  }
0x9e: {  	[hbm4b:s19+s17] =	stream.linear.scatter [tilespmem:s14], [sflag:$0x1], $0x800, $0x38;
	[tilespmem:$0x1D580] =	vst v63  }
0x9f: {  	s31 =	sadd.s32 s5, s20  }
0xa0: {  	[hbm4b:s31+s17] =	stream.linear.scatter [tilespmem:s15], [sflag:$0x1], $0x800, $0x38;
	[tilespmem:$0x1D580] =	vst v63  }
0xa1: {  	_ =	swait.ge [sflag:s12], $0x800  }
0xa2: {  	[sflag:s12] =	ssyncset.done $0x0  }
0xa3: {  	s18 =	sadd.s32 $0x1, s18;
	[sflag:s12] =	ssyncadd.s32 $0xFFFFF800  }
0xa4: {  	p0 =	sne.s32 s18, $0x4;
	_ =	swait.ge [sflag:s12], $0x800  }
.Ltmp1:
0xa5: {  	[sflag:s12] =	ssyncset.done $0x0;
	(pc) =	sbr.rel @p0 .LBB2_2-.Ltmp1, $4  }
0xa6: {  	[sflag:s12] =	ssyncadd.s32 $0xFFFFF800  }
0xa7: {  	_ =	swait.ge [sflag:s12], $0x800  }
0xa8: {  	[sflag:s12] =	ssyncset.done $0x0  }
0xa9: {  	[sflag:s12] =	ssyncadd.s32 $0xFFFFF800  }
0xaa: {  	s19 =	simm.s32 $0x0  }
.LBB2_6:
0xab: {  	s18 =	sshll.u32 s19, $0x8  }
0xac: {  	s21 =	sadd.s32 s6, s18  }
0xad: {  	s18 =	sor.u32 $0x18000, s21  }
0xae: {  	s20 =	sadd.s32 s1, s18  }
0xaf: {  	[tilespmem:s9], [sflag:$0x1] =	stream.linear.gather [hbm4b:s20+s17], $0x800, $0x38;
	[tilespmem:$0x1D580] =	vst v63  }
0xb0: {  	s20 =	sor.u32 $0x20000, s21  }
0xb1: {  	s21 =	sor.u32 $0x28000, s21;
	s22 =	sadd.s32 s1, s20  }
0xb2: {  	[tilespmem:s10], [sflag:$0x1] =	stream.linear.gather [hbm4b:s22+s17], $0x800, $0x38;
	[tilespmem:$0x1D580] =	vst v63  }
0xb3: {  	s31 =	sadd.s32 s1, s21  }
0xb4: {  	[tilespmem:s11], [sflag:$0x1] =	stream.linear.gather [hbm4b:s31+s17], $0x800, $0x38;
	[tilespmem:$0x1D580] =	vst v63  }
0xb5: {  	_ =	swait.ge [sflag:s12], $0x800  }
0xb6: {  	[sflag:s12] =	ssyncset.done $0x0  }
0xb7: {  	[sflag:s12] =	ssyncadd.s32 $0xFFFFF800  }
0xb8: {  	_ =	swait.ge [sflag:s12], $0x800  }
0xb9: {  	[sflag:s12] =	ssyncset.done $0x0  }
0xba: {  	[sflag:s12] =	ssyncadd.s32 $0xFFFFF800  }
0xbb: {  	_ =	swait.ge [sflag:s12], $0x800  }
0xbc: {  	[sflag:s12] =	ssyncset.done $0x0  }
0xbd: {  	s22 =	simm.s32 $0x0;
	[sflag:s12] =	ssyncadd.s32 $0xFFFFF800  }
0xbe: {  	v0 =	vld [tilespmem:s22+$0x1A580];
	_ =	sdelay $0x1  }
0xbf: {  	v1 =	vld [tilespmem:s22+$0x1AD80];
	_ =	sdelay $0x2  }
0xc0: {  	v2 =	vld [tilespmem:s22+$0x1B580];
	v4 =	vmul.f32 $3.200000000e+01, v0;
	_ =	sdelay $0x1  }
0xc1: {  	v5 =	vmul.f32 $3.200000000e+01, v1;
	v0 =	vtrunc.f32 v4  }
0xc2: {  	v1 =	vcvt.f32.s32 v0  }
0xc3: {  	v3 =	vtrunc.f32 v5  }
0xc4: {  	v0 =	vmul.f32 $3.200000000e+01, v2;
	v2 =	vcvt.f32.s32 v3;
	vm0 =	vlt.s32 v1, $0x1F  }
0xc5: {  	v3 =	vnsel vm0, $0x1F, v1  }
0xc6: {  	v6 =	vtrunc.f32 v0;
	vm14 =	vlt.s32 v2, $0x1F;
	v3 =	vmul.u32 $0x21, v3  }
0xc7: {  	v7 =	vcvt.f32.s32 v6;
	v6 =	vnsel vm14, $0x1F, v2  }
0xc8: {  	v3 =	vadd.s32 v6, v3  }
0xc9: {  	vm15 =	vlt.s32 v7, $0x1F;
	v3 =	vmul.u32 $0x21, v3  }
0xca: {  	v6 =	vnsel vm15, $0x1F, v7  }
0xcb: {  	v3 =	vadd.s32 v6, v3  }
0xcc: {  	v11 =	vmul.u32 $0x3, v3;
	_ =	sdelay $0x1  }
0xcd: {  	v3 =	vadd.s32 $0xCC7, v11  }
0xce: {  	v6 =	vadd.s32 $0x1, v11  }
0xcf: {  	v8 =	vadd.s32 $0xCC4, v11  }
0xd0: {  	v9 =	vadd.s32 $0x64, v11  }
0xd1: {  	v10 =	vadd.s32 $0xD2B, v11  }
0xd2: {  	v12 =	vadd.s32 $0xD28, v11;
	v3 =	vld.idx.msk [tilespmem:v3+s2+$0x0], $0xffff  }
0xd3: {  	v13 =	vadd.s32 $0xD27, v11;
	v15 =	vld.idx.msk [tilespmem:v6+s2+$0x0], $0xffff  }
0xd4: {  	v14 =	vadd.s32 $0x68, v11;
	v8 =	vld.idx.msk [tilespmem:v8+s2+$0x0], $0xffff  }
0xd5: {  	v19 =	vadd.s32 $0x67, v11;
	v16 =	vld.idx.msk [tilespmem:v9+s2+$0x0], $0xffff  }
0xd6: {  	v6 =	vadd.s32 $0xCC5, v11;
	v17 =	vld.idx.msk [tilespmem:v10+s2+$0x0], $0xffff  }
0xd7: {  	v9 =	vadd.s32 $0x65, v11;
	v18 =	vld.idx.msk [tilespmem:v12+s2+$0x0], $0xffff  }
0xd8: {  	v10 =	vadd.s32 $0x2, v11;
	v13 =	vld.idx.msk [tilespmem:v13+s2+$0x0], $0xffff  }
0xd9: {  	v12 =	vadd.s32 $0xD2A, v11;
	v25 =	vld.idx.msk [tilespmem:v14+s2+$0x0], $0xffff  }
0xda: {  	v23 =	vcvt.s32.f32 v2;
	v2 =	vcvt.s32.f32 v7;
	v7 =	vld.idx.msk [tilespmem:v19+s2+$0x0], $0xffff  }
0xdb: {  	v14 =	vadd.s32 $0xD29, v11;
	v21 =	vld.idx.msk [tilespmem:v6+s2+$0x0], $0xffff  }
0xdc: {  	v1 =	vcvt.s32.f32 v1;
	v22 =	vadd.s32 $0x66, v11;
	v6 =	vld.idx.msk [tilespmem:v9+s2+$0x0], $0xffff  }
0xdd: {  	v24 =	vadd.s32 $0xCC6, v11;
	v10 =	vld.idx.msk [tilespmem:v10+s2+$0x0], $0xffff  }
0xde: {  	v1 =	vsub.f32 v4, v1;
	v27 =	vadd.s32 $0x3, v11;
	v26 =	vld.idx.msk [tilespmem:v12+s2+$0x0], $0xffff;
	v4 =	vsub.f32 v8, v15  }
0xdf: {  	v28 =	vadd.s32 $0x4, v11;
	v29 =	vadd.s32 $0xCC3, v11;
	v19 =	vsub.f32 v13, v16;
	v13 =	vld.idx.msk [tilespmem:v11+s2+$0x0], $0xffff  }
0xe0: {  	v12 =	vadd.s32 $0x63, v11;
	v9 =	vadd.s32 $0xD26, v11;
	v20 =	vld.idx.msk [tilespmem:v14+s2+$0x0], $0xffff;
	v4 =	vmul.f32 v4, v1  }
0xe1: {  	v8 =	vadd.s32 $0x5, v11;
	v30 =	vsub.f32 v17, v25;
	v17 =	vld.idx.msk [tilespmem:v22+s2+$0x0], $0xffff;
	v19 =	vmul.f32 v19, v1  }
0xe2: {  	v14 =	vadd.s32 $0xCC8, v11;
	v22 =	vld.idx.msk [tilespmem:v24+s2+$0x0], $0xffff;
	v15 =	vadd.f32 v4, v15;
	v11 =	vsub.f32 v21, v10  }
0xe3: {  	v30 =	vmul.f32 v30, v1;
	v24 =	vsub.f32 v18, v6;
	v18 =	vld.idx.msk [tilespmem:v27+s2+$0x0], $0xffff;
	v27 =	vadd.f32 v19, v16  }
0xe4: {  	v4 =	vsub.f32 v5, v23;
	v23 =	vld.idx.msk [tilespmem:v29+s2+$0x0], $0xffff;
	v5 =	vsub.f32 v26, v7;
	v21 =	vmul.f32 v11, v1  }
0xe5: {  	s23 =	simm.s32 $0x40;
	v16 =	vld.idx.msk [tilespmem:v28+s2+$0x0], $0xffff;
	v19 =	vmul.f32 v24, v1;
	v24 =	vsub.f32 v27, v15;
	v11 =	vadd.f32 v30, v25  }
.LBB2_7:
0xe6: {  	p0 =	sne.s32 s23, $0x1FC0;
	v12 =	vld.idx.msk [tilespmem:v12+s2+$0x0], $0xffff;
	s24 =	smov.u32 s23;
	s23 =	sadd.s32 $0x40, s23  }
0xe7: {  	v20 =	vsub.f32 v20, v17;
	v9 =	vld.idx.msk [tilespmem:v9+s2+$0x0], $0xffff;
	v24 =	vmul.f32 v24, v4  }
0xe8: {  	v14 =	vld.idx.msk [tilespmem:v14+s2+$0x0], $0xffff  }
0xe9: {  	s24 =	sshra.s32 s24, $0x2;
	v22 =	vsub.f32 v22, v18;
	v20 =	vmul.f32 v20, v1;
	v8 =	vld.idx.msk [tilespmem:v8+s2+$0x0], $0xffff  }
0xea: {  	v26 =	vsub.f32 v0, v2;
	v0 =	vsub.f32 v23, v13;
	v25 =	vld [tilespmem:s24+$0x1A580]  }
0xeb: {  	v22 =	vmul.f32 v22, v1;
	v17 =	vadd.f32 v20, v17;
	v3 =	vsub.f32 v3, v16;
	v2 =	vld [tilespmem:s24+$0x1AD80]  }
0xec: {  	v10 =	vadd.f32 v21, v10;
	v15 =	vadd.f32 v24, v15;
	v0 =	vmul.f32 v0, v1;
	v20 =	vld [tilespmem:s24+$0x1B580]  }
0xed: {  	v18 =	vadd.f32 v22, v18;
	v9 =	vsub.f32 v9, v12;
	v3 =	vmul.f32 v3, v1  }
0xee: {  	v6 =	vadd.f32 v19, v6;
	v13 =	vadd.f32 v0, v13;
	v0 =	vmul.f32 v5, v1  }
0xef: {  	v9 =	vmul.f32 v9, v1;
	v17 =	vsub.f32 v17, v18;
	v19 =	vmul.f32 $3.200000000e+01, v25  }
0xf0: {  	v6 =	vsub.f32 v6, v10;
	v5 =	vmul.f32 $3.200000000e+01, v2;
	v2 =	vsub.f32 v14, v8  }
0xf1: {  	v3 =	vadd.f32 v3, v16;
	v7 =	vadd.f32 v0, v7;
	v14 =	vtrunc.f32 v19  }
0xf2: {  	v9 =	vadd.f32 v9, v12;
	v12 =	vmul.f32 v17, v4;
	v14 =	vcvt.f32.s32 v14  }
0xf3: {  	v0 =	vmul.f32 $3.200000000e+01, v20;
	v7 =	vsub.f32 v7, v3;
	v16 =	vtrunc.f32 v5  }
0xf4: {  	v9 =	vsub.f32 v9, v13;
	v17 =	vcvt.s32.f32 v14;
	vm0 =	vlt.s32 v14, $0x1F  }
0xf5: {  	v1 =	vmul.f32 v2, v1;
	v20 =	vtrunc.f32 v0;
	v14 =	vnsel vm0, $0x1F, v14  }
0xf6: {  	v2 =	vcvt.f32.s32 v16;
	v7 =	vmul.f32 v7, v4;
	v14 =	vmul.u32 $0x21, v14  }
0xf7: {  	v6 =	vmul.f32 v6, v4;
	v16 =	vcvt.f32.s32 v20;
	v1 =	vadd.f32 v1, v8  }
0xf8: {  	v8 =	vmul.f32 v9, v4;
	v9 =	vadd.f32 v12, v18;
	vm0 =	vlt.s32 v2, $0x1F  }
0xf9: {  	v12 =	vnsel vm0, $0x1F, v2;
	vm0 =	vlt.s32 v16, $0x1F;
	v11 =	vsub.f32 v11, v1  }
0xfa: {  	v13 =	vadd.f32 v8, v13;
	v18 =	vnsel vm0, $0x1F, v16;
	v12 =	vadd.s32 v12, v14  }
0xfb: {  	v3 =	vadd.f32 v7, v3;
	v4 =	vmul.f32 v11, v4;
	v8 =	vmul.u32 $0x21, v12  }
0xfc: {  	v6 =	vadd.f32 v6, v10;
	v11 =	vcvt.s32.f32 v2;
	v7 =	vsub.f32 v9, v13  }
0xfd: {  	v3 =	vsub.f32 v3, v15;
	v1 =	vadd.f32 v4, v1;
	v8 =	vadd.s32 v18, v8  }
0xfe: {  	v2 =	vcvt.s32.f32 v16;
	v4 =	vmul.u32 $0x3, v8  }
0xff: {  	v3 =	vmul.f32 v3, v26;
	v7 =	vmul.f32 v7, v26;
	v1 =	vsub.f32 v1, v6  }
0x100: {  	v10 =	vadd.s32 $0xCC7, v4;
	v16 =	vadd.s32 $0x67, v4  }
0x101: {  	v18 =	vadd.s32 $0x1, v4;
	v20 =	vadd.s32 $0x64, v4;
	v1 =	vmul.f32 v1, v26  }
0x102: {  	v3 =	vadd.f32 v3, v15;
	v24 =	vadd.s32 $0x4, v4;
	v21 =	vadd.s32 $0xD2A, v4  }
0x103: {  	v12 =	vadd.s32 $0x63, v4;
	v9 =	vadd.s32 $0xD26, v4;
	v1 =	vadd.f32 v1, v6  }
0x104: {  	v7 =	vadd.f32 v7, v13;
	v8 =	vadd.s32 $0x5, v4;
	v6 =	vadd.s32 $0xCC4, v4;
	[tilespmem:s22+$0x1C580] =	vst v3  }
0x105: {  	v13 =	vadd.s32 $0xD27, v4;
	v15 =	vadd.s32 $0xD28, v4;
	v14 =	vadd.s32 $0xCC8, v4;
	[tilespmem:s22+$0x1CD80] =	vst v1  }
0x106: {  	v22 =	vadd.s32 $0xCC5, v4;
	v23 =	vadd.s32 $0x68, v4;
	v25 =	vadd.s32 $0xD2B, v4;
	[tilespmem:s22+$0x1BD80] =	vst v7;
	s22 =	smov.u32 s24  }
0x107: {  	v3 =	vld.idx.msk [tilespmem:v10+s2+$0x0], $0xffff  }
0x108: {  	v1 =	vsub.f32 v19, v17;
	v18 =	vld.idx.msk [tilespmem:v18+s2+$0x0], $0xffff  }
0x109: {  	v6 =	vld.idx.msk [tilespmem:v6+s2+$0x0], $0xffff  }
0x10a: {  	v19 =	vld.idx.msk [tilespmem:v20+s2+$0x0], $0xffff  }
0x10b: {  	v7 =	vadd.s32 $0x65, v4;
	v17 =	vld.idx.msk [tilespmem:v25+s2+$0x0], $0xffff  }
0x10c: {  	v10 =	vadd.s32 $0x2, v4;
	v25 =	vld.idx.msk [tilespmem:v15+s2+$0x0], $0xffff  }
0x10d: {  	v13 =	vld.idx.msk [tilespmem:v13+s2+$0x0], $0xffff  }
0x10e: {  	v26 =	vld.idx.msk [tilespmem:v22+s2+$0x0], $0xffff  }
0x10f: {  	v15 =	vsub.f32 v6, v18;
	v27 =	vld.idx.msk [tilespmem:v23+s2+$0x0], $0xffff  }
0x110: {  	v20 =	vadd.s32 $0xD29, v4;
	v6 =	vld.idx.msk [tilespmem:v7+s2+$0x0], $0xffff  }
0x111: {  	v22 =	vadd.s32 $0x66, v4;
	v15 =	vmul.f32 v15, v1;
	v10 =	vld.idx.msk [tilespmem:v10+s2+$0x0], $0xffff  }
0x112: {  	v23 =	vadd.s32 $0xCC6, v4;
	v21 =	vld.idx.msk [tilespmem:v21+s2+$0x0], $0xffff  }
0x113: {  	v28 =	vadd.s32 $0x3, v4;
	v7 =	vld.idx.msk [tilespmem:v16+s2+$0x0], $0xffff;
	v16 =	vsub.f32 v13, v19  }
0x114: {  	v29 =	vadd.s32 $0xCC3, v4;
	v13 =	vld.idx.msk [tilespmem:v4+s2+$0x0], $0xffff  }
0x115: {  	v4 =	vsub.f32 v17, v27;
	v20 =	vld.idx.msk [tilespmem:v20+s2+$0x0], $0xffff;
	v16 =	vmul.f32 v16, v1  }
.Ltmp2:
0x116: {  	v15 =	vadd.f32 v15, v18;
	v17 =	vld.idx.msk [tilespmem:v22+s2+$0x0], $0xffff;
	(pc) =	sbr.rel @p0 .LBB2_7-.Ltmp2, $4  }
0x117: {  	v25 =	vsub.f32 v25, v6;
	v26 =	vsub.f32 v26, v10;
	v30 =	vmul.f32 v4, v1;
	v22 =	vld.idx.msk [tilespmem:v23+s2+$0x0], $0xffff  }
0x118: {  	v4 =	vsub.f32 v5, v11;
	v11 =	vadd.f32 v16, v19;
	v18 =	vld.idx.msk [tilespmem:v28+s2+$0x0], $0xffff  }
0x119: {  	v19 =	vmul.f32 v25, v1;
	v5 =	vsub.f32 v21, v7;
	v21 =	vmul.f32 v26, v1;
	v23 =	vld.idx.msk [tilespmem:v29+s2+$0x0], $0xffff  }
0x11a: {  	v16 =	vld.idx.msk [tilespmem:v24+s2+$0x0], $0xffff;
	v24 =	vsub.f32 v11, v15;
	v11 =	vadd.f32 v30, v27  }
0x11b: {  	_ =	sdelay $0x3  }
0x11c: {  	v12 =	vld.idx.msk [tilespmem:v12+s2+$0x0], $0xffff  }
0x11d: {  	v14 =	vld.idx.msk [tilespmem:v14+s2+$0x0], $0xffff  }
0x11e: {  	v8 =	vld.idx.msk [tilespmem:v8+s2+$0x0], $0xffff  }
0x11f: {  	v20 =	vsub.f32 v20, v17;
	v9 =	vld.idx.msk [tilespmem:v9+s2+$0x0], $0xffff;
	v0 =	vsub.f32 v0, v2;
	v5 =	vmul.f32 v5, v1  }
0x120: {  	v10 =	vadd.f32 v21, v10;
	v6 =	vadd.f32 v19, v6  }
0x121: {  	v22 =	vsub.f32 v22, v18;
	v5 =	vadd.f32 v5, v7  }
0x122: {  	v6 =	vsub.f32 v6, v10;
	v3 =	vsub.f32 v3, v16  }
0x123: {  	v20 =	vmul.f32 v20, v1;
	v52 =	vsub.f32 v23, v13;
	v14 =	vsub.f32 v14, v8  }
0x124: {  	v22 =	vmul.f32 v22, v1;
	v9 =	vsub.f32 v9, v12;
	v3 =	vmul.f32 v3, v1  }
0x125: {  	v53 =	vadd.f32 v20, v17;
	v2 =	vmul.f32 v52, v1;
	v55 =	vmul.f32 v14, v1  }
0x126: {  	v54 =	vadd.f32 v22, v18;
	v56 =	vmul.f32 v9, v1;
	v3 =	vadd.f32 v3, v16  }
0x127: {  	v2 =	vadd.f32 v2, v13;
	v8 =	vadd.f32 v55, v8  }
0x128: {  	v1 =	vadd.f32 v56, v12;
	v5 =	vsub.f32 v5, v3  }
0x129: {  	v6 =	vmul.f32 v6, v4;
	v57 =	vsub.f32 v53, v54;
	v11 =	vsub.f32 v11, v8  }
0x12a: {  	v58 =	vmul.f32 v24, v4;
	v1 =	vsub.f32 v1, v2;
	v5 =	vmul.f32 v5, v4  }
0x12b: {  	v60 =	vadd.f32 v6, v10;
	v7 =	vmul.f32 v57, v4;
	v11 =	vmul.f32 v11, v4  }
0x12c: {  	v9 =	vadd.f32 v58, v15;
	v1 =	vmul.f32 v1, v4;
	v3 =	vadd.f32 v5, v3  }
0x12d: {  	v59 =	vadd.f32 v7, v54;
	v61 =	vadd.f32 v11, v8  }
0x12e: {  	v1 =	vadd.f32 v1, v2;
	v62 =	vsub.f32 v3, v9  }
0x12f: {  	v63 =	vsub.f32 v61, v60  }
0x130: {  	v4 =	vsub.f32 v59, v1;
	v2 =	vmul.f32 v62, v0  }
0x131: {  	v3 =	vmul.f32 v63, v0  }
0x132: {  	v0 =	vmul.f32 v4, v0;
	v2 =	vadd.f32 v2, v9  }
0x133: {  	v3 =	vadd.f32 v3, v60  }
0x134: {  	v0 =	vadd.f32 v0, v1;
	[tilespmem:s22+$0x1C580] =	vst v2  }
0x135: {  	[tilespmem:s22+$0x1CD80] =	vst v3  }
0x136: {  	s30 =	sadd.s32 s5, s18;
	s18 =	simm.s32 $0x0;
	[tilespmem:s22+$0x1BD80] =	vst v0  }
0x137: {  	[hbm4b:s30+s18] =	stream.linear.scatter [tilespmem:s13], [sflag:$0x1], $0x800, $0x38;
	[tilespmem:$0x1D580] =	vst v63  }
0x138: {  	s20 =	sadd.s32 s5, s20  }
0x139: {  	[hbm4b:s20+s18] =	stream.linear.scatter [tilespmem:s14], [sflag:$0x1], $0x800, $0x38;
	[tilespmem:$0x1D580] =	vst v63  }
0x13a: {  	s31 =	sadd.s32 s5, s21  }
0x13b: {  	[hbm4b:s31+s18] =	stream.linear.scatter [tilespmem:s15], [sflag:$0x1], $0x800, $0x38;
	[tilespmem:$0x1D580] =	vst v63  }
0x13c: {  	_ =	swait.ge [sflag:s12], $0x800  }
0x13d: {  	[sflag:s12] =	ssyncset.done $0x0  }
0x13e: {  	s19 =	sadd.s32 $0x1, s19;
	[sflag:s12] =	ssyncadd.s32 $0xFFFFF800  }
0x13f: {  	p0 =	sne.s32 s19, $0x4;
	_ =	swait.ge [sflag:s12], $0x800  }
.Ltmp3:
0x140: {  	[sflag:s12] =	ssyncset.done $0x0;
	(pc) =	sbr.rel @p0 .LBB2_6-.Ltmp3, $4  }
0x141: {  	[sflag:s12] =	ssyncadd.s32 $0xFFFFF800  }
0x142: {  	_ =	swait.ge [sflag:s12], $0x800  }
0x143: {  	[sflag:s12] =	ssyncset.done $0x0  }
0x144: {  	[sflag:s12] =	ssyncadd.s32 $0xFFFFF800  }
0x145: {  	s19 =	simm.s32 $0x0  }
.LBB2_10:
0x146: {  	s17 =	sshll.u32 s19, $0x8  }
0x147: {  	s21 =	sadd.s32 s6, s17  }
0x148: {  	s17 =	sor.u32 $0x30000, s21  }
0x149: {  	s20 =	sadd.s32 s1, s17  }
0x14a: {  	[tilespmem:s9], [sflag:$0x1] =	stream.linear.gather [hbm4b:s20+s18], $0x800, $0x38;
	[tilespmem:$0x1D580] =	vst v63  }
0x14b: {  	s20 =	sor.u32 $0x38000, s21  }
0x14c: {  	s21 =	sor.u32 $0x40000, s21;
	s22 =	sadd.s32 s1, s20  }
0x14d: {  	[tilespmem:s10], [sflag:$0x1] =	stream.linear.gather [hbm4b:s22+s18], $0x800, $0x38;
	[tilespmem:$0x1D580] =	vst v63  }
0x14e: {  	s31 =	sadd.s32 s1, s21  }
0x14f: {  	[tilespmem:s11], [sflag:$0x1] =	stream.linear.gather [hbm4b:s31+s18], $0x800, $0x38;
	[tilespmem:$0x1D580] =	vst v63  }
0x150: {  	_ =	swait.ge [sflag:s12], $0x800  }
0x151: {  	[sflag:s12] =	ssyncset.done $0x0  }
0x152: {  	[sflag:s12] =	ssyncadd.s32 $0xFFFFF800  }
0x153: {  	_ =	swait.ge [sflag:s12], $0x800  }
0x154: {  	[sflag:s12] =	ssyncset.done $0x0  }
0x155: {  	[sflag:s12] =	ssyncadd.s32 $0xFFFFF800  }
0x156: {  	_ =	swait.ge [sflag:s12], $0x800  }
0x157: {  	[sflag:s12] =	ssyncset.done $0x0  }
0x158: {  	s22 =	simm.s32 $0x0;
	[sflag:s12] =	ssyncadd.s32 $0xFFFFF800  }
0x159: {  	v0 =	vld [tilespmem:s22+$0x1A580];
	_ =	sdelay $0x1  }
0x15a: {  	v1 =	vld [tilespmem:s22+$0x1AD80];
	_ =	sdelay $0x2  }
0x15b: {  	v2 =	vld [tilespmem:s22+$0x1B580];
	v4 =	vmul.f32 $3.200000000e+01, v0;
	_ =	sdelay $0x1  }
0x15c: {  	v5 =	vmul.f32 $3.200000000e+01, v1;
	v0 =	vtrunc.f32 v4  }
0x15d: {  	v1 =	vcvt.f32.s32 v0  }
0x15e: {  	v3 =	vtrunc.f32 v5  }
0x15f: {  	v0 =	vmul.f32 $3.200000000e+01, v2;
	v2 =	vcvt.f32.s32 v3;
	vm0 =	vlt.s32 v1, $0x1F  }
0x160: {  	v3 =	vnsel vm0, $0x1F, v1  }
0x161: {  	v6 =	vtrunc.f32 v0;
	vm14 =	vlt.s32 v2, $0x1F;
	v3 =	vmul.u32 $0x21, v3  }
0x162: {  	v7 =	vcvt.f32.s32 v6;
	v6 =	vnsel vm14, $0x1F, v2  }
0x163: {  	v3 =	vadd.s32 v6, v3  }
0x164: {  	vm15 =	vlt.s32 v7, $0x1F;
	v3 =	vmul.u32 $0x21, v3  }
0x165: {  	v6 =	vnsel vm15, $0x1F, v7  }
0x166: {  	v3 =	vadd.s32 v6, v3  }
0x167: {  	v11 =	vmul.u32 $0x3, v3;
	_ =	sdelay $0x1  }
0x168: {  	v3 =	vadd.s32 $0xCC7, v11  }
0x169: {  	v6 =	vadd.s32 $0x1, v11  }
0x16a: {  	v8 =	vadd.s32 $0xCC4, v11  }
0x16b: {  	v9 =	vadd.s32 $0x64, v11  }
0x16c: {  	v10 =	vadd.s32 $0xD2B, v11  }
0x16d: {  	v12 =	vadd.s32 $0xD28, v11;
	v3 =	vld.idx.msk [tilespmem:v3+s2+$0x0], $0xffff  }
0x16e: {  	v13 =	vadd.s32 $0xD27, v11;
	v15 =	vld.idx.msk [tilespmem:v6+s2+$0x0], $0xffff  }
0x16f: {  	v14 =	vadd.s32 $0x68, v11;
	v8 =	vld.idx.msk [tilespmem:v8+s2+$0x0], $0xffff  }
0x170: {  	v19 =	vadd.s32 $0x67, v11;
	v16 =	vld.idx.msk [tilespmem:v9+s2+$0x0], $0xffff  }
0x171: {  	v6 =	vadd.s32 $0xCC5, v11;
	v17 =	vld.idx.msk [tilespmem:v10+s2+$0x0], $0xffff  }
0x172: {  	v9 =	vadd.s32 $0x65, v11;
	v18 =	vld.idx.msk [tilespmem:v12+s2+$0x0], $0xffff  }
0x173: {  	v10 =	vadd.s32 $0x2, v11;
	v13 =	vld.idx.msk [tilespmem:v13+s2+$0x0], $0xffff  }
0x174: {  	v12 =	vadd.s32 $0xD2A, v11;
	v25 =	vld.idx.msk [tilespmem:v14+s2+$0x0], $0xffff  }
0x175: {  	v23 =	vcvt.s32.f32 v2;
	v2 =	vcvt.s32.f32 v7;
	v7 =	vld.idx.msk [tilespmem:v19+s2+$0x0], $0xffff  }
0x176: {  	v14 =	vadd.s32 $0xD29, v11;
	v21 =	vld.idx.msk [tilespmem:v6+s2+$0x0], $0xffff  }
0x177: {  	v1 =	vcvt.s32.f32 v1;
	v22 =	vadd.s32 $0x66, v11;
	v6 =	vld.idx.msk [tilespmem:v9+s2+$0x0], $0xffff  }
0x178: {  	v24 =	vadd.s32 $0xCC6, v11;
	v10 =	vld.idx.msk [tilespmem:v10+s2+$0x0], $0xffff  }
0x179: {  	v1 =	vsub.f32 v4, v1;
	v27 =	vadd.s32 $0x3, v11;
	v26 =	vld.idx.msk [tilespmem:v12+s2+$0x0], $0xffff;
	v4 =	vsub.f32 v8, v15  }
0x17a: {  	v28 =	vadd.s32 $0x4, v11;
	v29 =	vadd.s32 $0xCC3, v11;
	v19 =	vsub.f32 v13, v16;
	v13 =	vld.idx.msk [tilespmem:v11+s2+$0x0], $0xffff  }
0x17b: {  	v12 =	vadd.s32 $0x63, v11;
	v9 =	vadd.s32 $0xD26, v11;
	v20 =	vld.idx.msk [tilespmem:v14+s2+$0x0], $0xffff;
	v4 =	vmul.f32 v4, v1  }
0x17c: {  	v8 =	vadd.s32 $0x5, v11;
	v30 =	vsub.f32 v17, v25;
	v17 =	vld.idx.msk [tilespmem:v22+s2+$0x0], $0xffff;
	v19 =	vmul.f32 v19, v1  }
0x17d: {  	v14 =	vadd.s32 $0xCC8, v11;
	v22 =	vld.idx.msk [tilespmem:v24+s2+$0x0], $0xffff;
	v15 =	vadd.f32 v4, v15;
	v11 =	vsub.f32 v21, v10  }
0x17e: {  	v30 =	vmul.f32 v30, v1;
	v24 =	vsub.f32 v18, v6;
	v18 =	vld.idx.msk [tilespmem:v27+s2+$0x0], $0xffff;
	v27 =	vadd.f32 v19, v16  }
0x17f: {  	v4 =	vsub.f32 v5, v23;
	v23 =	vld.idx.msk [tilespmem:v29+s2+$0x0], $0xffff;
	v5 =	vsub.f32 v26, v7;
	v21 =	vmul.f32 v11, v1  }
0x180: {  	s23 =	simm.s32 $0x40;
	v16 =	vld.idx.msk [tilespmem:v28+s2+$0x0], $0xffff;
	v19 =	vmul.f32 v24, v1;
	v24 =	vsub.f32 v27, v15;
	v11 =	vadd.f32 v30, v25  }
.LBB2_11:
0x181: {  	p0 =	sne.s32 s23, $0x1FC0;
	v12 =	vld.idx.msk [tilespmem:v12+s2+$0x0], $0xffff;
	s24 =	smov.u32 s23;
	s23 =	sadd.s32 $0x40, s23  }
0x182: {  	v20 =	vsub.f32 v20, v17;
	v9 =	vld.idx.msk [tilespmem:v9+s2+$0x0], $0xffff;
	v24 =	vmul.f32 v24, v4  }
0x183: {  	v14 =	vld.idx.msk [tilespmem:v14+s2+$0x0], $0xffff  }
0x184: {  	s24 =	sshra.s32 s24, $0x2;
	v22 =	vsub.f32 v22, v18;
	v20 =	vmul.f32 v20, v1;
	v8 =	vld.idx.msk [tilespmem:v8+s2+$0x0], $0xffff  }
0x185: {  	v26 =	vsub.f32 v0, v2;
	v0 =	vsub.f32 v23, v13;
	v25 =	vld [tilespmem:s24+$0x1A580]  }
0x186: {  	v22 =	vmul.f32 v22, v1;
	v17 =	vadd.f32 v20, v17;
	v3 =	vsub.f32 v3, v16;
	v2 =	vld [tilespmem:s24+$0x1AD80]  }
0x187: {  	v10 =	vadd.f32 v21, v10;
	v15 =	vadd.f32 v24, v15;
	v0 =	vmul.f32 v0, v1;
	v20 =	vld [tilespmem:s24+$0x1B580]  }
0x188: {  	v18 =	vadd.f32 v22, v18;
	v9 =	vsub.f32 v9, v12;
	v3 =	vmul.f32 v3, v1  }
0x189: {  	v6 =	vadd.f32 v19, v6;
	v13 =	vadd.f32 v0, v13;
	v0 =	vmul.f32 v5, v1  }
0x18a: {  	v9 =	vmul.f32 v9, v1;
	v17 =	vsub.f32 v17, v18;
	v19 =	vmul.f32 $3.200000000e+01, v25  }
0x18b: {  	v6 =	vsub.f32 v6, v10;
	v5 =	vmul.f32 $3.200000000e+01, v2;
	v2 =	vsub.f32 v14, v8  }
0x18c: {  	v3 =	vadd.f32 v3, v16;
	v7 =	vadd.f32 v0, v7;
	v14 =	vtrunc.f32 v19  }
0x18d: {  	v9 =	vadd.f32 v9, v12;
	v12 =	vmul.f32 v17, v4;
	v14 =	vcvt.f32.s32 v14  }
0x18e: {  	v0 =	vmul.f32 $3.200000000e+01, v20;
	v7 =	vsub.f32 v7, v3;
	v16 =	vtrunc.f32 v5  }
0x18f: {  	v9 =	vsub.f32 v9, v13;
	v17 =	vcvt.s32.f32 v14;
	vm0 =	vlt.s32 v14, $0x1F  }
0x190: {  	v1 =	vmul.f32 v2, v1;
	v20 =	vtrunc.f32 v0;
	v14 =	vnsel vm0, $0x1F, v14  }
0x191: {  	v2 =	vcvt.f32.s32 v16;
	v7 =	vmul.f32 v7, v4;
	v14 =	vmul.u32 $0x21, v14  }
0x192: {  	v6 =	vmul.f32 v6, v4;
	v16 =	vcvt.f32.s32 v20;
	v1 =	vadd.f32 v1, v8  }
0x193: {  	v8 =	vmul.f32 v9, v4;
	v9 =	vadd.f32 v12, v18;
	vm0 =	vlt.s32 v2, $0x1F  }
0x194: {  	v12 =	vnsel vm0, $0x1F, v2;
	vm0 =	vlt.s32 v16, $0x1F;
	v11 =	vsub.f32 v11, v1  }
0x195: {  	v13 =	vadd.f32 v8, v13;
	v18 =	vnsel vm0, $0x1F, v16;
	v12 =	vadd.s32 v12, v14  }
0x196: {  	v3 =	vadd.f32 v7, v3;
	v4 =	vmul.f32 v11, v4;
	v8 =	vmul.u32 $0x21, v12  }
0x197: {  	v6 =	vadd.f32 v6, v10;
	v11 =	vcvt.s32.f32 v2;
	v7 =	vsub.f32 v9, v13  }
0x198: {  	v3 =	vsub.f32 v3, v15;
	v1 =	vadd.f32 v4, v1;
	v8 =	vadd.s32 v18, v8  }
0x199: {  	v2 =	vcvt.s32.f32 v16;
	v4 =	vmul.u32 $0x3, v8  }
0x19a: {  	v3 =	vmul.f32 v3, v26;
	v7 =	vmul.f32 v7, v26;
	v1 =	vsub.f32 v1, v6  }
0x19b: {  	v10 =	vadd.s32 $0xCC7, v4;
	v16 =	vadd.s32 $0x67, v4  }
0x19c: {  	v18 =	vadd.s32 $0x1, v4;
	v20 =	vadd.s32 $0x64, v4;
	v1 =	vmul.f32 v1, v26  }
0x19d: {  	v3 =	vadd.f32 v3, v15;
	v24 =	vadd.s32 $0x4, v4;
	v21 =	vadd.s32 $0xD2A, v4  }
0x19e: {  	v12 =	vadd.s32 $0x63, v4;
	v9 =	vadd.s32 $0xD26, v4;
	v1 =	vadd.f32 v1, v6  }
0x19f: {  	v7 =	vadd.f32 v7, v13;
	v8 =	vadd.s32 $0x5, v4;
	v6 =	vadd.s32 $0xCC4, v4;
	[tilespmem:s22+$0x1C580] =	vst v3  }
0x1a0: {  	v13 =	vadd.s32 $0xD27, v4;
	v15 =	vadd.s32 $0xD28, v4;
	v14 =	vadd.s32 $0xCC8, v4;
	[tilespmem:s22+$0x1CD80] =	vst v1  }
0x1a1: {  	v22 =	vadd.s32 $0xCC5, v4;
	v23 =	vadd.s32 $0x68, v4;
	v25 =	vadd.s32 $0xD2B, v4;
	[tilespmem:s22+$0x1BD80] =	vst v7;
	s22 =	smov.u32 s24  }
0x1a2: {  	v3 =	vld.idx.msk [tilespmem:v10+s2+$0x0], $0xffff  }
0x1a3: {  	v1 =	vsub.f32 v19, v17;
	v18 =	vld.idx.msk [tilespmem:v18+s2+$0x0], $0xffff  }
0x1a4: {  	v6 =	vld.idx.msk [tilespmem:v6+s2+$0x0], $0xffff  }
0x1a5: {  	v19 =	vld.idx.msk [tilespmem:v20+s2+$0x0], $0xffff  }
0x1a6: {  	v7 =	vadd.s32 $0x65, v4;
	v17 =	vld.idx.msk [tilespmem:v25+s2+$0x0], $0xffff  }
0x1a7: {  	v10 =	vadd.s32 $0x2, v4;
	v25 =	vld.idx.msk [tilespmem:v15+s2+$0x0], $0xffff  }
0x1a8: {  	v13 =	vld.idx.msk [tilespmem:v13+s2+$0x0], $0xffff  }
0x1a9: {  	v26 =	vld.idx.msk [tilespmem:v22+s2+$0x0], $0xffff  }
0x1aa: {  	v15 =	vsub.f32 v6, v18;
	v27 =	vld.idx.msk [tilespmem:v23+s2+$0x0], $0xffff  }
0x1ab: {  	v20 =	vadd.s32 $0xD29, v4;
	v6 =	vld.idx.msk [tilespmem:v7+s2+$0x0], $0xffff  }
0x1ac: {  	v22 =	vadd.s32 $0x66, v4;
	v15 =	vmul.f32 v15, v1;
	v10 =	vld.idx.msk [tilespmem:v10+s2+$0x0], $0xffff  }
0x1ad: {  	v23 =	vadd.s32 $0xCC6, v4;
	v21 =	vld.idx.msk [tilespmem:v21+s2+$0x0], $0xffff  }
0x1ae: {  	v28 =	vadd.s32 $0x3, v4;
	v7 =	vld.idx.msk [tilespmem:v16+s2+$0x0], $0xffff;
	v16 =	vsub.f32 v13, v19  }
0x1af: {  	v29 =	vadd.s32 $0xCC3, v4;
	v13 =	vld.idx.msk [tilespmem:v4+s2+$0x0], $0xffff  }
0x1b0: {  	v4 =	vsub.f32 v17, v27;
	v20 =	vld.idx.msk [tilespmem:v20+s2+$0x0], $0xffff;
	v16 =	vmul.f32 v16, v1  }
.Ltmp4:
0x1b1: {  	v15 =	vadd.f32 v15, v18;
	v17 =	vld.idx.msk [tilespmem:v22+s2+$0x0], $0xffff;
	(pc) =	sbr.rel @p0 .LBB2_11-.Ltmp4, $4  }
0x1b2: {  	v25 =	vsub.f32 v25, v6;
	v26 =	vsub.f32 v26, v10;
	v30 =	vmul.f32 v4, v1;
	v22 =	vld.idx.msk [tilespmem:v23+s2+$0x0], $0xffff  }
0x1b3: {  	v4 =	vsub.f32 v5, v11;
	v11 =	vadd.f32 v16, v19;
	v18 =	vld.idx.msk [tilespmem:v28+s2+$0x0], $0xffff  }
0x1b4: {  	v19 =	vmul.f32 v25, v1;
	v5 =	vsub.f32 v21, v7;
	v21 =	vmul.f32 v26, v1;
	v23 =	vld.idx.msk [tilespmem:v29+s2+$0x0], $0xffff  }
0x1b5: {  	v16 =	vld.idx.msk [tilespmem:v24+s2+$0x0], $0xffff;
	v24 =	vsub.f32 v11, v15;
	v11 =	vadd.f32 v30, v27  }
0x1b6: {  	_ =	sdelay $0x3  }
0x1b7: {  	v12 =	vld.idx.msk [tilespmem:v12+s2+$0x0], $0xffff  }
0x1b8: {  	v14 =	vld.idx.msk [tilespmem:v14+s2+$0x0], $0xffff  }
0x1b9: {  	v8 =	vld.idx.msk [tilespmem:v8+s2+$0x0], $0xffff  }
0x1ba: {  	v20 =	vsub.f32 v20, v17;
	v9 =	vld.idx.msk [tilespmem:v9+s2+$0x0], $0xffff;
	v0 =	vsub.f32 v0, v2;
	v5 =	vmul.f32 v5, v1  }
0x1bb: {  	v10 =	vadd.f32 v21, v10;
	v6 =	vadd.f32 v19, v6  }
0x1bc: {  	v22 =	vsub.f32 v22, v18;
	v5 =	vadd.f32 v5, v7  }
0x1bd: {  	v6 =	vsub.f32 v6, v10;
	v3 =	vsub.f32 v3, v16  }
0x1be: {  	v20 =	vmul.f32 v20, v1;
	v52 =	vsub.f32 v23, v13;
	v14 =	vsub.f32 v14, v8  }
0x1bf: {  	v22 =	vmul.f32 v22, v1;
	v9 =	vsub.f32 v9, v12;
	v3 =	vmul.f32 v3, v1  }
0x1c0: {  	v53 =	vadd.f32 v20, v17;
	v2 =	vmul.f32 v52, v1;
	v55 =	vmul.f32 v14, v1  }
0x1c1: {  	v54 =	vadd.f32 v22, v18;
	v56 =	vmul.f32 v9, v1;
	v3 =	vadd.f32 v3, v16  }
0x1c2: {  	v2 =	vadd.f32 v2, v13;
	v8 =	vadd.f32 v55, v8  }
0x1c3: {  	v1 =	vadd.f32 v56, v12;
	v5 =	vsub.f32 v5, v3  }
0x1c4: {  	v6 =	vmul.f32 v6, v4;
	v57 =	vsub.f32 v53, v54;
	v11 =	vsub.f32 v11, v8  }
0x1c5: {  	v58 =	vmul.f32 v24, v4;
	v1 =	vsub.f32 v1, v2;
	v5 =	vmul.f32 v5, v4  }
0x1c6: {  	v60 =	vadd.f32 v6, v10;
	v7 =	vmul.f32 v57, v4;
	v11 =	vmul.f32 v11, v4  }
0x1c7: {  	v9 =	vadd.f32 v58, v15;
	v1 =	vmul.f32 v1, v4;
	v3 =	vadd.f32 v5, v3  }
0x1c8: {  	v59 =	vadd.f32 v7, v54;
	v61 =	vadd.f32 v11, v8  }
0x1c9: {  	v1 =	vadd.f32 v1, v2;
	v62 =	vsub.f32 v3, v9  }
0x1ca: {  	v63 =	vsub.f32 v61, v60  }
0x1cb: {  	v4 =	vsub.f32 v59, v1;
	v2 =	vmul.f32 v62, v0  }
0x1cc: {  	v3 =	vmul.f32 v63, v0  }
0x1cd: {  	v0 =	vmul.f32 v4, v0;
	v2 =	vadd.f32 v2, v9  }
0x1ce: {  	v3 =	vadd.f32 v3, v60  }
0x1cf: {  	v0 =	vadd.f32 v0, v1;
	[tilespmem:s22+$0x1C580] =	vst v2  }
0x1d0: {  	[tilespmem:s22+$0x1CD80] =	vst v3  }
0x1d1: {  	s30 =	sadd.s32 s5, s17;
	s17 =	simm.s32 $0x0;
	[tilespmem:s22+$0x1BD80] =	vst v0  }
0x1d2: {  	[hbm4b:s30+s17] =	stream.linear.scatter [tilespmem:s13], [sflag:$0x1], $0x800, $0x38;
	[tilespmem:$0x1D580] =	vst v63  }
0x1d3: {  	s20 =	sadd.s32 s5, s20  }
0x1d4: {  	[hbm4b:s20+s17] =	stream.linear.scatter [tilespmem:s14], [sflag:$0x1], $0x800, $0x38;
	[tilespmem:$0x1D580] =	vst v63  }
0x1d5: {  	s31 =	sadd.s32 s5, s21  }
0x1d6: {  	[hbm4b:s31+s17] =	stream.linear.scatter [tilespmem:s15], [sflag:$0x1], $0x800, $0x38;
	[tilespmem:$0x1D580] =	vst v63  }
0x1d7: {  	_ =	swait.ge [sflag:s12], $0x800  }
0x1d8: {  	[sflag:s12] =	ssyncset.done $0x0  }
0x1d9: {  	s19 =	sadd.s32 $0x1, s19;
	[sflag:s12] =	ssyncadd.s32 $0xFFFFF800  }
0x1da: {  	p0 =	sne.s32 s19, $0x4;
	_ =	swait.ge [sflag:s12], $0x800  }
.Ltmp5:
0x1db: {  	[sflag:s12] =	ssyncset.done $0x0;
	(pc) =	sbr.rel @p0 .LBB2_10-.Ltmp5, $4  }
0x1dc: {  	[sflag:s12] =	ssyncadd.s32 $0xFFFFF800  }
0x1dd: {  	_ =	swait.ge [sflag:s12], $0x800  }
0x1de: {  	[sflag:s12] =	ssyncset.done $0x0  }
0x1df: {  	[sflag:s12] =	ssyncadd.s32 $0xFFFFF800  }
0x1e0: {  	s19 =	simm.s32 $0x0  }
.LBB2_14:
0x1e1: {  	s18 =	sshll.u32 s19, $0x8  }
0x1e2: {  	s21 =	sadd.s32 s6, s18  }
0x1e3: {  	s18 =	sor.u32 $0x48000, s21  }
0x1e4: {  	s20 =	sadd.s32 s1, s18  }
0x1e5: {  	[tilespmem:s9], [sflag:$0x1] =	stream.linear.gather [hbm4b:s20+s17], $0x800, $0x38;
	[tilespmem:$0x1D580] =	vst v63  }
0x1e6: {  	s20 =	sor.u32 $0x50000, s21  }
0x1e7: {  	s21 =	sor.u32 $0x58000, s21;
	s22 =	sadd.s32 s1, s20  }
0x1e8: {  	[tilespmem:s10], [sflag:$0x1] =	stream.linear.gather [hbm4b:s22+s17], $0x800, $0x38;
	[tilespmem:$0x1D580] =	vst v63  }
0x1e9: {  	s31 =	sadd.s32 s1, s21  }
0x1ea: {  	[tilespmem:s11], [sflag:$0x1] =	stream.linear.gather [hbm4b:s31+s17], $0x800, $0x38;
	[tilespmem:$0x1D580] =	vst v63  }
0x1eb: {  	_ =	swait.ge [sflag:s12], $0x800  }
0x1ec: {  	[sflag:s12] =	ssyncset.done $0x0  }
0x1ed: {  	[sflag:s12] =	ssyncadd.s32 $0xFFFFF800  }
0x1ee: {  	_ =	swait.ge [sflag:s12], $0x800  }
0x1ef: {  	[sflag:s12] =	ssyncset.done $0x0  }
0x1f0: {  	[sflag:s12] =	ssyncadd.s32 $0xFFFFF800  }
0x1f1: {  	_ =	swait.ge [sflag:s12], $0x800  }
0x1f2: {  	[sflag:s12] =	ssyncset.done $0x0  }
0x1f3: {  	s22 =	simm.s32 $0x0;
	[sflag:s12] =	ssyncadd.s32 $0xFFFFF800  }
0x1f4: {  	v0 =	vld [tilespmem:s22+$0x1A580];
	_ =	sdelay $0x1  }
0x1f5: {  	v1 =	vld [tilespmem:s22+$0x1AD80];
	_ =	sdelay $0x2  }
0x1f6: {  	v2 =	vld [tilespmem:s22+$0x1B580];
	v4 =	vmul.f32 $3.200000000e+01, v0;
	_ =	sdelay $0x1  }
0x1f7: {  	v5 =	vmul.f32 $3.200000000e+01, v1;
	v0 =	vtrunc.f32 v4  }
0x1f8: {  	v1 =	vcvt.f32.s32 v0  }
0x1f9: {  	v3 =	vtrunc.f32 v5  }
0x1fa: {  	v0 =	vmul.f32 $3.200000000e+01, v2;
	v2 =	vcvt.f32.s32 v3;
	vm0 =	vlt.s32 v1, $0x1F  }
0x1fb: {  	v3 =	vnsel vm0, $0x1F, v1  }
0x1fc: {  	v6 =	vtrunc.f32 v0;
	vm14 =	vlt.s32 v2, $0x1F;
	v3 =	vmul.u32 $0x21, v3  }
0x1fd: {  	v7 =	vcvt.f32.s32 v6;
	v6 =	vnsel vm14, $0x1F, v2  }
0x1fe: {  	v3 =	vadd.s32 v6, v3  }
0x1ff: {  	vm15 =	vlt.s32 v7, $0x1F;
	v3 =	vmul.u32 $0x21, v3  }
0x200: {  	v6 =	vnsel vm15, $0x1F, v7  }
0x201: {  	v3 =	vadd.s32 v6, v3  }
0x202: {  	v11 =	vmul.u32 $0x3, v3;
	_ =	sdelay $0x1  }
0x203: {  	v3 =	vadd.s32 $0xCC7, v11  }
0x204: {  	v6 =	vadd.s32 $0x1, v11  }
0x205: {  	v8 =	vadd.s32 $0xCC4, v11  }
0x206: {  	v9 =	vadd.s32 $0x64, v11  }
0x207: {  	v10 =	vadd.s32 $0xD2B, v11  }
0x208: {  	v12 =	vadd.s32 $0xD28, v11;
	v3 =	vld.idx.msk [tilespmem:v3+s2+$0x0], $0xffff  }
0x209: {  	v13 =	vadd.s32 $0xD27, v11;
	v15 =	vld.idx.msk [tilespmem:v6+s2+$0x0], $0xffff  }
0x20a: {  	v14 =	vadd.s32 $0x68, v11;
	v8 =	vld.idx.msk [tilespmem:v8+s2+$0x0], $0xffff  }
0x20b: {  	v19 =	vadd.s32 $0x67, v11;
	v16 =	vld.idx.msk [tilespmem:v9+s2+$0x0], $0xffff  }
0x20c: {  	v6 =	vadd.s32 $0xCC5, v11;
	v17 =	vld.idx.msk [tilespmem:v10+s2+$0x0], $0xffff  }
0x20d: {  	v9 =	vadd.s32 $0x65, v11;
	v18 =	vld.idx.msk [tilespmem:v12+s2+$0x0], $0xffff  }
0x20e: {  	v10 =	vadd.s32 $0x2, v11;
	v13 =	vld.idx.msk [tilespmem:v13+s2+$0x0], $0xffff  }
0x20f: {  	v12 =	vadd.s32 $0xD2A, v11;
	v25 =	vld.idx.msk [tilespmem:v14+s2+$0x0], $0xffff  }
0x210: {  	v23 =	vcvt.s32.f32 v2;
	v2 =	vcvt.s32.f32 v7;
	v7 =	vld.idx.msk [tilespmem:v19+s2+$0x0], $0xffff  }
0x211: {  	v14 =	vadd.s32 $0xD29, v11;
	v21 =	vld.idx.msk [tilespmem:v6+s2+$0x0], $0xffff  }
0x212: {  	v1 =	vcvt.s32.f32 v1;
	v22 =	vadd.s32 $0x66, v11;
	v6 =	vld.idx.msk [tilespmem:v9+s2+$0x0], $0xffff  }
0x213: {  	v24 =	vadd.s32 $0xCC6, v11;
	v10 =	vld.idx.msk [tilespmem:v10+s2+$0x0], $0xffff  }
0x214: {  	v1 =	vsub.f32 v4, v1;
	v27 =	vadd.s32 $0x3, v11;
	v26 =	vld.idx.msk [tilespmem:v12+s2+$0x0], $0xffff;
	v4 =	vsub.f32 v8, v15  }
0x215: {  	v28 =	vadd.s32 $0x4, v11;
	v29 =	vadd.s32 $0xCC3, v11;
	v19 =	vsub.f32 v13, v16;
	v13 =	vld.idx.msk [tilespmem:v11+s2+$0x0], $0xffff  }
0x216: {  	v12 =	vadd.s32 $0x63, v11;
	v9 =	vadd.s32 $0xD26, v11;
	v20 =	vld.idx.msk [tilespmem:v14+s2+$0x0], $0xffff;
	v4 =	vmul.f32 v4, v1  }
0x217: {  	v8 =	vadd.s32 $0x5, v11;
	v30 =	vsub.f32 v17, v25;
	v17 =	vld.idx.msk [tilespmem:v22+s2+$0x0], $0xffff;
	v19 =	vmul.f32 v19, v1  }
0x218: {  	v14 =	vadd.s32 $0xCC8, v11;
	v22 =	vld.idx.msk [tilespmem:v24+s2+$0x0], $0xffff;
	v15 =	vadd.f32 v4, v15;
	v11 =	vsub.f32 v21, v10  }
0x219: {  	v30 =	vmul.f32 v30, v1;
	v24 =	vsub.f32 v18, v6;
	v18 =	vld.idx.msk [tilespmem:v27+s2+$0x0], $0xffff;
	v27 =	vadd.f32 v19, v16  }
0x21a: {  	v4 =	vsub.f32 v5, v23;
	v23 =	vld.idx.msk [tilespmem:v29+s2+$0x0], $0xffff;
	v5 =	vsub.f32 v26, v7;
	v21 =	vmul.f32 v11, v1  }
0x21b: {  	s23 =	simm.s32 $0x40;
	v16 =	vld.idx.msk [tilespmem:v28+s2+$0x0], $0xffff;
	v19 =	vmul.f32 v24, v1;
	v24 =	vsub.f32 v27, v15;
	v11 =	vadd.f32 v30, v25  }
.LBB2_15:
0x21c: {  	p0 =	sne.s32 s23, $0x1FC0;
	v12 =	vld.idx.msk [tilespmem:v12+s2+$0x0], $0xffff;
	s24 =	smov.u32 s23;
	s23 =	sadd.s32 $0x40, s23  }
0x21d: {  	v20 =	vsub.f32 v20, v17;
	v9 =	vld.idx.msk [tilespmem:v9+s2+$0x0], $0xffff;
	v24 =	vmul.f32 v24, v4  }
0x21e: {  	v14 =	vld.idx.msk [tilespmem:v14+s2+$0x0], $0xffff  }
0x21f: {  	s24 =	sshra.s32 s24, $0x2;
	v22 =	vsub.f32 v22, v18;
	v20 =	vmul.f32 v20, v1;
	v8 =	vld.idx.msk [tilespmem:v8+s2+$0x0], $0xffff  }
0x220: {  	v26 =	vsub.f32 v0, v2;
	v0 =	vsub.f32 v23, v13;
	v25 =	vld [tilespmem:s24+$0x1A580]  }
0x221: {  	v22 =	vmul.f32 v22, v1;
	v17 =	vadd.f32 v20, v17;
	v3 =	vsub.f32 v3, v16;
	v2 =	vld [tilespmem:s24+$0x1AD80]  }
0x222: {  	v10 =	vadd.f32 v21, v10;
	v15 =	vadd.f32 v24, v15;
	v0 =	vmul.f32 v0, v1;
	v20 =	vld [tilespmem:s24+$0x1B580]  }
0x223: {  	v18 =	vadd.f32 v22, v18;
	v9 =	vsub.f32 v9, v12;
	v3 =	vmul.f32 v3, v1  }
0x224: {  	v6 =	vadd.f32 v19, v6;
	v13 =	vadd.f32 v0, v13;
	v0 =	vmul.f32 v5, v1  }
0x225: {  	v9 =	vmul.f32 v9, v1;
	v17 =	vsub.f32 v17, v18;
	v19 =	vmul.f32 $3.200000000e+01, v25  }
0x226: {  	v6 =	vsub.f32 v6, v10;
	v5 =	vmul.f32 $3.200000000e+01, v2;
	v2 =	vsub.f32 v14, v8  }
0x227: {  	v3 =	vadd.f32 v3, v16;
	v7 =	vadd.f32 v0, v7;
	v14 =	vtrunc.f32 v19  }
0x228: {  	v9 =	vadd.f32 v9, v12;
	v12 =	vmul.f32 v17, v4;
	v14 =	vcvt.f32.s32 v14  }
0x229: {  	v0 =	vmul.f32 $3.200000000e+01, v20;
	v7 =	vsub.f32 v7, v3;
	v16 =	vtrunc.f32 v5  }
0x22a: {  	v9 =	vsub.f32 v9, v13;
	v17 =	vcvt.s32.f32 v14;
	vm0 =	vlt.s32 v14, $0x1F  }
0x22b: {  	v1 =	vmul.f32 v2, v1;
	v20 =	vtrunc.f32 v0;
	v14 =	vnsel vm0, $0x1F, v14  }
0x22c: {  	v2 =	vcvt.f32.s32 v16;
	v7 =	vmul.f32 v7, v4;
	v14 =	vmul.u32 $0x21, v14  }
0x22d: {  	v6 =	vmul.f32 v6, v4;
	v16 =	vcvt.f32.s32 v20;
	v1 =	vadd.f32 v1, v8  }
0x22e: {  	v8 =	vmul.f32 v9, v4;
	v9 =	vadd.f32 v12, v18;
	vm0 =	vlt.s32 v2, $0x1F  }
0x22f: {  	v12 =	vnsel vm0, $0x1F, v2;
	vm0 =	vlt.s32 v16, $0x1F;
	v11 =	vsub.f32 v11, v1  }
0x230: {  	v13 =	vadd.f32 v8, v13;
	v18 =	vnsel vm0, $0x1F, v16;
	v12 =	vadd.s32 v12, v14  }
0x231: {  	v3 =	vadd.f32 v7, v3;
	v4 =	vmul.f32 v11, v4;
	v8 =	vmul.u32 $0x21, v12  }
0x232: {  	v6 =	vadd.f32 v6, v10;
	v11 =	vcvt.s32.f32 v2;
	v7 =	vsub.f32 v9, v13  }
0x233: {  	v3 =	vsub.f32 v3, v15;
	v1 =	vadd.f32 v4, v1;
	v8 =	vadd.s32 v18, v8  }
0x234: {  	v2 =	vcvt.s32.f32 v16;
	v4 =	vmul.u32 $0x3, v8  }
0x235: {  	v3 =	vmul.f32 v3, v26;
	v7 =	vmul.f32 v7, v26;
	v1 =	vsub.f32 v1, v6  }
0x236: {  	v10 =	vadd.s32 $0xCC7, v4;
	v16 =	vadd.s32 $0x67, v4  }
0x237: {  	v18 =	vadd.s32 $0x1, v4;
	v20 =	vadd.s32 $0x64, v4;
	v1 =	vmul.f32 v1, v26  }
0x238: {  	v3 =	vadd.f32 v3, v15;
	v24 =	vadd.s32 $0x4, v4;
	v21 =	vadd.s32 $0xD2A, v4  }
0x239: {  	v12 =	vadd.s32 $0x63, v4;
	v9 =	vadd.s32 $0xD26, v4;
	v1 =	vadd.f32 v1, v6  }
0x23a: {  	v7 =	vadd.f32 v7, v13;
	v8 =	vadd.s32 $0x5, v4;
	v6 =	vadd.s32 $0xCC4, v4;
	[tilespmem:s22+$0x1C580] =	vst v3  }
0x23b: {  	v13 =	vadd.s32 $0xD27, v4;
	v15 =	vadd.s32 $0xD28, v4;
	v14 =	vadd.s32 $0xCC8, v4;
	[tilespmem:s22+$0x1CD80] =	vst v1  }
0x23c: {  	v22 =	vadd.s32 $0xCC5, v4;
	v23 =	vadd.s32 $0x68, v4;
	v25 =	vadd.s32 $0xD2B, v4;
	[tilespmem:s22+$0x1BD80] =	vst v7;
	s22 =	smov.u32 s24  }
0x23d: {  	v3 =	vld.idx.msk [tilespmem:v10+s2+$0x0], $0xffff  }
0x23e: {  	v1 =	vsub.f32 v19, v17;
	v18 =	vld.idx.msk [tilespmem:v18+s2+$0x0], $0xffff  }
0x23f: {  	v6 =	vld.idx.msk [tilespmem:v6+s2+$0x0], $0xffff  }
0x240: {  	v19 =	vld.idx.msk [tilespmem:v20+s2+$0x0], $0xffff  }
0x241: {  	v7 =	vadd.s32 $0x65, v4;
	v17 =	vld.idx.msk [tilespmem:v25+s2+$0x0], $0xffff  }
0x242: {  	v10 =	vadd.s32 $0x2, v4;
	v25 =	vld.idx.msk [tilespmem:v15+s2+$0x0], $0xffff  }
0x243: {  	v13 =	vld.idx.msk [tilespmem:v13+s2+$0x0], $0xffff  }
0x244: {  	v26 =	vld.idx.msk [tilespmem:v22+s2+$0x0], $0xffff  }
0x245: {  	v15 =	vsub.f32 v6, v18;
	v27 =	vld.idx.msk [tilespmem:v23+s2+$0x0], $0xffff  }
0x246: {  	v20 =	vadd.s32 $0xD29, v4;
	v6 =	vld.idx.msk [tilespmem:v7+s2+$0x0], $0xffff  }
0x247: {  	v22 =	vadd.s32 $0x66, v4;
	v15 =	vmul.f32 v15, v1;
	v10 =	vld.idx.msk [tilespmem:v10+s2+$0x0], $0xffff  }
0x248: {  	v23 =	vadd.s32 $0xCC6, v4;
	v21 =	vld.idx.msk [tilespmem:v21+s2+$0x0], $0xffff  }
0x249: {  	v28 =	vadd.s32 $0x3, v4;
	v7 =	vld.idx.msk [tilespmem:v16+s2+$0x0], $0xffff;
	v16 =	vsub.f32 v13, v19  }
0x24a: {  	v29 =	vadd.s32 $0xCC3, v4;
	v13 =	vld.idx.msk [tilespmem:v4+s2+$0x0], $0xffff  }
0x24b: {  	v4 =	vsub.f32 v17, v27;
	v20 =	vld.idx.msk [tilespmem:v20+s2+$0x0], $0xffff;
	v16 =	vmul.f32 v16, v1  }
.Ltmp6:
0x24c: {  	v15 =	vadd.f32 v15, v18;
	v17 =	vld.idx.msk [tilespmem:v22+s2+$0x0], $0xffff;
	(pc) =	sbr.rel @p0 .LBB2_15-.Ltmp6, $4  }
0x24d: {  	v25 =	vsub.f32 v25, v6;
	v26 =	vsub.f32 v26, v10;
	v30 =	vmul.f32 v4, v1;
	v22 =	vld.idx.msk [tilespmem:v23+s2+$0x0], $0xffff  }
0x24e: {  	v4 =	vsub.f32 v5, v11;
	v11 =	vadd.f32 v16, v19;
	v18 =	vld.idx.msk [tilespmem:v28+s2+$0x0], $0xffff  }
0x24f: {  	v19 =	vmul.f32 v25, v1;
	v5 =	vsub.f32 v21, v7;
	v21 =	vmul.f32 v26, v1;
	v23 =	vld.idx.msk [tilespmem:v29+s2+$0x0], $0xffff  }
0x250: {  	v16 =	vld.idx.msk [tilespmem:v24+s2+$0x0], $0xffff;
	v24 =	vsub.f32 v11, v15;
	v11 =	vadd.f32 v30, v27  }
0x251: {  	_ =	sdelay $0x3  }
0x252: {  	v12 =	vld.idx.msk [tilespmem:v12+s2+$0x0], $0xffff  }
0x253: {  	v14 =	vld.idx.msk [tilespmem:v14+s2+$0x0], $0xffff  }
0x254: {  	v8 =	vld.idx.msk [tilespmem:v8+s2+$0x0], $0xffff  }
0x255: {  	v20 =	vsub.f32 v20, v17;
	v9 =	vld.idx.msk [tilespmem:v9+s2+$0x0], $0xffff;
	v0 =	vsub.f32 v0, v2;
	v5 =	vmul.f32 v5, v1  }
0x256: {  	v10 =	vadd.f32 v21, v10;
	v6 =	vadd.f32 v19, v6  }
0x257: {  	v22 =	vsub.f32 v22, v18;
	v5 =	vadd.f32 v5, v7  }
0x258: {  	v6 =	vsub.f32 v6, v10;
	v3 =	vsub.f32 v3, v16  }
0x259: {  	v20 =	vmul.f32 v20, v1;
	v52 =	vsub.f32 v23, v13;
	v14 =	vsub.f32 v14, v8  }
0x25a: {  	v22 =	vmul.f32 v22, v1;
	v9 =	vsub.f32 v9, v12;
	v3 =	vmul.f32 v3, v1  }
0x25b: {  	v53 =	vadd.f32 v20, v17;
	v2 =	vmul.f32 v52, v1;
	v55 =	vmul.f32 v14, v1  }
0x25c: {  	v54 =	vadd.f32 v22, v18;
	v56 =	vmul.f32 v9, v1;
	v3 =	vadd.f32 v3, v16  }
0x25d: {  	v2 =	vadd.f32 v2, v13;
	v8 =	vadd.f32 v55, v8  }
0x25e: {  	v1 =	vadd.f32 v56, v12;
	v5 =	vsub.f32 v5, v3  }
0x25f: {  	v6 =	vmul.f32 v6, v4;
	v57 =	vsub.f32 v53, v54;
	v11 =	vsub.f32 v11, v8  }
0x260: {  	v58 =	vmul.f32 v24, v4;
	v1 =	vsub.f32 v1, v2;
	v5 =	vmul.f32 v5, v4  }
0x261: {  	v60 =	vadd.f32 v6, v10;
	v7 =	vmul.f32 v57, v4;
	v11 =	vmul.f32 v11, v4  }
0x262: {  	v9 =	vadd.f32 v58, v15;
	v1 =	vmul.f32 v1, v4;
	v3 =	vadd.f32 v5, v3  }
0x263: {  	v59 =	vadd.f32 v7, v54;
	v61 =	vadd.f32 v11, v8  }
0x264: {  	v1 =	vadd.f32 v1, v2;
	v62 =	vsub.f32 v3, v9  }
0x265: {  	v63 =	vsub.f32 v61, v60  }
0x266: {  	v4 =	vsub.f32 v59, v1;
	v2 =	vmul.f32 v62, v0  }
0x267: {  	v3 =	vmul.f32 v63, v0  }
0x268: {  	v0 =	vmul.f32 v4, v0;
	v2 =	vadd.f32 v2, v9  }
0x269: {  	v3 =	vadd.f32 v3, v60  }
0x26a: {  	v0 =	vadd.f32 v0, v1;
	[tilespmem:s22+$0x1C580] =	vst v2  }
0x26b: {  	[tilespmem:s22+$0x1CD80] =	vst v3  }
0x26c: {  	s30 =	sadd.s32 s5, s18;
	s18 =	simm.s32 $0x0;
	[tilespmem:s22+$0x1BD80] =	vst v0  }
0x26d: {  	[hbm4b:s30+s18] =	stream.linear.scatter [tilespmem:s13], [sflag:$0x1], $0x800, $0x38;
	[tilespmem:$0x1D580] =	vst v63  }
0x26e: {  	s20 =	sadd.s32 s5, s20  }
0x26f: {  	[hbm4b:s20+s18] =	stream.linear.scatter [tilespmem:s14], [sflag:$0x1], $0x800, $0x38;
	[tilespmem:$0x1D580] =	vst v63  }
0x270: {  	s31 =	sadd.s32 s5, s21  }
0x271: {  	[hbm4b:s31+s18] =	stream.linear.scatter [tilespmem:s15], [sflag:$0x1], $0x800, $0x38;
	[tilespmem:$0x1D580] =	vst v63  }
0x272: {  	_ =	swait.ge [sflag:s12], $0x800  }
0x273: {  	[sflag:s12] =	ssyncset.done $0x0  }
0x274: {  	s19 =	sadd.s32 $0x1, s19;
	[sflag:s12] =	ssyncadd.s32 $0xFFFFF800  }
0x275: {  	p0 =	sne.s32 s19, $0x4;
	_ =	swait.ge [sflag:s12], $0x800  }
.Ltmp7:
0x276: {  	[sflag:s12] =	ssyncset.done $0x0;
	(pc) =	sbr.rel @p0 .LBB2_14-.Ltmp7, $4  }
0x277: {  	[sflag:s12] =	ssyncadd.s32 $0xFFFFF800  }
0x278: {  	_ =	swait.ge [sflag:s12], $0x800  }
0x279: {  	[sflag:s12] =	ssyncset.done $0x0  }
0x27a: {  	[sflag:s12] =	ssyncadd.s32 $0xFFFFF800  }
0x27b: {  	s19 =	simm.s32 $0x0  }
.LBB2_18:
0x27c: {  	s17 =	sshll.u32 s19, $0x8  }
0x27d: {  	s21 =	sadd.s32 s6, s17  }
0x27e: {  	s17 =	sor.u32 $0x60000, s21  }
0x27f: {  	s20 =	sadd.s32 s1, s17  }
0x280: {  	[tilespmem:s9], [sflag:$0x1] =	stream.linear.gather [hbm4b:s20+s18], $0x800, $0x38;
	[tilespmem:$0x1D580] =	vst v63  }
0x281: {  	s20 =	sor.u32 $0x68000, s21  }
0x282: {  	s21 =	sor.u32 $0x70000, s21;
	s22 =	sadd.s32 s1, s20  }
0x283: {  	[tilespmem:s10], [sflag:$0x1] =	stream.linear.gather [hbm4b:s22+s18], $0x800, $0x38;
	[tilespmem:$0x1D580] =	vst v63  }
0x284: {  	s31 =	sadd.s32 s1, s21  }
0x285: {  	[tilespmem:s11], [sflag:$0x1] =	stream.linear.gather [hbm4b:s31+s18], $0x800, $0x38;
	[tilespmem:$0x1D580] =	vst v63  }
0x286: {  	_ =	swait.ge [sflag:s12], $0x800  }
0x287: {  	[sflag:s12] =	ssyncset.done $0x0  }
0x288: {  	[sflag:s12] =	ssyncadd.s32 $0xFFFFF800  }
0x289: {  	_ =	swait.ge [sflag:s12], $0x800  }
0x28a: {  	[sflag:s12] =	ssyncset.done $0x0  }
0x28b: {  	[sflag:s12] =	ssyncadd.s32 $0xFFFFF800  }
0x28c: {  	_ =	swait.ge [sflag:s12], $0x800  }
0x28d: {  	[sflag:s12] =	ssyncset.done $0x0  }
0x28e: {  	s22 =	simm.s32 $0x0;
	[sflag:s12] =	ssyncadd.s32 $0xFFFFF800  }
0x28f: {  	v0 =	vld [tilespmem:s22+$0x1A580];
	_ =	sdelay $0x1  }
0x290: {  	v1 =	vld [tilespmem:s22+$0x1AD80];
	_ =	sdelay $0x2  }
0x291: {  	v2 =	vld [tilespmem:s22+$0x1B580];
	v4 =	vmul.f32 $3.200000000e+01, v0;
	_ =	sdelay $0x1  }
0x292: {  	v5 =	vmul.f32 $3.200000000e+01, v1;
	v0 =	vtrunc.f32 v4  }
0x293: {  	v1 =	vcvt.f32.s32 v0  }
0x294: {  	v3 =	vtrunc.f32 v5  }
0x295: {  	v0 =	vmul.f32 $3.200000000e+01, v2;
	v2 =	vcvt.f32.s32 v3;
	vm0 =	vlt.s32 v1, $0x1F  }
0x296: {  	v3 =	vnsel vm0, $0x1F, v1  }
0x297: {  	v6 =	vtrunc.f32 v0;
	vm14 =	vlt.s32 v2, $0x1F;
	v3 =	vmul.u32 $0x21, v3  }
0x298: {  	v7 =	vcvt.f32.s32 v6;
	v6 =	vnsel vm14, $0x1F, v2  }
0x299: {  	v3 =	vadd.s32 v6, v3  }
0x29a: {  	vm15 =	vlt.s32 v7, $0x1F;
	v3 =	vmul.u32 $0x21, v3  }
0x29b: {  	v6 =	vnsel vm15, $0x1F, v7  }
0x29c: {  	v3 =	vadd.s32 v6, v3  }
0x29d: {  	v11 =	vmul.u32 $0x3, v3;
	_ =	sdelay $0x1  }
0x29e: {  	v3 =	vadd.s32 $0xCC7, v11  }
0x29f: {  	v6 =	vadd.s32 $0x1, v11  }
0x2a0: {  	v8 =	vadd.s32 $0xCC4, v11  }
0x2a1: {  	v9 =	vadd.s32 $0x64, v11  }
0x2a2: {  	v10 =	vadd.s32 $0xD2B, v11  }
0x2a3: {  	v12 =	vadd.s32 $0xD28, v11;
	v3 =	vld.idx.msk [tilespmem:v3+s2+$0x0], $0xffff  }
0x2a4: {  	v13 =	vadd.s32 $0xD27, v11;
	v15 =	vld.idx.msk [tilespmem:v6+s2+$0x0], $0xffff  }
0x2a5: {  	v14 =	vadd.s32 $0x68, v11;
	v8 =	vld.idx.msk [tilespmem:v8+s2+$0x0], $0xffff  }
0x2a6: {  	v19 =	vadd.s32 $0x67, v11;
	v16 =	vld.idx.msk [tilespmem:v9+s2+$0x0], $0xffff  }
0x2a7: {  	v6 =	vadd.s32 $0xCC5, v11;
	v17 =	vld.idx.msk [tilespmem:v10+s2+$0x0], $0xffff  }
0x2a8: {  	v9 =	vadd.s32 $0x65, v11;
	v18 =	vld.idx.msk [tilespmem:v12+s2+$0x0], $0xffff  }
0x2a9: {  	v10 =	vadd.s32 $0x2, v11;
	v13 =	vld.idx.msk [tilespmem:v13+s2+$0x0], $0xffff  }
0x2aa: {  	v12 =	vadd.s32 $0xD2A, v11;
	v25 =	vld.idx.msk [tilespmem:v14+s2+$0x0], $0xffff  }
0x2ab: {  	v23 =	vcvt.s32.f32 v2;
	v2 =	vcvt.s32.f32 v7;
	v7 =	vld.idx.msk [tilespmem:v19+s2+$0x0], $0xffff  }
0x2ac: {  	v14 =	vadd.s32 $0xD29, v11;
	v21 =	vld.idx.msk [tilespmem:v6+s2+$0x0], $0xffff  }
0x2ad: {  	v1 =	vcvt.s32.f32 v1;
	v22 =	vadd.s32 $0x66, v11;
	v6 =	vld.idx.msk [tilespmem:v9+s2+$0x0], $0xffff  }
0x2ae: {  	v24 =	vadd.s32 $0xCC6, v11;
	v10 =	vld.idx.msk [tilespmem:v10+s2+$0x0], $0xffff  }
0x2af: {  	v1 =	vsub.f32 v4, v1;
	v27 =	vadd.s32 $0x3, v11;
	v26 =	vld.idx.msk [tilespmem:v12+s2+$0x0], $0xffff;
	v4 =	vsub.f32 v8, v15  }
0x2b0: {  	v28 =	vadd.s32 $0x4, v11;
	v29 =	vadd.s32 $0xCC3, v11;
	v19 =	vsub.f32 v13, v16;
	v13 =	vld.idx.msk [tilespmem:v11+s2+$0x0], $0xffff  }
0x2b1: {  	v12 =	vadd.s32 $0x63, v11;
	v9 =	vadd.s32 $0xD26, v11;
	v20 =	vld.idx.msk [tilespmem:v14+s2+$0x0], $0xffff;
	v4 =	vmul.f32 v4, v1  }
0x2b2: {  	v8 =	vadd.s32 $0x5, v11;
	v30 =	vsub.f32 v17, v25;
	v17 =	vld.idx.msk [tilespmem:v22+s2+$0x0], $0xffff;
	v19 =	vmul.f32 v19, v1  }
0x2b3: {  	v14 =	vadd.s32 $0xCC8, v11;
	v22 =	vld.idx.msk [tilespmem:v24+s2+$0x0], $0xffff;
	v15 =	vadd.f32 v4, v15;
	v11 =	vsub.f32 v21, v10  }
0x2b4: {  	v30 =	vmul.f32 v30, v1;
	v24 =	vsub.f32 v18, v6;
	v18 =	vld.idx.msk [tilespmem:v27+s2+$0x0], $0xffff;
	v27 =	vadd.f32 v19, v16  }
0x2b5: {  	v4 =	vsub.f32 v5, v23;
	v23 =	vld.idx.msk [tilespmem:v29+s2+$0x0], $0xffff;
	v5 =	vsub.f32 v26, v7;
	v21 =	vmul.f32 v11, v1  }
0x2b6: {  	s23 =	simm.s32 $0x40;
	v16 =	vld.idx.msk [tilespmem:v28+s2+$0x0], $0xffff;
	v19 =	vmul.f32 v24, v1;
	v24 =	vsub.f32 v27, v15;
	v11 =	vadd.f32 v30, v25  }
.LBB2_19:
0x2b7: {  	p0 =	sne.s32 s23, $0x1FC0;
	v12 =	vld.idx.msk [tilespmem:v12+s2+$0x0], $0xffff;
	s24 =	smov.u32 s23;
	s23 =	sadd.s32 $0x40, s23  }
0x2b8: {  	v20 =	vsub.f32 v20, v17;
	v9 =	vld.idx.msk [tilespmem:v9+s2+$0x0], $0xffff;
	v24 =	vmul.f32 v24, v4  }
0x2b9: {  	v14 =	vld.idx.msk [tilespmem:v14+s2+$0x0], $0xffff  }
0x2ba: {  	s24 =	sshra.s32 s24, $0x2;
	v22 =	vsub.f32 v22, v18;
	v20 =	vmul.f32 v20, v1;
	v8 =	vld.idx.msk [tilespmem:v8+s2+$0x0], $0xffff  }
0x2bb: {  	v26 =	vsub.f32 v0, v2;
	v0 =	vsub.f32 v23, v13;
	v25 =	vld [tilespmem:s24+$0x1A580]  }
0x2bc: {  	v22 =	vmul.f32 v22, v1;
	v17 =	vadd.f32 v20, v17;
	v3 =	vsub.f32 v3, v16;
	v2 =	vld [tilespmem:s24+$0x1AD80]  }
0x2bd: {  	v10 =	vadd.f32 v21, v10;
	v15 =	vadd.f32 v24, v15;
	v0 =	vmul.f32 v0, v1;
	v20 =	vld [tilespmem:s24+$0x1B580]  }
0x2be: {  	v18 =	vadd.f32 v22, v18;
	v9 =	vsub.f32 v9, v12;
	v3 =	vmul.f32 v3, v1  }
0x2bf: {  	v6 =	vadd.f32 v19, v6;
	v13 =	vadd.f32 v0, v13;
	v0 =	vmul.f32 v5, v1  }
0x2c0: {  	v9 =	vmul.f32 v9, v1;
	v17 =	vsub.f32 v17, v18;
	v19 =	vmul.f32 $3.200000000e+01, v25  }
0x2c1: {  	v6 =	vsub.f32 v6, v10;
	v5 =	vmul.f32 $3.200000000e+01, v2;
	v2 =	vsub.f32 v14, v8  }
0x2c2: {  	v3 =	vadd.f32 v3, v16;
	v7 =	vadd.f32 v0, v7;
	v14 =	vtrunc.f32 v19  }
0x2c3: {  	v9 =	vadd.f32 v9, v12;
	v12 =	vmul.f32 v17, v4;
	v14 =	vcvt.f32.s32 v14  }
0x2c4: {  	v0 =	vmul.f32 $3.200000000e+01, v20;
	v7 =	vsub.f32 v7, v3;
	v16 =	vtrunc.f32 v5  }
0x2c5: {  	v9 =	vsub.f32 v9, v13;
	v17 =	vcvt.s32.f32 v14;
	vm0 =	vlt.s32 v14, $0x1F  }
0x2c6: {  	v1 =	vmul.f32 v2, v1;
	v20 =	vtrunc.f32 v0;
	v14 =	vnsel vm0, $0x1F, v14  }
0x2c7: {  	v2 =	vcvt.f32.s32 v16;
	v7 =	vmul.f32 v7, v4;
	v14 =	vmul.u32 $0x21, v14  }
0x2c8: {  	v6 =	vmul.f32 v6, v4;
	v16 =	vcvt.f32.s32 v20;
	v1 =	vadd.f32 v1, v8  }
0x2c9: {  	v8 =	vmul.f32 v9, v4;
	v9 =	vadd.f32 v12, v18;
	vm0 =	vlt.s32 v2, $0x1F  }
0x2ca: {  	v12 =	vnsel vm0, $0x1F, v2;
	vm0 =	vlt.s32 v16, $0x1F;
	v11 =	vsub.f32 v11, v1  }
0x2cb: {  	v13 =	vadd.f32 v8, v13;
	v18 =	vnsel vm0, $0x1F, v16;
	v12 =	vadd.s32 v12, v14  }
0x2cc: {  	v3 =	vadd.f32 v7, v3;
	v4 =	vmul.f32 v11, v4;
	v8 =	vmul.u32 $0x21, v12  }
0x2cd: {  	v6 =	vadd.f32 v6, v10;
	v11 =	vcvt.s32.f32 v2;
	v7 =	vsub.f32 v9, v13  }
0x2ce: {  	v3 =	vsub.f32 v3, v15;
	v1 =	vadd.f32 v4, v1;
	v8 =	vadd.s32 v18, v8  }
0x2cf: {  	v2 =	vcvt.s32.f32 v16;
	v4 =	vmul.u32 $0x3, v8  }
0x2d0: {  	v3 =	vmul.f32 v3, v26;
	v7 =	vmul.f32 v7, v26;
	v1 =	vsub.f32 v1, v6  }
0x2d1: {  	v10 =	vadd.s32 $0xCC7, v4;
	v16 =	vadd.s32 $0x67, v4  }
0x2d2: {  	v18 =	vadd.s32 $0x1, v4;
	v20 =	vadd.s32 $0x64, v4;
	v1 =	vmul.f32 v1, v26  }
0x2d3: {  	v3 =	vadd.f32 v3, v15;
	v24 =	vadd.s32 $0x4, v4;
	v21 =	vadd.s32 $0xD2A, v4  }
0x2d4: {  	v12 =	vadd.s32 $0x63, v4;
	v9 =	vadd.s32 $0xD26, v4;
	v1 =	vadd.f32 v1, v6  }
0x2d5: {  	v7 =	vadd.f32 v7, v13;
	v8 =	vadd.s32 $0x5, v4;
	v6 =	vadd.s32 $0xCC4, v4;
	[tilespmem:s22+$0x1C580] =	vst v3  }
0x2d6: {  	v13 =	vadd.s32 $0xD27, v4;
	v15 =	vadd.s32 $0xD28, v4;
	v14 =	vadd.s32 $0xCC8, v4;
	[tilespmem:s22+$0x1CD80] =	vst v1  }
0x2d7: {  	v22 =	vadd.s32 $0xCC5, v4;
	v23 =	vadd.s32 $0x68, v4;
	v25 =	vadd.s32 $0xD2B, v4;
	[tilespmem:s22+$0x1BD80] =	vst v7;
	s22 =	smov.u32 s24  }
0x2d8: {  	v3 =	vld.idx.msk [tilespmem:v10+s2+$0x0], $0xffff  }
0x2d9: {  	v1 =	vsub.f32 v19, v17;
	v18 =	vld.idx.msk [tilespmem:v18+s2+$0x0], $0xffff  }
0x2da: {  	v6 =	vld.idx.msk [tilespmem:v6+s2+$0x0], $0xffff  }
0x2db: {  	v19 =	vld.idx.msk [tilespmem:v20+s2+$0x0], $0xffff  }
0x2dc: {  	v7 =	vadd.s32 $0x65, v4;
	v17 =	vld.idx.msk [tilespmem:v25+s2+$0x0], $0xffff  }
0x2dd: {  	v10 =	vadd.s32 $0x2, v4;
	v25 =	vld.idx.msk [tilespmem:v15+s2+$0x0], $0xffff  }
0x2de: {  	v13 =	vld.idx.msk [tilespmem:v13+s2+$0x0], $0xffff  }
0x2df: {  	v26 =	vld.idx.msk [tilespmem:v22+s2+$0x0], $0xffff  }
0x2e0: {  	v15 =	vsub.f32 v6, v18;
	v27 =	vld.idx.msk [tilespmem:v23+s2+$0x0], $0xffff  }
0x2e1: {  	v20 =	vadd.s32 $0xD29, v4;
	v6 =	vld.idx.msk [tilespmem:v7+s2+$0x0], $0xffff  }
0x2e2: {  	v22 =	vadd.s32 $0x66, v4;
	v15 =	vmul.f32 v15, v1;
	v10 =	vld.idx.msk [tilespmem:v10+s2+$0x0], $0xffff  }
0x2e3: {  	v23 =	vadd.s32 $0xCC6, v4;
	v21 =	vld.idx.msk [tilespmem:v21+s2+$0x0], $0xffff  }
0x2e4: {  	v28 =	vadd.s32 $0x3, v4;
	v7 =	vld.idx.msk [tilespmem:v16+s2+$0x0], $0xffff;
	v16 =	vsub.f32 v13, v19  }
0x2e5: {  	v29 =	vadd.s32 $0xCC3, v4;
	v13 =	vld.idx.msk [tilespmem:v4+s2+$0x0], $0xffff  }
0x2e6: {  	v4 =	vsub.f32 v17, v27;
	v20 =	vld.idx.msk [tilespmem:v20+s2+$0x0], $0xffff;
	v16 =	vmul.f32 v16, v1  }
.Ltmp8:
0x2e7: {  	v15 =	vadd.f32 v15, v18;
	v17 =	vld.idx.msk [tilespmem:v22+s2+$0x0], $0xffff;
	(pc) =	sbr.rel @p0 .LBB2_19-.Ltmp8, $4  }
0x2e8: {  	v25 =	vsub.f32 v25, v6;
	v26 =	vsub.f32 v26, v10;
	v30 =	vmul.f32 v4, v1;
	v22 =	vld.idx.msk [tilespmem:v23+s2+$0x0], $0xffff  }
0x2e9: {  	v4 =	vsub.f32 v5, v11;
	v11 =	vadd.f32 v16, v19;
	v18 =	vld.idx.msk [tilespmem:v28+s2+$0x0], $0xffff  }
0x2ea: {  	v19 =	vmul.f32 v25, v1;
	v5 =	vsub.f32 v21, v7;
	v21 =	vmul.f32 v26, v1;
	v23 =	vld.idx.msk [tilespmem:v29+s2+$0x0], $0xffff  }
0x2eb: {  	v16 =	vld.idx.msk [tilespmem:v24+s2+$0x0], $0xffff;
	v24 =	vsub.f32 v11, v15;
	v11 =	vadd.f32 v30, v27  }
0x2ec: {  	_ =	sdelay $0x3  }
0x2ed: {  	v12 =	vld.idx.msk [tilespmem:v12+s2+$0x0], $0xffff  }
0x2ee: {  	v14 =	vld.idx.msk [tilespmem:v14+s2+$0x0], $0xffff  }
0x2ef: {  	v8 =	vld.idx.msk [tilespmem:v8+s2+$0x0], $0xffff  }
0x2f0: {  	v20 =	vsub.f32 v20, v17;
	v9 =	vld.idx.msk [tilespmem:v9+s2+$0x0], $0xffff;
	v0 =	vsub.f32 v0, v2;
	v5 =	vmul.f32 v5, v1  }
0x2f1: {  	v10 =	vadd.f32 v21, v10;
	v6 =	vadd.f32 v19, v6  }
0x2f2: {  	v22 =	vsub.f32 v22, v18;
	v5 =	vadd.f32 v5, v7  }
0x2f3: {  	v6 =	vsub.f32 v6, v10;
	v3 =	vsub.f32 v3, v16  }
0x2f4: {  	v20 =	vmul.f32 v20, v1;
	v52 =	vsub.f32 v23, v13;
	v14 =	vsub.f32 v14, v8  }
0x2f5: {  	v22 =	vmul.f32 v22, v1;
	v9 =	vsub.f32 v9, v12;
	v3 =	vmul.f32 v3, v1  }
0x2f6: {  	v53 =	vadd.f32 v20, v17;
	v2 =	vmul.f32 v52, v1;
	v55 =	vmul.f32 v14, v1  }
0x2f7: {  	v54 =	vadd.f32 v22, v18;
	v56 =	vmul.f32 v9, v1;
	v3 =	vadd.f32 v3, v16  }
0x2f8: {  	v2 =	vadd.f32 v2, v13;
	v8 =	vadd.f32 v55, v8  }
0x2f9: {  	v1 =	vadd.f32 v56, v12;
	v5 =	vsub.f32 v5, v3  }
0x2fa: {  	v6 =	vmul.f32 v6, v4;
	v57 =	vsub.f32 v53, v54;
	v11 =	vsub.f32 v11, v8  }
0x2fb: {  	v58 =	vmul.f32 v24, v4;
	v1 =	vsub.f32 v1, v2;
	v5 =	vmul.f32 v5, v4  }
0x2fc: {  	v60 =	vadd.f32 v6, v10;
	v7 =	vmul.f32 v57, v4;
	v11 =	vmul.f32 v11, v4  }
0x2fd: {  	v9 =	vadd.f32 v58, v15;
	v1 =	vmul.f32 v1, v4;
	v3 =	vadd.f32 v5, v3  }
0x2fe: {  	v59 =	vadd.f32 v7, v54;
	v61 =	vadd.f32 v11, v8  }
0x2ff: {  	v1 =	vadd.f32 v1, v2;
	v62 =	vsub.f32 v3, v9  }
0x300: {  	v63 =	vsub.f32 v61, v60  }
0x301: {  	v4 =	vsub.f32 v59, v1;
	v2 =	vmul.f32 v62, v0  }
0x302: {  	v3 =	vmul.f32 v63, v0  }
0x303: {  	v0 =	vmul.f32 v4, v0;
	v2 =	vadd.f32 v2, v9  }
0x304: {  	v3 =	vadd.f32 v3, v60  }
0x305: {  	v0 =	vadd.f32 v0, v1;
	[tilespmem:s22+$0x1C580] =	vst v2  }
0x306: {  	[tilespmem:s22+$0x1CD80] =	vst v3  }
0x307: {  	s30 =	sadd.s32 s5, s17;
	s17 =	simm.s32 $0x0;
	[tilespmem:s22+$0x1BD80] =	vst v0  }
0x308: {  	[hbm4b:s30+s17] =	stream.linear.scatter [tilespmem:s13], [sflag:$0x1], $0x800, $0x38;
	[tilespmem:$0x1D580] =	vst v63  }
0x309: {  	s20 =	sadd.s32 s5, s20  }
0x30a: {  	[hbm4b:s20+s17] =	stream.linear.scatter [tilespmem:s14], [sflag:$0x1], $0x800, $0x38;
	[tilespmem:$0x1D580] =	vst v63  }
0x30b: {  	s31 =	sadd.s32 s5, s21  }
0x30c: {  	[hbm4b:s31+s17] =	stream.linear.scatter [tilespmem:s15], [sflag:$0x1], $0x800, $0x38;
	[tilespmem:$0x1D580] =	vst v63  }
0x30d: {  	_ =	swait.ge [sflag:s12], $0x800  }
0x30e: {  	[sflag:s12] =	ssyncset.done $0x0  }
0x30f: {  	s19 =	sadd.s32 $0x1, s19;
	[sflag:s12] =	ssyncadd.s32 $0xFFFFF800  }
0x310: {  	p0 =	sne.s32 s19, $0x4;
	_ =	swait.ge [sflag:s12], $0x800  }
.Ltmp9:
0x311: {  	[sflag:s12] =	ssyncset.done $0x0;
	(pc) =	sbr.rel @p0 .LBB2_18-.Ltmp9, $4  }
0x312: {  	[sflag:s12] =	ssyncadd.s32 $0xFFFFF800  }
0x313: {  	_ =	swait.ge [sflag:s12], $0x800  }
0x314: {  	[sflag:s12] =	ssyncset.done $0x0  }
0x315: {  	[sflag:s12] =	ssyncadd.s32 $0xFFFFF800  }
0x316: {  	s19 =	simm.s32 $0x0  }
.LBB2_22:
0x317: {  	s18 =	sshll.u32 s19, $0x8  }
0x318: {  	s21 =	sadd.s32 s6, s18  }
0x319: {  	s18 =	sor.u32 $0x78000, s21  }
0x31a: {  	s20 =	sadd.s32 s1, s18  }
0x31b: {  	[tilespmem:s9], [sflag:$0x1] =	stream.linear.gather [hbm4b:s20+s17], $0x800, $0x38;
	[tilespmem:$0x1D580] =	vst v63  }
0x31c: {  	s20 =	sor.u32 $0x80000, s21  }
0x31d: {  	s21 =	sor.u32 $0x88000, s21;
	s22 =	sadd.s32 s1, s20  }
0x31e: {  	[tilespmem:s10], [sflag:$0x1] =	stream.linear.gather [hbm4b:s22+s17], $0x800, $0x38;
	[tilespmem:$0x1D580] =	vst v63  }
0x31f: {  	s31 =	sadd.s32 s1, s21  }
0x320: {  	[tilespmem:s11], [sflag:$0x1] =	stream.linear.gather [hbm4b:s31+s17], $0x800, $0x38;
	[tilespmem:$0x1D580] =	vst v63  }
0x321: {  	_ =	swait.ge [sflag:s12], $0x800  }
0x322: {  	[sflag:s12] =	ssyncset.done $0x0  }
0x323: {  	[sflag:s12] =	ssyncadd.s32 $0xFFFFF800  }
0x324: {  	_ =	swait.ge [sflag:s12], $0x800  }
0x325: {  	[sflag:s12] =	ssyncset.done $0x0  }
0x326: {  	[sflag:s12] =	ssyncadd.s32 $0xFFFFF800  }
0x327: {  	_ =	swait.ge [sflag:s12], $0x800  }
0x328: {  	[sflag:s12] =	ssyncset.done $0x0  }
0x329: {  	s22 =	simm.s32 $0x0;
	[sflag:s12] =	ssyncadd.s32 $0xFFFFF800  }
0x32a: {  	v0 =	vld [tilespmem:s22+$0x1A580];
	_ =	sdelay $0x1  }
0x32b: {  	v1 =	vld [tilespmem:s22+$0x1AD80];
	_ =	sdelay $0x2  }
0x32c: {  	v2 =	vld [tilespmem:s22+$0x1B580];
	v4 =	vmul.f32 $3.200000000e+01, v0;
	_ =	sdelay $0x1  }
0x32d: {  	v5 =	vmul.f32 $3.200000000e+01, v1;
	v0 =	vtrunc.f32 v4  }
0x32e: {  	v1 =	vcvt.f32.s32 v0  }
0x32f: {  	v3 =	vtrunc.f32 v5  }
0x330: {  	v0 =	vmul.f32 $3.200000000e+01, v2;
	v2 =	vcvt.f32.s32 v3;
	vm0 =	vlt.s32 v1, $0x1F  }
0x331: {  	v3 =	vnsel vm0, $0x1F, v1  }
0x332: {  	v6 =	vtrunc.f32 v0;
	vm14 =	vlt.s32 v2, $0x1F;
	v3 =	vmul.u32 $0x21, v3  }
0x333: {  	v7 =	vcvt.f32.s32 v6;
	v6 =	vnsel vm14, $0x1F, v2  }
0x334: {  	v3 =	vadd.s32 v6, v3  }
0x335: {  	vm15 =	vlt.s32 v7, $0x1F;
	v3 =	vmul.u32 $0x21, v3  }
0x336: {  	v6 =	vnsel vm15, $0x1F, v7  }
0x337: {  	v3 =	vadd.s32 v6, v3  }
0x338: {  	v11 =	vmul.u32 $0x3, v3;
	_ =	sdelay $0x1  }
0x339: {  	v3 =	vadd.s32 $0xCC7, v11  }
0x33a: {  	v6 =	vadd.s32 $0x1, v11  }
0x33b: {  	v8 =	vadd.s32 $0xCC4, v11  }
0x33c: {  	v9 =	vadd.s32 $0x64, v11  }
0x33d: {  	v10 =	vadd.s32 $0xD2B, v11  }
0x33e: {  	v12 =	vadd.s32 $0xD28, v11;
	v3 =	vld.idx.msk [tilespmem:v3+s2+$0x0], $0xffff  }
0x33f: {  	v13 =	vadd.s32 $0xD27, v11;
	v15 =	vld.idx.msk [tilespmem:v6+s2+$0x0], $0xffff  }
0x340: {  	v14 =	vadd.s32 $0x68, v11;
	v8 =	vld.idx.msk [tilespmem:v8+s2+$0x0], $0xffff  }
0x341: {  	v19 =	vadd.s32 $0x67, v11;
	v16 =	vld.idx.msk [tilespmem:v9+s2+$0x0], $0xffff  }
0x342: {  	v6 =	vadd.s32 $0xCC5, v11;
	v17 =	vld.idx.msk [tilespmem:v10+s2+$0x0], $0xffff  }
0x343: {  	v9 =	vadd.s32 $0x65, v11;
	v18 =	vld.idx.msk [tilespmem:v12+s2+$0x0], $0xffff  }
0x344: {  	v10 =	vadd.s32 $0x2, v11;
	v13 =	vld.idx.msk [tilespmem:v13+s2+$0x0], $0xffff  }
0x345: {  	v12 =	vadd.s32 $0xD2A, v11;
	v25 =	vld.idx.msk [tilespmem:v14+s2+$0x0], $0xffff  }
0x346: {  	v23 =	vcvt.s32.f32 v2;
	v2 =	vcvt.s32.f32 v7;
	v7 =	vld.idx.msk [tilespmem:v19+s2+$0x0], $0xffff  }
0x347: {  	v14 =	vadd.s32 $0xD29, v11;
	v21 =	vld.idx.msk [tilespmem:v6+s2+$0x0], $0xffff  }
0x348: {  	v1 =	vcvt.s32.f32 v1;
	v22 =	vadd.s32 $0x66, v11;
	v6 =	vld.idx.msk [tilespmem:v9+s2+$0x0], $0xffff  }
0x349: {  	v24 =	vadd.s32 $0xCC6, v11;
	v10 =	vld.idx.msk [tilespmem:v10+s2+$0x0], $0xffff  }
0x34a: {  	v1 =	vsub.f32 v4, v1;
	v27 =	vadd.s32 $0x3, v11;
	v26 =	vld.idx.msk [tilespmem:v12+s2+$0x0], $0xffff;
	v4 =	vsub.f32 v8, v15  }
0x34b: {  	v28 =	vadd.s32 $0x4, v11;
	v29 =	vadd.s32 $0xCC3, v11;
	v19 =	vsub.f32 v13, v16;
	v13 =	vld.idx.msk [tilespmem:v11+s2+$0x0], $0xffff  }
0x34c: {  	v12 =	vadd.s32 $0x63, v11;
	v9 =	vadd.s32 $0xD26, v11;
	v20 =	vld.idx.msk [tilespmem:v14+s2+$0x0], $0xffff;
	v4 =	vmul.f32 v4, v1  }
0x34d: {  	v8 =	vadd.s32 $0x5, v11;
	v30 =	vsub.f32 v17, v25;
	v17 =	vld.idx.msk [tilespmem:v22+s2+$0x0], $0xffff;
	v19 =	vmul.f32 v19, v1  }
0x34e: {  	v14 =	vadd.s32 $0xCC8, v11;
	v22 =	vld.idx.msk [tilespmem:v24+s2+$0x0], $0xffff;
	v15 =	vadd.f32 v4, v15;
	v11 =	vsub.f32 v21, v10  }
0x34f: {  	v30 =	vmul.f32 v30, v1;
	v24 =	vsub.f32 v18, v6;
	v18 =	vld.idx.msk [tilespmem:v27+s2+$0x0], $0xffff;
	v27 =	vadd.f32 v19, v16  }
0x350: {  	v4 =	vsub.f32 v5, v23;
	v23 =	vld.idx.msk [tilespmem:v29+s2+$0x0], $0xffff;
	v5 =	vsub.f32 v26, v7;
	v21 =	vmul.f32 v11, v1  }
0x351: {  	s23 =	simm.s32 $0x40;
	v16 =	vld.idx.msk [tilespmem:v28+s2+$0x0], $0xffff;
	v19 =	vmul.f32 v24, v1;
	v24 =	vsub.f32 v27, v15;
	v11 =	vadd.f32 v30, v25  }
.LBB2_23:
0x352: {  	p0 =	sne.s32 s23, $0x1FC0;
	v12 =	vld.idx.msk [tilespmem:v12+s2+$0x0], $0xffff;
	s24 =	smov.u32 s23;
	s23 =	sadd.s32 $0x40, s23  }
0x353: {  	v20 =	vsub.f32 v20, v17;
	v9 =	vld.idx.msk [tilespmem:v9+s2+$0x0], $0xffff;
	v24 =	vmul.f32 v24, v4  }
0x354: {  	v14 =	vld.idx.msk [tilespmem:v14+s2+$0x0], $0xffff  }
0x355: {  	s24 =	sshra.s32 s24, $0x2;
	v22 =	vsub.f32 v22, v18;
	v20 =	vmul.f32 v20, v1;
	v8 =	vld.idx.msk [tilespmem:v8+s2+$0x0], $0xffff  }
0x356: {  	v26 =	vsub.f32 v0, v2;
	v0 =	vsub.f32 v23, v13;
	v25 =	vld [tilespmem:s24+$0x1A580]  }
0x357: {  	v22 =	vmul.f32 v22, v1;
	v17 =	vadd.f32 v20, v17;
	v3 =	vsub.f32 v3, v16;
	v2 =	vld [tilespmem:s24+$0x1AD80]  }
0x358: {  	v10 =	vadd.f32 v21, v10;
	v15 =	vadd.f32 v24, v15;
	v0 =	vmul.f32 v0, v1;
	v20 =	vld [tilespmem:s24+$0x1B580]  }
0x359: {  	v18 =	vadd.f32 v22, v18;
	v9 =	vsub.f32 v9, v12;
	v3 =	vmul.f32 v3, v1  }
0x35a: {  	v6 =	vadd.f32 v19, v6;
	v13 =	vadd.f32 v0, v13;
	v0 =	vmul.f32 v5, v1  }
0x35b: {  	v9 =	vmul.f32 v9, v1;
	v17 =	vsub.f32 v17, v18;
	v19 =	vmul.f32 $3.200000000e+01, v25  }
0x35c: {  	v6 =	vsub.f32 v6, v10;
	v5 =	vmul.f32 $3.200000000e+01, v2;
	v2 =	vsub.f32 v14, v8  }
0x35d: {  	v3 =	vadd.f32 v3, v16;
	v7 =	vadd.f32 v0, v7;
	v14 =	vtrunc.f32 v19  }
0x35e: {  	v9 =	vadd.f32 v9, v12;
	v12 =	vmul.f32 v17, v4;
	v14 =	vcvt.f32.s32 v14  }
0x35f: {  	v0 =	vmul.f32 $3.200000000e+01, v20;
	v7 =	vsub.f32 v7, v3;
	v16 =	vtrunc.f32 v5  }
0x360: {  	v9 =	vsub.f32 v9, v13;
	v17 =	vcvt.s32.f32 v14;
	vm0 =	vlt.s32 v14, $0x1F  }
0x361: {  	v1 =	vmul.f32 v2, v1;
	v20 =	vtrunc.f32 v0;
	v14 =	vnsel vm0, $0x1F, v14  }
0x362: {  	v2 =	vcvt.f32.s32 v16;
	v7 =	vmul.f32 v7, v4;
	v14 =	vmul.u32 $0x21, v14  }
0x363: {  	v6 =	vmul.f32 v6, v4;
	v16 =	vcvt.f32.s32 v20;
	v1 =	vadd.f32 v1, v8  }
0x364: {  	v8 =	vmul.f32 v9, v4;
	v9 =	vadd.f32 v12, v18;
	vm0 =	vlt.s32 v2, $0x1F  }
0x365: {  	v12 =	vnsel vm0, $0x1F, v2;
	vm0 =	vlt.s32 v16, $0x1F;
	v11 =	vsub.f32 v11, v1  }
0x366: {  	v13 =	vadd.f32 v8, v13;
	v18 =	vnsel vm0, $0x1F, v16;
	v12 =	vadd.s32 v12, v14  }
0x367: {  	v3 =	vadd.f32 v7, v3;
	v4 =	vmul.f32 v11, v4;
	v8 =	vmul.u32 $0x21, v12  }
0x368: {  	v6 =	vadd.f32 v6, v10;
	v11 =	vcvt.s32.f32 v2;
	v7 =	vsub.f32 v9, v13  }
0x369: {  	v3 =	vsub.f32 v3, v15;
	v1 =	vadd.f32 v4, v1;
	v8 =	vadd.s32 v18, v8  }
0x36a: {  	v2 =	vcvt.s32.f32 v16;
	v4 =	vmul.u32 $0x3, v8  }
0x36b: {  	v3 =	vmul.f32 v3, v26;
	v7 =	vmul.f32 v7, v26;
	v1 =	vsub.f32 v1, v6  }
0x36c: {  	v10 =	vadd.s32 $0xCC7, v4;
	v16 =	vadd.s32 $0x67, v4  }
0x36d: {  	v18 =	vadd.s32 $0x1, v4;
	v20 =	vadd.s32 $0x64, v4;
	v1 =	vmul.f32 v1, v26  }
0x36e: {  	v3 =	vadd.f32 v3, v15;
	v24 =	vadd.s32 $0x4, v4;
	v21 =	vadd.s32 $0xD2A, v4  }
0x36f: {  	v12 =	vadd.s32 $0x63, v4;
	v9 =	vadd.s32 $0xD26, v4;
	v1 =	vadd.f32 v1, v6  }
0x370: {  	v7 =	vadd.f32 v7, v13;
	v8 =	vadd.s32 $0x5, v4;
	v6 =	vadd.s32 $0xCC4, v4;
	[tilespmem:s22+$0x1C580] =	vst v3  }
0x371: {  	v13 =	vadd.s32 $0xD27, v4;
	v15 =	vadd.s32 $0xD28, v4;
	v14 =	vadd.s32 $0xCC8, v4;
	[tilespmem:s22+$0x1CD80] =	vst v1  }
0x372: {  	v22 =	vadd.s32 $0xCC5, v4;
	v23 =	vadd.s32 $0x68, v4;
	v25 =	vadd.s32 $0xD2B, v4;
	[tilespmem:s22+$0x1BD80] =	vst v7;
	s22 =	smov.u32 s24  }
0x373: {  	v3 =	vld.idx.msk [tilespmem:v10+s2+$0x0], $0xffff  }
0x374: {  	v1 =	vsub.f32 v19, v17;
	v18 =	vld.idx.msk [tilespmem:v18+s2+$0x0], $0xffff  }
0x375: {  	v6 =	vld.idx.msk [tilespmem:v6+s2+$0x0], $0xffff  }
0x376: {  	v19 =	vld.idx.msk [tilespmem:v20+s2+$0x0], $0xffff  }
0x377: {  	v7 =	vadd.s32 $0x65, v4;
	v17 =	vld.idx.msk [tilespmem:v25+s2+$0x0], $0xffff  }
0x378: {  	v10 =	vadd.s32 $0x2, v4;
	v25 =	vld.idx.msk [tilespmem:v15+s2+$0x0], $0xffff  }
0x379: {  	v13 =	vld.idx.msk [tilespmem:v13+s2+$0x0], $0xffff  }
0x37a: {  	v26 =	vld.idx.msk [tilespmem:v22+s2+$0x0], $0xffff  }
0x37b: {  	v15 =	vsub.f32 v6, v18;
	v27 =	vld.idx.msk [tilespmem:v23+s2+$0x0], $0xffff  }
0x37c: {  	v20 =	vadd.s32 $0xD29, v4;
	v6 =	vld.idx.msk [tilespmem:v7+s2+$0x0], $0xffff  }
0x37d: {  	v22 =	vadd.s32 $0x66, v4;
	v15 =	vmul.f32 v15, v1;
	v10 =	vld.idx.msk [tilespmem:v10+s2+$0x0], $0xffff  }
0x37e: {  	v23 =	vadd.s32 $0xCC6, v4;
	v21 =	vld.idx.msk [tilespmem:v21+s2+$0x0], $0xffff  }
0x37f: {  	v28 =	vadd.s32 $0x3, v4;
	v7 =	vld.idx.msk [tilespmem:v16+s2+$0x0], $0xffff;
	v16 =	vsub.f32 v13, v19  }
0x380: {  	v29 =	vadd.s32 $0xCC3, v4;
	v13 =	vld.idx.msk [tilespmem:v4+s2+$0x0], $0xffff  }
0x381: {  	v4 =	vsub.f32 v17, v27;
	v20 =	vld.idx.msk [tilespmem:v20+s2+$0x0], $0xffff;
	v16 =	vmul.f32 v16, v1  }
.Ltmp10:
0x382: {  	v15 =	vadd.f32 v15, v18;
	v17 =	vld.idx.msk [tilespmem:v22+s2+$0x0], $0xffff;
	(pc) =	sbr.rel @p0 .LBB2_23-.Ltmp10, $4  }
0x383: {  	v25 =	vsub.f32 v25, v6;
	v26 =	vsub.f32 v26, v10;
	v30 =	vmul.f32 v4, v1;
	v22 =	vld.idx.msk [tilespmem:v23+s2+$0x0], $0xffff  }
0x384: {  	v4 =	vsub.f32 v5, v11;
	v11 =	vadd.f32 v16, v19;
	v18 =	vld.idx.msk [tilespmem:v28+s2+$0x0], $0xffff  }
0x385: {  	v19 =	vmul.f32 v25, v1;
	v5 =	vsub.f32 v21, v7;
	v21 =	vmul.f32 v26, v1;
	v23 =	vld.idx.msk [tilespmem:v29+s2+$0x0], $0xffff  }
0x386: {  	v16 =	vld.idx.msk [tilespmem:v24+s2+$0x0], $0xffff;
	v24 =	vsub.f32 v11, v15;
	v11 =	vadd.f32 v30, v27  }
0x387: {  	_ =	sdelay $0x3  }
0x388: {  	v12 =	vld.idx.msk [tilespmem:v12+s2+$0x0], $0xffff  }
0x389: {  	v14 =	vld.idx.msk [tilespmem:v14+s2+$0x0], $0xffff  }
0x38a: {  	v8 =	vld.idx.msk [tilespmem:v8+s2+$0x0], $0xffff  }
0x38b: {  	v20 =	vsub.f32 v20, v17;
	v9 =	vld.idx.msk [tilespmem:v9+s2+$0x0], $0xffff;
	v0 =	vsub.f32 v0, v2;
	v5 =	vmul.f32 v5, v1  }
0x38c: {  	v10 =	vadd.f32 v21, v10;
	v6 =	vadd.f32 v19, v6  }
0x38d: {  	v22 =	vsub.f32 v22, v18;
	v5 =	vadd.f32 v5, v7  }
0x38e: {  	v6 =	vsub.f32 v6, v10;
	v3 =	vsub.f32 v3, v16  }
0x38f: {  	v20 =	vmul.f32 v20, v1;
	v52 =	vsub.f32 v23, v13;
	v14 =	vsub.f32 v14, v8  }
0x390: {  	v22 =	vmul.f32 v22, v1;
	v9 =	vsub.f32 v9, v12;
	v3 =	vmul.f32 v3, v1  }
0x391: {  	v53 =	vadd.f32 v20, v17;
	v2 =	vmul.f32 v52, v1;
	v55 =	vmul.f32 v14, v1  }
0x392: {  	v54 =	vadd.f32 v22, v18;
	v56 =	vmul.f32 v9, v1;
	v3 =	vadd.f32 v3, v16  }
0x393: {  	v2 =	vadd.f32 v2, v13;
	v8 =	vadd.f32 v55, v8  }
0x394: {  	v1 =	vadd.f32 v56, v12;
	v5 =	vsub.f32 v5, v3  }
0x395: {  	v6 =	vmul.f32 v6, v4;
	v57 =	vsub.f32 v53, v54;
	v11 =	vsub.f32 v11, v8  }
0x396: {  	v58 =	vmul.f32 v24, v4;
	v1 =	vsub.f32 v1, v2;
	v5 =	vmul.f32 v5, v4  }
0x397: {  	v60 =	vadd.f32 v6, v10;
	v7 =	vmul.f32 v57, v4;
	v11 =	vmul.f32 v11, v4  }
0x398: {  	v9 =	vadd.f32 v58, v15;
	v1 =	vmul.f32 v1, v4;
	v3 =	vadd.f32 v5, v3  }
0x399: {  	v59 =	vadd.f32 v7, v54;
	v61 =	vadd.f32 v11, v8  }
0x39a: {  	v1 =	vadd.f32 v1, v2;
	v62 =	vsub.f32 v3, v9  }
0x39b: {  	v63 =	vsub.f32 v61, v60  }
0x39c: {  	v4 =	vsub.f32 v59, v1;
	v2 =	vmul.f32 v62, v0  }
0x39d: {  	v3 =	vmul.f32 v63, v0  }
0x39e: {  	v0 =	vmul.f32 v4, v0;
	v2 =	vadd.f32 v2, v9  }
0x39f: {  	v3 =	vadd.f32 v3, v60  }
0x3a0: {  	v0 =	vadd.f32 v0, v1;
	[tilespmem:s22+$0x1C580] =	vst v2  }
0x3a1: {  	[tilespmem:s22+$0x1CD80] =	vst v3  }
0x3a2: {  	s30 =	sadd.s32 s5, s18;
	s18 =	simm.s32 $0x0;
	[tilespmem:s22+$0x1BD80] =	vst v0  }
0x3a3: {  	[hbm4b:s30+s18] =	stream.linear.scatter [tilespmem:s13], [sflag:$0x1], $0x800, $0x38;
	[tilespmem:$0x1D580] =	vst v63  }
0x3a4: {  	s20 =	sadd.s32 s5, s20  }
0x3a5: {  	[hbm4b:s20+s18] =	stream.linear.scatter [tilespmem:s14], [sflag:$0x1], $0x800, $0x38;
	[tilespmem:$0x1D580] =	vst v63  }
0x3a6: {  	s31 =	sadd.s32 s5, s21  }
0x3a7: {  	[hbm4b:s31+s18] =	stream.linear.scatter [tilespmem:s15], [sflag:$0x1], $0x800, $0x38;
	[tilespmem:$0x1D580] =	vst v63  }
0x3a8: {  	_ =	swait.ge [sflag:s12], $0x800  }
0x3a9: {  	[sflag:s12] =	ssyncset.done $0x0  }
0x3aa: {  	s19 =	sadd.s32 $0x1, s19;
	[sflag:s12] =	ssyncadd.s32 $0xFFFFF800  }
0x3ab: {  	p0 =	sne.s32 s19, $0x4;
	_ =	swait.ge [sflag:s12], $0x800  }
.Ltmp11:
0x3ac: {  	[sflag:s12] =	ssyncset.done $0x0;
	(pc) =	sbr.rel @p0 .LBB2_22-.Ltmp11, $4  }
0x3ad: {  	[sflag:s12] =	ssyncadd.s32 $0xFFFFF800  }
0x3ae: {  	_ =	swait.ge [sflag:s12], $0x800  }
0x3af: {  	[sflag:s12] =	ssyncset.done $0x0  }
0x3b0: {  	[sflag:s12] =	ssyncadd.s32 $0xFFFFF800  }
0x3b1: {  	s19 =	simm.s32 $0x0  }
.LBB2_26:
0x3b2: {  	s17 =	sshll.u32 s19, $0x8  }
0x3b3: {  	s21 =	sadd.s32 s6, s17  }
0x3b4: {  	s17 =	sor.u32 $0x90000, s21  }
0x3b5: {  	s20 =	sadd.s32 s1, s17  }
0x3b6: {  	[tilespmem:s9], [sflag:$0x1] =	stream.linear.gather [hbm4b:s20+s18], $0x800, $0x38;
	[tilespmem:$0x1D580] =	vst v63  }
0x3b7: {  	s20 =	sor.u32 $0x98000, s21  }
0x3b8: {  	s21 =	sor.u32 $0xA0000, s21;
	s22 =	sadd.s32 s1, s20  }
0x3b9: {  	[tilespmem:s10], [sflag:$0x1] =	stream.linear.gather [hbm4b:s22+s18], $0x800, $0x38;
	[tilespmem:$0x1D580] =	vst v63  }
0x3ba: {  	s31 =	sadd.s32 s1, s21  }
0x3bb: {  	[tilespmem:s11], [sflag:$0x1] =	stream.linear.gather [hbm4b:s31+s18], $0x800, $0x38;
	[tilespmem:$0x1D580] =	vst v63  }
0x3bc: {  	_ =	swait.ge [sflag:s12], $0x800  }
0x3bd: {  	[sflag:s12] =	ssyncset.done $0x0  }
0x3be: {  	[sflag:s12] =	ssyncadd.s32 $0xFFFFF800  }
0x3bf: {  	_ =	swait.ge [sflag:s12], $0x800  }
0x3c0: {  	[sflag:s12] =	ssyncset.done $0x0  }
0x3c1: {  	[sflag:s12] =	ssyncadd.s32 $0xFFFFF800  }
0x3c2: {  	_ =	swait.ge [sflag:s12], $0x800  }
0x3c3: {  	[sflag:s12] =	ssyncset.done $0x0  }
0x3c4: {  	s22 =	simm.s32 $0x0;
	[sflag:s12] =	ssyncadd.s32 $0xFFFFF800  }
0x3c5: {  	v0 =	vld [tilespmem:s22+$0x1A580];
	_ =	sdelay $0x1  }
0x3c6: {  	v1 =	vld [tilespmem:s22+$0x1AD80];
	_ =	sdelay $0x2  }
0x3c7: {  	v2 =	vld [tilespmem:s22+$0x1B580];
	v4 =	vmul.f32 $3.200000000e+01, v0;
	_ =	sdelay $0x1  }
0x3c8: {  	v5 =	vmul.f32 $3.200000000e+01, v1;
	v0 =	vtrunc.f32 v4  }
0x3c9: {  	v1 =	vcvt.f32.s32 v0  }
0x3ca: {  	v3 =	vtrunc.f32 v5  }
0x3cb: {  	v0 =	vmul.f32 $3.200000000e+01, v2;
	v2 =	vcvt.f32.s32 v3;
	vm0 =	vlt.s32 v1, $0x1F  }
0x3cc: {  	v3 =	vnsel vm0, $0x1F, v1  }
0x3cd: {  	v6 =	vtrunc.f32 v0;
	vm14 =	vlt.s32 v2, $0x1F;
	v3 =	vmul.u32 $0x21, v3  }
0x3ce: {  	v7 =	vcvt.f32.s32 v6;
	v6 =	vnsel vm14, $0x1F, v2  }
0x3cf: {  	v3 =	vadd.s32 v6, v3  }
0x3d0: {  	vm15 =	vlt.s32 v7, $0x1F;
	v3 =	vmul.u32 $0x21, v3  }
0x3d1: {  	v6 =	vnsel vm15, $0x1F, v7  }
0x3d2: {  	v3 =	vadd.s32 v6, v3  }
0x3d3: {  	v11 =	vmul.u32 $0x3, v3;
	_ =	sdelay $0x1  }
0x3d4: {  	v3 =	vadd.s32 $0xCC7, v11  }
0x3d5: {  	v6 =	vadd.s32 $0x1, v11  }
0x3d6: {  	v8 =	vadd.s32 $0xCC4, v11  }
0x3d7: {  	v9 =	vadd.s32 $0x64, v11  }
0x3d8: {  	v10 =	vadd.s32 $0xD2B, v11  }
0x3d9: {  	v12 =	vadd.s32 $0xD28, v11;
	v3 =	vld.idx.msk [tilespmem:v3+s2+$0x0], $0xffff  }
0x3da: {  	v13 =	vadd.s32 $0xD27, v11;
	v15 =	vld.idx.msk [tilespmem:v6+s2+$0x0], $0xffff  }
0x3db: {  	v14 =	vadd.s32 $0x68, v11;
	v8 =	vld.idx.msk [tilespmem:v8+s2+$0x0], $0xffff  }
0x3dc: {  	v19 =	vadd.s32 $0x67, v11;
	v16 =	vld.idx.msk [tilespmem:v9+s2+$0x0], $0xffff  }
0x3dd: {  	v6 =	vadd.s32 $0xCC5, v11;
	v17 =	vld.idx.msk [tilespmem:v10+s2+$0x0], $0xffff  }
0x3de: {  	v9 =	vadd.s32 $0x65, v11;
	v18 =	vld.idx.msk [tilespmem:v12+s2+$0x0], $0xffff  }
0x3df: {  	v10 =	vadd.s32 $0x2, v11;
	v13 =	vld.idx.msk [tilespmem:v13+s2+$0x0], $0xffff  }
0x3e0: {  	v12 =	vadd.s32 $0xD2A, v11;
	v25 =	vld.idx.msk [tilespmem:v14+s2+$0x0], $0xffff  }
0x3e1: {  	v23 =	vcvt.s32.f32 v2;
	v2 =	vcvt.s32.f32 v7;
	v7 =	vld.idx.msk [tilespmem:v19+s2+$0x0], $0xffff  }
0x3e2: {  	v14 =	vadd.s32 $0xD29, v11;
	v21 =	vld.idx.msk [tilespmem:v6+s2+$0x0], $0xffff  }
0x3e3: {  	v1 =	vcvt.s32.f32 v1;
	v22 =	vadd.s32 $0x66, v11;
	v6 =	vld.idx.msk [tilespmem:v9+s2+$0x0], $0xffff  }
0x3e4: {  	v24 =	vadd.s32 $0xCC6, v11;
	v10 =	vld.idx.msk [tilespmem:v10+s2+$0x0], $0xffff  }
0x3e5: {  	v1 =	vsub.f32 v4, v1;
	v27 =	vadd.s32 $0x3, v11;
	v26 =	vld.idx.msk [tilespmem:v12+s2+$0x0], $0xffff;
	v4 =	vsub.f32 v8, v15  }
0x3e6: {  	v28 =	vadd.s32 $0x4, v11;
	v29 =	vadd.s32 $0xCC3, v11;
	v19 =	vsub.f32 v13, v16;
	v13 =	vld.idx.msk [tilespmem:v11+s2+$0x0], $0xffff  }
0x3e7: {  	v12 =	vadd.s32 $0x63, v11;
	v9 =	vadd.s32 $0xD26, v11;
	v20 =	vld.idx.msk [tilespmem:v14+s2+$0x0], $0xffff;
	v4 =	vmul.f32 v4, v1  }
0x3e8: {  	v8 =	vadd.s32 $0x5, v11;
	v30 =	vsub.f32 v17, v25;
	v17 =	vld.idx.msk [tilespmem:v22+s2+$0x0], $0xffff;
	v19 =	vmul.f32 v19, v1  }
0x3e9: {  	v14 =	vadd.s32 $0xCC8, v11;
	v22 =	vld.idx.msk [tilespmem:v24+s2+$0x0], $0xffff;
	v15 =	vadd.f32 v4, v15;
	v11 =	vsub.f32 v21, v10  }
0x3ea: {  	v30 =	vmul.f32 v30, v1;
	v24 =	vsub.f32 v18, v6;
	v18 =	vld.idx.msk [tilespmem:v27+s2+$0x0], $0xffff;
	v27 =	vadd.f32 v19, v16  }
0x3eb: {  	v4 =	vsub.f32 v5, v23;
	v23 =	vld.idx.msk [tilespmem:v29+s2+$0x0], $0xffff;
	v5 =	vsub.f32 v26, v7;
	v21 =	vmul.f32 v11, v1  }
0x3ec: {  	s23 =	simm.s32 $0x40;
	v16 =	vld.idx.msk [tilespmem:v28+s2+$0x0], $0xffff;
	v19 =	vmul.f32 v24, v1;
	v24 =	vsub.f32 v27, v15;
	v11 =	vadd.f32 v30, v25  }
.LBB2_27:
0x3ed: {  	p0 =	sne.s32 s23, $0x1FC0;
	v12 =	vld.idx.msk [tilespmem:v12+s2+$0x0], $0xffff;
	s24 =	smov.u32 s23;
	s23 =	sadd.s32 $0x40, s23  }
0x3ee: {  	v20 =	vsub.f32 v20, v17;
	v9 =	vld.idx.msk [tilespmem:v9+s2+$0x0], $0xffff;
	v24 =	vmul.f32 v24, v4  }
0x3ef: {  	v14 =	vld.idx.msk [tilespmem:v14+s2+$0x0], $0xffff  }
0x3f0: {  	s24 =	sshra.s32 s24, $0x2;
	v22 =	vsub.f32 v22, v18;
	v20 =	vmul.f32 v20, v1;
	v8 =	vld.idx.msk [tilespmem:v8+s2+$0x0], $0xffff  }
0x3f1: {  	v26 =	vsub.f32 v0, v2;
	v0 =	vsub.f32 v23, v13;
	v25 =	vld [tilespmem:s24+$0x1A580]  }
0x3f2: {  	v22 =	vmul.f32 v22, v1;
	v17 =	vadd.f32 v20, v17;
	v3 =	vsub.f32 v3, v16;
	v2 =	vld [tilespmem:s24+$0x1AD80]  }
0x3f3: {  	v10 =	vadd.f32 v21, v10;
	v15 =	vadd.f32 v24, v15;
	v0 =	vmul.f32 v0, v1;
	v20 =	vld [tilespmem:s24+$0x1B580]  }
0x3f4: {  	v18 =	vadd.f32 v22, v18;
	v9 =	vsub.f32 v9, v12;
	v3 =	vmul.f32 v3, v1  }
0x3f5: {  	v6 =	vadd.f32 v19, v6;
	v13 =	vadd.f32 v0, v13;
	v0 =	vmul.f32 v5, v1  }
0x3f6: {  	v9 =	vmul.f32 v9, v1;
	v17 =	vsub.f32 v17, v18;
	v19 =	vmul.f32 $3.200000000e+01, v25  }
0x3f7: {  	v6 =	vsub.f32 v6, v10;
	v5 =	vmul.f32 $3.200000000e+01, v2;
	v2 =	vsub.f32 v14, v8  }
0x3f8: {  	v3 =	vadd.f32 v3, v16;
	v7 =	vadd.f32 v0, v7;
	v14 =	vtrunc.f32 v19  }
0x3f9: {  	v9 =	vadd.f32 v9, v12;
	v12 =	vmul.f32 v17, v4;
	v14 =	vcvt.f32.s32 v14  }
0x3fa: {  	v0 =	vmul.f32 $3.200000000e+01, v20;
	v7 =	vsub.f32 v7, v3;
	v16 =	vtrunc.f32 v5  }
0x3fb: {  	v9 =	vsub.f32 v9, v13;
	v17 =	vcvt.s32.f32 v14;
	vm0 =	vlt.s32 v14, $0x1F  }
0x3fc: {  	v1 =	vmul.f32 v2, v1;
	v20 =	vtrunc.f32 v0;
	v14 =	vnsel vm0, $0x1F, v14  }
0x3fd: {  	v2 =	vcvt.f32.s32 v16;
	v7 =	vmul.f32 v7, v4;
	v14 =	vmul.u32 $0x21, v14  }
0x3fe: {  	v6 =	vmul.f32 v6, v4;
	v16 =	vcvt.f32.s32 v20;
	v1 =	vadd.f32 v1, v8  }
0x3ff: {  	v8 =	vmul.f32 v9, v4;
	v9 =	vadd.f32 v12, v18;
	vm0 =	vlt.s32 v2, $0x1F  }
0x400: {  	v12 =	vnsel vm0, $0x1F, v2;
	vm0 =	vlt.s32 v16, $0x1F;
	v11 =	vsub.f32 v11, v1  }
0x401: {  	v13 =	vadd.f32 v8, v13;
	v18 =	vnsel vm0, $0x1F, v16;
	v12 =	vadd.s32 v12, v14  }
0x402: {  	v3 =	vadd.f32 v7, v3;
	v4 =	vmul.f32 v11, v4;
	v8 =	vmul.u32 $0x21, v12  }
0x403: {  	v6 =	vadd.f32 v6, v10;
	v11 =	vcvt.s32.f32 v2;
	v7 =	vsub.f32 v9, v13  }
0x404: {  	v3 =	vsub.f32 v3, v15;
	v1 =	vadd.f32 v4, v1;
	v8 =	vadd.s32 v18, v8  }
0x405: {  	v2 =	vcvt.s32.f32 v16;
	v4 =	vmul.u32 $0x3, v8  }
0x406: {  	v3 =	vmul.f32 v3, v26;
	v7 =	vmul.f32 v7, v26;
	v1 =	vsub.f32 v1, v6  }
0x407: {  	v10 =	vadd.s32 $0xCC7, v4;
	v16 =	vadd.s32 $0x67, v4  }
0x408: {  	v18 =	vadd.s32 $0x1, v4;
	v20 =	vadd.s32 $0x64, v4;
	v1 =	vmul.f32 v1, v26  }
0x409: {  	v3 =	vadd.f32 v3, v15;
	v24 =	vadd.s32 $0x4, v4;
	v21 =	vadd.s32 $0xD2A, v4  }
0x40a: {  	v12 =	vadd.s32 $0x63, v4;
	v9 =	vadd.s32 $0xD26, v4;
	v1 =	vadd.f32 v1, v6  }
0x40b: {  	v7 =	vadd.f32 v7, v13;
	v8 =	vadd.s32 $0x5, v4;
	v6 =	vadd.s32 $0xCC4, v4;
	[tilespmem:s22+$0x1C580] =	vst v3  }
0x40c: {  	v13 =	vadd.s32 $0xD27, v4;
	v15 =	vadd.s32 $0xD28, v4;
	v14 =	vadd.s32 $0xCC8, v4;
	[tilespmem:s22+$0x1CD80] =	vst v1  }
0x40d: {  	v22 =	vadd.s32 $0xCC5, v4;
	v23 =	vadd.s32 $0x68, v4;
	v25 =	vadd.s32 $0xD2B, v4;
	[tilespmem:s22+$0x1BD80] =	vst v7;
	s22 =	smov.u32 s24  }
0x40e: {  	v3 =	vld.idx.msk [tilespmem:v10+s2+$0x0], $0xffff  }
0x40f: {  	v1 =	vsub.f32 v19, v17;
	v18 =	vld.idx.msk [tilespmem:v18+s2+$0x0], $0xffff  }
0x410: {  	v6 =	vld.idx.msk [tilespmem:v6+s2+$0x0], $0xffff  }
0x411: {  	v19 =	vld.idx.msk [tilespmem:v20+s2+$0x0], $0xffff  }
0x412: {  	v7 =	vadd.s32 $0x65, v4;
	v17 =	vld.idx.msk [tilespmem:v25+s2+$0x0], $0xffff  }
0x413: {  	v10 =	vadd.s32 $0x2, v4;
	v25 =	vld.idx.msk [tilespmem:v15+s2+$0x0], $0xffff  }
0x414: {  	v13 =	vld.idx.msk [tilespmem:v13+s2+$0x0], $0xffff  }
0x415: {  	v26 =	vld.idx.msk [tilespmem:v22+s2+$0x0], $0xffff  }
0x416: {  	v15 =	vsub.f32 v6, v18;
	v27 =	vld.idx.msk [tilespmem:v23+s2+$0x0], $0xffff  }
0x417: {  	v20 =	vadd.s32 $0xD29, v4;
	v6 =	vld.idx.msk [tilespmem:v7+s2+$0x0], $0xffff  }
0x418: {  	v22 =	vadd.s32 $0x66, v4;
	v15 =	vmul.f32 v15, v1;
	v10 =	vld.idx.msk [tilespmem:v10+s2+$0x0], $0xffff  }
0x419: {  	v23 =	vadd.s32 $0xCC6, v4;
	v21 =	vld.idx.msk [tilespmem:v21+s2+$0x0], $0xffff  }
0x41a: {  	v28 =	vadd.s32 $0x3, v4;
	v7 =	vld.idx.msk [tilespmem:v16+s2+$0x0], $0xffff;
	v16 =	vsub.f32 v13, v19  }
0x41b: {  	v29 =	vadd.s32 $0xCC3, v4;
	v13 =	vld.idx.msk [tilespmem:v4+s2+$0x0], $0xffff  }
0x41c: {  	v4 =	vsub.f32 v17, v27;
	v20 =	vld.idx.msk [tilespmem:v20+s2+$0x0], $0xffff;
	v16 =	vmul.f32 v16, v1  }
.Ltmp12:
0x41d: {  	v15 =	vadd.f32 v15, v18;
	v17 =	vld.idx.msk [tilespmem:v22+s2+$0x0], $0xffff;
	(pc) =	sbr.rel @p0 .LBB2_27-.Ltmp12, $4  }
0x41e: {  	v25 =	vsub.f32 v25, v6;
	v26 =	vsub.f32 v26, v10;
	v30 =	vmul.f32 v4, v1;
	v22 =	vld.idx.msk [tilespmem:v23+s2+$0x0], $0xffff  }
0x41f: {  	v4 =	vsub.f32 v5, v11;
	v11 =	vadd.f32 v16, v19;
	v18 =	vld.idx.msk [tilespmem:v28+s2+$0x0], $0xffff  }
0x420: {  	v19 =	vmul.f32 v25, v1;
	v5 =	vsub.f32 v21, v7;
	v21 =	vmul.f32 v26, v1;
	v23 =	vld.idx.msk [tilespmem:v29+s2+$0x0], $0xffff  }
0x421: {  	v16 =	vld.idx.msk [tilespmem:v24+s2+$0x0], $0xffff;
	v24 =	vsub.f32 v11, v15;
	v11 =	vadd.f32 v30, v27  }
0x422: {  	_ =	sdelay $0x3  }
0x423: {  	v12 =	vld.idx.msk [tilespmem:v12+s2+$0x0], $0xffff  }
0x424: {  	v14 =	vld.idx.msk [tilespmem:v14+s2+$0x0], $0xffff  }
0x425: {  	v8 =	vld.idx.msk [tilespmem:v8+s2+$0x0], $0xffff  }
0x426: {  	v20 =	vsub.f32 v20, v17;
	v9 =	vld.idx.msk [tilespmem:v9+s2+$0x0], $0xffff;
	v0 =	vsub.f32 v0, v2;
	v5 =	vmul.f32 v5, v1  }
0x427: {  	v10 =	vadd.f32 v21, v10;
	v6 =	vadd.f32 v19, v6  }
0x428: {  	v22 =	vsub.f32 v22, v18;
	v5 =	vadd.f32 v5, v7  }
0x429: {  	v6 =	vsub.f32 v6, v10;
	v3 =	vsub.f32 v3, v16  }
0x42a: {  	v20 =	vmul.f32 v20, v1;
	v52 =	vsub.f32 v23, v13;
	v14 =	vsub.f32 v14, v8  }
0x42b: {  	v22 =	vmul.f32 v22, v1;
	v9 =	vsub.f32 v9, v12;
	v3 =	vmul.f32 v3, v1  }
0x42c: {  	v53 =	vadd.f32 v20, v17;
	v2 =	vmul.f32 v52, v1;
	v55 =	vmul.f32 v14, v1  }
0x42d: {  	v54 =	vadd.f32 v22, v18;
	v56 =	vmul.f32 v9, v1;
	v3 =	vadd.f32 v3, v16  }
0x42e: {  	v2 =	vadd.f32 v2, v13;
	v8 =	vadd.f32 v55, v8  }
0x42f: {  	v1 =	vadd.f32 v56, v12;
	v5 =	vsub.f32 v5, v3  }
0x430: {  	v6 =	vmul.f32 v6, v4;
	v57 =	vsub.f32 v53, v54;
	v11 =	vsub.f32 v11, v8  }
0x431: {  	v58 =	vmul.f32 v24, v4;
	v1 =	vsub.f32 v1, v2;
	v5 =	vmul.f32 v5, v4  }
0x432: {  	v60 =	vadd.f32 v6, v10;
	v7 =	vmul.f32 v57, v4;
	v11 =	vmul.f32 v11, v4  }
0x433: {  	v9 =	vadd.f32 v58, v15;
	v1 =	vmul.f32 v1, v4;
	v3 =	vadd.f32 v5, v3  }
0x434: {  	v59 =	vadd.f32 v7, v54;
	v61 =	vadd.f32 v11, v8  }
0x435: {  	v1 =	vadd.f32 v1, v2;
	v62 =	vsub.f32 v3, v9  }
0x436: {  	v63 =	vsub.f32 v61, v60  }
0x437: {  	v4 =	vsub.f32 v59, v1;
	v2 =	vmul.f32 v62, v0  }
0x438: {  	v3 =	vmul.f32 v63, v0  }
0x439: {  	v0 =	vmul.f32 v4, v0;
	v2 =	vadd.f32 v2, v9  }
0x43a: {  	v3 =	vadd.f32 v3, v60  }
0x43b: {  	v0 =	vadd.f32 v0, v1;
	[tilespmem:s22+$0x1C580] =	vst v2  }
0x43c: {  	[tilespmem:s22+$0x1CD80] =	vst v3  }
0x43d: {  	s30 =	sadd.s32 s5, s17;
	s17 =	simm.s32 $0x0;
	[tilespmem:s22+$0x1BD80] =	vst v0  }
0x43e: {  	[hbm4b:s30+s17] =	stream.linear.scatter [tilespmem:s13], [sflag:$0x1], $0x800, $0x38;
	[tilespmem:$0x1D580] =	vst v63  }
0x43f: {  	s20 =	sadd.s32 s5, s20  }
0x440: {  	[hbm4b:s20+s17] =	stream.linear.scatter [tilespmem:s14], [sflag:$0x1], $0x800, $0x38;
	[tilespmem:$0x1D580] =	vst v63  }
0x441: {  	s31 =	sadd.s32 s5, s21  }
0x442: {  	[hbm4b:s31+s17] =	stream.linear.scatter [tilespmem:s15], [sflag:$0x1], $0x800, $0x38;
	[tilespmem:$0x1D580] =	vst v63  }
0x443: {  	_ =	swait.ge [sflag:s12], $0x800  }
0x444: {  	[sflag:s12] =	ssyncset.done $0x0  }
0x445: {  	s19 =	sadd.s32 $0x1, s19;
	[sflag:s12] =	ssyncadd.s32 $0xFFFFF800  }
0x446: {  	p0 =	sne.s32 s19, $0x4;
	_ =	swait.ge [sflag:s12], $0x800  }
.Ltmp13:
0x447: {  	[sflag:s12] =	ssyncset.done $0x0;
	(pc) =	sbr.rel @p0 .LBB2_26-.Ltmp13, $4  }
0x448: {  	[sflag:s12] =	ssyncadd.s32 $0xFFFFF800  }
0x449: {  	_ =	swait.ge [sflag:s12], $0x800  }
0x44a: {  	[sflag:s12] =	ssyncset.done $0x0  }
0x44b: {  	[sflag:s12] =	ssyncadd.s32 $0xFFFFF800  }
0x44c: {  	s18 =	simm.s32 $0x0  }
.LBB2_30:
0x44d: {  	s19 =	sshll.u32 s18, $0x8  }
0x44e: {  	s21 =	sadd.s32 s6, s19  }
0x44f: {  	s19 =	sor.u32 $0xA8000, s21  }
0x450: {  	s20 =	sadd.s32 s1, s19  }
0x451: {  	[tilespmem:s9], [sflag:$0x1] =	stream.linear.gather [hbm4b:s20+s17], $0x800, $0x38;
	[tilespmem:$0x1D580] =	vst v63  }
0x452: {  	s20 =	sor.u32 $0xB0000, s21  }
0x453: {  	s21 =	sor.u32 $0xB8000, s21;
	s22 =	sadd.s32 s1, s20  }
0x454: {  	[tilespmem:s10], [sflag:$0x1] =	stream.linear.gather [hbm4b:s22+s17], $0x800, $0x38;
	[tilespmem:$0x1D580] =	vst v63  }
0x455: {  	s31 =	sadd.s32 s1, s21  }
0x456: {  	[tilespmem:s11], [sflag:$0x1] =	stream.linear.gather [hbm4b:s31+s17], $0x800, $0x38;
	[tilespmem:$0x1D580] =	vst v63  }
0x457: {  	_ =	swait.ge [sflag:s12], $0x800  }
0x458: {  	[sflag:s12] =	ssyncset.done $0x0  }
0x459: {  	[sflag:s12] =	ssyncadd.s32 $0xFFFFF800  }
0x45a: {  	_ =	swait.ge [sflag:s12], $0x800  }
0x45b: {  	[sflag:s12] =	ssyncset.done $0x0  }
0x45c: {  	[sflag:s12] =	ssyncadd.s32 $0xFFFFF800  }
0x45d: {  	_ =	swait.ge [sflag:s12], $0x800  }
0x45e: {  	[sflag:s12] =	ssyncset.done $0x0  }
0x45f: {  	s22 =	simm.s32 $0x0;
	[sflag:s12] =	ssyncadd.s32 $0xFFFFF800  }
0x460: {  	v0 =	vld [tilespmem:s22+$0x1A580];
	_ =	sdelay $0x1  }
0x461: {  	v1 =	vld [tilespmem:s22+$0x1AD80];
	_ =	sdelay $0x2  }
0x462: {  	v2 =	vld [tilespmem:s22+$0x1B580];
	v4 =	vmul.f32 $3.200000000e+01, v0;
	_ =	sdelay $0x1  }
0x463: {  	v5 =	vmul.f32 $3.200000000e+01, v1;
	v0 =	vtrunc.f32 v4  }
0x464: {  	v1 =	vcvt.f32.s32 v0  }
0x465: {  	v3 =	vtrunc.f32 v5  }
0x466: {  	v0 =	vmul.f32 $3.200000000e+01, v2;
	v2 =	vcvt.f32.s32 v3;
	vm0 =	vlt.s32 v1, $0x1F  }
0x467: {  	v3 =	vnsel vm0, $0x1F, v1  }
0x468: {  	v6 =	vtrunc.f32 v0;
	vm14 =	vlt.s32 v2, $0x1F;
	v3 =	vmul.u32 $0x21, v3  }
0x469: {  	v7 =	vcvt.f32.s32 v6;
	v6 =	vnsel vm14, $0x1F, v2  }
0x46a: {  	v3 =	vadd.s32 v6, v3  }
0x46b: {  	vm15 =	vlt.s32 v7, $0x1F;
	v3 =	vmul.u32 $0x21, v3  }
0x46c: {  	v6 =	vnsel vm15, $0x1F, v7  }
0x46d: {  	v3 =	vadd.s32 v6, v3  }
0x46e: {  	v11 =	vmul.u32 $0x3, v3;
	_ =	sdelay $0x1  }
0x46f: {  	v3 =	vadd.s32 $0xCC7, v11  }
0x470: {  	v6 =	vadd.s32 $0x1, v11  }
0x471: {  	v8 =	vadd.s32 $0xCC4, v11  }
0x472: {  	v9 =	vadd.s32 $0x64, v11  }
0x473: {  	v10 =	vadd.s32 $0xD2B, v11  }
0x474: {  	v12 =	vadd.s32 $0xD28, v11;
	v3 =	vld.idx.msk [tilespmem:v3+s2+$0x0], $0xffff  }
0x475: {  	v13 =	vadd.s32 $0xD27, v11;
	v15 =	vld.idx.msk [tilespmem:v6+s2+$0x0], $0xffff  }
0x476: {  	v14 =	vadd.s32 $0x68, v11;
	v8 =	vld.idx.msk [tilespmem:v8+s2+$0x0], $0xffff  }
0x477: {  	v19 =	vadd.s32 $0x67, v11;
	v16 =	vld.idx.msk [tilespmem:v9+s2+$0x0], $0xffff  }
0x478: {  	v6 =	vadd.s32 $0xCC5, v11;
	v17 =	vld.idx.msk [tilespmem:v10+s2+$0x0], $0xffff  }
0x479: {  	v9 =	vadd.s32 $0x65, v11;
	v18 =	vld.idx.msk [tilespmem:v12+s2+$0x0], $0xffff  }
0x47a: {  	v10 =	vadd.s32 $0x2, v11;
	v13 =	vld.idx.msk [tilespmem:v13+s2+$0x0], $0xffff  }
0x47b: {  	v12 =	vadd.s32 $0xD2A, v11;
	v25 =	vld.idx.msk [tilespmem:v14+s2+$0x0], $0xffff  }
0x47c: {  	v23 =	vcvt.s32.f32 v2;
	v2 =	vcvt.s32.f32 v7;
	v7 =	vld.idx.msk [tilespmem:v19+s2+$0x0], $0xffff  }
0x47d: {  	v14 =	vadd.s32 $0xD29, v11;
	v21 =	vld.idx.msk [tilespmem:v6+s2+$0x0], $0xffff  }
0x47e: {  	v1 =	vcvt.s32.f32 v1;
	v22 =	vadd.s32 $0x66, v11;
	v6 =	vld.idx.msk [tilespmem:v9+s2+$0x0], $0xffff  }
0x47f: {  	v24 =	vadd.s32 $0xCC6, v11;
	v10 =	vld.idx.msk [tilespmem:v10+s2+$0x0], $0xffff  }
0x480: {  	v1 =	vsub.f32 v4, v1;
	v27 =	vadd.s32 $0x3, v11;
	v26 =	vld.idx.msk [tilespmem:v12+s2+$0x0], $0xffff;
	v4 =	vsub.f32 v8, v15  }
0x481: {  	v28 =	vadd.s32 $0x4, v11;
	v29 =	vadd.s32 $0xCC3, v11;
	v19 =	vsub.f32 v13, v16;
	v13 =	vld.idx.msk [tilespmem:v11+s2+$0x0], $0xffff  }
0x482: {  	v12 =	vadd.s32 $0x63, v11;
	v9 =	vadd.s32 $0xD26, v11;
	v20 =	vld.idx.msk [tilespmem:v14+s2+$0x0], $0xffff;
	v4 =	vmul.f32 v4, v1  }
0x483: {  	v8 =	vadd.s32 $0x5, v11;
	v30 =	vsub.f32 v17, v25;
	v17 =	vld.idx.msk [tilespmem:v22+s2+$0x0], $0xffff;
	v19 =	vmul.f32 v19, v1  }
0x484: {  	v14 =	vadd.s32 $0xCC8, v11;
	v22 =	vld.idx.msk [tilespmem:v24+s2+$0x0], $0xffff;
	v15 =	vadd.f32 v4, v15;
	v11 =	vsub.f32 v21, v10  }
0x485: {  	v30 =	vmul.f32 v30, v1;
	v24 =	vsub.f32 v18, v6;
	v18 =	vld.idx.msk [tilespmem:v27+s2+$0x0], $0xffff;
	v27 =	vadd.f32 v19, v16  }
0x486: {  	v4 =	vsub.f32 v5, v23;
	v23 =	vld.idx.msk [tilespmem:v29+s2+$0x0], $0xffff;
	v5 =	vsub.f32 v26, v7;
	v21 =	vmul.f32 v11, v1  }
0x487: {  	s23 =	simm.s32 $0x40;
	v16 =	vld.idx.msk [tilespmem:v28+s2+$0x0], $0xffff;
	v19 =	vmul.f32 v24, v1;
	v24 =	vsub.f32 v27, v15;
	v11 =	vadd.f32 v30, v25  }
.LBB2_31:
0x488: {  	p0 =	sne.s32 s23, $0x1FC0;
	v12 =	vld.idx.msk [tilespmem:v12+s2+$0x0], $0xffff;
	s24 =	smov.u32 s23;
	s23 =	sadd.s32 $0x40, s23  }
0x489: {  	v20 =	vsub.f32 v20, v17;
	v9 =	vld.idx.msk [tilespmem:v9+s2+$0x0], $0xffff;
	v24 =	vmul.f32 v24, v4  }
0x48a: {  	v14 =	vld.idx.msk [tilespmem:v14+s2+$0x0], $0xffff  }
0x48b: {  	s24 =	sshra.s32 s24, $0x2;
	v22 =	vsub.f32 v22, v18;
	v20 =	vmul.f32 v20, v1;
	v8 =	vld.idx.msk [tilespmem:v8+s2+$0x0], $0xffff  }
0x48c: {  	v26 =	vsub.f32 v0, v2;
	v0 =	vsub.f32 v23, v13;
	v25 =	vld [tilespmem:s24+$0x1A580]  }
0x48d: {  	v22 =	vmul.f32 v22, v1;
	v17 =	vadd.f32 v20, v17;
	v3 =	vsub.f32 v3, v16;
	v2 =	vld [tilespmem:s24+$0x1AD80]  }
0x48e: {  	v10 =	vadd.f32 v21, v10;
	v15 =	vadd.f32 v24, v15;
	v0 =	vmul.f32 v0, v1;
	v20 =	vld [tilespmem:s24+$0x1B580]  }
0x48f: {  	v18 =	vadd.f32 v22, v18;
	v9 =	vsub.f32 v9, v12;
	v3 =	vmul.f32 v3, v1  }
0x490: {  	v6 =	vadd.f32 v19, v6;
	v13 =	vadd.f32 v0, v13;
	v0 =	vmul.f32 v5, v1  }
0x491: {  	v9 =	vmul.f32 v9, v1;
	v17 =	vsub.f32 v17, v18;
	v19 =	vmul.f32 $3.200000000e+01, v25  }
0x492: {  	v6 =	vsub.f32 v6, v10;
	v5 =	vmul.f32 $3.200000000e+01, v2;
	v2 =	vsub.f32 v14, v8  }
0x493: {  	v3 =	vadd.f32 v3, v16;
	v7 =	vadd.f32 v0, v7;
	v14 =	vtrunc.f32 v19  }
0x494: {  	v9 =	vadd.f32 v9, v12;
	v12 =	vmul.f32 v17, v4;
	v14 =	vcvt.f32.s32 v14  }
0x495: {  	v0 =	vmul.f32 $3.200000000e+01, v20;
	v7 =	vsub.f32 v7, v3;
	v16 =	vtrunc.f32 v5  }
0x496: {  	v9 =	vsub.f32 v9, v13;
	v17 =	vcvt.s32.f32 v14;
	vm0 =	vlt.s32 v14, $0x1F  }
0x497: {  	v1 =	vmul.f32 v2, v1;
	v20 =	vtrunc.f32 v0;
	v14 =	vnsel vm0, $0x1F, v14  }
0x498: {  	v2 =	vcvt.f32.s32 v16;
	v7 =	vmul.f32 v7, v4;
	v14 =	vmul.u32 $0x21, v14  }
0x499: {  	v6 =	vmul.f32 v6, v4;
	v16 =	vcvt.f32.s32 v20;
	v1 =	vadd.f32 v1, v8  }
0x49a: {  	v8 =	vmul.f32 v9, v4;
	v9 =	vadd.f32 v12, v18;
	vm0 =	vlt.s32 v2, $0x1F  }
0x49b: {  	v12 =	vnsel vm0, $0x1F, v2;
	vm0 =	vlt.s32 v16, $0x1F;
	v11 =	vsub.f32 v11, v1  }
0x49c: {  	v13 =	vadd.f32 v8, v13;
	v18 =	vnsel vm0, $0x1F, v16;
	v12 =	vadd.s32 v12, v14  }
0x49d: {  	v3 =	vadd.f32 v7, v3;
	v4 =	vmul.f32 v11, v4;
	v8 =	vmul.u32 $0x21, v12  }
0x49e: {  	v6 =	vadd.f32 v6, v10;
	v11 =	vcvt.s32.f32 v2;
	v7 =	vsub.f32 v9, v13  }
0x49f: {  	v3 =	vsub.f32 v3, v15;
	v1 =	vadd.f32 v4, v1;
	v8 =	vadd.s32 v18, v8  }
0x4a0: {  	v2 =	vcvt.s32.f32 v16;
	v4 =	vmul.u32 $0x3, v8  }
0x4a1: {  	v3 =	vmul.f32 v3, v26;
	v7 =	vmul.f32 v7, v26;
	v1 =	vsub.f32 v1, v6  }
0x4a2: {  	v10 =	vadd.s32 $0xCC7, v4;
	v16 =	vadd.s32 $0x67, v4  }
0x4a3: {  	v18 =	vadd.s32 $0x1, v4;
	v20 =	vadd.s32 $0x64, v4;
	v1 =	vmul.f32 v1, v26  }
0x4a4: {  	v3 =	vadd.f32 v3, v15;
	v24 =	vadd.s32 $0x4, v4;
	v21 =	vadd.s32 $0xD2A, v4  }
0x4a5: {  	v12 =	vadd.s32 $0x63, v4;
	v9 =	vadd.s32 $0xD26, v4;
	v1 =	vadd.f32 v1, v6  }
0x4a6: {  	v7 =	vadd.f32 v7, v13;
	v8 =	vadd.s32 $0x5, v4;
	v6 =	vadd.s32 $0xCC4, v4;
	[tilespmem:s22+$0x1C580] =	vst v3  }
0x4a7: {  	v13 =	vadd.s32 $0xD27, v4;
	v15 =	vadd.s32 $0xD28, v4;
	v14 =	vadd.s32 $0xCC8, v4;
	[tilespmem:s22+$0x1CD80] =	vst v1  }
0x4a8: {  	v22 =	vadd.s32 $0xCC5, v4;
	v23 =	vadd.s32 $0x68, v4;
	v25 =	vadd.s32 $0xD2B, v4;
	[tilespmem:s22+$0x1BD80] =	vst v7;
	s22 =	smov.u32 s24  }
0x4a9: {  	v3 =	vld.idx.msk [tilespmem:v10+s2+$0x0], $0xffff  }
0x4aa: {  	v1 =	vsub.f32 v19, v17;
	v18 =	vld.idx.msk [tilespmem:v18+s2+$0x0], $0xffff  }
0x4ab: {  	v6 =	vld.idx.msk [tilespmem:v6+s2+$0x0], $0xffff  }
0x4ac: {  	v19 =	vld.idx.msk [tilespmem:v20+s2+$0x0], $0xffff  }
0x4ad: {  	v7 =	vadd.s32 $0x65, v4;
	v17 =	vld.idx.msk [tilespmem:v25+s2+$0x0], $0xffff  }
0x4ae: {  	v10 =	vadd.s32 $0x2, v4;
	v25 =	vld.idx.msk [tilespmem:v15+s2+$0x0], $0xffff  }
0x4af: {  	v13 =	vld.idx.msk [tilespmem:v13+s2+$0x0], $0xffff  }
0x4b0: {  	v26 =	vld.idx.msk [tilespmem:v22+s2+$0x0], $0xffff  }
0x4b1: {  	v15 =	vsub.f32 v6, v18;
	v27 =	vld.idx.msk [tilespmem:v23+s2+$0x0], $0xffff  }
0x4b2: {  	v20 =	vadd.s32 $0xD29, v4;
	v6 =	vld.idx.msk [tilespmem:v7+s2+$0x0], $0xffff  }
0x4b3: {  	v22 =	vadd.s32 $0x66, v4;
	v15 =	vmul.f32 v15, v1;
	v10 =	vld.idx.msk [tilespmem:v10+s2+$0x0], $0xffff  }
0x4b4: {  	v23 =	vadd.s32 $0xCC6, v4;
	v21 =	vld.idx.msk [tilespmem:v21+s2+$0x0], $0xffff  }
0x4b5: {  	v28 =	vadd.s32 $0x3, v4;
	v7 =	vld.idx.msk [tilespmem:v16+s2+$0x0], $0xffff;
	v16 =	vsub.f32 v13, v19  }
0x4b6: {  	v29 =	vadd.s32 $0xCC3, v4;
	v13 =	vld.idx.msk [tilespmem:v4+s2+$0x0], $0xffff  }
0x4b7: {  	v4 =	vsub.f32 v17, v27;
	v20 =	vld.idx.msk [tilespmem:v20+s2+$0x0], $0xffff;
	v16 =	vmul.f32 v16, v1  }
.Ltmp14:
0x4b8: {  	v15 =	vadd.f32 v15, v18;
	v17 =	vld.idx.msk [tilespmem:v22+s2+$0x0], $0xffff;
	(pc) =	sbr.rel @p0 .LBB2_31-.Ltmp14, $4  }
0x4b9: {  	v25 =	vsub.f32 v25, v6;
	v26 =	vsub.f32 v26, v10;
	v30 =	vmul.f32 v4, v1;
	v22 =	vld.idx.msk [tilespmem:v23+s2+$0x0], $0xffff  }
0x4ba: {  	v4 =	vsub.f32 v5, v11;
	v11 =	vadd.f32 v16, v19;
	v18 =	vld.idx.msk [tilespmem:v28+s2+$0x0], $0xffff  }
0x4bb: {  	v19 =	vmul.f32 v25, v1;
	v5 =	vsub.f32 v21, v7;
	v21 =	vmul.f32 v26, v1;
	v23 =	vld.idx.msk [tilespmem:v29+s2+$0x0], $0xffff  }
0x4bc: {  	v16 =	vld.idx.msk [tilespmem:v24+s2+$0x0], $0xffff;
	v24 =	vsub.f32 v11, v15;
	v11 =	vadd.f32 v30, v27  }
0x4bd: {  	_ =	sdelay $0x3  }
0x4be: {  	v12 =	vld.idx.msk [tilespmem:v12+s2+$0x0], $0xffff  }
0x4bf: {  	v14 =	vld.idx.msk [tilespmem:v14+s2+$0x0], $0xffff  }
0x4c0: {  	v8 =	vld.idx.msk [tilespmem:v8+s2+$0x0], $0xffff  }
0x4c1: {  	v20 =	vsub.f32 v20, v17;
	v9 =	vld.idx.msk [tilespmem:v9+s2+$0x0], $0xffff;
	v0 =	vsub.f32 v0, v2;
	v5 =	vmul.f32 v5, v1  }
0x4c2: {  	v10 =	vadd.f32 v21, v10;
	v6 =	vadd.f32 v19, v6  }
0x4c3: {  	v22 =	vsub.f32 v22, v18;
	v5 =	vadd.f32 v5, v7  }
0x4c4: {  	v6 =	vsub.f32 v6, v10;
	v3 =	vsub.f32 v3, v16  }
0x4c5: {  	v20 =	vmul.f32 v20, v1;
	v52 =	vsub.f32 v23, v13;
	v14 =	vsub.f32 v14, v8  }
0x4c6: {  	v22 =	vmul.f32 v22, v1;
	v9 =	vsub.f32 v9, v12;
	v3 =	vmul.f32 v3, v1  }
0x4c7: {  	v53 =	vadd.f32 v20, v17;
	v2 =	vmul.f32 v52, v1;
	v55 =	vmul.f32 v14, v1  }
0x4c8: {  	v54 =	vadd.f32 v22, v18;
	v56 =	vmul.f32 v9, v1;
	v3 =	vadd.f32 v3, v16  }
0x4c9: {  	v2 =	vadd.f32 v2, v13;
	v8 =	vadd.f32 v55, v8  }
0x4ca: {  	v1 =	vadd.f32 v56, v12;
	v5 =	vsub.f32 v5, v3  }
0x4cb: {  	v6 =	vmul.f32 v6, v4;
	v57 =	vsub.f32 v53, v54;
	v11 =	vsub.f32 v11, v8  }
0x4cc: {  	v58 =	vmul.f32 v24, v4;
	v1 =	vsub.f32 v1, v2;
	v5 =	vmul.f32 v5, v4  }
0x4cd: {  	v60 =	vadd.f32 v6, v10;
	v7 =	vmul.f32 v57, v4;
	v11 =	vmul.f32 v11, v4  }
0x4ce: {  	v9 =	vadd.f32 v58, v15;
	v1 =	vmul.f32 v1, v4;
	v3 =	vadd.f32 v5, v3  }
0x4cf: {  	v59 =	vadd.f32 v7, v54;
	v61 =	vadd.f32 v11, v8  }
0x4d0: {  	v1 =	vadd.f32 v1, v2;
	v62 =	vsub.f32 v3, v9  }
0x4d1: {  	v63 =	vsub.f32 v61, v60  }
0x4d2: {  	v4 =	vsub.f32 v59, v1;
	v2 =	vmul.f32 v62, v0  }
0x4d3: {  	v3 =	vmul.f32 v63, v0  }
0x4d4: {  	v0 =	vmul.f32 v4, v0;
	v2 =	vadd.f32 v2, v9  }
0x4d5: {  	v3 =	vadd.f32 v3, v60  }
0x4d6: {  	v0 =	vadd.f32 v0, v1;
	[tilespmem:s22+$0x1C580] =	vst v2  }
0x4d7: {  	[tilespmem:s22+$0x1CD80] =	vst v3  }
0x4d8: {  	s19 =	sadd.s32 s5, s19;
	[tilespmem:s22+$0x1BD80] =	vst v0  }
0x4d9: {  	[hbm4b:s19+s2] =	stream.linear.scatter [tilespmem:s13], [sflag:$0x1], $0x800, $0x38;
	[tilespmem:$0x1D580] =	vst v63  }
0x4da: {  	s30 =	sadd.s32 s5, s20  }
0x4db: {  	[hbm4b:s30+s2] =	stream.linear.scatter [tilespmem:s14], [sflag:$0x1], $0x800, $0x38;
	[tilespmem:$0x1D580] =	vst v63  }
0x4dc: {  	s31 =	sadd.s32 s5, s21  }
0x4dd: {  	[hbm4b:s31+s2] =	stream.linear.scatter [tilespmem:s15], [sflag:$0x1], $0x800, $0x38;
	[tilespmem:$0x1D580] =	vst v63  }
0x4de: {  	_ =	swait.ge [sflag:s12], $0x800  }
0x4df: {  	[sflag:s12] =	ssyncset.done $0x0  }
0x4e0: {  	s18 =	sadd.s32 $0x1, s18;
	[sflag:s12] =	ssyncadd.s32 $0xFFFFF800  }
0x4e1: {  	p0 =	sne.s32 s18, $0x4;
	_ =	swait.ge [sflag:s12], $0x800  }
.Ltmp15:
0x4e2: {  	[sflag:s12] =	ssyncset.done $0x0;
	(pc) =	sbr.rel @p0 .LBB2_30-.Ltmp15, $4  }
0x4e3: {  	[sflag:s12] =	ssyncadd.s32 $0xFFFFF800  }
0x4e4: {  	_ =	swait.ge [sflag:s12], $0x800  }
0x4e5: {  	[sflag:s12] =	ssyncset.done $0x0  }
0x4e6: {  	[sflag:s12] =	ssyncadd.s32 $0xFFFFF800  }
0x4e7: {  	s16 =	sadd.s32 $0x1, s16  }
0x4e8: {  	p0 =	sne.s32 s16, s7  }
.Ltmp16:
0x4e9: {  	_ = 	snop;
	(pc) =	sbr.rel @p0 .LBB2_1-.Ltmp16, $1  }
0x4ea: {  	_ =	sdelay $0x3  }
0x4eb: {  	_ =	sfence.sel $0x180000  }
0x4ec: {  	[bflag:$0x0] =	sbarrier.arrive $0xFFFF  }
0x4ed: {  	p0 =	sne.s32 s3, $0x0;
	_ =	strace $0x90000047  }
0x4ee: {  	s0 =	sadd.s32 @!p0 $0x100000, s0;
	[bflag:$0x2] =	sbarrier.arrive $0xFFFF  }
0x4ef: {  	[sflag:s0] =	ssyncadd.tile.s32 @!p0 $0x1;
	_ =	shalt  }
.Lfunc_end2:
_tile_overlayer_lowered:
.L_overlay_start_2:
0x4f0: {  	(tag) =	ssettag $0x2  }
0x4f1: {  	s0 =	rddreg [dreg:$0x0];
	s2 =	stileid.u32  }
0x4f2: {  	s1 =	rddreg [dreg:$0x1];
	p0 =	sne.s32 s2, $0x0  }
0x4f3: {  	s3 =	rddreg [dreg:$0x2];
	[bflag:$0x3] =	sbarrier.arrive $0xFFFF;
	s2 =	simm.s32 @!p0 $0x1C02  }
0x4f4: {  	[timem:s3], [sflag:s2] =	dma.local @!p0 [hbm:s0], s1  }
0x4f5: {  	s0 =	simm.s32 @!p0 $0x2  }
0x4f6: {  	_ =	swait.ge @!p0 [sflag:s0], s1  }
0x4f7: {  	s1 =	ssub.s32 @!p0 $0x0, s1;
	[sflag:s0] =	ssyncset.done @!p0 $0x0  }
0x4f8: {  	[sflag:s0] =	ssyncadd.s32 @!p0 s1  }
0x4f9: {  	[bflag:$0x3] =	sbarrier.arrive $0xFFFF  }
0x4fa: {  	_ =	shalt  }

</sc_bundles>
